<compile_context>
chip_gen: v7x
topology: tpu7x:2x2x1
jax: 0.10.2.dev20260603
libtpu: 0.0.44.dev20260713+nightly
codegen_flags: <defaults>
</compile_context>

<pallas_src>
import functools

import jax
import jax.numpy as jnp
from jax import lax
from jax.experimental import pallas as pl
from jax.experimental.pallas import tpu as pltpu
from jax.experimental.pallas import tpu_sc as plsc

N_NODES = 10000
N_EDGES = 320000
N_GRAPHS = 64
D_HID = 32

NC = 2
NS = 16
NW = NC * NS
ROW = 256
RPW = 40
ROWS = NW * RPW
EP = ROWS * ROW
NPAD = 10240
RZ = NPAD // NS
GK = 4
NGRP = RPW // GK

_mesh = plsc.VectorSubcoreMesh(core_axis_name="c", subcore_axis_name="s")
_sc_params = pltpu.CompilerParams(use_tc_tiling_on_sc=False)



@functools.partial(
    pl.kernel,
    out_type=jax.ShapeDtypeStruct((NC, NPAD), jnp.float32),
    mesh=_mesh,
    compiler_params=_sc_params,
    scratch_types=[
        pltpu.VMEM((RPW, ROW), jnp.int32),
        pltpu.VMEM((ROW,), jnp.float32),
        pltpu.VMEM((RZ,), jnp.float32),
        pltpu.VMEM_SHARED((NPAD,), jnp.float32),
        pltpu.SemaphoreType.DMA,
    ],
)
def _sc_count(dst_hbm, out_hbm, dst_v, ones_v, zer_v, cnt_sh, csem):
    c = lax.axis_index("c")
    s = lax.axis_index("s")
    wid = s * NC + c
    zero16 = jnp.zeros((16,), jnp.float32)
    ones16 = jnp.ones((16,), jnp.float32)

    ld_dst = pltpu.async_copy(dst_hbm.at[pl.ds(wid * RPW, RPW)], dst_v, csem)

    def fill(i, _):
        zer_v[pl.ds(i * 16, 16)] = zero16
        return 0

    lax.fori_loop(0, RZ // 16, fill, 0)
    for k in range(ROW // 16):
        ones_v[pl.ds(k * 16, 16)] = ones16
    pltpu.sync_copy(zer_v, cnt_sh.at[pl.ds(s * RZ, RZ)])
    ld_dst.wait()
    plsc.subcore_barrier()

    def body(g, _):
        descs = [
            pltpu.async_copy(ones_v, cnt_sh.at[dst_v.at[g * 8 + t]],
                             csem, add=True)
            for t in range(8)
        ]
        for d in descs:
            d.wait()
        return 0

    lax.fori_loop(0, RPW // 8, body, 0)
    plsc.subcore_barrier()
    pltpu.sync_copy(cnt_sh.at[pl.ds(s * RZ, RZ)],
                    out_hbm.at[c].at[pl.ds(s * RZ, RZ)])


@functools.partial(
    pl.kernel,
    out_type=jax.ShapeDtypeStruct((NC, NPAD, D_HID), jnp.float32),
    mesh=_mesh,
    compiler_params=_sc_params,
    scratch_types=[
        pltpu.VMEM((RPW, ROW), jnp.int32),
        pltpu.VMEM((RPW, ROW), jnp.int32),
        pltpu.VMEM((2, GK, ROW, D_HID), jnp.float32),
        pltpu.VMEM_SHARED((NPAD, D_HID), jnp.float32),
        pltpu.VMEM_SHARED((NPAD, D_HID), jnp.float32),
        pltpu.SemaphoreType.DMA,
        pltpu.SemaphoreType.DMA,
        pltpu.SemaphoreType.DMA,
        pltpu.SemaphoreType.DMA,
    ],
)
def _sc_msgpass(hp_hbm, src_hbm, dst_hbm, out_hbm,
                src_v, dst_v, bufs, agg_sh, hp_sh,
                gsem0, gsem1, ssem0, ssem1):
    c = lax.axis_index("c")
    s = lax.axis_index("s")
    wid = s * NC + c
    zero16 = jnp.zeros((16,), jnp.float32)
    zbuf = bufs.at[0].at[0]

    def zbody(j, _):
        r = zbuf.at[j]
        r[pl.ds(0, 16)] = zero16
        r[pl.ds(16, 16)] = zero16
        return 0

    stage = pltpu.async_copy(hp_hbm.at[pl.ds(s * RZ, RZ)],
                             hp_sh.at[pl.ds(s * RZ, RZ)], gsem0)
    ld_src = pltpu.async_copy(src_hbm.at[pl.ds(wid * RPW, RPW)], src_v, ssem0)
    ld_dst = pltpu.async_copy(dst_hbm.at[pl.ds(wid * RPW, RPW)], dst_v, ssem1)
    lax.fori_loop(0, ROW, zbody, 0)
    for t in range(RZ // ROW):
        pltpu.sync_copy(zbuf, agg_sh.at[pl.ds(s * RZ + t * ROW, ROW)])
    if RZ % ROW:
        pltpu.sync_copy(zbuf.at[pl.ds(0, RZ % ROW)],
                        agg_sh.at[pl.ds(s * RZ + (RZ // ROW) * ROW, RZ % ROW)])
    stage.wait()
    ld_src.wait()
    ld_dst.wait()
    plsc.subcore_barrier()

    gsems = (gsem0, gsem1)

    def gather_group(g, bank):
        for t in range(GK):
            pltpu.async_copy(hp_sh.at[src_v.at[g * GK + t]],
                             bufs.at[bank].at[t], gsems[bank])

    def wait_gathers(g, bank):
        for t in range(GK):
            pltpu.make_async_copy(hp_sh.at[src_v.at[g * GK + t]],
                                  bufs.at[bank].at[t], gsems[bank]).wait()

    def scatter_group(g, bank, ssem):
        descs = [
            pltpu.async_copy(bufs.at[bank].at[t],
                             agg_sh.at[dst_v.at[g * GK + t]], ssem, add=True)
            for t in range(GK)
        ]
        for d in descs:
            d.wait()

    gather_group(0, 0)

    def body(i, _):
        g = 2 * i
        gather_group(g + 1, 1)
        wait_gathers(g, 0)
        scatter_group(g, 0, ssem0)
        gather_group(g + 2, 0)
        wait_gathers(g + 1, 1)
        scatter_group(g + 1, 1, ssem1)
        return 0

    lax.fori_loop(0, NGRP // 2 - 1, body, 0)
    gather_group(NGRP - 1, 1)
    wait_gathers(NGRP - 2, 0)
    scatter_group(NGRP - 2, 0, ssem0)
    wait_gathers(NGRP - 1, 1)
    scatter_group(NGRP - 1, 1, ssem1)

    plsc.subcore_barrier()
    pltpu.sync_copy(agg_sh.at[pl.ds(s * RZ, RZ)],
                    out_hbm.at[c].at[pl.ds(s * RZ, RZ)])



def _tc_prescale_body(x_ref, w1_ref, cnt_ref, hp_ref, dinv_ref):
    xw = jnp.dot(x_ref[...], w1_ref[...], preferred_element_type=jnp.float32)
    cnt = cnt_ref[0, :] + cnt_ref[1, :]
    dinv = lax.rsqrt(cnt[:N_NODES] + 1.0)[:, None]
    hp_ref[:N_NODES, :] = xw * dinv
    dinv_ref[...] = dinv


def _tc_layer2_body(agg_ref, hp1_ref, dinv_ref, b1_ref, w2_ref, hp2_ref):
    agg = agg_ref[0, :N_NODES, :] + agg_ref[1, :N_NODES, :]
    conv1 = dinv_ref[...] * (agg + hp1_ref[:N_NODES, :]) + b1_ref[...]
    h1 = jnp.maximum(conv1, 0.0)
    xw2 = jnp.dot(h1, w2_ref[...], preferred_element_type=jnp.float32)
    hp2_ref[:N_NODES, :] = xw2 * dinv_ref[...]


def _tc_head_body(agg_ref, hp2_ref, dinv_ref, b2_ref, batch_ref,
                  wc_ref, bc_ref, out_ref):
    agg = agg_ref[0, :N_NODES, :] + agg_ref[1, :N_NODES, :]
    conv2 = dinv_ref[...] * (agg + hp2_ref[:N_NODES, :]) + b2_ref[...]
    gids = lax.broadcasted_iota(jnp.int32, (N_GRAPHS, N_NODES), 0)
    mask = (batch_ref[...] == gids).astype(jnp.float32)
    sums = jnp.dot(mask, conv2, preferred_element_type=jnp.float32)
    cnt = jnp.sum(mask, axis=1, keepdims=True)
    pooled = sums / jnp.maximum(cnt, 1.0)
    out_ref[...] = (
        jnp.dot(pooled, wc_ref[...], preferred_element_type=jnp.float32)
        + bc_ref[...])



@jax.jit
def kernel(x, edge_index, batch, W1, b1, W2, b2, Wc, bc):
    src = edge_index[0].astype(jnp.int32)
    dst = edge_index[1].astype(jnp.int32)
    pad = EP - N_EDGES
    src2d = jnp.concatenate(
        [src, jnp.zeros((pad,), jnp.int32)]).reshape(ROWS, ROW)
    dst2d = jnp.concatenate(
        [dst, jnp.full((pad,), N_NODES, jnp.int32)]).reshape(ROWS, ROW)

    cnt_parts = _sc_count(dst2d)

    hp1, dinv = pl.pallas_call(
        _tc_prescale_body,
        out_shape=(
            jax.ShapeDtypeStruct((NPAD, D_HID), jnp.float32),
            jax.ShapeDtypeStruct((N_NODES, 1), jnp.float32),
        ),
    )(x, W1, cnt_parts)

    agg1 = _sc_msgpass(hp1, src2d, dst2d)

    hp2 = pl.pallas_call(
        _tc_layer2_body,
        out_shape=jax.ShapeDtypeStruct((NPAD, D_HID), jnp.float32),
    )(agg1, hp1, dinv, b1.reshape(1, D_HID), W2)

    agg2 = _sc_msgpass(hp2, src2d, dst2d)

    out = pl.pallas_call(
        _tc_head_body,
        out_shape=jax.ShapeDtypeStruct((N_GRAPHS, bc.shape[0]), jnp.float32),
    )(agg2, hp2, dinv, b2.reshape(1, D_HID), batch.astype(jnp.int32)[None, :],
      Wc, bc.reshape(1, bc.shape[0]))
    return out

# --- scband reference (transcript-rebuilt; emitter-appended) ---
"""Pipeline reference for scband-discriminator-net-10230612099729 (READ-ONLY COPY).

The authoritative reference and input builder live on the scoring server;
editing this copy changes nothing except your own understanding.
"""

import jax, jax.numpy as jnp
import numpy as np

N_NODES = 10000
N_EDGES = 320000
N_GRAPHS = 64
D_IN = 128
D_HID = 32
N_CLASS = 2


def setup_inputs(seed: int = 0) -> dict:
    key = jax.random.key(seed)
    ks = jax.random.split(key, 10)
    x = jax.random.normal(ks[0], (N_NODES, D_IN), dtype=jnp.float32)
    edge_index = jax.random.randint(ks[1], (2, N_EDGES), 0, N_NODES, dtype=jnp.int64)
    batch = jnp.sort(jax.random.randint(ks[2], (N_NODES,), 0, N_GRAPHS, dtype=jnp.int64))
    # learned parameters (GCNConv weights use glorot-like init; linear uses uniform)
    W1 = jax.random.normal(ks[3], (D_IN, D_HID), dtype=jnp.float32) * (1.0 / np.sqrt(D_IN))
    b1 = jnp.zeros((D_HID,), dtype=jnp.float32)
    W2 = jax.random.normal(ks[4], (D_HID, D_HID), dtype=jnp.float32) * (1.0 / np.sqrt(D_HID))
    b2 = jnp.zeros((D_HID,), dtype=jnp.float32)
    Wc = jax.random.normal(ks[5], (D_HID, N_CLASS), dtype=jnp.float32) * (1.0 / np.sqrt(D_HID))
    bc = jnp.zeros((N_CLASS,), dtype=jnp.float32)
    return {"x": x, "edge_index": edge_index, "batch": batch,
            "W1": W1, "b1": b1, "W2": W2, "b2": b2, "Wc": Wc, "bc": bc}


def reference(x, edge_index, batch, W1, b1, W2, b2, Wc, bc):
    N = x.shape[0]
    # GCNConv adds self-loops and applies symmetric normalization
    loop = jnp.arange(N, dtype=edge_index.dtype)
    src = jnp.concatenate([edge_index[0], loop])
    dst = jnp.concatenate([edge_index[1], loop])
    deg = jnp.zeros((N,), dtype=jnp.float32).at[dst].add(1.0)
    dinv = jnp.where(deg > 0, 1.0 / jnp.sqrt(deg), 0.0)
    norm = dinv[src] * dinv[dst]

    def gcn_conv(h, W, b):
        h = h @ W
        msg = jnp.take(h, src, axis=0) * norm[:, None]
        agg = jax.ops.segment_sum(msg, dst, num_segments=N)
        return agg + b

    h = jax.nn.relu(gcn_conv(x.astype(jnp.float32), W1, b1))
    h = gcn_conv(h, W2, b2)
    # global_mean_pool over graph assignment `batch`
    sums = jax.ops.segment_sum(h, batch, num_segments=N_GRAPHS)
    cnt = jax.ops.segment_sum(jnp.ones((N, 1), dtype=jnp.float32), batch, num_segments=N_GRAPHS)
    pooled = sums / jnp.maximum(cnt, 1.0)
    # dropout p=0.2 is identity in eval mode
    out_class = pooled @ Wc + bc
    return out_class

if __name__ == "__main__":
    import jax
    _d = setup_inputs()
    print(jax.jit(kernel)(*tuple(_d.values())))

</pallas_src>

<mosaic_0001>
#map = affine_map<(d0, d1) -> (0, 0)>
#map1 = affine_map<(d0, d1) -> (0, 0, 0)>
module attributes {stable_mosaic.version = 14 : i64} {
  func.func @_sc_msgpass(%arg0: i32, %arg1: i32, %arg2: memref<10240x32xf32, #tpu.memory_space<hbm>>, %arg3: memref<1280x256xi32, #tpu.memory_space<hbm>>, %arg4: memref<1280x256xi32, #tpu.memory_space<hbm>>, %arg5: memref<2x10240x32xf32, #tpu.memory_space<hbm>>, %arg6: memref<40x256xi32, #tpu.memory_space<vmem>>, %arg7: memref<40x256xi32, #tpu.memory_space<vmem>>, %arg8: memref<2x4x256x32xf32, #tpu.memory_space<vmem>>, %arg9: memref<10240x32xf32, #tpu.memory_space<vmem_shared>>, %arg10: memref<10240x32xf32, #tpu.memory_space<vmem_shared>>, %arg11: memref<!tpu.dma_semaphore, #tpu.memory_space<semaphore_mem>>, %arg12: memref<!tpu.dma_semaphore, #tpu.memory_space<semaphore_mem>>, %arg13: memref<!tpu.dma_semaphore, #tpu.memory_space<semaphore_mem>>, %arg14: memref<!tpu.dma_semaphore, #tpu.memory_space<semaphore_mem>>) attributes {dimension_semantics = [#tpu.dimension_semantics<core_parallel>, #tpu.dimension_semantics<subcore_parallel>], iteration_bounds = array<i64: 2, 16>, scalar_prefetch = 0 : i64, scratch_operands = 9 : i64, tpu.core_type = #tpu.core_type<sc_vector_subcore>, window_params = [{transform_indices = #map}, {transform_indices = #map}, {transform_indices = #map}, {transform_indices = #map1}]} {
    %mul3A = arith.constant 2 : i32
    %mul3A_0 = arith.muli %arg1, %mul3A : i32
    %add3A = arith.addi %mul3A_0, %arg0 : i32
    %broadcast_in_dim3A = arith.constant 0.000000e+00 : f32
    %broadcast_in_dim3A_1 = vector.broadcast %broadcast_in_dim3A : f32 to vector<16xf32>
    %mul3A_2 = arith.constant 640 : i32
    %mul3A_3 = arith.muli %arg1, %mul3A_2 : i32
    %mul3A_4 = arith.constant 640 : i32
    %mul3A_5 = arith.muli %arg1, %mul3A_4 : i32
    %dma_start3A = arith.constant 0 : i32
    %dma_start3A_6 = tpu.memref_slice %arg10[%mul3A_5, %dma_start3A] : memref<10240x32xf32, #tpu.memory_space<vmem_shared>> -> memref<640x32xf32, #tpu.memory_space<vmem_shared>>
    %dma_start3A_7 = arith.constant 0 : i32
    %dma_start3A_8 = tpu.memref_slice %arg2[%mul3A_3, %dma_start3A_7] : memref<10240x32xf32, #tpu.memory_space<hbm>> -> memref<640x32xf32, #tpu.memory_space<hbm>>
    tpu.enqueue_dma source(%dma_start3A_8 : memref<640x32xf32, #tpu.memory_space<hbm>>) target(%dma_start3A_6 : memref<640x32xf32, #tpu.memory_space<vmem_shared>>) target_semaphore(%arg11 : memref<!tpu.dma_semaphore, #tpu.memory_space<semaphore_mem>>)
    %mul3A_9 = arith.constant 40 : i32
    %mul3A_10 = arith.muli %add3A, %mul3A_9 : i32
    %dma_start3A_11 = arith.constant 0 : i32
    %dma_start3A_12 = tpu.memref_slice %arg3[%mul3A_10, %dma_start3A_11] : memref<1280x256xi32, #tpu.memory_space<hbm>> -> memref<40x256xi32, #tpu.memory_space<hbm>>
    %dma_start3A_13 = arith.constant 0 : i32
    %dma_start3A_14 = tpu.memref_slice %arg3[%mul3A_10, %dma_start3A_13] : memref<1280x256xi32, #tpu.memory_space<hbm>> -> memref<40x256xi32, #tpu.memory_space<hbm>>
    tpu.enqueue_dma source(%dma_start3A_14 : memref<40x256xi32, #tpu.memory_space<hbm>>) target(%arg6 : memref<40x256xi32, #tpu.memory_space<vmem>>) target_semaphore(%arg13 : memref<!tpu.dma_semaphore, #tpu.memory_space<semaphore_mem>>)
    %mul3A_15 = arith.constant 40 : i32
    %mul3A_16 = arith.muli %add3A, %mul3A_15 : i32
    %dma_start3A_17 = arith.constant 0 : i32
    %dma_start3A_18 = tpu.memref_slice %arg4[%mul3A_16, %dma_start3A_17] : memref<1280x256xi32, #tpu.memory_space<hbm>> -> memref<40x256xi32, #tpu.memory_space<hbm>>
    %dma_start3A_19 = arith.constant 0 : i32
    %dma_start3A_20 = tpu.memref_slice %arg4[%mul3A_16, %dma_start3A_19] : memref<1280x256xi32, #tpu.memory_space<hbm>> -> memref<40x256xi32, #tpu.memory_space<hbm>>
    tpu.enqueue_dma source(%dma_start3A_20 : memref<40x256xi32, #tpu.memory_space<hbm>>) target(%arg7 : memref<40x256xi32, #tpu.memory_space<vmem>>) target_semaphore(%arg14 : memref<!tpu.dma_semaphore, #tpu.memory_space<semaphore_mem>>)
    %scan3A = arith.constant 0 : i32
    %scan3A_21 = arith.constant 0 : i32
    %scan3A_22 = arith.constant 0 : i32
    %scan3A_23 = arith.constant 0 : i32
    %scan3A_24 = arith.constant 256 : i32
    %scan3A_25 = arith.addi %scan3A_23, %scan3A_24 : i32
    %scan3A_26 = arith.constant 1 : i32
    %scan3A_27 = scf.for %scan3A_645 = %scan3A_23 to %scan3A_25 step %scan3A_26 iter_args(%scan3A_646 = %scan3A_22) -> (i32)  : i32 {
      %swap3A = arith.constant 0 : i32
      %swap3A_647 = arith.constant 0 : i32
      %swap3A_648 = arith.constant 0 : i32
      %swap3A_649 = tpu.memref_slice %arg8[%scan3A, %swap3A, %swap3A_647, %swap3A_648] : memref<2x4x256x32xf32, #tpu.memory_space<vmem>> -> memref<1x4x256x32xf32, #tpu.memory_space<vmem>>
      %swap3A_650 = tpu.memref_squeeze %swap3A_649 : memref<1x4x256x32xf32, #tpu.memory_space<vmem>> -> memref<4x256x32xf32, #tpu.memory_space<vmem>>
      %swap3A_651 = arith.constant 0 : i32
      %swap3A_652 = arith.constant 0 : i32
      %swap3A_653 = tpu.memref_slice %swap3A_650[%scan3A_21, %swap3A_651, %swap3A_652] : memref<4x256x32xf32, #tpu.memory_space<vmem>> -> memref<1x256x32xf32, #tpu.memory_space<vmem>>
      %swap3A_654 = tpu.memref_squeeze %swap3A_653 : memref<1x256x32xf32, #tpu.memory_space<vmem>> -> memref<256x32xf32, #tpu.memory_space<vmem>>
      %swap3A_655 = arith.constant 0 : i32
      %swap3A_656 = tpu.memref_slice %swap3A_654[%scan3A_645, %swap3A_655] : memref<256x32xf32, #tpu.memory_space<vmem>> -> memref<1x32xf32, #tpu.memory_space<vmem>>
      %swap3A_657 = tpu.memref_squeeze %swap3A_656 : memref<1x32xf32, #tpu.memory_space<vmem>> -> memref<32xf32, #tpu.memory_space<vmem>>
      %swap3A_658 = arith.constant 0 : index
      %swap3A_659 = tpu.vector_load %swap3A_657[%swap3A_658] {strides = array<i32>} : memref<32xf32, #tpu.memory_space<vmem>>, vector<16xf32>,
      %swap3A_660 = vector.shape_cast %swap3A_659 : vector<16xf32> to vector<16xf32>
      %swap3A_661 = vector.shape_cast %broadcast_in_dim3A_1 : vector<16xf32> to vector<16xf32>
      tpu.vector_store %swap3A_657[%swap3A_658], %swap3A_661 {strides = array<i32>} : memref<32xf32, #tpu.memory_space<vmem>>, vector<16xf32>,
      %swap3A_662 = arith.constant 0 : i32
      %swap3A_663 = arith.constant 0 : i32
      %swap3A_664 = arith.constant 0 : i32
      %swap3A_665 = tpu.memref_slice %arg8[%scan3A, %swap3A_662, %swap3A_663, %swap3A_664] : memref<2x4x256x32xf32, #tpu.memory_space<vmem>> -> memref<1x4x256x32xf32, #tpu.memory_space<vmem>>
      %swap3A_666 = tpu.memref_squeeze %swap3A_665 : memref<1x4x256x32xf32, #tpu.memory_space<vmem>> -> memref<4x256x32xf32, #tpu.memory_space<vmem>>
      %swap3A_667 = arith.constant 0 : i32
      %swap3A_668 = arith.constant 0 : i32
      %swap3A_669 = tpu.memref_slice %swap3A_666[%scan3A_21, %swap3A_667, %swap3A_668] : memref<4x256x32xf32, #tpu.memory_space<vmem>> -> memref<1x256x32xf32, #tpu.memory_space<vmem>>
      %swap3A_670 = tpu.memref_squeeze %swap3A_669 : memref<1x256x32xf32, #tpu.memory_space<vmem>> -> memref<256x32xf32, #tpu.memory_space<vmem>>
      %swap3A_671 = arith.constant 0 : i32
      %swap3A_672 = tpu.memref_slice %swap3A_670[%scan3A_645, %swap3A_671] : memref<256x32xf32, #tpu.memory_space<vmem>> -> memref<1x32xf32, #tpu.memory_space<vmem>>
      %swap3A_673 = tpu.memref_squeeze %swap3A_672 : memref<1x32xf32, #tpu.memory_space<vmem>> -> memref<32xf32, #tpu.memory_space<vmem>>
      %swap3A_674 = arith.constant 16 : index
      %swap3A_675 = tpu.vector_load %swap3A_673[%swap3A_674] {strides = array<i32>} : memref<32xf32, #tpu.memory_space<vmem>>, vector<16xf32>,
      %swap3A_676 = vector.shape_cast %swap3A_675 : vector<16xf32> to vector<16xf32>
      %swap3A_677 = vector.shape_cast %broadcast_in_dim3A_1 : vector<16xf32> to vector<16xf32>
      tpu.vector_store %swap3A_673[%swap3A_674], %swap3A_677 {strides = array<i32>} : memref<32xf32, #tpu.memory_space<vmem>>, vector<16xf32>,
      %scan3A_678 = arith.constant 0 : i32
      scf.yield %scan3A_678 : i32
    }
    %scan3A_28 = arith.constant 256 : i32
    %mul3A_29 = arith.constant 640 : i32
    %mul3A_30 = arith.muli %arg1, %mul3A_29 : i32
    %add3A_31 = arith.constant 0 : i32
    %add3A_32 = arith.addi %mul3A_30, %add3A_31 : i32
    %run_scoped3A = arith.constant 0 : i32
    %run_scoped3A_33 = arith.constant 0 : i32
    "tpu.region"() ({
      %run_scoped3A_645 = tpu.sem_alloc : memref<!tpu.dma_semaphore, #tpu.memory_space<semaphore_mem>>
      %dma_start3A_646 = arith.constant 0 : i32
      %dma_start3A_647 = arith.constant 0 : i32
      %dma_start3A_648 = arith.constant 0 : i32
      %dma_start3A_649 = tpu.memref_slice %arg8[%run_scoped3A, %dma_start3A_646, %dma_start3A_647, %dma_start3A_648] : memref<2x4x256x32xf32, #tpu.memory_space<vmem>> -> memref<1x4x256x32xf32, #tpu.memory_space<vmem>>
      %dma_start3A_650 = tpu.memref_squeeze %dma_start3A_649 : memref<1x4x256x32xf32, #tpu.memory_space<vmem>> -> memref<4x256x32xf32, #tpu.memory_space<vmem>>
      %dma_start3A_651 = arith.constant 0 : i32
      %dma_start3A_652 = arith.constant 0 : i32
      %dma_start3A_653 = tpu.memref_slice %dma_start3A_650[%run_scoped3A_33, %dma_start3A_651, %dma_start3A_652] : memref<4x256x32xf32, #tpu.memory_space<vmem>> -> memref<1x256x32xf32, #tpu.memory_space<vmem>>
      %dma_start3A_654 = tpu.memref_squeeze %dma_start3A_653 : memref<1x256x32xf32, #tpu.memory_space<vmem>> -> memref<256x32xf32, #tpu.memory_space<vmem>>
      %dma_start3A_655 = arith.constant 0 : i32
      %dma_start3A_656 = tpu.memref_slice %arg9[%add3A_32, %dma_start3A_655] : memref<10240x32xf32, #tpu.memory_space<vmem_shared>> -> memref<256x32xf32, #tpu.memory_space<vmem_shared>>
      %dma_start3A_657 = arith.constant 0 : i32
      %dma_start3A_658 = tpu.memref_slice %arg9[%add3A_32, %dma_start3A_657] : memref<10240x32xf32, #tpu.memory_space<vmem_shared>> -> memref<256x32xf32, #tpu.memory_space<vmem_shared>>
      %dma_start3A_659 = arith.constant 0 : i32
      %dma_start3A_660 = arith.constant 0 : i32
      %dma_start3A_661 = arith.constant 0 : i32
      %dma_start3A_662 = tpu.memref_slice %arg8[%run_scoped3A, %dma_start3A_659, %dma_start3A_660, %dma_start3A_661] : memref<2x4x256x32xf32, #tpu.memory_space<vmem>> -> memref<1x4x256x32xf32, #tpu.memory_space<vmem>>
      %dma_start3A_663 = tpu.memref_squeeze %dma_start3A_662 : memref<1x4x256x32xf32, #tpu.memory_space<vmem>> -> memref<4x256x32xf32, #tpu.memory_space<vmem>>
      %dma_start3A_664 = arith.constant 0 : i32
      %dma_start3A_665 = arith.constant 0 : i32
      %dma_start3A_666 = tpu.memref_slice %dma_start3A_663[%run_scoped3A_33, %dma_start3A_664, %dma_start3A_665] : memref<4x256x32xf32, #tpu.memory_space<vmem>> -> memref<1x256x32xf32, #tpu.memory_space<vmem>>
      %dma_start3A_667 = tpu.memref_squeeze %dma_start3A_666 : memref<1x256x32xf32, #tpu.memory_space<vmem>> -> memref<256x32xf32, #tpu.memory_space<vmem>>
      tpu.enqueue_dma source(%dma_start3A_667 : memref<256x32xf32, #tpu.memory_space<vmem>>) target(%dma_start3A_658 : memref<256x32xf32, #tpu.memory_space<vmem_shared>>) target_semaphore(%run_scoped3A_645 : memref<!tpu.dma_semaphore, #tpu.memory_space<semaphore_mem>>)
      %dma_wait3A_668 = arith.constant 0 : i32
      %dma_wait3A_669 = arith.constant 0 : i32
      %dma_wait3A_670 = arith.constant 0 : i32
      %dma_wait3A_671 = tpu.memref_slice %arg8[%run_scoped3A, %dma_wait3A_668, %dma_wait3A_669, %dma_wait3A_670] : memref<2x4x256x32xf32, #tpu.memory_space<vmem>> -> memref<1x4x256x32xf32, #tpu.memory_space<vmem>>
      %dma_wait3A_672 = tpu.memref_squeeze %dma_wait3A_671 : memref<1x4x256x32xf32, #tpu.memory_space<vmem>> -> memref<4x256x32xf32, #tpu.memory_space<vmem>>
      %dma_wait3A_673 = arith.constant 0 : i32
      %dma_wait3A_674 = arith.constant 0 : i32
      %dma_wait3A_675 = tpu.memref_slice %dma_wait3A_672[%run_scoped3A_33, %dma_wait3A_673, %dma_wait3A_674] : memref<4x256x32xf32, #tpu.memory_space<vmem>> -> memref<1x256x32xf32, #tpu.memory_space<vmem>>
      %dma_wait3A_676 = tpu.memref_squeeze %dma_wait3A_675 : memref<1x256x32xf32, #tpu.memory_space<vmem>> -> memref<256x32xf32, #tpu.memory_space<vmem>>
      %dma_wait3A_677 = arith.constant 0 : i32
      %dma_wait3A_678 = tpu.memref_slice %arg9[%add3A_32, %dma_wait3A_677] : memref<10240x32xf32, #tpu.memory_space<vmem_shared>> -> memref<256x32xf32, #tpu.memory_space<vmem_shared>>
      %dma_wait3A_679 = arith.constant 0 : i32
      %dma_wait3A_680 = tpu.memref_slice %arg9[%add3A_32, %dma_wait3A_679] : memref<10240x32xf32, #tpu.memory_space<vmem_shared>> -> memref<256x32xf32, #tpu.memory_space<vmem_shared>>
      %dma_wait3A_681 = arith.constant 0 : i32
      %dma_wait3A_682 = arith.constant 0 : i32
      %dma_wait3A_683 = arith.constant 0 : i32
      %dma_wait3A_684 = tpu.memref_slice %arg8[%run_scoped3A, %dma_wait3A_681, %dma_wait3A_682, %dma_wait3A_683] : memref<2x4x256x32xf32, #tpu.memory_space<vmem>> -> memref<1x4x256x32xf32, #tpu.memory_space<vmem>>
      %dma_wait3A_685 = tpu.memref_squeeze %dma_wait3A_684 : memref<1x4x256x32xf32, #tpu.memory_space<vmem>> -> memref<4x256x32xf32, #tpu.memory_space<vmem>>
      %dma_wait3A_686 = arith.constant 0 : i32
      %dma_wait3A_687 = arith.constant 0 : i32
      %dma_wait3A_688 = tpu.memref_slice %dma_wait3A_685[%run_scoped3A_33, %dma_wait3A_686, %dma_wait3A_687] : memref<4x256x32xf32, #tpu.memory_space<vmem>> -> memref<1x256x32xf32, #tpu.memory_space<vmem>>
      %dma_wait3A_689 = tpu.memref_squeeze %dma_wait3A_688 : memref<1x256x32xf32, #tpu.memory_space<vmem>> -> memref<256x32xf32, #tpu.memory_space<vmem>>
      tpu.wait_dma2 semaphore(%run_scoped3A_645 : memref<!tpu.dma_semaphore, #tpu.memory_space<semaphore_mem>>) src(%dma_wait3A_689 : memref<256x32xf32, #tpu.memory_space<vmem>>) dst(%dma_wait3A_680 : memref<256x32xf32, #tpu.memory_space<vmem_shared>>)
      tpu.yield
    }) : () -> ()
    %mul3A_34 = arith.constant 640 : i32
    %mul3A_35 = arith.muli %arg1, %mul3A_34 : i32
    %add3A_36 = arith.constant 256 : i32
    %add3A_37 = arith.addi %mul3A_35, %add3A_36 : i32
    %run_scoped3A_38 = arith.constant 0 : i32
    %run_scoped3A_39 = arith.constant 0 : i32
    "tpu.region"() ({
      %run_scoped3A_645 = tpu.sem_alloc : memref<!tpu.dma_semaphore, #tpu.memory_space<semaphore_mem>>
      %dma_start3A_646 = arith.constant 0 : i32
      %dma_start3A_647 = arith.constant 0 : i32
      %dma_start3A_648 = arith.constant 0 : i32
      %dma_start3A_649 = tpu.memref_slice %arg8[%run_scoped3A_38, %dma_start3A_646, %dma_start3A_647, %dma_start3A_648] : memref<2x4x256x32xf32, #tpu.memory_space<vmem>> -> memref<1x4x256x32xf32, #tpu.memory_space<vmem>>
      %dma_start3A_650 = tpu.memref_squeeze %dma_start3A_649 : memref<1x4x256x32xf32, #tpu.memory_space<vmem>> -> memref<4x256x32xf32, #tpu.memory_space<vmem>>
      %dma_start3A_651 = arith.constant 0 : i32
      %dma_start3A_652 = arith.constant 0 : i32
      %dma_start3A_653 = tpu.memref_slice %dma_start3A_650[%run_scoped3A_39, %dma_start3A_651, %dma_start3A_652] : memref<4x256x32xf32, #tpu.memory_space<vmem>> -> memref<1x256x32xf32, #tpu.memory_space<vmem>>
      %dma_start3A_654 = tpu.memref_squeeze %dma_start3A_653 : memref<1x256x32xf32, #tpu.memory_space<vmem>> -> memref<256x32xf32, #tpu.memory_space<vmem>>
      %dma_start3A_655 = arith.constant 0 : i32
      %dma_start3A_656 = tpu.memref_slice %arg9[%add3A_37, %dma_start3A_655] : memref<10240x32xf32, #tpu.memory_space<vmem_shared>> -> memref<256x32xf32, #tpu.memory_space<vmem_shared>>
      %dma_start3A_657 = arith.constant 0 : i32
      %dma_start3A_658 = tpu.memref_slice %arg9[%add3A_37, %dma_start3A_657] : memref<10240x32xf32, #tpu.memory_space<vmem_shared>> -> memref<256x32xf32, #tpu.memory_space<vmem_shared>>
      %dma_start3A_659 = arith.constant 0 : i32
      %dma_start3A_660 = arith.constant 0 : i32
      %dma_start3A_661 = arith.constant 0 : i32
      %dma_start3A_662 = tpu.memref_slice %arg8[%run_scoped3A_38, %dma_start3A_659, %dma_start3A_660, %dma_start3A_661] : memref<2x4x256x32xf32, #tpu.memory_space<vmem>> -> memref<1x4x256x32xf32, #tpu.memory_space<vmem>>
      %dma_start3A_663 = tpu.memref_squeeze %dma_start3A_662 : memref<1x4x256x32xf32, #tpu.memory_space<vmem>> -> memref<4x256x32xf32, #tpu.memory_space<vmem>>
      %dma_start3A_664 = arith.constant 0 : i32
      %dma_start3A_665 = arith.constant 0 : i32
      %dma_start3A_666 = tpu.memref_slice %dma_start3A_663[%run_scoped3A_39, %dma_start3A_664, %dma_start3A_665] : memref<4x256x32xf32, #tpu.memory_space<vmem>> -> memref<1x256x32xf32, #tpu.memory_space<vmem>>
      %dma_start3A_667 = tpu.memref_squeeze %dma_start3A_666 : memref<1x256x32xf32, #tpu.memory_space<vmem>> -> memref<256x32xf32, #tpu.memory_space<vmem>>
      tpu.enqueue_dma source(%dma_start3A_667 : memref<256x32xf32, #tpu.memory_space<vmem>>) target(%dma_start3A_658 : memref<256x32xf32, #tpu.memory_space<vmem_shared>>) target_semaphore(%run_scoped3A_645 : memref<!tpu.dma_semaphore, #tpu.memory_space<semaphore_mem>>)
      %dma_wait3A_668 = arith.constant 0 : i32
      %dma_wait3A_669 = arith.constant 0 : i32
      %dma_wait3A_670 = arith.constant 0 : i32
      %dma_wait3A_671 = tpu.memref_slice %arg8[%run_scoped3A_38, %dma_wait3A_668, %dma_wait3A_669, %dma_wait3A_670] : memref<2x4x256x32xf32, #tpu.memory_space<vmem>> -> memref<1x4x256x32xf32, #tpu.memory_space<vmem>>
      %dma_wait3A_672 = tpu.memref_squeeze %dma_wait3A_671 : memref<1x4x256x32xf32, #tpu.memory_space<vmem>> -> memref<4x256x32xf32, #tpu.memory_space<vmem>>
      %dma_wait3A_673 = arith.constant 0 : i32
      %dma_wait3A_674 = arith.constant 0 : i32
      %dma_wait3A_675 = tpu.memref_slice %dma_wait3A_672[%run_scoped3A_39, %dma_wait3A_673, %dma_wait3A_674] : memref<4x256x32xf32, #tpu.memory_space<vmem>> -> memref<1x256x32xf32, #tpu.memory_space<vmem>>
      %dma_wait3A_676 = tpu.memref_squeeze %dma_wait3A_675 : memref<1x256x32xf32, #tpu.memory_space<vmem>> -> memref<256x32xf32, #tpu.memory_space<vmem>>
      %dma_wait3A_677 = arith.constant 0 : i32
      %dma_wait3A_678 = tpu.memref_slice %arg9[%add3A_37, %dma_wait3A_677] : memref<10240x32xf32, #tpu.memory_space<vmem_shared>> -> memref<256x32xf32, #tpu.memory_space<vmem_shared>>
      %dma_wait3A_679 = arith.constant 0 : i32
      %dma_wait3A_680 = tpu.memref_slice %arg9[%add3A_37, %dma_wait3A_679] : memref<10240x32xf32, #tpu.memory_space<vmem_shared>> -> memref<256x32xf32, #tpu.memory_space<vmem_shared>>
      %dma_wait3A_681 = arith.constant 0 : i32
      %dma_wait3A_682 = arith.constant 0 : i32
      %dma_wait3A_683 = arith.constant 0 : i32
      %dma_wait3A_684 = tpu.memref_slice %arg8[%run_scoped3A_38, %dma_wait3A_681, %dma_wait3A_682, %dma_wait3A_683] : memref<2x4x256x32xf32, #tpu.memory_space<vmem>> -> memref<1x4x256x32xf32, #tpu.memory_space<vmem>>
      %dma_wait3A_685 = tpu.memref_squeeze %dma_wait3A_684 : memref<1x4x256x32xf32, #tpu.memory_space<vmem>> -> memref<4x256x32xf32, #tpu.memory_space<vmem>>
      %dma_wait3A_686 = arith.constant 0 : i32
      %dma_wait3A_687 = arith.constant 0 : i32
      %dma_wait3A_688 = tpu.memref_slice %dma_wait3A_685[%run_scoped3A_39, %dma_wait3A_686, %dma_wait3A_687] : memref<4x256x32xf32, #tpu.memory_space<vmem>> -> memref<1x256x32xf32, #tpu.memory_space<vmem>>
      %dma_wait3A_689 = tpu.memref_squeeze %dma_wait3A_688 : memref<1x256x32xf32, #tpu.memory_space<vmem>> -> memref<256x32xf32, #tpu.memory_space<vmem>>
      tpu.wait_dma2 semaphore(%run_scoped3A_645 : memref<!tpu.dma_semaphore, #tpu.memory_space<semaphore_mem>>) src(%dma_wait3A_689 : memref<256x32xf32, #tpu.memory_space<vmem>>) dst(%dma_wait3A_680 : memref<256x32xf32, #tpu.memory_space<vmem_shared>>)
      tpu.yield
    }) : () -> ()
    %mul3A_40 = arith.constant 640 : i32
    %mul3A_41 = arith.muli %arg1, %mul3A_40 : i32
    %add3A_42 = arith.constant 512 : i32
    %add3A_43 = arith.addi %mul3A_41, %add3A_42 : i32
    %run_scoped3A_44 = arith.constant 0 : i32
    %run_scoped3A_45 = arith.constant 0 : i32
    "tpu.region"() ({
      %run_scoped3A_645 = tpu.sem_alloc : memref<!tpu.dma_semaphore, #tpu.memory_space<semaphore_mem>>
      %dma_start3A_646 = arith.constant 0 : i32
      %dma_start3A_647 = arith.constant 0 : i32
      %dma_start3A_648 = arith.constant 0 : i32
      %dma_start3A_649 = tpu.memref_slice %arg8[%run_scoped3A_44, %dma_start3A_646, %dma_start3A_647, %dma_start3A_648] : memref<2x4x256x32xf32, #tpu.memory_space<vmem>> -> memref<1x4x256x32xf32, #tpu.memory_space<vmem>>
      %dma_start3A_650 = tpu.memref_squeeze %dma_start3A_649 : memref<1x4x256x32xf32, #tpu.memory_space<vmem>> -> memref<4x256x32xf32, #tpu.memory_space<vmem>>
      %dma_start3A_651 = arith.constant 0 : i32
      %dma_start3A_652 = arith.constant 0 : i32
      %dma_start3A_653 = tpu.memref_slice %dma_start3A_650[%run_scoped3A_45, %dma_start3A_651, %dma_start3A_652] : memref<4x256x32xf32, #tpu.memory_space<vmem>> -> memref<1x256x32xf32, #tpu.memory_space<vmem>>
      %dma_start3A_654 = tpu.memref_squeeze %dma_start3A_653 : memref<1x256x32xf32, #tpu.memory_space<vmem>> -> memref<256x32xf32, #tpu.memory_space<vmem>>
      %dma_start3A_655 = arith.constant 0 : i32
      %dma_start3A_656 = arith.constant 0 : i32
      %dma_start3A_657 = tpu.memref_slice %dma_start3A_654[%dma_start3A_655, %dma_start3A_656] : memref<256x32xf32, #tpu.memory_space<vmem>> -> memref<128x32xf32, #tpu.memory_space<vmem>>
      %dma_start3A_658 = arith.constant 0 : i32
      %dma_start3A_659 = tpu.memref_slice %arg9[%add3A_43, %dma_start3A_658] : memref<10240x32xf32, #tpu.memory_space<vmem_shared>> -> memref<128x32xf32, #tpu.memory_space<vmem_shared>>
      %dma_start3A_660 = arith.constant 0 : i32
      %dma_start3A_661 = tpu.memref_slice %arg9[%add3A_43, %dma_start3A_660] : memref<10240x32xf32, #tpu.memory_space<vmem_shared>> -> memref<128x32xf32, #tpu.memory_space<vmem_shared>>
      %dma_start3A_662 = arith.constant 0 : i32
      %dma_start3A_663 = arith.constant 0 : i32
      %dma_start3A_664 = arith.constant 0 : i32
      %dma_start3A_665 = tpu.memref_slice %arg8[%run_scoped3A_44, %dma_start3A_662, %dma_start3A_663, %dma_start3A_664] : memref<2x4x256x32xf32, #tpu.memory_space<vmem>> -> memref<1x4x256x32xf32, #tpu.memory_space<vmem>>
      %dma_start3A_666 = tpu.memref_squeeze %dma_start3A_665 : memref<1x4x256x32xf32, #tpu.memory_space<vmem>> -> memref<4x256x32xf32, #tpu.memory_space<vmem>>
      %dma_start3A_667 = arith.constant 0 : i32
      %dma_start3A_668 = arith.constant 0 : i32
      %dma_start3A_669 = tpu.memref_slice %dma_start3A_666[%run_scoped3A_45, %dma_start3A_667, %dma_start3A_668] : memref<4x256x32xf32, #tpu.memory_space<vmem>> -> memref<1x256x32xf32, #tpu.memory_space<vmem>>
      %dma_start3A_670 = tpu.memref_squeeze %dma_start3A_669 : memref<1x256x32xf32, #tpu.memory_space<vmem>> -> memref<256x32xf32, #tpu.memory_space<vmem>>
      %dma_start3A_671 = arith.constant 0 : i32
      %dma_start3A_672 = arith.constant 0 : i32
      %dma_start3A_673 = tpu.memref_slice %dma_start3A_670[%dma_start3A_671, %dma_start3A_672] : memref<256x32xf32, #tpu.memory_space<vmem>> -> memref<128x32xf32, #tpu.memory_space<vmem>>
      tpu.enqueue_dma source(%dma_start3A_673 : memref<128x32xf32, #tpu.memory_space<vmem>>) target(%dma_start3A_661 : memref<128x32xf32, #tpu.memory_space<vmem_shared>>) target_semaphore(%run_scoped3A_645 : memref<!tpu.dma_semaphore, #tpu.memory_space<semaphore_mem>>)
      %dma_wait3A_674 = arith.constant 0 : i32
      %dma_wait3A_675 = arith.constant 0 : i32
      %dma_wait3A_676 = arith.constant 0 : i32
      %dma_wait3A_677 = tpu.memref_slice %arg8[%run_scoped3A_44, %dma_wait3A_674, %dma_wait3A_675, %dma_wait3A_676] : memref<2x4x256x32xf32, #tpu.memory_space<vmem>> -> memref<1x4x256x32xf32, #tpu.memory_space<vmem>>
      %dma_wait3A_678 = tpu.memref_squeeze %dma_wait3A_677 : memref<1x4x256x32xf32, #tpu.memory_space<vmem>> -> memref<4x256x32xf32, #tpu.memory_space<vmem>>
      %dma_wait3A_679 = arith.constant 0 : i32
      %dma_wait3A_680 = arith.constant 0 : i32
      %dma_wait3A_681 = tpu.memref_slice %dma_wait3A_678[%run_scoped3A_45, %dma_wait3A_679, %dma_wait3A_680] : memref<4x256x32xf32, #tpu.memory_space<vmem>> -> memref<1x256x32xf32, #tpu.memory_space<vmem>>
      %dma_wait3A_682 = tpu.memref_squeeze %dma_wait3A_681 : memref<1x256x32xf32, #tpu.memory_space<vmem>> -> memref<256x32xf32, #tpu.memory_space<vmem>>
      %dma_wait3A_683 = arith.constant 0 : i32
      %dma_wait3A_684 = arith.constant 0 : i32
      %dma_wait3A_685 = tpu.memref_slice %dma_wait3A_682[%dma_wait3A_683, %dma_wait3A_684] : memref<256x32xf32, #tpu.memory_space<vmem>> -> memref<128x32xf32, #tpu.memory_space<vmem>>
      %dma_wait3A_686 = arith.constant 0 : i32
      %dma_wait3A_687 = tpu.memref_slice %arg9[%add3A_43, %dma_wait3A_686] : memref<10240x32xf32, #tpu.memory_space<vmem_shared>> -> memref<128x32xf32, #tpu.memory_space<vmem_shared>>
      %dma_wait3A_688 = arith.constant 0 : i32
      %dma_wait3A_689 = tpu.memref_slice %arg9[%add3A_43, %dma_wait3A_688] : memref<10240x32xf32, #tpu.memory_space<vmem_shared>> -> memref<128x32xf32, #tpu.memory_space<vmem_shared>>
      %dma_wait3A_690 = arith.constant 0 : i32
      %dma_wait3A_691 = arith.constant 0 : i32
      %dma_wait3A_692 = arith.constant 0 : i32
      %dma_wait3A_693 = tpu.memref_slice %arg8[%run_scoped3A_44, %dma_wait3A_690, %dma_wait3A_691, %dma_wait3A_692] : memref<2x4x256x32xf32, #tpu.memory_space<vmem>> -> memref<1x4x256x32xf32, #tpu.memory_space<vmem>>
      %dma_wait3A_694 = tpu.memref_squeeze %dma_wait3A_693 : memref<1x4x256x32xf32, #tpu.memory_space<vmem>> -> memref<4x256x32xf32, #tpu.memory_space<vmem>>
      %dma_wait3A_695 = arith.constant 0 : i32
      %dma_wait3A_696 = arith.constant 0 : i32
      %dma_wait3A_697 = tpu.memref_slice %dma_wait3A_694[%run_scoped3A_45, %dma_wait3A_695, %dma_wait3A_696] : memref<4x256x32xf32, #tpu.memory_space<vmem>> -> memref<1x256x32xf32, #tpu.memory_space<vmem>>
      %dma_wait3A_698 = tpu.memref_squeeze %dma_wait3A_697 : memref<1x256x32xf32, #tpu.memory_space<vmem>> -> memref<256x32xf32, #tpu.memory_space<vmem>>
      %dma_wait3A_699 = arith.constant 0 : i32
      %dma_wait3A_700 = arith.constant 0 : i32
      %dma_wait3A_701 = tpu.memref_slice %dma_wait3A_698[%dma_wait3A_699, %dma_wait3A_700] : memref<256x32xf32, #tpu.memory_space<vmem>> -> memref<128x32xf32, #tpu.memory_space<vmem>>
      tpu.wait_dma2 semaphore(%run_scoped3A_645 : memref<!tpu.dma_semaphore, #tpu.memory_space<semaphore_mem>>) src(%dma_wait3A_701 : memref<128x32xf32, #tpu.memory_space<vmem>>) dst(%dma_wait3A_689 : memref<128x32xf32, #tpu.memory_space<vmem_shared>>)
      tpu.yield
    }) : () -> ()
    %dma_wait3A = arith.constant 0 : i32
    %dma_wait3A_46 = tpu.memref_slice %arg10[%mul3A_5, %dma_wait3A] : memref<10240x32xf32, #tpu.memory_space<vmem_shared>> -> memref<640x32xf32, #tpu.memory_space<vmem_shared>>
    %dma_wait3A_47 = arith.constant 0 : i32
    %dma_wait3A_48 = tpu.memref_slice %arg2[%mul3A_3, %dma_wait3A_47] : memref<10240x32xf32, #tpu.memory_space<hbm>> -> memref<640x32xf32, #tpu.memory_space<hbm>>
    tpu.wait_dma2 semaphore(%arg11 : memref<!tpu.dma_semaphore, #tpu.memory_space<semaphore_mem>>) src(%dma_wait3A_48 : memref<640x32xf32, #tpu.memory_space<hbm>>) dst(%dma_wait3A_46 : memref<640x32xf32, #tpu.memory_space<vmem_shared>>)
    %dma_wait3A_49 = arith.constant 0 : i32
    %dma_wait3A_50 = tpu.memref_slice %arg3[%mul3A_10, %dma_wait3A_49] : memref<1280x256xi32, #tpu.memory_space<hbm>> -> memref<40x256xi32, #tpu.memory_space<hbm>>
    %dma_wait3A_51 = arith.constant 0 : i32
    %dma_wait3A_52 = tpu.memref_slice %arg3[%mul3A_10, %dma_wait3A_51] : memref<1280x256xi32, #tpu.memory_space<hbm>> -> memref<40x256xi32, #tpu.memory_space<hbm>>
    tpu.wait_dma2 semaphore(%arg13 : memref<!tpu.dma_semaphore, #tpu.memory_space<semaphore_mem>>) src(%dma_wait3A_52 : memref<40x256xi32, #tpu.memory_space<hbm>>) dst(%arg6 : memref<40x256xi32, #tpu.memory_space<vmem>>)
    %dma_wait3A_53 = arith.constant 0 : i32
    %dma_wait3A_54 = tpu.memref_slice %arg4[%mul3A_16, %dma_wait3A_53] : memref<1280x256xi32, #tpu.memory_space<hbm>> -> memref<40x256xi32, #tpu.memory_space<hbm>>
    %dma_wait3A_55 = arith.constant 0 : i32
    %dma_wait3A_56 = tpu.memref_slice %arg4[%mul3A_16, %dma_wait3A_55] : memref<1280x256xi32, #tpu.memory_space<hbm>> -> memref<40x256xi32, #tpu.memory_space<hbm>>
    tpu.wait_dma2 semaphore(%arg14 : memref<!tpu.dma_semaphore, #tpu.memory_space<semaphore_mem>>) src(%dma_wait3A_56 : memref<40x256xi32, #tpu.memory_space<hbm>>) dst(%arg7 : memref<40x256xi32, #tpu.memory_space<vmem>>)
    %barrier3A = arith.constant 0 : index
    tpu.barrier barrier_id(%barrier3A)
    %dma_start3A_57 = arith.constant 0 : i32
    %dma_start3A_58 = arith.constant 0 : i32
    %dma_start3A_59 = arith.constant 0 : i32
    %dma_start3A_60 = arith.constant 0 : i32
    %dma_start3A_61 = arith.constant 0 : i32
    %dma_start3A_62 = arith.constant 0 : i32
    %dma_start3A_63 = tpu.memref_slice %arg8[%dma_start3A_58, %dma_start3A_60, %dma_start3A_61, %dma_start3A_62] : memref<2x4x256x32xf32, #tpu.memory_space<vmem>> -> memref<1x4x256x32xf32, #tpu.memory_space<vmem>>
    %dma_start3A_64 = tpu.memref_squeeze %dma_start3A_63 : memref<1x4x256x32xf32, #tpu.memory_space<vmem>> -> memref<4x256x32xf32, #tpu.memory_space<vmem>>
    %dma_start3A_65 = arith.constant 0 : i32
    %dma_start3A_66 = arith.constant 0 : i32
    %dma_start3A_67 = tpu.memref_slice %dma_start3A_64[%dma_start3A_59, %dma_start3A_65, %dma_start3A_66] : memref<4x256x32xf32, #tpu.memory_space<vmem>> -> memref<1x256x32xf32, #tpu.memory_space<vmem>>
    %dma_start3A_68 = tpu.memref_squeeze %dma_start3A_67 : memref<1x256x32xf32, #tpu.memory_space<vmem>> -> memref<256x32xf32, #tpu.memory_space<vmem>>
    %dma_start3A_69 = arith.constant 0 : i32
    %dma_start3A_70 = tpu.memref_slice %arg6[%dma_start3A_57, %dma_start3A_69] : memref<40x256xi32, #tpu.memory_space<vmem>> -> memref<1x256xi32, #tpu.memory_space<vmem>>
    %dma_start3A_71 = tpu.memref_squeeze %dma_start3A_70 : memref<1x256xi32, #tpu.memory_space<vmem>> -> memref<256xi32, #tpu.memory_space<vmem>>
    %dma_start3A_72 = arith.constant 0 : i32
    %dma_start3A_73 = arith.constant 0 : i32
    %dma_start3A_74 = tpu.memref_slice %arg10[%dma_start3A_72, %dma_start3A_73] : memref<10240x32xf32, #tpu.memory_space<vmem_shared>> -> memref<10240x32xf32, #tpu.memory_space<vmem_shared>>
    tpu.enqueue_indirect_dma source(%dma_start3A_74 : memref<10240x32xf32, #tpu.memory_space<vmem_shared>>) target(%dma_start3A_68 : memref<256x32xf32, #tpu.memory_space<vmem>>) offsets(%dma_start3A_71 : memref<256xi32, #tpu.memory_space<vmem>>) semaphore(%arg11 : memref<!tpu.dma_semaphore, #tpu.memory_space<semaphore_mem>>)
    %dma_start3A_75 = arith.constant 1 : i32
    %dma_start3A_76 = arith.constant 0 : i32
    %dma_start3A_77 = arith.constant 1 : i32
    %dma_start3A_78 = arith.constant 0 : i32
    %dma_start3A_79 = arith.constant 0 : i32
    %dma_start3A_80 = arith.constant 0 : i32
    %dma_start3A_81 = tpu.memref_slice %arg8[%dma_start3A_76, %dma_start3A_78, %dma_start3A_79, %dma_start3A_80] : memref<2x4x256x32xf32, #tpu.memory_space<vmem>> -> memref<1x4x256x32xf32, #tpu.memory_space<vmem>>
    %dma_start3A_82 = tpu.memref_squeeze %dma_start3A_81 : memref<1x4x256x32xf32, #tpu.memory_space<vmem>> -> memref<4x256x32xf32, #tpu.memory_space<vmem>>
    %dma_start3A_83 = arith.constant 0 : i32
    %dma_start3A_84 = arith.constant 0 : i32
    %dma_start3A_85 = tpu.memref_slice %dma_start3A_82[%dma_start3A_77, %dma_start3A_83, %dma_start3A_84] : memref<4x256x32xf32, #tpu.memory_space<vmem>> -> memref<1x256x32xf32, #tpu.memory_space<vmem>>
    %dma_start3A_86 = tpu.memref_squeeze %dma_start3A_85 : memref<1x256x32xf32, #tpu.memory_space<vmem>> -> memref<256x32xf32, #tpu.memory_space<vmem>>
    %dma_start3A_87 = arith.constant 0 : i32
    %dma_start3A_88 = tpu.memref_slice %arg6[%dma_start3A_75, %dma_start3A_87] : memref<40x256xi32, #tpu.memory_space<vmem>> -> memref<1x256xi32, #tpu.memory_space<vmem>>
    %dma_start3A_89 = tpu.memref_squeeze %dma_start3A_88 : memref<1x256xi32, #tpu.memory_space<vmem>> -> memref<256xi32, #tpu.memory_space<vmem>>
    %dma_start3A_90 = arith.constant 0 : i32
    %dma_start3A_91 = arith.constant 0 : i32
    %dma_start3A_92 = tpu.memref_slice %arg10[%dma_start3A_90, %dma_start3A_91] : memref<10240x32xf32, #tpu.memory_space<vmem_shared>> -> memref<10240x32xf32, #tpu.memory_space<vmem_shared>>
    tpu.enqueue_indirect_dma source(%dma_start3A_92 : memref<10240x32xf32, #tpu.memory_space<vmem_shared>>) target(%dma_start3A_86 : memref<256x32xf32, #tpu.memory_space<vmem>>) offsets(%dma_start3A_89 : memref<256xi32, #tpu.memory_space<vmem>>) semaphore(%arg11 : memref<!tpu.dma_semaphore, #tpu.memory_space<semaphore_mem>>)
    %dma_start3A_93 = arith.constant 2 : i32
    %dma_start3A_94 = arith.constant 0 : i32
    %dma_start3A_95 = arith.constant 2 : i32
    %dma_start3A_96 = arith.constant 0 : i32
    %dma_start3A_97 = arith.constant 0 : i32
    %dma_start3A_98 = arith.constant 0 : i32
    %dma_start3A_99 = tpu.memref_slice %arg8[%dma_start3A_94, %dma_start3A_96, %dma_start3A_97, %dma_start3A_98] : memref<2x4x256x32xf32, #tpu.memory_space<vmem>> -> memref<1x4x256x32xf32, #tpu.memory_space<vmem>>
    %dma_start3A_100 = tpu.memref_squeeze %dma_start3A_99 : memref<1x4x256x32xf32, #tpu.memory_space<vmem>> -> memref<4x256x32xf32, #tpu.memory_space<vmem>>
    %dma_start3A_101 = arith.constant 0 : i32
    %dma_start3A_102 = arith.constant 0 : i32
    %dma_start3A_103 = tpu.memref_slice %dma_start3A_100[%dma_start3A_95, %dma_start3A_101, %dma_start3A_102] : memref<4x256x32xf32, #tpu.memory_space<vmem>> -> memref<1x256x32xf32, #tpu.memory_space<vmem>>
    %dma_start3A_104 = tpu.memref_squeeze %dma_start3A_103 : memref<1x256x32xf32, #tpu.memory_space<vmem>> -> memref<256x32xf32, #tpu.memory_space<vmem>>
    %dma_start3A_105 = arith.constant 0 : i32
    %dma_start3A_106 = tpu.memref_slice %arg6[%dma_start3A_93, %dma_start3A_105] : memref<40x256xi32, #tpu.memory_space<vmem>> -> memref<1x256xi32, #tpu.memory_space<vmem>>
    %dma_start3A_107 = tpu.memref_squeeze %dma_start3A_106 : memref<1x256xi32, #tpu.memory_space<vmem>> -> memref<256xi32, #tpu.memory_space<vmem>>
    %dma_start3A_108 = arith.constant 0 : i32
    %dma_start3A_109 = arith.constant 0 : i32
    %dma_start3A_110 = tpu.memref_slice %arg10[%dma_start3A_108, %dma_start3A_109] : memref<10240x32xf32, #tpu.memory_space<vmem_shared>> -> memref<10240x32xf32, #tpu.memory_space<vmem_shared>>
    tpu.enqueue_indirect_dma source(%dma_start3A_110 : memref<10240x32xf32, #tpu.memory_space<vmem_shared>>) target(%dma_start3A_104 : memref<256x32xf32, #tpu.memory_space<vmem>>) offsets(%dma_start3A_107 : memref<256xi32, #tpu.memory_space<vmem>>) semaphore(%arg11 : memref<!tpu.dma_semaphore, #tpu.memory_space<semaphore_mem>>)
    %dma_start3A_111 = arith.constant 3 : i32
    %dma_start3A_112 = arith.constant 0 : i32
    %dma_start3A_113 = arith.constant 3 : i32
    %dma_start3A_114 = arith.constant 0 : i32
    %dma_start3A_115 = arith.constant 0 : i32
    %dma_start3A_116 = arith.constant 0 : i32
    %dma_start3A_117 = tpu.memref_slice %arg8[%dma_start3A_112, %dma_start3A_114, %dma_start3A_115, %dma_start3A_116] : memref<2x4x256x32xf32, #tpu.memory_space<vmem>> -> memref<1x4x256x32xf32, #tpu.memory_space<vmem>>
    %dma_start3A_118 = tpu.memref_squeeze %dma_start3A_117 : memref<1x4x256x32xf32, #tpu.memory_space<vmem>> -> memref<4x256x32xf32, #tpu.memory_space<vmem>>
    %dma_start3A_119 = arith.constant 0 : i32
    %dma_start3A_120 = arith.constant 0 : i32
    %dma_start3A_121 = tpu.memref_slice %dma_start3A_118[%dma_start3A_113, %dma_start3A_119, %dma_start3A_120] : memref<4x256x32xf32, #tpu.memory_space<vmem>> -> memref<1x256x32xf32, #tpu.memory_space<vmem>>
    %dma_start3A_122 = tpu.memref_squeeze %dma_start3A_121 : memref<1x256x32xf32, #tpu.memory_space<vmem>> -> memref<256x32xf32, #tpu.memory_space<vmem>>
    %dma_start3A_123 = arith.constant 0 : i32
    %dma_start3A_124 = tpu.memref_slice %arg6[%dma_start3A_111, %dma_start3A_123] : memref<40x256xi32, #tpu.memory_space<vmem>> -> memref<1x256xi32, #tpu.memory_space<vmem>>
    %dma_start3A_125 = tpu.memref_squeeze %dma_start3A_124 : memref<1x256xi32, #tpu.memory_space<vmem>> -> memref<256xi32, #tpu.memory_space<vmem>>
    %dma_start3A_126 = arith.constant 0 : i32
    %dma_start3A_127 = arith.constant 0 : i32
    %dma_start3A_128 = tpu.memref_slice %arg10[%dma_start3A_126, %dma_start3A_127] : memref<10240x32xf32, #tpu.memory_space<vmem_shared>> -> memref<10240x32xf32, #tpu.memory_space<vmem_shared>>
    tpu.enqueue_indirect_dma source(%dma_start3A_128 : memref<10240x32xf32, #tpu.memory_space<vmem_shared>>) target(%dma_start3A_122 : memref<256x32xf32, #tpu.memory_space<vmem>>) offsets(%dma_start3A_125 : memref<256xi32, #tpu.memory_space<vmem>>) semaphore(%arg11 : memref<!tpu.dma_semaphore, #tpu.memory_space<semaphore_mem>>)
    %scan3A_129 = arith.constant 0 : i32
    %scan3A_130 = arith.constant 0 : i32
    %scan3A_131 = arith.constant 4 : i32
    %scan3A_132 = arith.addi %scan3A_130, %scan3A_131 : i32
    %scan3A_133 = arith.constant 1 : i32
    %scan3A_134 = scf.for %scan3A_645 = %scan3A_130 to %scan3A_132 step %scan3A_133 iter_args(%scan3A_646 = %scan3A_129) -> (i32)  : i32 {
      %mul3A_647 = arith.constant 2 : i32
      %mul3A_648 = arith.muli %mul3A_647, %scan3A_645 : i32
      %add3A_649 = arith.constant 1 : i32
      %add3A_650 = arith.addi %mul3A_648, %add3A_649 : i32
      %mul3A_651 = arith.constant 4 : i32
      %mul3A_652 = arith.muli %add3A_650, %mul3A_651 : i32
      %add3A_653 = arith.constant 0 : i32
      %add3A_654 = arith.addi %mul3A_652, %add3A_653 : i32
      %dma_start3A_655 = arith.constant 1 : i32
      %dma_start3A_656 = arith.constant 0 : i32
      %dma_start3A_657 = arith.constant 0 : i32
      %dma_start3A_658 = arith.constant 0 : i32
      %dma_start3A_659 = arith.constant 0 : i32
      %dma_start3A_660 = tpu.memref_slice %arg8[%dma_start3A_655, %dma_start3A_657, %dma_start3A_658, %dma_start3A_659] : memref<2x4x256x32xf32, #tpu.memory_space<vmem>> -> memref<1x4x256x32xf32, #tpu.memory_space<vmem>>
      %dma_start3A_661 = tpu.memref_squeeze %dma_start3A_660 : memref<1x4x256x32xf32, #tpu.memory_space<vmem>> -> memref<4x256x32xf32, #tpu.memory_space<vmem>>
      %dma_start3A_662 = arith.constant 0 : i32
      %dma_start3A_663 = arith.constant 0 : i32
      %dma_start3A_664 = tpu.memref_slice %dma_start3A_661[%dma_start3A_656, %dma_start3A_662, %dma_start3A_663] : memref<4x256x32xf32, #tpu.memory_space<vmem>> -> memref<1x256x32xf32, #tpu.memory_space<vmem>>
      %dma_start3A_665 = tpu.memref_squeeze %dma_start3A_664 : memref<1x256x32xf32, #tpu.memory_space<vmem>> -> memref<256x32xf32, #tpu.memory_space<vmem>>
      %dma_start3A_666 = arith.constant 0 : i32
      %dma_start3A_667 = tpu.memref_slice %arg6[%add3A_654, %dma_start3A_666] : memref<40x256xi32, #tpu.memory_space<vmem>> -> memref<1x256xi32, #tpu.memory_space<vmem>>
      %dma_start3A_668 = tpu.memref_squeeze %dma_start3A_667 : memref<1x256xi32, #tpu.memory_space<vmem>> -> memref<256xi32, #tpu.memory_space<vmem>>
      %dma_start3A_669 = arith.constant 0 : i32
      %dma_start3A_670 = arith.constant 0 : i32
      %dma_start3A_671 = tpu.memref_slice %arg10[%dma_start3A_669, %dma_start3A_670] : memref<10240x32xf32, #tpu.memory_space<vmem_shared>> -> memref<10240x32xf32, #tpu.memory_space<vmem_shared>>
      tpu.enqueue_indirect_dma source(%dma_start3A_671 : memref<10240x32xf32, #tpu.memory_space<vmem_shared>>) target(%dma_start3A_665 : memref<256x32xf32, #tpu.memory_space<vmem>>) offsets(%dma_start3A_668 : memref<256xi32, #tpu.memory_space<vmem>>) semaphore(%arg12 : memref<!tpu.dma_semaphore, #tpu.memory_space<semaphore_mem>>)
      %mul3A_672 = arith.constant 4 : i32
      %mul3A_673 = arith.muli %add3A_650, %mul3A_672 : i32
      %add3A_674 = arith.constant 1 : i32
      %add3A_675 = arith.addi %mul3A_673, %add3A_674 : i32
      %dma_start3A_676 = arith.constant 1 : i32
      %dma_start3A_677 = arith.constant 1 : i32
      %dma_start3A_678 = arith.constant 0 : i32
      %dma_start3A_679 = arith.constant 0 : i32
      %dma_start3A_680 = arith.constant 0 : i32
      %dma_start3A_681 = tpu.memref_slice %arg8[%dma_start3A_676, %dma_start3A_678, %dma_start3A_679, %dma_start3A_680] : memref<2x4x256x32xf32, #tpu.memory_space<vmem>> -> memref<1x4x256x32xf32, #tpu.memory_space<vmem>>
      %dma_start3A_682 = tpu.memref_squeeze %dma_start3A_681 : memref<1x4x256x32xf32, #tpu.memory_space<vmem>> -> memref<4x256x32xf32, #tpu.memory_space<vmem>>
      %dma_start3A_683 = arith.constant 0 : i32
      %dma_start3A_684 = arith.constant 0 : i32
      %dma_start3A_685 = tpu.memref_slice %dma_start3A_682[%dma_start3A_677, %dma_start3A_683, %dma_start3A_684] : memref<4x256x32xf32, #tpu.memory_space<vmem>> -> memref<1x256x32xf32, #tpu.memory_space<vmem>>
      %dma_start3A_686 = tpu.memref_squeeze %dma_start3A_685 : memref<1x256x32xf32, #tpu.memory_space<vmem>> -> memref<256x32xf32, #tpu.memory_space<vmem>>
      %dma_start3A_687 = arith.constant 0 : i32
      %dma_start3A_688 = tpu.memref_slice %arg6[%add3A_675, %dma_start3A_687] : memref<40x256xi32, #tpu.memory_space<vmem>> -> memref<1x256xi32, #tpu.memory_space<vmem>>
      %dma_start3A_689 = tpu.memref_squeeze %dma_start3A_688 : memref<1x256xi32, #tpu.memory_space<vmem>> -> memref<256xi32, #tpu.memory_space<vmem>>
      %dma_start3A_690 = arith.constant 0 : i32
      %dma_start3A_691 = arith.constant 0 : i32
      %dma_start3A_692 = tpu.memref_slice %arg10[%dma_start3A_690, %dma_start3A_691] : memref<10240x32xf32, #tpu.memory_space<vmem_shared>> -> memref<10240x32xf32, #tpu.memory_space<vmem_shared>>
      tpu.enqueue_indirect_dma source(%dma_start3A_692 : memref<10240x32xf32, #tpu.memory_space<vmem_shared>>) target(%dma_start3A_686 : memref<256x32xf32, #tpu.memory_space<vmem>>) offsets(%dma_start3A_689 : memref<256xi32, #tpu.memory_space<vmem>>) semaphore(%arg12 : memref<!tpu.dma_semaphore, #tpu.memory_space<semaphore_mem>>)
      %mul3A_693 = arith.constant 4 : i32
      %mul3A_694 = arith.muli %add3A_650, %mul3A_693 : i32
      %add3A_695 = arith.constant 2 : i32
      %add3A_696 = arith.addi %mul3A_694, %add3A_695 : i32
      %dma_start3A_697 = arith.constant 1 : i32
      %dma_start3A_698 = arith.constant 2 : i32
      %dma_start3A_699 = arith.constant 0 : i32
      %dma_start3A_700 = arith.constant 0 : i32
      %dma_start3A_701 = arith.constant 0 : i32
      %dma_start3A_702 = tpu.memref_slice %arg8[%dma_start3A_697, %dma_start3A_699, %dma_start3A_700, %dma_start3A_701] : memref<2x4x256x32xf32, #tpu.memory_space<vmem>> -> memref<1x4x256x32xf32, #tpu.memory_space<vmem>>
      %dma_start3A_703 = tpu.memref_squeeze %dma_start3A_702 : memref<1x4x256x32xf32, #tpu.memory_space<vmem>> -> memref<4x256x32xf32, #tpu.memory_space<vmem>>
      %dma_start3A_704 = arith.constant 0 : i32
      %dma_start3A_705 = arith.constant 0 : i32
      %dma_start3A_706 = tpu.memref_slice %dma_start3A_703[%dma_start3A_698, %dma_start3A_704, %dma_start3A_705] : memref<4x256x32xf32, #tpu.memory_space<vmem>> -> memref<1x256x32xf32, #tpu.memory_space<vmem>>
      %dma_start3A_707 = tpu.memref_squeeze %dma_start3A_706 : memref<1x256x32xf32, #tpu.memory_space<vmem>> -> memref<256x32xf32, #tpu.memory_space<vmem>>
      %dma_start3A_708 = arith.constant 0 : i32
      %dma_start3A_709 = tpu.memref_slice %arg6[%add3A_696, %dma_start3A_708] : memref<40x256xi32, #tpu.memory_space<vmem>> -> memref<1x256xi32, #tpu.memory_space<vmem>>
      %dma_start3A_710 = tpu.memref_squeeze %dma_start3A_709 : memref<1x256xi32, #tpu.memory_space<vmem>> -> memref<256xi32, #tpu.memory_space<vmem>>
      %dma_start3A_711 = arith.constant 0 : i32
      %dma_start3A_712 = arith.constant 0 : i32
      %dma_start3A_713 = tpu.memref_slice %arg10[%dma_start3A_711, %dma_start3A_712] : memref<10240x32xf32, #tpu.memory_space<vmem_shared>> -> memref<10240x32xf32, #tpu.memory_space<vmem_shared>>
      tpu.enqueue_indirect_dma source(%dma_start3A_713 : memref<10240x32xf32, #tpu.memory_space<vmem_shared>>) target(%dma_start3A_707 : memref<256x32xf32, #tpu.memory_space<vmem>>) offsets(%dma_start3A_710 : memref<256xi32, #tpu.memory_space<vmem>>) semaphore(%arg12 : memref<!tpu.dma_semaphore, #tpu.memory_space<semaphore_mem>>)
      %mul3A_714 = arith.constant 4 : i32
      %mul3A_715 = arith.muli %add3A_650, %mul3A_714 : i32
      %add3A_716 = arith.constant 3 : i32
      %add3A_717 = arith.addi %mul3A_715, %add3A_716 : i32
      %dma_start3A_718 = arith.constant 1 : i32
      %dma_start3A_719 = arith.constant 3 : i32
      %dma_start3A_720 = arith.constant 0 : i32
      %dma_start3A_721 = arith.constant 0 : i32
      %dma_start3A_722 = arith.constant 0 : i32
      %dma_start3A_723 = tpu.memref_slice %arg8[%dma_start3A_718, %dma_start3A_720, %dma_start3A_721, %dma_start3A_722] : memref<2x4x256x32xf32, #tpu.memory_space<vmem>> -> memref<1x4x256x32xf32, #tpu.memory_space<vmem>>
      %dma_start3A_724 = tpu.memref_squeeze %dma_start3A_723 : memref<1x4x256x32xf32, #tpu.memory_space<vmem>> -> memref<4x256x32xf32, #tpu.memory_space<vmem>>
      %dma_start3A_725 = arith.constant 0 : i32
      %dma_start3A_726 = arith.constant 0 : i32
      %dma_start3A_727 = tpu.memref_slice %dma_start3A_724[%dma_start3A_719, %dma_start3A_725, %dma_start3A_726] : memref<4x256x32xf32, #tpu.memory_space<vmem>> -> memref<1x256x32xf32, #tpu.memory_space<vmem>>
      %dma_start3A_728 = tpu.memref_squeeze %dma_start3A_727 : memref<1x256x32xf32, #tpu.memory_space<vmem>> -> memref<256x32xf32, #tpu.memory_space<vmem>>
      %dma_start3A_729 = arith.constant 0 : i32
      %dma_start3A_730 = tpu.memref_slice %arg6[%add3A_717, %dma_start3A_729] : memref<40x256xi32, #tpu.memory_space<vmem>> -> memref<1x256xi32, #tpu.memory_space<vmem>>
      %dma_start3A_731 = tpu.memref_squeeze %dma_start3A_730 : memref<1x256xi32, #tpu.memory_space<vmem>> -> memref<256xi32, #tpu.memory_space<vmem>>
      %dma_start3A_732 = arith.constant 0 : i32
      %dma_start3A_733 = arith.constant 0 : i32
      %dma_start3A_734 = tpu.memref_slice %arg10[%dma_start3A_732, %dma_start3A_733] : memref<10240x32xf32, #tpu.memory_space<vmem_shared>> -> memref<10240x32xf32, #tpu.memory_space<vmem_shared>>
      tpu.enqueue_indirect_dma source(%dma_start3A_734 : memref<10240x32xf32, #tpu.memory_space<vmem_shared>>) target(%dma_start3A_728 : memref<256x32xf32, #tpu.memory_space<vmem>>) offsets(%dma_start3A_731 : memref<256xi32, #tpu.memory_space<vmem>>) semaphore(%arg12 : memref<!tpu.dma_semaphore, #tpu.memory_space<semaphore_mem>>)
      %mul3A_735 = arith.constant 4 : i32
      %mul3A_736 = arith.muli %mul3A_648, %mul3A_735 : i32
      %add3A_737 = arith.constant 0 : i32
      %add3A_738 = arith.addi %mul3A_736, %add3A_737 : i32
      %dma_wait3A_739 = arith.constant 0 : i32
      %dma_wait3A_740 = arith.constant 0 : i32
      %dma_wait3A_741 = arith.constant 0 : i32
      %dma_wait3A_742 = arith.constant 0 : i32
      %dma_wait3A_743 = arith.constant 0 : i32
      %dma_wait3A_744 = tpu.memref_slice %arg8[%dma_wait3A_739, %dma_wait3A_741, %dma_wait3A_742, %dma_wait3A_743] : memref<2x4x256x32xf32, #tpu.memory_space<vmem>> -> memref<1x4x256x32xf32, #tpu.memory_space<vmem>>
      %dma_wait3A_745 = tpu.memref_squeeze %dma_wait3A_744 : memref<1x4x256x32xf32, #tpu.memory_space<vmem>> -> memref<4x256x32xf32, #tpu.memory_space<vmem>>
      %dma_wait3A_746 = arith.constant 0 : i32
      %dma_wait3A_747 = arith.constant 0 : i32
      %dma_wait3A_748 = tpu.memref_slice %dma_wait3A_745[%dma_wait3A_740, %dma_wait3A_746, %dma_wait3A_747] : memref<4x256x32xf32, #tpu.memory_space<vmem>> -> memref<1x256x32xf32, #tpu.memory_space<vmem>>
      %dma_wait3A_749 = tpu.memref_squeeze %dma_wait3A_748 : memref<1x256x32xf32, #tpu.memory_space<vmem>> -> memref<256x32xf32, #tpu.memory_space<vmem>>
      %dma_wait3A_750 = arith.constant 0 : i32
      %dma_wait3A_751 = tpu.memref_slice %arg6[%add3A_738, %dma_wait3A_750] : memref<40x256xi32, #tpu.memory_space<vmem>> -> memref<1x256xi32, #tpu.memory_space<vmem>>
      %dma_wait3A_752 = tpu.memref_squeeze %dma_wait3A_751 : memref<1x256xi32, #tpu.memory_space<vmem>> -> memref<256xi32, #tpu.memory_space<vmem>>
      %dma_wait3A_753 = arith.constant 0 : i32
      %dma_wait3A_754 = arith.constant 0 : i32
      %dma_wait3A_755 = tpu.memref_slice %arg10[%dma_wait3A_753, %dma_wait3A_754] : memref<10240x32xf32, #tpu.memory_space<vmem_shared>> -> memref<10240x32xf32, #tpu.memory_space<vmem_shared>>
      tpu.wait_indirect_dma semaphore(%arg11 : memref<!tpu.dma_semaphore, #tpu.memory_space<semaphore_mem>>) src(%dma_wait3A_755 : memref<10240x32xf32, #tpu.memory_space<vmem_shared>>) dst(%dma_wait3A_749 : memref<256x32xf32, #tpu.memory_space<vmem>>)
      %mul3A_756 = arith.constant 4 : i32
      %mul3A_757 = arith.muli %mul3A_648, %mul3A_756 : i32
      %add3A_758 = arith.constant 1 : i32
      %add3A_759 = arith.addi %mul3A_757, %add3A_758 : i32
      %dma_wait3A_760 = arith.constant 0 : i32
      %dma_wait3A_761 = arith.constant 1 : i32
      %dma_wait3A_762 = arith.constant 0 : i32
      %dma_wait3A_763 = arith.constant 0 : i32
      %dma_wait3A_764 = arith.constant 0 : i32
      %dma_wait3A_765 = tpu.memref_slice %arg8[%dma_wait3A_760, %dma_wait3A_762, %dma_wait3A_763, %dma_wait3A_764] : memref<2x4x256x32xf32, #tpu.memory_space<vmem>> -> memref<1x4x256x32xf32, #tpu.memory_space<vmem>>
      %dma_wait3A_766 = tpu.memref_squeeze %dma_wait3A_765 : memref<1x4x256x32xf32, #tpu.memory_space<vmem>> -> memref<4x256x32xf32, #tpu.memory_space<vmem>>
      %dma_wait3A_767 = arith.constant 0 : i32
      %dma_wait3A_768 = arith.constant 0 : i32
      %dma_wait3A_769 = tpu.memref_slice %dma_wait3A_766[%dma_wait3A_761, %dma_wait3A_767, %dma_wait3A_768] : memref<4x256x32xf32, #tpu.memory_space<vmem>> -> memref<1x256x32xf32, #tpu.memory_space<vmem>>
      %dma_wait3A_770 = tpu.memref_squeeze %dma_wait3A_769 : memref<1x256x32xf32, #tpu.memory_space<vmem>> -> memref<256x32xf32, #tpu.memory_space<vmem>>
      %dma_wait3A_771 = arith.constant 0 : i32
      %dma_wait3A_772 = tpu.memref_slice %arg6[%add3A_759, %dma_wait3A_771] : memref<40x256xi32, #tpu.memory_space<vmem>> -> memref<1x256xi32, #tpu.memory_space<vmem>>
      %dma_wait3A_773 = tpu.memref_squeeze %dma_wait3A_772 : memref<1x256xi32, #tpu.memory_space<vmem>> -> memref<256xi32, #tpu.memory_space<vmem>>
      %dma_wait3A_774 = arith.constant 0 : i32
      %dma_wait3A_775 = arith.constant 0 : i32
      %dma_wait3A_776 = tpu.memref_slice %arg10[%dma_wait3A_774, %dma_wait3A_775] : memref<10240x32xf32, #tpu.memory_space<vmem_shared>> -> memref<10240x32xf32, #tpu.memory_space<vmem_shared>>
      tpu.wait_indirect_dma semaphore(%arg11 : memref<!tpu.dma_semaphore, #tpu.memory_space<semaphore_mem>>) src(%dma_wait3A_776 : memref<10240x32xf32, #tpu.memory_space<vmem_shared>>) dst(%dma_wait3A_770 : memref<256x32xf32, #tpu.memory_space<vmem>>)
      %mul3A_777 = arith.constant 4 : i32
      %mul3A_778 = arith.muli %mul3A_648, %mul3A_777 : i32
      %add3A_779 = arith.constant 2 : i32
      %add3A_780 = arith.addi %mul3A_778, %add3A_779 : i32
      %dma_wait3A_781 = arith.constant 0 : i32
      %dma_wait3A_782 = arith.constant 2 : i32
      %dma_wait3A_783 = arith.constant 0 : i32
      %dma_wait3A_784 = arith.constant 0 : i32
      %dma_wait3A_785 = arith.constant 0 : i32
      %dma_wait3A_786 = tpu.memref_slice %arg8[%dma_wait3A_781, %dma_wait3A_783, %dma_wait3A_784, %dma_wait3A_785] : memref<2x4x256x32xf32, #tpu.memory_space<vmem>> -> memref<1x4x256x32xf32, #tpu.memory_space<vmem>>
      %dma_wait3A_787 = tpu.memref_squeeze %dma_wait3A_786 : memref<1x4x256x32xf32, #tpu.memory_space<vmem>> -> memref<4x256x32xf32, #tpu.memory_space<vmem>>
      %dma_wait3A_788 = arith.constant 0 : i32
      %dma_wait3A_789 = arith.constant 0 : i32
      %dma_wait3A_790 = tpu.memref_slice %dma_wait3A_787[%dma_wait3A_782, %dma_wait3A_788, %dma_wait3A_789] : memref<4x256x32xf32, #tpu.memory_space<vmem>> -> memref<1x256x32xf32, #tpu.memory_space<vmem>>
      %dma_wait3A_791 = tpu.memref_squeeze %dma_wait3A_790 : memref<1x256x32xf32, #tpu.memory_space<vmem>> -> memref<256x32xf32, #tpu.memory_space<vmem>>
      %dma_wait3A_792 = arith.constant 0 : i32
      %dma_wait3A_793 = tpu.memref_slice %arg6[%add3A_780, %dma_wait3A_792] : memref<40x256xi32, #tpu.memory_space<vmem>> -> memref<1x256xi32, #tpu.memory_space<vmem>>
      %dma_wait3A_794 = tpu.memref_squeeze %dma_wait3A_793 : memref<1x256xi32, #tpu.memory_space<vmem>> -> memref<256xi32, #tpu.memory_space<vmem>>
      %dma_wait3A_795 = arith.constant 0 : i32
      %dma_wait3A_796 = arith.constant 0 : i32
      %dma_wait3A_797 = tpu.memref_slice %arg10[%dma_wait3A_795, %dma_wait3A_796] : memref<10240x32xf32, #tpu.memory_space<vmem_shared>> -> memref<10240x32xf32, #tpu.memory_space<vmem_shared>>
      tpu.wait_indirect_dma semaphore(%arg11 : memref<!tpu.dma_semaphore, #tpu.memory_space<semaphore_mem>>) src(%dma_wait3A_797 : memref<10240x32xf32, #tpu.memory_space<vmem_shared>>) dst(%dma_wait3A_791 : memref<256x32xf32, #tpu.memory_space<vmem>>)
      %mul3A_798 = arith.constant 4 : i32
      %mul3A_799 = arith.muli %mul3A_648, %mul3A_798 : i32
      %add3A_800 = arith.constant 3 : i32
      %add3A_801 = arith.addi %mul3A_799, %add3A_800 : i32
      %dma_wait3A_802 = arith.constant 0 : i32
      %dma_wait3A_803 = arith.constant 3 : i32
      %dma_wait3A_804 = arith.constant 0 : i32
      %dma_wait3A_805 = arith.constant 0 : i32
      %dma_wait3A_806 = arith.constant 0 : i32
      %dma_wait3A_807 = tpu.memref_slice %arg8[%dma_wait3A_802, %dma_wait3A_804, %dma_wait3A_805, %dma_wait3A_806] : memref<2x4x256x32xf32, #tpu.memory_space<vmem>> -> memref<1x4x256x32xf32, #tpu.memory_space<vmem>>
      %dma_wait3A_808 = tpu.memref_squeeze %dma_wait3A_807 : memref<1x4x256x32xf32, #tpu.memory_space<vmem>> -> memref<4x256x32xf32, #tpu.memory_space<vmem>>
      %dma_wait3A_809 = arith.constant 0 : i32
      %dma_wait3A_810 = arith.constant 0 : i32
      %dma_wait3A_811 = tpu.memref_slice %dma_wait3A_808[%dma_wait3A_803, %dma_wait3A_809, %dma_wait3A_810] : memref<4x256x32xf32, #tpu.memory_space<vmem>> -> memref<1x256x32xf32, #tpu.memory_space<vmem>>
      %dma_wait3A_812 = tpu.memref_squeeze %dma_wait3A_811 : memref<1x256x32xf32, #tpu.memory_space<vmem>> -> memref<256x32xf32, #tpu.memory_space<vmem>>
      %dma_wait3A_813 = arith.constant 0 : i32
      %dma_wait3A_814 = tpu.memref_slice %arg6[%add3A_801, %dma_wait3A_813] : memref<40x256xi32, #tpu.memory_space<vmem>> -> memref<1x256xi32, #tpu.memory_space<vmem>>
      %dma_wait3A_815 = tpu.memref_squeeze %dma_wait3A_814 : memref<1x256xi32, #tpu.memory_space<vmem>> -> memref<256xi32, #tpu.memory_space<vmem>>
      %dma_wait3A_816 = arith.constant 0 : i32
      %dma_wait3A_817 = arith.constant 0 : i32
      %dma_wait3A_818 = tpu.memref_slice %arg10[%dma_wait3A_816, %dma_wait3A_817] : memref<10240x32xf32, #tpu.memory_space<vmem_shared>> -> memref<10240x32xf32, #tpu.memory_space<vmem_shared>>
      tpu.wait_indirect_dma semaphore(%arg11 : memref<!tpu.dma_semaphore, #tpu.memory_space<semaphore_mem>>) src(%dma_wait3A_818 : memref<10240x32xf32, #tpu.memory_space<vmem_shared>>) dst(%dma_wait3A_812 : memref<256x32xf32, #tpu.memory_space<vmem>>)
      %mul3A_819 = arith.constant 4 : i32
      %mul3A_820 = arith.muli %mul3A_648, %mul3A_819 : i32
      %add3A_821 = arith.constant 0 : i32
      %add3A_822 = arith.addi %mul3A_820, %add3A_821 : i32
      %dma_start3A_823 = arith.constant 0 : i32
      %dma_start3A_824 = arith.constant 0 : i32
      %dma_start3A_825 = arith.constant 0 : i32
      %dma_start3A_826 = arith.constant 0 : i32
      %dma_start3A_827 = arith.constant 0 : i32
      %dma_start3A_828 = tpu.memref_slice %arg8[%dma_start3A_823, %dma_start3A_825, %dma_start3A_826, %dma_start3A_827] : memref<2x4x256x32xf32, #tpu.memory_space<vmem>> -> memref<1x4x256x32xf32, #tpu.memory_space<vmem>>
      %dma_start3A_829 = tpu.memref_squeeze %dma_start3A_828 : memref<1x4x256x32xf32, #tpu.memory_space<vmem>> -> memref<4x256x32xf32, #tpu.memory_space<vmem>>
      %dma_start3A_830 = arith.constant 0 : i32
      %dma_start3A_831 = arith.constant 0 : i32
      %dma_start3A_832 = tpu.memref_slice %dma_start3A_829[%dma_start3A_824, %dma_start3A_830, %dma_start3A_831] : memref<4x256x32xf32, #tpu.memory_space<vmem>> -> memref<1x256x32xf32, #tpu.memory_space<vmem>>
      %dma_start3A_833 = tpu.memref_squeeze %dma_start3A_832 : memref<1x256x32xf32, #tpu.memory_space<vmem>> -> memref<256x32xf32, #tpu.memory_space<vmem>>
      %dma_start3A_834 = arith.constant 0 : i32
      %dma_start3A_835 = tpu.memref_slice %arg7[%add3A_822, %dma_start3A_834] : memref<40x256xi32, #tpu.memory_space<vmem>> -> memref<1x256xi32, #tpu.memory_space<vmem>>
      %dma_start3A_836 = tpu.memref_squeeze %dma_start3A_835 : memref<1x256xi32, #tpu.memory_space<vmem>> -> memref<256xi32, #tpu.memory_space<vmem>>
      %dma_start3A_837 = arith.constant 0 : i32
      %dma_start3A_838 = arith.constant 0 : i32
      %dma_start3A_839 = tpu.memref_slice %arg9[%dma_start3A_837, %dma_start3A_838] : memref<10240x32xf32, #tpu.memory_space<vmem_shared>> -> memref<10240x32xf32, #tpu.memory_space<vmem_shared>>
      tpu.enqueue_indirect_dma source(%dma_start3A_833 : memref<256x32xf32, #tpu.memory_space<vmem>>) target(%dma_start3A_839 : memref<10240x32xf32, #tpu.memory_space<vmem_shared>>) offsets(%dma_start3A_836 : memref<256xi32, #tpu.memory_space<vmem>>) semaphore(%arg13 : memref<!tpu.dma_semaphore, #tpu.memory_space<semaphore_mem>>) {add = true}
      %mul3A_840 = arith.constant 4 : i32
      %mul3A_841 = arith.muli %mul3A_648, %mul3A_840 : i32
      %add3A_842 = arith.constant 1 : i32
      %add3A_843 = arith.addi %mul3A_841, %add3A_842 : i32
      %dma_start3A_844 = arith.constant 0 : i32
      %dma_start3A_845 = arith.constant 1 : i32
      %dma_start3A_846 = arith.constant 0 : i32
      %dma_start3A_847 = arith.constant 0 : i32
      %dma_start3A_848 = arith.constant 0 : i32
      %dma_start3A_849 = tpu.memref_slice %arg8[%dma_start3A_844, %dma_start3A_846, %dma_start3A_847, %dma_start3A_848] : memref<2x4x256x32xf32, #tpu.memory_space<vmem>> -> memref<1x4x256x32xf32, #tpu.memory_space<vmem>>
      %dma_start3A_850 = tpu.memref_squeeze %dma_start3A_849 : memref<1x4x256x32xf32, #tpu.memory_space<vmem>> -> memref<4x256x32xf32, #tpu.memory_space<vmem>>
      %dma_start3A_851 = arith.constant 0 : i32
      %dma_start3A_852 = arith.constant 0 : i32
      %dma_start3A_853 = tpu.memref_slice %dma_start3A_850[%dma_start3A_845, %dma_start3A_851, %dma_start3A_852] : memref<4x256x32xf32, #tpu.memory_space<vmem>> -> memref<1x256x32xf32, #tpu.memory_space<vmem>>
      %dma_start3A_854 = tpu.memref_squeeze %dma_start3A_853 : memref<1x256x32xf32, #tpu.memory_space<vmem>> -> memref<256x32xf32, #tpu.memory_space<vmem>>
      %dma_start3A_855 = arith.constant 0 : i32
      %dma_start3A_856 = tpu.memref_slice %arg7[%add3A_843, %dma_start3A_855] : memref<40x256xi32, #tpu.memory_space<vmem>> -> memref<1x256xi32, #tpu.memory_space<vmem>>
      %dma_start3A_857 = tpu.memref_squeeze %dma_start3A_856 : memref<1x256xi32, #tpu.memory_space<vmem>> -> memref<256xi32, #tpu.memory_space<vmem>>
      %dma_start3A_858 = arith.constant 0 : i32
      %dma_start3A_859 = arith.constant 0 : i32
      %dma_start3A_860 = tpu.memref_slice %arg9[%dma_start3A_858, %dma_start3A_859] : memref<10240x32xf32, #tpu.memory_space<vmem_shared>> -> memref<10240x32xf32, #tpu.memory_space<vmem_shared>>
      tpu.enqueue_indirect_dma source(%dma_start3A_854 : memref<256x32xf32, #tpu.memory_space<vmem>>) target(%dma_start3A_860 : memref<10240x32xf32, #tpu.memory_space<vmem_shared>>) offsets(%dma_start3A_857 : memref<256xi32, #tpu.memory_space<vmem>>) semaphore(%arg13 : memref<!tpu.dma_semaphore, #tpu.memory_space<semaphore_mem>>) {add = true}
      %mul3A_861 = arith.constant 4 : i32
      %mul3A_862 = arith.muli %mul3A_648, %mul3A_861 : i32
      %add3A_863 = arith.constant 2 : i32
      %add3A_864 = arith.addi %mul3A_862, %add3A_863 : i32
      %dma_start3A_865 = arith.constant 0 : i32
      %dma_start3A_866 = arith.constant 2 : i32
      %dma_start3A_867 = arith.constant 0 : i32
      %dma_start3A_868 = arith.constant 0 : i32
      %dma_start3A_869 = arith.constant 0 : i32
      %dma_start3A_870 = tpu.memref_slice %arg8[%dma_start3A_865, %dma_start3A_867, %dma_start3A_868, %dma_start3A_869] : memref<2x4x256x32xf32, #tpu.memory_space<vmem>> -> memref<1x4x256x32xf32, #tpu.memory_space<vmem>>
      %dma_start3A_871 = tpu.memref_squeeze %dma_start3A_870 : memref<1x4x256x32xf32, #tpu.memory_space<vmem>> -> memref<4x256x32xf32, #tpu.memory_space<vmem>>
      %dma_start3A_872 = arith.constant 0 : i32
      %dma_start3A_873 = arith.constant 0 : i32
      %dma_start3A_874 = tpu.memref_slice %dma_start3A_871[%dma_start3A_866, %dma_start3A_872, %dma_start3A_873] : memref<4x256x32xf32, #tpu.memory_space<vmem>> -> memref<1x256x32xf32, #tpu.memory_space<vmem>>
      %dma_start3A_875 = tpu.memref_squeeze %dma_start3A_874 : memref<1x256x32xf32, #tpu.memory_space<vmem>> -> memref<256x32xf32, #tpu.memory_space<vmem>>
      %dma_start3A_876 = arith.constant 0 : i32
      %dma_start3A_877 = tpu.memref_slice %arg7[%add3A_864, %dma_start3A_876] : memref<40x256xi32, #tpu.memory_space<vmem>> -> memref<1x256xi32, #tpu.memory_space<vmem>>
      %dma_start3A_878 = tpu.memref_squeeze %dma_start3A_877 : memref<1x256xi32, #tpu.memory_space<vmem>> -> memref<256xi32, #tpu.memory_space<vmem>>
      %dma_start3A_879 = arith.constant 0 : i32
      %dma_start3A_880 = arith.constant 0 : i32
      %dma_start3A_881 = tpu.memref_slice %arg9[%dma_start3A_879, %dma_start3A_880] : memref<10240x32xf32, #tpu.memory_space<vmem_shared>> -> memref<10240x32xf32, #tpu.memory_space<vmem_shared>>
      tpu.enqueue_indirect_dma source(%dma_start3A_875 : memref<256x32xf32, #tpu.memory_space<vmem>>) target(%dma_start3A_881 : memref<10240x32xf32, #tpu.memory_space<vmem_shared>>) offsets(%dma_start3A_878 : memref<256xi32, #tpu.memory_space<vmem>>) semaphore(%arg13 : memref<!tpu.dma_semaphore, #tpu.memory_space<semaphore_mem>>) {add = true}
      %mul3A_882 = arith.constant 4 : i32
      %mul3A_883 = arith.muli %mul3A_648, %mul3A_882 : i32
      %add3A_884 = arith.constant 3 : i32
      %add3A_885 = arith.addi %mul3A_883, %add3A_884 : i32
      %dma_start3A_886 = arith.constant 0 : i32
      %dma_start3A_887 = arith.constant 3 : i32
      %dma_start3A_888 = arith.constant 0 : i32
      %dma_start3A_889 = arith.constant 0 : i32
      %dma_start3A_890 = arith.constant 0 : i32
      %dma_start3A_891 = tpu.memref_slice %arg8[%dma_start3A_886, %dma_start3A_888, %dma_start3A_889, %dma_start3A_890] : memref<2x4x256x32xf32, #tpu.memory_space<vmem>> -> memref<1x4x256x32xf32, #tpu.memory_space<vmem>>
      %dma_start3A_892 = tpu.memref_squeeze %dma_start3A_891 : memref<1x4x256x32xf32, #tpu.memory_space<vmem>> -> memref<4x256x32xf32, #tpu.memory_space<vmem>>
      %dma_start3A_893 = arith.constant 0 : i32
      %dma_start3A_894 = arith.constant 0 : i32
      %dma_start3A_895 = tpu.memref_slice %dma_start3A_892[%dma_start3A_887, %dma_start3A_893, %dma_start3A_894] : memref<4x256x32xf32, #tpu.memory_space<vmem>> -> memref<1x256x32xf32, #tpu.memory_space<vmem>>
      %dma_start3A_896 = tpu.memref_squeeze %dma_start3A_895 : memref<1x256x32xf32, #tpu.memory_space<vmem>> -> memref<256x32xf32, #tpu.memory_space<vmem>>
      %dma_start3A_897 = arith.constant 0 : i32
      %dma_start3A_898 = tpu.memref_slice %arg7[%add3A_885, %dma_start3A_897] : memref<40x256xi32, #tpu.memory_space<vmem>> -> memref<1x256xi32, #tpu.memory_space<vmem>>
      %dma_start3A_899 = tpu.memref_squeeze %dma_start3A_898 : memref<1x256xi32, #tpu.memory_space<vmem>> -> memref<256xi32, #tpu.memory_space<vmem>>
      %dma_start3A_900 = arith.constant 0 : i32
      %dma_start3A_901 = arith.constant 0 : i32
      %dma_start3A_902 = tpu.memref_slice %arg9[%dma_start3A_900, %dma_start3A_901] : memref<10240x32xf32, #tpu.memory_space<vmem_shared>> -> memref<10240x32xf32, #tpu.memory_space<vmem_shared>>
      tpu.enqueue_indirect_dma source(%dma_start3A_896 : memref<256x32xf32, #tpu.memory_space<vmem>>) target(%dma_start3A_902 : memref<10240x32xf32, #tpu.memory_space<vmem_shared>>) offsets(%dma_start3A_899 : memref<256xi32, #tpu.memory_space<vmem>>) semaphore(%arg13 : memref<!tpu.dma_semaphore, #tpu.memory_space<semaphore_mem>>) {add = true}
      %dma_wait3A_903 = arith.constant 0 : i32
      %dma_wait3A_904 = arith.constant 0 : i32
      %dma_wait3A_905 = arith.constant 0 : i32
      %dma_wait3A_906 = arith.constant 0 : i32
      %dma_wait3A_907 = arith.constant 0 : i32
      %dma_wait3A_908 = tpu.memref_slice %arg8[%dma_wait3A_903, %dma_wait3A_905, %dma_wait3A_906, %dma_wait3A_907] : memref<2x4x256x32xf32, #tpu.memory_space<vmem>> -> memref<1x4x256x32xf32, #tpu.memory_space<vmem>>
      %dma_wait3A_909 = tpu.memref_squeeze %dma_wait3A_908 : memref<1x4x256x32xf32, #tpu.memory_space<vmem>> -> memref<4x256x32xf32, #tpu.memory_space<vmem>>
      %dma_wait3A_910 = arith.constant 0 : i32
      %dma_wait3A_911 = arith.constant 0 : i32
      %dma_wait3A_912 = tpu.memref_slice %dma_wait3A_909[%dma_wait3A_904, %dma_wait3A_910, %dma_wait3A_911] : memref<4x256x32xf32, #tpu.memory_space<vmem>> -> memref<1x256x32xf32, #tpu.memory_space<vmem>>
      %dma_wait3A_913 = tpu.memref_squeeze %dma_wait3A_912 : memref<1x256x32xf32, #tpu.memory_space<vmem>> -> memref<256x32xf32, #tpu.memory_space<vmem>>
      %dma_wait3A_914 = arith.constant 0 : i32
      %dma_wait3A_915 = tpu.memref_slice %arg7[%add3A_822, %dma_wait3A_914] : memref<40x256xi32, #tpu.memory_space<vmem>> -> memref<1x256xi32, #tpu.memory_space<vmem>>
      %dma_wait3A_916 = tpu.memref_squeeze %dma_wait3A_915 : memref<1x256xi32, #tpu.memory_space<vmem>> -> memref<256xi32, #tpu.memory_space<vmem>>
      %dma_wait3A_917 = arith.constant 0 : i32
      %dma_wait3A_918 = arith.constant 0 : i32
      %dma_wait3A_919 = tpu.memref_slice %arg9[%dma_wait3A_917, %dma_wait3A_918] : memref<10240x32xf32, #tpu.memory_space<vmem_shared>> -> memref<10240x32xf32, #tpu.memory_space<vmem_shared>>
      tpu.wait_indirect_dma semaphore(%arg13 : memref<!tpu.dma_semaphore, #tpu.memory_space<semaphore_mem>>) src(%dma_wait3A_913 : memref<256x32xf32, #tpu.memory_space<vmem>>) dst(%dma_wait3A_919 : memref<10240x32xf32, #tpu.memory_space<vmem_shared>>)
      %dma_wait3A_920 = arith.constant 0 : i32
      %dma_wait3A_921 = arith.constant 1 : i32
      %dma_wait3A_922 = arith.constant 0 : i32
      %dma_wait3A_923 = arith.constant 0 : i32
      %dma_wait3A_924 = arith.constant 0 : i32
      %dma_wait3A_925 = tpu.memref_slice %arg8[%dma_wait3A_920, %dma_wait3A_922, %dma_wait3A_923, %dma_wait3A_924] : memref<2x4x256x32xf32, #tpu.memory_space<vmem>> -> memref<1x4x256x32xf32, #tpu.memory_space<vmem>>
      %dma_wait3A_926 = tpu.memref_squeeze %dma_wait3A_925 : memref<1x4x256x32xf32, #tpu.memory_space<vmem>> -> memref<4x256x32xf32, #tpu.memory_space<vmem>>
      %dma_wait3A_927 = arith.constant 0 : i32
      %dma_wait3A_928 = arith.constant 0 : i32
      %dma_wait3A_929 = tpu.memref_slice %dma_wait3A_926[%dma_wait3A_921, %dma_wait3A_927, %dma_wait3A_928] : memref<4x256x32xf32, #tpu.memory_space<vmem>> -> memref<1x256x32xf32, #tpu.memory_space<vmem>>
      %dma_wait3A_930 = tpu.memref_squeeze %dma_wait3A_929 : memref<1x256x32xf32, #tpu.memory_space<vmem>> -> memref<256x32xf32, #tpu.memory_space<vmem>>
      %dma_wait3A_931 = arith.constant 0 : i32
      %dma_wait3A_932 = tpu.memref_slice %arg7[%add3A_843, %dma_wait3A_931] : memref<40x256xi32, #tpu.memory_space<vmem>> -> memref<1x256xi32, #tpu.memory_space<vmem>>
      %dma_wait3A_933 = tpu.memref_squeeze %dma_wait3A_932 : memref<1x256xi32, #tpu.memory_space<vmem>> -> memref<256xi32, #tpu.memory_space<vmem>>
      %dma_wait3A_934 = arith.constant 0 : i32
      %dma_wait3A_935 = arith.constant 0 : i32
      %dma_wait3A_936 = tpu.memref_slice %arg9[%dma_wait3A_934, %dma_wait3A_935] : memref<10240x32xf32, #tpu.memory_space<vmem_shared>> -> memref<10240x32xf32, #tpu.memory_space<vmem_shared>>
      tpu.wait_indirect_dma semaphore(%arg13 : memref<!tpu.dma_semaphore, #tpu.memory_space<semaphore_mem>>) src(%dma_wait3A_930 : memref<256x32xf32, #tpu.memory_space<vmem>>) dst(%dma_wait3A_936 : memref<10240x32xf32, #tpu.memory_space<vmem_shared>>)
      %dma_wait3A_937 = arith.constant 0 : i32
      %dma_wait3A_938 = arith.constant 2 : i32
      %dma_wait3A_939 = arith.constant 0 : i32
      %dma_wait3A_940 = arith.constant 0 : i32
      %dma_wait3A_941 = arith.constant 0 : i32
      %dma_wait3A_942 = tpu.memref_slice %arg8[%dma_wait3A_937, %dma_wait3A_939, %dma_wait3A_940, %dma_wait3A_941] : memref<2x4x256x32xf32, #tpu.memory_space<vmem>> -> memref<1x4x256x32xf32, #tpu.memory_space<vmem>>
      %dma_wait3A_943 = tpu.memref_squeeze %dma_wait3A_942 : memref<1x4x256x32xf32, #tpu.memory_space<vmem>> -> memref<4x256x32xf32, #tpu.memory_space<vmem>>
      %dma_wait3A_944 = arith.constant 0 : i32
      %dma_wait3A_945 = arith.constant 0 : i32
      %dma_wait3A_946 = tpu.memref_slice %dma_wait3A_943[%dma_wait3A_938, %dma_wait3A_944, %dma_wait3A_945] : memref<4x256x32xf32, #tpu.memory_space<vmem>> -> memref<1x256x32xf32, #tpu.memory_space<vmem>>
      %dma_wait3A_947 = tpu.memref_squeeze %dma_wait3A_946 : memref<1x256x32xf32, #tpu.memory_space<vmem>> -> memref<256x32xf32, #tpu.memory_space<vmem>>
      %dma_wait3A_948 = arith.constant 0 : i32
      %dma_wait3A_949 = tpu.memref_slice %arg7[%add3A_864, %dma_wait3A_948] : memref<40x256xi32, #tpu.memory_space<vmem>> -> memref<1x256xi32, #tpu.memory_space<vmem>>
      %dma_wait3A_950 = tpu.memref_squeeze %dma_wait3A_949 : memref<1x256xi32, #tpu.memory_space<vmem>> -> memref<256xi32, #tpu.memory_space<vmem>>
      %dma_wait3A_951 = arith.constant 0 : i32
      %dma_wait3A_952 = arith.constant 0 : i32
      %dma_wait3A_953 = tpu.memref_slice %arg9[%dma_wait3A_951, %dma_wait3A_952] : memref<10240x32xf32, #tpu.memory_space<vmem_shared>> -> memref<10240x32xf32, #tpu.memory_space<vmem_shared>>
      tpu.wait_indirect_dma semaphore(%arg13 : memref<!tpu.dma_semaphore, #tpu.memory_space<semaphore_mem>>) src(%dma_wait3A_947 : memref<256x32xf32, #tpu.memory_space<vmem>>) dst(%dma_wait3A_953 : memref<10240x32xf32, #tpu.memory_space<vmem_shared>>)
      %dma_wait3A_954 = arith.constant 0 : i32
      %dma_wait3A_955 = arith.constant 3 : i32
      %dma_wait3A_956 = arith.constant 0 : i32
      %dma_wait3A_957 = arith.constant 0 : i32
      %dma_wait3A_958 = arith.constant 0 : i32
      %dma_wait3A_959 = tpu.memref_slice %arg8[%dma_wait3A_954, %dma_wait3A_956, %dma_wait3A_957, %dma_wait3A_958] : memref<2x4x256x32xf32, #tpu.memory_space<vmem>> -> memref<1x4x256x32xf32, #tpu.memory_space<vmem>>
      %dma_wait3A_960 = tpu.memref_squeeze %dma_wait3A_959 : memref<1x4x256x32xf32, #tpu.memory_space<vmem>> -> memref<4x256x32xf32, #tpu.memory_space<vmem>>
      %dma_wait3A_961 = arith.constant 0 : i32
      %dma_wait3A_962 = arith.constant 0 : i32
      %dma_wait3A_963 = tpu.memref_slice %dma_wait3A_960[%dma_wait3A_955, %dma_wait3A_961, %dma_wait3A_962] : memref<4x256x32xf32, #tpu.memory_space<vmem>> -> memref<1x256x32xf32, #tpu.memory_space<vmem>>
      %dma_wait3A_964 = tpu.memref_squeeze %dma_wait3A_963 : memref<1x256x32xf32, #tpu.memory_space<vmem>> -> memref<256x32xf32, #tpu.memory_space<vmem>>
      %dma_wait3A_965 = arith.constant 0 : i32
      %dma_wait3A_966 = tpu.memref_slice %arg7[%add3A_885, %dma_wait3A_965] : memref<40x256xi32, #tpu.memory_space<vmem>> -> memref<1x256xi32, #tpu.memory_space<vmem>>
      %dma_wait3A_967 = tpu.memref_squeeze %dma_wait3A_966 : memref<1x256xi32, #tpu.memory_space<vmem>> -> memref<256xi32, #tpu.memory_space<vmem>>
      %dma_wait3A_968 = arith.constant 0 : i32
      %dma_wait3A_969 = arith.constant 0 : i32
      %dma_wait3A_970 = tpu.memref_slice %arg9[%dma_wait3A_968, %dma_wait3A_969] : memref<10240x32xf32, #tpu.memory_space<vmem_shared>> -> memref<10240x32xf32, #tpu.memory_space<vmem_shared>>
      tpu.wait_indirect_dma semaphore(%arg13 : memref<!tpu.dma_semaphore, #tpu.memory_space<semaphore_mem>>) src(%dma_wait3A_964 : memref<256x32xf32, #tpu.memory_space<vmem>>) dst(%dma_wait3A_970 : memref<10240x32xf32, #tpu.memory_space<vmem_shared>>)
      %add3A_971 = arith.constant 2 : i32
      %add3A_972 = arith.addi %mul3A_648, %add3A_971 : i32
      %mul3A_973 = arith.constant 4 : i32
      %mul3A_974 = arith.muli %add3A_972, %mul3A_973 : i32
      %add3A_975 = arith.constant 0 : i32
      %add3A_976 = arith.addi %mul3A_974, %add3A_975 : i32
      %dma_start3A_977 = arith.constant 0 : i32
      %dma_start3A_978 = arith.constant 0 : i32
      %dma_start3A_979 = arith.constant 0 : i32
      %dma_start3A_980 = arith.constant 0 : i32
      %dma_start3A_981 = arith.constant 0 : i32
      %dma_start3A_982 = tpu.memref_slice %arg8[%dma_start3A_977, %dma_start3A_979, %dma_start3A_980, %dma_start3A_981] : memref<2x4x256x32xf32, #tpu.memory_space<vmem>> -> memref<1x4x256x32xf32, #tpu.memory_space<vmem>>
      %dma_start3A_983 = tpu.memref_squeeze %dma_start3A_982 : memref<1x4x256x32xf32, #tpu.memory_space<vmem>> -> memref<4x256x32xf32, #tpu.memory_space<vmem>>
      %dma_start3A_984 = arith.constant 0 : i32
      %dma_start3A_985 = arith.constant 0 : i32
      %dma_start3A_986 = tpu.memref_slice %dma_start3A_983[%dma_start3A_978, %dma_start3A_984, %dma_start3A_985] : memref<4x256x32xf32, #tpu.memory_space<vmem>> -> memref<1x256x32xf32, #tpu.memory_space<vmem>>
      %dma_start3A_987 = tpu.memref_squeeze %dma_start3A_986 : memref<1x256x32xf32, #tpu.memory_space<vmem>> -> memref<256x32xf32, #tpu.memory_space<vmem>>
      %dma_start3A_988 = arith.constant 0 : i32
      %dma_start3A_989 = tpu.memref_slice %arg6[%add3A_976, %dma_start3A_988] : memref<40x256xi32, #tpu.memory_space<vmem>> -> memref<1x256xi32, #tpu.memory_space<vmem>>
      %dma_start3A_990 = tpu.memref_squeeze %dma_start3A_989 : memref<1x256xi32, #tpu.memory_space<vmem>> -> memref<256xi32, #tpu.memory_space<vmem>>
      %dma_start3A_991 = arith.constant 0 : i32
      %dma_start3A_992 = arith.constant 0 : i32
      %dma_start3A_993 = tpu.memref_slice %arg10[%dma_start3A_991, %dma_start3A_992] : memref<10240x32xf32, #tpu.memory_space<vmem_shared>> -> memref<10240x32xf32, #tpu.memory_space<vmem_shared>>
      tpu.enqueue_indirect_dma source(%dma_start3A_993 : memref<10240x32xf32, #tpu.memory_space<vmem_shared>>) target(%dma_start3A_987 : memref<256x32xf32, #tpu.memory_space<vmem>>) offsets(%dma_start3A_990 : memref<256xi32, #tpu.memory_space<vmem>>) semaphore(%arg11 : memref<!tpu.dma_semaphore, #tpu.memory_space<semaphore_mem>>)
      %mul3A_994 = arith.constant 4 : i32
      %mul3A_995 = arith.muli %add3A_972, %mul3A_994 : i32
      %add3A_996 = arith.constant 1 : i32
      %add3A_997 = arith.addi %mul3A_995, %add3A_996 : i32
      %dma_start3A_998 = arith.constant 0 : i32
      %dma_start3A_999 = arith.constant 1 : i32
      %dma_start3A_1000 = arith.constant 0 : i32
      %dma_start3A_1001 = arith.constant 0 : i32
      %dma_start3A_1002 = arith.constant 0 : i32
      %dma_start3A_1003 = tpu.memref_slice %arg8[%dma_start3A_998, %dma_start3A_1000, %dma_start3A_1001, %dma_start3A_1002] : memref<2x4x256x32xf32, #tpu.memory_space<vmem>> -> memref<1x4x256x32xf32, #tpu.memory_space<vmem>>
      %dma_start3A_1004 = tpu.memref_squeeze %dma_start3A_1003 : memref<1x4x256x32xf32, #tpu.memory_space<vmem>> -> memref<4x256x32xf32, #tpu.memory_space<vmem>>
      %dma_start3A_1005 = arith.constant 0 : i32
      %dma_start3A_1006 = arith.constant 0 : i32
      %dma_start3A_1007 = tpu.memref_slice %dma_start3A_1004[%dma_start3A_999, %dma_start3A_1005, %dma_start3A_1006] : memref<4x256x32xf32, #tpu.memory_space<vmem>> -> memref<1x256x32xf32, #tpu.memory_space<vmem>>
      %dma_start3A_1008 = tpu.memref_squeeze %dma_start3A_1007 : memref<1x256x32xf32, #tpu.memory_space<vmem>> -> memref<256x32xf32, #tpu.memory_space<vmem>>
      %dma_start3A_1009 = arith.constant 0 : i32
      %dma_start3A_1010 = tpu.memref_slice %arg6[%add3A_997, %dma_start3A_1009] : memref<40x256xi32, #tpu.memory_space<vmem>> -> memref<1x256xi32, #tpu.memory_space<vmem>>
      %dma_start3A_1011 = tpu.memref_squeeze %dma_start3A_1010 : memref<1x256xi32, #tpu.memory_space<vmem>> -> memref<256xi32, #tpu.memory_space<vmem>>
      %dma_start3A_1012 = arith.constant 0 : i32
      %dma_start3A_1013 = arith.constant 0 : i32
      %dma_start3A_1014 = tpu.memref_slice %arg10[%dma_start3A_1012, %dma_start3A_1013] : memref<10240x32xf32, #tpu.memory_space<vmem_shared>> -> memref<10240x32xf32, #tpu.memory_space<vmem_shared>>
      tpu.enqueue_indirect_dma source(%dma_start3A_1014 : memref<10240x32xf32, #tpu.memory_space<vmem_shared>>) target(%dma_start3A_1008 : memref<256x32xf32, #tpu.memory_space<vmem>>) offsets(%dma_start3A_1011 : memref<256xi32, #tpu.memory_space<vmem>>) semaphore(%arg11 : memref<!tpu.dma_semaphore, #tpu.memory_space<semaphore_mem>>)
      %mul3A_1015 = arith.constant 4 : i32
      %mul3A_1016 = arith.muli %add3A_972, %mul3A_1015 : i32
      %add3A_1017 = arith.constant 2 : i32
      %add3A_1018 = arith.addi %mul3A_1016, %add3A_1017 : i32
      %dma_start3A_1019 = arith.constant 0 : i32
      %dma_start3A_1020 = arith.constant 2 : i32
      %dma_start3A_1021 = arith.constant 0 : i32
      %dma_start3A_1022 = arith.constant 0 : i32
      %dma_start3A_1023 = arith.constant 0 : i32
      %dma_start3A_1024 = tpu.memref_slice %arg8[%dma_start3A_1019, %dma_start3A_1021, %dma_start3A_1022, %dma_start3A_1023] : memref<2x4x256x32xf32, #tpu.memory_space<vmem>> -> memref<1x4x256x32xf32, #tpu.memory_space<vmem>>
      %dma_start3A_1025 = tpu.memref_squeeze %dma_start3A_1024 : memref<1x4x256x32xf32, #tpu.memory_space<vmem>> -> memref<4x256x32xf32, #tpu.memory_space<vmem>>
      %dma_start3A_1026 = arith.constant 0 : i32
      %dma_start3A_1027 = arith.constant 0 : i32
      %dma_start3A_1028 = tpu.memref_slice %dma_start3A_1025[%dma_start3A_1020, %dma_start3A_1026, %dma_start3A_1027] : memref<4x256x32xf32, #tpu.memory_space<vmem>> -> memref<1x256x32xf32, #tpu.memory_space<vmem>>
      %dma_start3A_1029 = tpu.memref_squeeze %dma_start3A_1028 : memref<1x256x32xf32, #tpu.memory_space<vmem>> -> memref<256x32xf32, #tpu.memory_space<vmem>>
      %dma_start3A_1030 = arith.constant 0 : i32
      %dma_start3A_1031 = tpu.memref_slice %arg6[%add3A_1018, %dma_start3A_1030] : memref<40x256xi32, #tpu.memory_space<vmem>> -> memref<1x256xi32, #tpu.memory_space<vmem>>
      %dma_start3A_1032 = tpu.memref_squeeze %dma_start3A_1031 : memref<1x256xi32, #tpu.memory_space<vmem>> -> memref<256xi32, #tpu.memory_space<vmem>>
      %dma_start3A_1033 = arith.constant 0 : i32
      %dma_start3A_1034 = arith.constant 0 : i32
      %dma_start3A_1035 = tpu.memref_slice %arg10[%dma_start3A_1033, %dma_start3A_1034] : memref<10240x32xf32, #tpu.memory_space<vmem_shared>> -> memref<10240x32xf32, #tpu.memory_space<vmem_shared>>
      tpu.enqueue_indirect_dma source(%dma_start3A_1035 : memref<10240x32xf32, #tpu.memory_space<vmem_shared>>) target(%dma_start3A_1029 : memref<256x32xf32, #tpu.memory_space<vmem>>) offsets(%dma_start3A_1032 : memref<256xi32, #tpu.memory_space<vmem>>) semaphore(%arg11 : memref<!tpu.dma_semaphore, #tpu.memory_space<semaphore_mem>>)
      %mul3A_1036 = arith.constant 4 : i32
      %mul3A_1037 = arith.muli %add3A_972, %mul3A_1036 : i32
      %add3A_1038 = arith.constant 3 : i32
      %add3A_1039 = arith.addi %mul3A_1037, %add3A_1038 : i32
      %dma_start3A_1040 = arith.constant 0 : i32
      %dma_start3A_1041 = arith.constant 3 : i32
      %dma_start3A_1042 = arith.constant 0 : i32
      %dma_start3A_1043 = arith.constant 0 : i32
      %dma_start3A_1044 = arith.constant 0 : i32
      %dma_start3A_1045 = tpu.memref_slice %arg8[%dma_start3A_1040, %dma_start3A_1042, %dma_start3A_1043, %dma_start3A_1044] : memref<2x4x256x32xf32, #tpu.memory_space<vmem>> -> memref<1x4x256x32xf32, #tpu.memory_space<vmem>>
      %dma_start3A_1046 = tpu.memref_squeeze %dma_start3A_1045 : memref<1x4x256x32xf32, #tpu.memory_space<vmem>> -> memref<4x256x32xf32, #tpu.memory_space<vmem>>
      %dma_start3A_1047 = arith.constant 0 : i32
      %dma_start3A_1048 = arith.constant 0 : i32
      %dma_start3A_1049 = tpu.memref_slice %dma_start3A_1046[%dma_start3A_1041, %dma_start3A_1047, %dma_start3A_1048] : memref<4x256x32xf32, #tpu.memory_space<vmem>> -> memref<1x256x32xf32, #tpu.memory_space<vmem>>
      %dma_start3A_1050 = tpu.memref_squeeze %dma_start3A_1049 : memref<1x256x32xf32, #tpu.memory_space<vmem>> -> memref<256x32xf32, #tpu.memory_space<vmem>>
      %dma_start3A_1051 = arith.constant 0 : i32
      %dma_start3A_1052 = tpu.memref_slice %arg6[%add3A_1039, %dma_start3A_1051] : memref<40x256xi32, #tpu.memory_space<vmem>> -> memref<1x256xi32, #tpu.memory_space<vmem>>
      %dma_start3A_1053 = tpu.memref_squeeze %dma_start3A_1052 : memref<1x256xi32, #tpu.memory_space<vmem>> -> memref<256xi32, #tpu.memory_space<vmem>>
      %dma_start3A_1054 = arith.constant 0 : i32
      %dma_start3A_1055 = arith.constant 0 : i32
      %dma_start3A_1056 = tpu.memref_slice %arg10[%dma_start3A_1054, %dma_start3A_1055] : memref<10240x32xf32, #tpu.memory_space<vmem_shared>> -> memref<10240x32xf32, #tpu.memory_space<vmem_shared>>
      tpu.enqueue_indirect_dma source(%dma_start3A_1056 : memref<10240x32xf32, #tpu.memory_space<vmem_shared>>) target(%dma_start3A_1050 : memref<256x32xf32, #tpu.memory_space<vmem>>) offsets(%dma_start3A_1053 : memref<256xi32, #tpu.memory_space<vmem>>) semaphore(%arg11 : memref<!tpu.dma_semaphore, #tpu.memory_space<semaphore_mem>>)
      %add3A_1057 = arith.constant 1 : i32
      %add3A_1058 = arith.addi %mul3A_648, %add3A_1057 : i32
      %mul3A_1059 = arith.constant 4 : i32
      %mul3A_1060 = arith.muli %add3A_1058, %mul3A_1059 : i32
      %add3A_1061 = arith.constant 0 : i32
      %add3A_1062 = arith.addi %mul3A_1060, %add3A_1061 : i32
      %dma_wait3A_1063 = arith.constant 1 : i32
      %dma_wait3A_1064 = arith.constant 0 : i32
      %dma_wait3A_1065 = arith.constant 0 : i32
      %dma_wait3A_1066 = arith.constant 0 : i32
      %dma_wait3A_1067 = arith.constant 0 : i32
      %dma_wait3A_1068 = tpu.memref_slice %arg8[%dma_wait3A_1063, %dma_wait3A_1065, %dma_wait3A_1066, %dma_wait3A_1067] : memref<2x4x256x32xf32, #tpu.memory_space<vmem>> -> memref<1x4x256x32xf32, #tpu.memory_space<vmem>>
      %dma_wait3A_1069 = tpu.memref_squeeze %dma_wait3A_1068 : memref<1x4x256x32xf32, #tpu.memory_space<vmem>> -> memref<4x256x32xf32, #tpu.memory_space<vmem>>
      %dma_wait3A_1070 = arith.constant 0 : i32
      %dma_wait3A_1071 = arith.constant 0 : i32
      %dma_wait3A_1072 = tpu.memref_slice %dma_wait3A_1069[%dma_wait3A_1064, %dma_wait3A_1070, %dma_wait3A_1071] : memref<4x256x32xf32, #tpu.memory_space<vmem>> -> memref<1x256x32xf32, #tpu.memory_space<vmem>>
      %dma_wait3A_1073 = tpu.memref_squeeze %dma_wait3A_1072 : memref<1x256x32xf32, #tpu.memory_space<vmem>> -> memref<256x32xf32, #tpu.memory_space<vmem>>
      %dma_wait3A_1074 = arith.constant 0 : i32
      %dma_wait3A_1075 = tpu.memref_slice %arg6[%add3A_1062, %dma_wait3A_1074] : memref<40x256xi32, #tpu.memory_space<vmem>> -> memref<1x256xi32, #tpu.memory_space<vmem>>
      %dma_wait3A_1076 = tpu.memref_squeeze %dma_wait3A_1075 : memref<1x256xi32, #tpu.memory_space<vmem>> -> memref<256xi32, #tpu.memory_space<vmem>>
      %dma_wait3A_1077 = arith.constant 0 : i32
      %dma_wait3A_1078 = arith.constant 0 : i32
      %dma_wait3A_1079 = tpu.memref_slice %arg10[%dma_wait3A_1077, %dma_wait3A_1078] : memref<10240x32xf32, #tpu.memory_space<vmem_shared>> -> memref<10240x32xf32, #tpu.memory_space<vmem_shared>>
      tpu.wait_indirect_dma semaphore(%arg12 : memref<!tpu.dma_semaphore, #tpu.memory_space<semaphore_mem>>) src(%dma_wait3A_1079 : memref<10240x32xf32, #tpu.memory_space<vmem_shared>>) dst(%dma_wait3A_1073 : memref<256x32xf32, #tpu.memory_space<vmem>>)
      %mul3A_1080 = arith.constant 4 : i32
      %mul3A_1081 = arith.muli %add3A_1058, %mul3A_1080 : i32
      %add3A_1082 = arith.constant 1 : i32
      %add3A_1083 = arith.addi %mul3A_1081, %add3A_1082 : i32
      %dma_wait3A_1084 = arith.constant 1 : i32
      %dma_wait3A_1085 = arith.constant 1 : i32
      %dma_wait3A_1086 = arith.constant 0 : i32
      %dma_wait3A_1087 = arith.constant 0 : i32
      %dma_wait3A_1088 = arith.constant 0 : i32
      %dma_wait3A_1089 = tpu.memref_slice %arg8[%dma_wait3A_1084, %dma_wait3A_1086, %dma_wait3A_1087, %dma_wait3A_1088] : memref<2x4x256x32xf32, #tpu.memory_space<vmem>> -> memref<1x4x256x32xf32, #tpu.memory_space<vmem>>
      %dma_wait3A_1090 = tpu.memref_squeeze %dma_wait3A_1089 : memref<1x4x256x32xf32, #tpu.memory_space<vmem>> -> memref<4x256x32xf32, #tpu.memory_space<vmem>>
      %dma_wait3A_1091 = arith.constant 0 : i32
      %dma_wait3A_1092 = arith.constant 0 : i32
      %dma_wait3A_1093 = tpu.memref_slice %dma_wait3A_1090[%dma_wait3A_1085, %dma_wait3A_1091, %dma_wait3A_1092] : memref<4x256x32xf32, #tpu.memory_space<vmem>> -> memref<1x256x32xf32, #tpu.memory_space<vmem>>
      %dma_wait3A_1094 = tpu.memref_squeeze %dma_wait3A_1093 : memref<1x256x32xf32, #tpu.memory_space<vmem>> -> memref<256x32xf32, #tpu.memory_space<vmem>>
      %dma_wait3A_1095 = arith.constant 0 : i32
      %dma_wait3A_1096 = tpu.memref_slice %arg6[%add3A_1083, %dma_wait3A_1095] : memref<40x256xi32, #tpu.memory_space<vmem>> -> memref<1x256xi32, #tpu.memory_space<vmem>>
      %dma_wait3A_1097 = tpu.memref_squeeze %dma_wait3A_1096 : memref<1x256xi32, #tpu.memory_space<vmem>> -> memref<256xi32, #tpu.memory_space<vmem>>
      %dma_wait3A_1098 = arith.constant 0 : i32
      %dma_wait3A_1099 = arith.constant 0 : i32
      %dma_wait3A_1100 = tpu.memref_slice %arg10[%dma_wait3A_1098, %dma_wait3A_1099] : memref<10240x32xf32, #tpu.memory_space<vmem_shared>> -> memref<10240x32xf32, #tpu.memory_space<vmem_shared>>
      tpu.wait_indirect_dma semaphore(%arg12 : memref<!tpu.dma_semaphore, #tpu.memory_space<semaphore_mem>>) src(%dma_wait3A_1100 : memref<10240x32xf32, #tpu.memory_space<vmem_shared>>) dst(%dma_wait3A_1094 : memref<256x32xf32, #tpu.memory_space<vmem>>)
      %mul3A_1101 = arith.constant 4 : i32
      %mul3A_1102 = arith.muli %add3A_1058, %mul3A_1101 : i32
      %add3A_1103 = arith.constant 2 : i32
      %add3A_1104 = arith.addi %mul3A_1102, %add3A_1103 : i32
      %dma_wait3A_1105 = arith.constant 1 : i32
      %dma_wait3A_1106 = arith.constant 2 : i32
      %dma_wait3A_1107 = arith.constant 0 : i32
      %dma_wait3A_1108 = arith.constant 0 : i32
      %dma_wait3A_1109 = arith.constant 0 : i32
      %dma_wait3A_1110 = tpu.memref_slice %arg8[%dma_wait3A_1105, %dma_wait3A_1107, %dma_wait3A_1108, %dma_wait3A_1109] : memref<2x4x256x32xf32, #tpu.memory_space<vmem>> -> memref<1x4x256x32xf32, #tpu.memory_space<vmem>>
      %dma_wait3A_1111 = tpu.memref_squeeze %dma_wait3A_1110 : memref<1x4x256x32xf32, #tpu.memory_space<vmem>> -> memref<4x256x32xf32, #tpu.memory_space<vmem>>
      %dma_wait3A_1112 = arith.constant 0 : i32
      %dma_wait3A_1113 = arith.constant 0 : i32
      %dma_wait3A_1114 = tpu.memref_slice %dma_wait3A_1111[%dma_wait3A_1106, %dma_wait3A_1112, %dma_wait3A_1113] : memref<4x256x32xf32, #tpu.memory_space<vmem>> -> memref<1x256x32xf32, #tpu.memory_space<vmem>>
      %dma_wait3A_1115 = tpu.memref_squeeze %dma_wait3A_1114 : memref<1x256x32xf32, #tpu.memory_space<vmem>> -> memref<256x32xf32, #tpu.memory_space<vmem>>
      %dma_wait3A_1116 = arith.constant 0 : i32
      %dma_wait3A_1117 = tpu.memref_slice %arg6[%add3A_1104, %dma_wait3A_1116] : memref<40x256xi32, #tpu.memory_space<vmem>> -> memref<1x256xi32, #tpu.memory_space<vmem>>
      %dma_wait3A_1118 = tpu.memref_squeeze %dma_wait3A_1117 : memref<1x256xi32, #tpu.memory_space<vmem>> -> memref<256xi32, #tpu.memory_space<vmem>>
      %dma_wait3A_1119 = arith.constant 0 : i32
      %dma_wait3A_1120 = arith.constant 0 : i32
      %dma_wait3A_1121 = tpu.memref_slice %arg10[%dma_wait3A_1119, %dma_wait3A_1120] : memref<10240x32xf32, #tpu.memory_space<vmem_shared>> -> memref<10240x32xf32, #tpu.memory_space<vmem_shared>>
      tpu.wait_indirect_dma semaphore(%arg12 : memref<!tpu.dma_semaphore, #tpu.memory_space<semaphore_mem>>) src(%dma_wait3A_1121 : memref<10240x32xf32, #tpu.memory_space<vmem_shared>>) dst(%dma_wait3A_1115 : memref<256x32xf32, #tpu.memory_space<vmem>>)
      %mul3A_1122 = arith.constant 4 : i32
      %mul3A_1123 = arith.muli %add3A_1058, %mul3A_1122 : i32
      %add3A_1124 = arith.constant 3 : i32
      %add3A_1125 = arith.addi %mul3A_1123, %add3A_1124 : i32
      %dma_wait3A_1126 = arith.constant 1 : i32
      %dma_wait3A_1127 = arith.constant 3 : i32
      %dma_wait3A_1128 = arith.constant 0 : i32
      %dma_wait3A_1129 = arith.constant 0 : i32
      %dma_wait3A_1130 = arith.constant 0 : i32
      %dma_wait3A_1131 = tpu.memref_slice %arg8[%dma_wait3A_1126, %dma_wait3A_1128, %dma_wait3A_1129, %dma_wait3A_1130] : memref<2x4x256x32xf32, #tpu.memory_space<vmem>> -> memref<1x4x256x32xf32, #tpu.memory_space<vmem>>
      %dma_wait3A_1132 = tpu.memref_squeeze %dma_wait3A_1131 : memref<1x4x256x32xf32, #tpu.memory_space<vmem>> -> memref<4x256x32xf32, #tpu.memory_space<vmem>>
      %dma_wait3A_1133 = arith.constant 0 : i32
      %dma_wait3A_1134 = arith.constant 0 : i32
      %dma_wait3A_1135 = tpu.memref_slice %dma_wait3A_1132[%dma_wait3A_1127, %dma_wait3A_1133, %dma_wait3A_1134] : memref<4x256x32xf32, #tpu.memory_space<vmem>> -> memref<1x256x32xf32, #tpu.memory_space<vmem>>
      %dma_wait3A_1136 = tpu.memref_squeeze %dma_wait3A_1135 : memref<1x256x32xf32, #tpu.memory_space<vmem>> -> memref<256x32xf32, #tpu.memory_space<vmem>>
      %dma_wait3A_1137 = arith.constant 0 : i32
      %dma_wait3A_1138 = tpu.memref_slice %arg6[%add3A_1125, %dma_wait3A_1137] : memref<40x256xi32, #tpu.memory_space<vmem>> -> memref<1x256xi32, #tpu.memory_space<vmem>>
      %dma_wait3A_1139 = tpu.memref_squeeze %dma_wait3A_1138 : memref<1x256xi32, #tpu.memory_space<vmem>> -> memref<256xi32, #tpu.memory_space<vmem>>
      %dma_wait3A_1140 = arith.constant 0 : i32
      %dma_wait3A_1141 = arith.constant 0 : i32
      %dma_wait3A_1142 = tpu.memref_slice %arg10[%dma_wait3A_1140, %dma_wait3A_1141] : memref<10240x32xf32, #tpu.memory_space<vmem_shared>> -> memref<10240x32xf32, #tpu.memory_space<vmem_shared>>
      tpu.wait_indirect_dma semaphore(%arg12 : memref<!tpu.dma_semaphore, #tpu.memory_space<semaphore_mem>>) src(%dma_wait3A_1142 : memref<10240x32xf32, #tpu.memory_space<vmem_shared>>) dst(%dma_wait3A_1136 : memref<256x32xf32, #tpu.memory_space<vmem>>)
      %add3A_1143 = arith.constant 1 : i32
      %add3A_1144 = arith.addi %mul3A_648, %add3A_1143 : i32
      %mul3A_1145 = arith.constant 4 : i32
      %mul3A_1146 = arith.muli %add3A_1144, %mul3A_1145 : i32
      %add3A_1147 = arith.constant 0 : i32
      %add3A_1148 = arith.addi %mul3A_1146, %add3A_1147 : i32
      %dma_start3A_1149 = arith.constant 1 : i32
      %dma_start3A_1150 = arith.constant 0 : i32
      %dma_start3A_1151 = arith.constant 0 : i32
      %dma_start3A_1152 = arith.constant 0 : i32
      %dma_start3A_1153 = arith.constant 0 : i32
      %dma_start3A_1154 = tpu.memref_slice %arg8[%dma_start3A_1149, %dma_start3A_1151, %dma_start3A_1152, %dma_start3A_1153] : memref<2x4x256x32xf32, #tpu.memory_space<vmem>> -> memref<1x4x256x32xf32, #tpu.memory_space<vmem>>
      %dma_start3A_1155 = tpu.memref_squeeze %dma_start3A_1154 : memref<1x4x256x32xf32, #tpu.memory_space<vmem>> -> memref<4x256x32xf32, #tpu.memory_space<vmem>>
      %dma_start3A_1156 = arith.constant 0 : i32
      %dma_start3A_1157 = arith.constant 0 : i32
      %dma_start3A_1158 = tpu.memref_slice %dma_start3A_1155[%dma_start3A_1150, %dma_start3A_1156, %dma_start3A_1157] : memref<4x256x32xf32, #tpu.memory_space<vmem>> -> memref<1x256x32xf32, #tpu.memory_space<vmem>>
      %dma_start3A_1159 = tpu.memref_squeeze %dma_start3A_1158 : memref<1x256x32xf32, #tpu.memory_space<vmem>> -> memref<256x32xf32, #tpu.memory_space<vmem>>
      %dma_start3A_1160 = arith.constant 0 : i32
      %dma_start3A_1161 = tpu.memref_slice %arg7[%add3A_1148, %dma_start3A_1160] : memref<40x256xi32, #tpu.memory_space<vmem>> -> memref<1x256xi32, #tpu.memory_space<vmem>>
      %dma_start3A_1162 = tpu.memref_squeeze %dma_start3A_1161 : memref<1x256xi32, #tpu.memory_space<vmem>> -> memref<256xi32, #tpu.memory_space<vmem>>
      %dma_start3A_1163 = arith.constant 0 : i32
      %dma_start3A_1164 = arith.constant 0 : i32
      %dma_start3A_1165 = tpu.memref_slice %arg9[%dma_start3A_1163, %dma_start3A_1164] : memref<10240x32xf32, #tpu.memory_space<vmem_shared>> -> memref<10240x32xf32, #tpu.memory_space<vmem_shared>>
      tpu.enqueue_indirect_dma source(%dma_start3A_1159 : memref<256x32xf32, #tpu.memory_space<vmem>>) target(%dma_start3A_1165 : memref<10240x32xf32, #tpu.memory_space<vmem_shared>>) offsets(%dma_start3A_1162 : memref<256xi32, #tpu.memory_space<vmem>>) semaphore(%arg14 : memref<!tpu.dma_semaphore, #tpu.memory_space<semaphore_mem>>) {add = true}
      %mul3A_1166 = arith.constant 4 : i32
      %mul3A_1167 = arith.muli %add3A_1144, %mul3A_1166 : i32
      %add3A_1168 = arith.constant 1 : i32
      %add3A_1169 = arith.addi %mul3A_1167, %add3A_1168 : i32
      %dma_start3A_1170 = arith.constant 1 : i32
      %dma_start3A_1171 = arith.constant 1 : i32
      %dma_start3A_1172 = arith.constant 0 : i32
      %dma_start3A_1173 = arith.constant 0 : i32
      %dma_start3A_1174 = arith.constant 0 : i32
      %dma_start3A_1175 = tpu.memref_slice %arg8[%dma_start3A_1170, %dma_start3A_1172, %dma_start3A_1173, %dma_start3A_1174] : memref<2x4x256x32xf32, #tpu.memory_space<vmem>> -> memref<1x4x256x32xf32, #tpu.memory_space<vmem>>
      %dma_start3A_1176 = tpu.memref_squeeze %dma_start3A_1175 : memref<1x4x256x32xf32, #tpu.memory_space<vmem>> -> memref<4x256x32xf32, #tpu.memory_space<vmem>>
      %dma_start3A_1177 = arith.constant 0 : i32
      %dma_start3A_1178 = arith.constant 0 : i32
      %dma_start3A_1179 = tpu.memref_slice %dma_start3A_1176[%dma_start3A_1171, %dma_start3A_1177, %dma_start3A_1178] : memref<4x256x32xf32, #tpu.memory_space<vmem>> -> memref<1x256x32xf32, #tpu.memory_space<vmem>>
      %dma_start3A_1180 = tpu.memref_squeeze %dma_start3A_1179 : memref<1x256x32xf32, #tpu.memory_space<vmem>> -> memref<256x32xf32, #tpu.memory_space<vmem>>
      %dma_start3A_1181 = arith.constant 0 : i32
      %dma_start3A_1182 = tpu.memref_slice %arg7[%add3A_1169, %dma_start3A_1181] : memref<40x256xi32, #tpu.memory_space<vmem>> -> memref<1x256xi32, #tpu.memory_space<vmem>>
      %dma_start3A_1183 = tpu.memref_squeeze %dma_start3A_1182 : memref<1x256xi32, #tpu.memory_space<vmem>> -> memref<256xi32, #tpu.memory_space<vmem>>
      %dma_start3A_1184 = arith.constant 0 : i32
      %dma_start3A_1185 = arith.constant 0 : i32
      %dma_start3A_1186 = tpu.memref_slice %arg9[%dma_start3A_1184, %dma_start3A_1185] : memref<10240x32xf32, #tpu.memory_space<vmem_shared>> -> memref<10240x32xf32, #tpu.memory_space<vmem_shared>>
      tpu.enqueue_indirect_dma source(%dma_start3A_1180 : memref<256x32xf32, #tpu.memory_space<vmem>>) target(%dma_start3A_1186 : memref<10240x32xf32, #tpu.memory_space<vmem_shared>>) offsets(%dma_start3A_1183 : memref<256xi32, #tpu.memory_space<vmem>>) semaphore(%arg14 : memref<!tpu.dma_semaphore, #tpu.memory_space<semaphore_mem>>) {add = true}
      %mul3A_1187 = arith.constant 4 : i32
      %mul3A_1188 = arith.muli %add3A_1144, %mul3A_1187 : i32
      %add3A_1189 = arith.constant 2 : i32
      %add3A_1190 = arith.addi %mul3A_1188, %add3A_1189 : i32
      %dma_start3A_1191 = arith.constant 1 : i32
      %dma_start3A_1192 = arith.constant 2 : i32
      %dma_start3A_1193 = arith.constant 0 : i32
      %dma_start3A_1194 = arith.constant 0 : i32
      %dma_start3A_1195 = arith.constant 0 : i32
      %dma_start3A_1196 = tpu.memref_slice %arg8[%dma_start3A_1191, %dma_start3A_1193, %dma_start3A_1194, %dma_start3A_1195] : memref<2x4x256x32xf32, #tpu.memory_space<vmem>> -> memref<1x4x256x32xf32, #tpu.memory_space<vmem>>
      %dma_start3A_1197 = tpu.memref_squeeze %dma_start3A_1196 : memref<1x4x256x32xf32, #tpu.memory_space<vmem>> -> memref<4x256x32xf32, #tpu.memory_space<vmem>>
      %dma_start3A_1198 = arith.constant 0 : i32
      %dma_start3A_1199 = arith.constant 0 : i32
      %dma_start3A_1200 = tpu.memref_slice %dma_start3A_1197[%dma_start3A_1192, %dma_start3A_1198, %dma_start3A_1199] : memref<4x256x32xf32, #tpu.memory_space<vmem>> -> memref<1x256x32xf32, #tpu.memory_space<vmem>>
      %dma_start3A_1201 = tpu.memref_squeeze %dma_start3A_1200 : memref<1x256x32xf32, #tpu.memory_space<vmem>> -> memref<256x32xf32, #tpu.memory_space<vmem>>
      %dma_start3A_1202 = arith.constant 0 : i32
      %dma_start3A_1203 = tpu.memref_slice %arg7[%add3A_1190, %dma_start3A_1202] : memref<40x256xi32, #tpu.memory_space<vmem>> -> memref<1x256xi32, #tpu.memory_space<vmem>>
      %dma_start3A_1204 = tpu.memref_squeeze %dma_start3A_1203 : memref<1x256xi32, #tpu.memory_space<vmem>> -> memref<256xi32, #tpu.memory_space<vmem>>
      %dma_start3A_1205 = arith.constant 0 : i32
      %dma_start3A_1206 = arith.constant 0 : i32
      %dma_start3A_1207 = tpu.memref_slice %arg9[%dma_start3A_1205, %dma_start3A_1206] : memref<10240x32xf32, #tpu.memory_space<vmem_shared>> -> memref<10240x32xf32, #tpu.memory_space<vmem_shared>>
      tpu.enqueue_indirect_dma source(%dma_start3A_1201 : memref<256x32xf32, #tpu.memory_space<vmem>>) target(%dma_start3A_1207 : memref<10240x32xf32, #tpu.memory_space<vmem_shared>>) offsets(%dma_start3A_1204 : memref<256xi32, #tpu.memory_space<vmem>>) semaphore(%arg14 : memref<!tpu.dma_semaphore, #tpu.memory_space<semaphore_mem>>) {add = true}
      %mul3A_1208 = arith.constant 4 : i32
      %mul3A_1209 = arith.muli %add3A_1144, %mul3A_1208 : i32
      %add3A_1210 = arith.constant 3 : i32
      %add3A_1211 = arith.addi %mul3A_1209, %add3A_1210 : i32
      %dma_start3A_1212 = arith.constant 1 : i32
      %dma_start3A_1213 = arith.constant 3 : i32
      %dma_start3A_1214 = arith.constant 0 : i32
      %dma_start3A_1215 = arith.constant 0 : i32
      %dma_start3A_1216 = arith.constant 0 : i32
      %dma_start3A_1217 = tpu.memref_slice %arg8[%dma_start3A_1212, %dma_start3A_1214, %dma_start3A_1215, %dma_start3A_1216] : memref<2x4x256x32xf32, #tpu.memory_space<vmem>> -> memref<1x4x256x32xf32, #tpu.memory_space<vmem>>
      %dma_start3A_1218 = tpu.memref_squeeze %dma_start3A_1217 : memref<1x4x256x32xf32, #tpu.memory_space<vmem>> -> memref<4x256x32xf32, #tpu.memory_space<vmem>>
      %dma_start3A_1219 = arith.constant 0 : i32
      %dma_start3A_1220 = arith.constant 0 : i32
      %dma_start3A_1221 = tpu.memref_slice %dma_start3A_1218[%dma_start3A_1213, %dma_start3A_1219, %dma_start3A_1220] : memref<4x256x32xf32, #tpu.memory_space<vmem>> -> memref<1x256x32xf32, #tpu.memory_space<vmem>>
      %dma_start3A_1222 = tpu.memref_squeeze %dma_start3A_1221 : memref<1x256x32xf32, #tpu.memory_space<vmem>> -> memref<256x32xf32, #tpu.memory_space<vmem>>
      %dma_start3A_1223 = arith.constant 0 : i32
      %dma_start3A_1224 = tpu.memref_slice %arg7[%add3A_1211, %dma_start3A_1223] : memref<40x256xi32, #tpu.memory_space<vmem>> -> memref<1x256xi32, #tpu.memory_space<vmem>>
      %dma_start3A_1225 = tpu.memref_squeeze %dma_start3A_1224 : memref<1x256xi32, #tpu.memory_space<vmem>> -> memref<256xi32, #tpu.memory_space<vmem>>
      %dma_start3A_1226 = arith.constant 0 : i32
      %dma_start3A_1227 = arith.constant 0 : i32
      %dma_start3A_1228 = tpu.memref_slice %arg9[%dma_start3A_1226, %dma_start3A_1227] : memref<10240x32xf32, #tpu.memory_space<vmem_shared>> -> memref<10240x32xf32, #tpu.memory_space<vmem_shared>>
      tpu.enqueue_indirect_dma source(%dma_start3A_1222 : memref<256x32xf32, #tpu.memory_space<vmem>>) target(%dma_start3A_1228 : memref<10240x32xf32, #tpu.memory_space<vmem_shared>>) offsets(%dma_start3A_1225 : memref<256xi32, #tpu.memory_space<vmem>>) semaphore(%arg14 : memref<!tpu.dma_semaphore, #tpu.memory_space<semaphore_mem>>) {add = true}
      %dma_wait3A_1229 = arith.constant 1 : i32
      %dma_wait3A_1230 = arith.constant 0 : i32
      %dma_wait3A_1231 = arith.constant 0 : i32
      %dma_wait3A_1232 = arith.constant 0 : i32
      %dma_wait3A_1233 = arith.constant 0 : i32
      %dma_wait3A_1234 = tpu.memref_slice %arg8[%dma_wait3A_1229, %dma_wait3A_1231, %dma_wait3A_1232, %dma_wait3A_1233] : memref<2x4x256x32xf32, #tpu.memory_space<vmem>> -> memref<1x4x256x32xf32, #tpu.memory_space<vmem>>
      %dma_wait3A_1235 = tpu.memref_squeeze %dma_wait3A_1234 : memref<1x4x256x32xf32, #tpu.memory_space<vmem>> -> memref<4x256x32xf32, #tpu.memory_space<vmem>>
      %dma_wait3A_1236 = arith.constant 0 : i32
      %dma_wait3A_1237 = arith.constant 0 : i32
      %dma_wait3A_1238 = tpu.memref_slice %dma_wait3A_1235[%dma_wait3A_1230, %dma_wait3A_1236, %dma_wait3A_1237] : memref<4x256x32xf32, #tpu.memory_space<vmem>> -> memref<1x256x32xf32, #tpu.memory_space<vmem>>
      %dma_wait3A_1239 = tpu.memref_squeeze %dma_wait3A_1238 : memref<1x256x32xf32, #tpu.memory_space<vmem>> -> memref<256x32xf32, #tpu.memory_space<vmem>>
      %dma_wait3A_1240 = arith.constant 0 : i32
      %dma_wait3A_1241 = tpu.memref_slice %arg7[%add3A_1148, %dma_wait3A_1240] : memref<40x256xi32, #tpu.memory_space<vmem>> -> memref<1x256xi32, #tpu.memory_space<vmem>>
      %dma_wait3A_1242 = tpu.memref_squeeze %dma_wait3A_1241 : memref<1x256xi32, #tpu.memory_space<vmem>> -> memref<256xi32, #tpu.memory_space<vmem>>
      %dma_wait3A_1243 = arith.constant 0 : i32
      %dma_wait3A_1244 = arith.constant 0 : i32
      %dma_wait3A_1245 = tpu.memref_slice %arg9[%dma_wait3A_1243, %dma_wait3A_1244] : memref<10240x32xf32, #tpu.memory_space<vmem_shared>> -> memref<10240x32xf32, #tpu.memory_space<vmem_shared>>
      tpu.wait_indirect_dma semaphore(%arg14 : memref<!tpu.dma_semaphore, #tpu.memory_space<semaphore_mem>>) src(%dma_wait3A_1239 : memref<256x32xf32, #tpu.memory_space<vmem>>) dst(%dma_wait3A_1245 : memref<10240x32xf32, #tpu.memory_space<vmem_shared>>)
      %dma_wait3A_1246 = arith.constant 1 : i32
      %dma_wait3A_1247 = arith.constant 1 : i32
      %dma_wait3A_1248 = arith.constant 0 : i32
      %dma_wait3A_1249 = arith.constant 0 : i32
      %dma_wait3A_1250 = arith.constant 0 : i32
      %dma_wait3A_1251 = tpu.memref_slice %arg8[%dma_wait3A_1246, %dma_wait3A_1248, %dma_wait3A_1249, %dma_wait3A_1250] : memref<2x4x256x32xf32, #tpu.memory_space<vmem>> -> memref<1x4x256x32xf32, #tpu.memory_space<vmem>>
      %dma_wait3A_1252 = tpu.memref_squeeze %dma_wait3A_1251 : memref<1x4x256x32xf32, #tpu.memory_space<vmem>> -> memref<4x256x32xf32, #tpu.memory_space<vmem>>
      %dma_wait3A_1253 = arith.constant 0 : i32
      %dma_wait3A_1254 = arith.constant 0 : i32
      %dma_wait3A_1255 = tpu.memref_slice %dma_wait3A_1252[%dma_wait3A_1247, %dma_wait3A_1253, %dma_wait3A_1254] : memref<4x256x32xf32, #tpu.memory_space<vmem>> -> memref<1x256x32xf32, #tpu.memory_space<vmem>>
      %dma_wait3A_1256 = tpu.memref_squeeze %dma_wait3A_1255 : memref<1x256x32xf32, #tpu.memory_space<vmem>> -> memref<256x32xf32, #tpu.memory_space<vmem>>
      %dma_wait3A_1257 = arith.constant 0 : i32
      %dma_wait3A_1258 = tpu.memref_slice %arg7[%add3A_1169, %dma_wait3A_1257] : memref<40x256xi32, #tpu.memory_space<vmem>> -> memref<1x256xi32, #tpu.memory_space<vmem>>
      %dma_wait3A_1259 = tpu.memref_squeeze %dma_wait3A_1258 : memref<1x256xi32, #tpu.memory_space<vmem>> -> memref<256xi32, #tpu.memory_space<vmem>>
      %dma_wait3A_1260 = arith.constant 0 : i32
      %dma_wait3A_1261 = arith.constant 0 : i32
      %dma_wait3A_1262 = tpu.memref_slice %arg9[%dma_wait3A_1260, %dma_wait3A_1261] : memref<10240x32xf32, #tpu.memory_space<vmem_shared>> -> memref<10240x32xf32, #tpu.memory_space<vmem_shared>>
      tpu.wait_indirect_dma semaphore(%arg14 : memref<!tpu.dma_semaphore, #tpu.memory_space<semaphore_mem>>) src(%dma_wait3A_1256 : memref<256x32xf32, #tpu.memory_space<vmem>>) dst(%dma_wait3A_1262 : memref<10240x32xf32, #tpu.memory_space<vmem_shared>>)
      %dma_wait3A_1263 = arith.constant 1 : i32
      %dma_wait3A_1264 = arith.constant 2 : i32
      %dma_wait3A_1265 = arith.constant 0 : i32
      %dma_wait3A_1266 = arith.constant 0 : i32
      %dma_wait3A_1267 = arith.constant 0 : i32
      %dma_wait3A_1268 = tpu.memref_slice %arg8[%dma_wait3A_1263, %dma_wait3A_1265, %dma_wait3A_1266, %dma_wait3A_1267] : memref<2x4x256x32xf32, #tpu.memory_space<vmem>> -> memref<1x4x256x32xf32, #tpu.memory_space<vmem>>
      %dma_wait3A_1269 = tpu.memref_squeeze %dma_wait3A_1268 : memref<1x4x256x32xf32, #tpu.memory_space<vmem>> -> memref<4x256x32xf32, #tpu.memory_space<vmem>>
      %dma_wait3A_1270 = arith.constant 0 : i32
      %dma_wait3A_1271 = arith.constant 0 : i32
      %dma_wait3A_1272 = tpu.memref_slice %dma_wait3A_1269[%dma_wait3A_1264, %dma_wait3A_1270, %dma_wait3A_1271] : memref<4x256x32xf32, #tpu.memory_space<vmem>> -> memref<1x256x32xf32, #tpu.memory_space<vmem>>
      %dma_wait3A_1273 = tpu.memref_squeeze %dma_wait3A_1272 : memref<1x256x32xf32, #tpu.memory_space<vmem>> -> memref<256x32xf32, #tpu.memory_space<vmem>>
      %dma_wait3A_1274 = arith.constant 0 : i32
      %dma_wait3A_1275 = tpu.memref_slice %arg7[%add3A_1190, %dma_wait3A_1274] : memref<40x256xi32, #tpu.memory_space<vmem>> -> memref<1x256xi32, #tpu.memory_space<vmem>>
      %dma_wait3A_1276 = tpu.memref_squeeze %dma_wait3A_1275 : memref<1x256xi32, #tpu.memory_space<vmem>> -> memref<256xi32, #tpu.memory_space<vmem>>
      %dma_wait3A_1277 = arith.constant 0 : i32
      %dma_wait3A_1278 = arith.constant 0 : i32
      %dma_wait3A_1279 = tpu.memref_slice %arg9[%dma_wait3A_1277, %dma_wait3A_1278] : memref<10240x32xf32, #tpu.memory_space<vmem_shared>> -> memref<10240x32xf32, #tpu.memory_space<vmem_shared>>
      tpu.wait_indirect_dma semaphore(%arg14 : memref<!tpu.dma_semaphore, #tpu.memory_space<semaphore_mem>>) src(%dma_wait3A_1273 : memref<256x32xf32, #tpu.memory_space<vmem>>) dst(%dma_wait3A_1279 : memref<10240x32xf32, #tpu.memory_space<vmem_shared>>)
      %dma_wait3A_1280 = arith.constant 1 : i32
      %dma_wait3A_1281 = arith.constant 3 : i32
      %dma_wait3A_1282 = arith.constant 0 : i32
      %dma_wait3A_1283 = arith.constant 0 : i32
      %dma_wait3A_1284 = arith.constant 0 : i32
      %dma_wait3A_1285 = tpu.memref_slice %arg8[%dma_wait3A_1280, %dma_wait3A_1282, %dma_wait3A_1283, %dma_wait3A_1284] : memref<2x4x256x32xf32, #tpu.memory_space<vmem>> -> memref<1x4x256x32xf32, #tpu.memory_space<vmem>>
      %dma_wait3A_1286 = tpu.memref_squeeze %dma_wait3A_1285 : memref<1x4x256x32xf32, #tpu.memory_space<vmem>> -> memref<4x256x32xf32, #tpu.memory_space<vmem>>
      %dma_wait3A_1287 = arith.constant 0 : i32
      %dma_wait3A_1288 = arith.constant 0 : i32
      %dma_wait3A_1289 = tpu.memref_slice %dma_wait3A_1286[%dma_wait3A_1281, %dma_wait3A_1287, %dma_wait3A_1288] : memref<4x256x32xf32, #tpu.memory_space<vmem>> -> memref<1x256x32xf32, #tpu.memory_space<vmem>>
      %dma_wait3A_1290 = tpu.memref_squeeze %dma_wait3A_1289 : memref<1x256x32xf32, #tpu.memory_space<vmem>> -> memref<256x32xf32, #tpu.memory_space<vmem>>
      %dma_wait3A_1291 = arith.constant 0 : i32
      %dma_wait3A_1292 = tpu.memref_slice %arg7[%add3A_1211, %dma_wait3A_1291] : memref<40x256xi32, #tpu.memory_space<vmem>> -> memref<1x256xi32, #tpu.memory_space<vmem>>
      %dma_wait3A_1293 = tpu.memref_squeeze %dma_wait3A_1292 : memref<1x256xi32, #tpu.memory_space<vmem>> -> memref<256xi32, #tpu.memory_space<vmem>>
      %dma_wait3A_1294 = arith.constant 0 : i32
      %dma_wait3A_1295 = arith.constant 0 : i32
      %dma_wait3A_1296 = tpu.memref_slice %arg9[%dma_wait3A_1294, %dma_wait3A_1295] : memref<10240x32xf32, #tpu.memory_space<vmem_shared>> -> memref<10240x32xf32, #tpu.memory_space<vmem_shared>>
      tpu.wait_indirect_dma semaphore(%arg14 : memref<!tpu.dma_semaphore, #tpu.memory_space<semaphore_mem>>) src(%dma_wait3A_1290 : memref<256x32xf32, #tpu.memory_space<vmem>>) dst(%dma_wait3A_1296 : memref<10240x32xf32, #tpu.memory_space<vmem_shared>>)
      %scan3A_1297 = arith.constant 0 : i32
      scf.yield %scan3A_1297 : i32
    }
    %scan3A_135 = arith.constant 4 : i32
    %dma_start3A_136 = arith.constant 36 : i32
    %dma_start3A_137 = arith.constant 1 : i32
    %dma_start3A_138 = arith.constant 0 : i32
    %dma_start3A_139 = arith.constant 0 : i32
    %dma_start3A_140 = arith.constant 0 : i32
    %dma_start3A_141 = arith.constant 0 : i32
    %dma_start3A_142 = tpu.memref_slice %arg8[%dma_start3A_137, %dma_start3A_139, %dma_start3A_140, %dma_start3A_141] : memref<2x4x256x32xf32, #tpu.memory_space<vmem>> -> memref<1x4x256x32xf32, #tpu.memory_space<vmem>>
    %dma_start3A_143 = tpu.memref_squeeze %dma_start3A_142 : memref<1x4x256x32xf32, #tpu.memory_space<vmem>> -> memref<4x256x32xf32, #tpu.memory_space<vmem>>
    %dma_start3A_144 = arith.constant 0 : i32
    %dma_start3A_145 = arith.constant 0 : i32
    %dma_start3A_146 = tpu.memref_slice %dma_start3A_143[%dma_start3A_138, %dma_start3A_144, %dma_start3A_145] : memref<4x256x32xf32, #tpu.memory_space<vmem>> -> memref<1x256x32xf32, #tpu.memory_space<vmem>>
    %dma_start3A_147 = tpu.memref_squeeze %dma_start3A_146 : memref<1x256x32xf32, #tpu.memory_space<vmem>> -> memref<256x32xf32, #tpu.memory_space<vmem>>
    %dma_start3A_148 = arith.constant 0 : i32
    %dma_start3A_149 = tpu.memref_slice %arg6[%dma_start3A_136, %dma_start3A_148] : memref<40x256xi32, #tpu.memory_space<vmem>> -> memref<1x256xi32, #tpu.memory_space<vmem>>
    %dma_start3A_150 = tpu.memref_squeeze %dma_start3A_149 : memref<1x256xi32, #tpu.memory_space<vmem>> -> memref<256xi32, #tpu.memory_space<vmem>>
    %dma_start3A_151 = arith.constant 0 : i32
    %dma_start3A_152 = arith.constant 0 : i32
    %dma_start3A_153 = tpu.memref_slice %arg10[%dma_start3A_151, %dma_start3A_152] : memref<10240x32xf32, #tpu.memory_space<vmem_shared>> -> memref<10240x32xf32, #tpu.memory_space<vmem_shared>>
    tpu.enqueue_indirect_dma source(%dma_start3A_153 : memref<10240x32xf32, #tpu.memory_space<vmem_shared>>) target(%dma_start3A_147 : memref<256x32xf32, #tpu.memory_space<vmem>>) offsets(%dma_start3A_150 : memref<256xi32, #tpu.memory_space<vmem>>) semaphore(%arg12 : memref<!tpu.dma_semaphore, #tpu.memory_space<semaphore_mem>>)
    %dma_start3A_154 = arith.constant 37 : i32
    %dma_start3A_155 = arith.constant 1 : i32
    %dma_start3A_156 = arith.constant 1 : i32
    %dma_start3A_157 = arith.constant 0 : i32
    %dma_start3A_158 = arith.constant 0 : i32
    %dma_start3A_159 = arith.constant 0 : i32
    %dma_start3A_160 = tpu.memref_slice %arg8[%dma_start3A_155, %dma_start3A_157, %dma_start3A_158, %dma_start3A_159] : memref<2x4x256x32xf32, #tpu.memory_space<vmem>> -> memref<1x4x256x32xf32, #tpu.memory_space<vmem>>
    %dma_start3A_161 = tpu.memref_squeeze %dma_start3A_160 : memref<1x4x256x32xf32, #tpu.memory_space<vmem>> -> memref<4x256x32xf32, #tpu.memory_space<vmem>>
    %dma_start3A_162 = arith.constant 0 : i32
    %dma_start3A_163 = arith.constant 0 : i32
    %dma_start3A_164 = tpu.memref_slice %dma_start3A_161[%dma_start3A_156, %dma_start3A_162, %dma_start3A_163] : memref<4x256x32xf32, #tpu.memory_space<vmem>> -> memref<1x256x32xf32, #tpu.memory_space<vmem>>
    %dma_start3A_165 = tpu.memref_squeeze %dma_start3A_164 : memref<1x256x32xf32, #tpu.memory_space<vmem>> -> memref<256x32xf32, #tpu.memory_space<vmem>>
    %dma_start3A_166 = arith.constant 0 : i32
    %dma_start3A_167 = tpu.memref_slice %arg6[%dma_start3A_154, %dma_start3A_166] : memref<40x256xi32, #tpu.memory_space<vmem>> -> memref<1x256xi32, #tpu.memory_space<vmem>>
    %dma_start3A_168 = tpu.memref_squeeze %dma_start3A_167 : memref<1x256xi32, #tpu.memory_space<vmem>> -> memref<256xi32, #tpu.memory_space<vmem>>
    %dma_start3A_169 = arith.constant 0 : i32
    %dma_start3A_170 = arith.constant 0 : i32
    %dma_start3A_171 = tpu.memref_slice %arg10[%dma_start3A_169, %dma_start3A_170] : memref<10240x32xf32, #tpu.memory_space<vmem_shared>> -> memref<10240x32xf32, #tpu.memory_space<vmem_shared>>
    tpu.enqueue_indirect_dma source(%dma_start3A_171 : memref<10240x32xf32, #tpu.memory_space<vmem_shared>>) target(%dma_start3A_165 : memref<256x32xf32, #tpu.memory_space<vmem>>) offsets(%dma_start3A_168 : memref<256xi32, #tpu.memory_space<vmem>>) semaphore(%arg12 : memref<!tpu.dma_semaphore, #tpu.memory_space<semaphore_mem>>)
    %dma_start3A_172 = arith.constant 38 : i32
    %dma_start3A_173 = arith.constant 1 : i32
    %dma_start3A_174 = arith.constant 2 : i32
    %dma_start3A_175 = arith.constant 0 : i32
    %dma_start3A_176 = arith.constant 0 : i32
    %dma_start3A_177 = arith.constant 0 : i32
    %dma_start3A_178 = tpu.memref_slice %arg8[%dma_start3A_173, %dma_start3A_175, %dma_start3A_176, %dma_start3A_177] : memref<2x4x256x32xf32, #tpu.memory_space<vmem>> -> memref<1x4x256x32xf32, #tpu.memory_space<vmem>>
    %dma_start3A_179 = tpu.memref_squeeze %dma_start3A_178 : memref<1x4x256x32xf32, #tpu.memory_space<vmem>> -> memref<4x256x32xf32, #tpu.memory_space<vmem>>
    %dma_start3A_180 = arith.constant 0 : i32
    %dma_start3A_181 = arith.constant 0 : i32
    %dma_start3A_182 = tpu.memref_slice %dma_start3A_179[%dma_start3A_174, %dma_start3A_180, %dma_start3A_181] : memref<4x256x32xf32, #tpu.memory_space<vmem>> -> memref<1x256x32xf32, #tpu.memory_space<vmem>>
    %dma_start3A_183 = tpu.memref_squeeze %dma_start3A_182 : memref<1x256x32xf32, #tpu.memory_space<vmem>> -> memref<256x32xf32, #tpu.memory_space<vmem>>
    %dma_start3A_184 = arith.constant 0 : i32
    %dma_start3A_185 = tpu.memref_slice %arg6[%dma_start3A_172, %dma_start3A_184] : memref<40x256xi32, #tpu.memory_space<vmem>> -> memref<1x256xi32, #tpu.memory_space<vmem>>
    %dma_start3A_186 = tpu.memref_squeeze %dma_start3A_185 : memref<1x256xi32, #tpu.memory_space<vmem>> -> memref<256xi32, #tpu.memory_space<vmem>>
    %dma_start3A_187 = arith.constant 0 : i32
    %dma_start3A_188 = arith.constant 0 : i32
    %dma_start3A_189 = tpu.memref_slice %arg10[%dma_start3A_187, %dma_start3A_188] : memref<10240x32xf32, #tpu.memory_space<vmem_shared>> -> memref<10240x32xf32, #tpu.memory_space<vmem_shared>>
    tpu.enqueue_indirect_dma source(%dma_start3A_189 : memref<10240x32xf32, #tpu.memory_space<vmem_shared>>) target(%dma_start3A_183 : memref<256x32xf32, #tpu.memory_space<vmem>>) offsets(%dma_start3A_186 : memref<256xi32, #tpu.memory_space<vmem>>) semaphore(%arg12 : memref<!tpu.dma_semaphore, #tpu.memory_space<semaphore_mem>>)
    %dma_start3A_190 = arith.constant 39 : i32
    %dma_start3A_191 = arith.constant 1 : i32
    %dma_start3A_192 = arith.constant 3 : i32
    %dma_start3A_193 = arith.constant 0 : i32
    %dma_start3A_194 = arith.constant 0 : i32
    %dma_start3A_195 = arith.constant 0 : i32
    %dma_start3A_196 = tpu.memref_slice %arg8[%dma_start3A_191, %dma_start3A_193, %dma_start3A_194, %dma_start3A_195] : memref<2x4x256x32xf32, #tpu.memory_space<vmem>> -> memref<1x4x256x32xf32, #tpu.memory_space<vmem>>
    %dma_start3A_197 = tpu.memref_squeeze %dma_start3A_196 : memref<1x4x256x32xf32, #tpu.memory_space<vmem>> -> memref<4x256x32xf32, #tpu.memory_space<vmem>>
    %dma_start3A_198 = arith.constant 0 : i32
    %dma_start3A_199 = arith.constant 0 : i32
    %dma_start3A_200 = tpu.memref_slice %dma_start3A_197[%dma_start3A_192, %dma_start3A_198, %dma_start3A_199] : memref<4x256x32xf32, #tpu.memory_space<vmem>> -> memref<1x256x32xf32, #tpu.memory_space<vmem>>
    %dma_start3A_201 = tpu.memref_squeeze %dma_start3A_200 : memref<1x256x32xf32, #tpu.memory_space<vmem>> -> memref<256x32xf32, #tpu.memory_space<vmem>>
    %dma_start3A_202 = arith.constant 0 : i32
    %dma_start3A_203 = tpu.memref_slice %arg6[%dma_start3A_190, %dma_start3A_202] : memref<40x256xi32, #tpu.memory_space<vmem>> -> memref<1x256xi32, #tpu.memory_space<vmem>>
    %dma_start3A_204 = tpu.memref_squeeze %dma_start3A_203 : memref<1x256xi32, #tpu.memory_space<vmem>> -> memref<256xi32, #tpu.memory_space<vmem>>
    %dma_start3A_205 = arith.constant 0 : i32
    %dma_start3A_206 = arith.constant 0 : i32
    %dma_start3A_207 = tpu.memref_slice %arg10[%dma_start3A_205, %dma_start3A_206] : memref<10240x32xf32, #tpu.memory_space<vmem_shared>> -> memref<10240x32xf32, #tpu.memory_space<vmem_shared>>
    tpu.enqueue_indirect_dma source(%dma_start3A_207 : memref<10240x32xf32, #tpu.memory_space<vmem_shared>>) target(%dma_start3A_201 : memref<256x32xf32, #tpu.memory_space<vmem>>) offsets(%dma_start3A_204 : memref<256xi32, #tpu.memory_space<vmem>>) semaphore(%arg12 : memref<!tpu.dma_semaphore, #tpu.memory_space<semaphore_mem>>)
    %dma_wait3A_208 = arith.constant 32 : i32
    %dma_wait3A_209 = arith.constant 0 : i32
    %dma_wait3A_210 = arith.constant 0 : i32
    %dma_wait3A_211 = arith.constant 0 : i32
    %dma_wait3A_212 = arith.constant 0 : i32
    %dma_wait3A_213 = arith.constant 0 : i32
    %dma_wait3A_214 = tpu.memref_slice %arg8[%dma_wait3A_209, %dma_wait3A_211, %dma_wait3A_212, %dma_wait3A_213] : memref<2x4x256x32xf32, #tpu.memory_space<vmem>> -> memref<1x4x256x32xf32, #tpu.memory_space<vmem>>
    %dma_wait3A_215 = tpu.memref_squeeze %dma_wait3A_214 : memref<1x4x256x32xf32, #tpu.memory_space<vmem>> -> memref<4x256x32xf32, #tpu.memory_space<vmem>>
    %dma_wait3A_216 = arith.constant 0 : i32
    %dma_wait3A_217 = arith.constant 0 : i32
    %dma_wait3A_218 = tpu.memref_slice %dma_wait3A_215[%dma_wait3A_210, %dma_wait3A_216, %dma_wait3A_217] : memref<4x256x32xf32, #tpu.memory_space<vmem>> -> memref<1x256x32xf32, #tpu.memory_space<vmem>>
    %dma_wait3A_219 = tpu.memref_squeeze %dma_wait3A_218 : memref<1x256x32xf32, #tpu.memory_space<vmem>> -> memref<256x32xf32, #tpu.memory_space<vmem>>
    %dma_wait3A_220 = arith.constant 0 : i32
    %dma_wait3A_221 = tpu.memref_slice %arg6[%dma_wait3A_208, %dma_wait3A_220] : memref<40x256xi32, #tpu.memory_space<vmem>> -> memref<1x256xi32, #tpu.memory_space<vmem>>
    %dma_wait3A_222 = tpu.memref_squeeze %dma_wait3A_221 : memref<1x256xi32, #tpu.memory_space<vmem>> -> memref<256xi32, #tpu.memory_space<vmem>>
    %dma_wait3A_223 = arith.constant 0 : i32
    %dma_wait3A_224 = arith.constant 0 : i32
    %dma_wait3A_225 = tpu.memref_slice %arg10[%dma_wait3A_223, %dma_wait3A_224] : memref<10240x32xf32, #tpu.memory_space<vmem_shared>> -> memref<10240x32xf32, #tpu.memory_space<vmem_shared>>
    tpu.wait_indirect_dma semaphore(%arg11 : memref<!tpu.dma_semaphore, #tpu.memory_space<semaphore_mem>>) src(%dma_wait3A_225 : memref<10240x32xf32, #tpu.memory_space<vmem_shared>>) dst(%dma_wait3A_219 : memref<256x32xf32, #tpu.memory_space<vmem>>)
    %dma_wait3A_226 = arith.constant 33 : i32
    %dma_wait3A_227 = arith.constant 0 : i32
    %dma_wait3A_228 = arith.constant 1 : i32
    %dma_wait3A_229 = arith.constant 0 : i32
    %dma_wait3A_230 = arith.constant 0 : i32
    %dma_wait3A_231 = arith.constant 0 : i32
    %dma_wait3A_232 = tpu.memref_slice %arg8[%dma_wait3A_227, %dma_wait3A_229, %dma_wait3A_230, %dma_wait3A_231] : memref<2x4x256x32xf32, #tpu.memory_space<vmem>> -> memref<1x4x256x32xf32, #tpu.memory_space<vmem>>
    %dma_wait3A_233 = tpu.memref_squeeze %dma_wait3A_232 : memref<1x4x256x32xf32, #tpu.memory_space<vmem>> -> memref<4x256x32xf32, #tpu.memory_space<vmem>>
    %dma_wait3A_234 = arith.constant 0 : i32
    %dma_wait3A_235 = arith.constant 0 : i32
    %dma_wait3A_236 = tpu.memref_slice %dma_wait3A_233[%dma_wait3A_228, %dma_wait3A_234, %dma_wait3A_235] : memref<4x256x32xf32, #tpu.memory_space<vmem>> -> memref<1x256x32xf32, #tpu.memory_space<vmem>>
    %dma_wait3A_237 = tpu.memref_squeeze %dma_wait3A_236 : memref<1x256x32xf32, #tpu.memory_space<vmem>> -> memref<256x32xf32, #tpu.memory_space<vmem>>
    %dma_wait3A_238 = arith.constant 0 : i32
    %dma_wait3A_239 = tpu.memref_slice %arg6[%dma_wait3A_226, %dma_wait3A_238] : memref<40x256xi32, #tpu.memory_space<vmem>> -> memref<1x256xi32, #tpu.memory_space<vmem>>
    %dma_wait3A_240 = tpu.memref_squeeze %dma_wait3A_239 : memref<1x256xi32, #tpu.memory_space<vmem>> -> memref<256xi32, #tpu.memory_space<vmem>>
    %dma_wait3A_241 = arith.constant 0 : i32
    %dma_wait3A_242 = arith.constant 0 : i32
    %dma_wait3A_243 = tpu.memref_slice %arg10[%dma_wait3A_241, %dma_wait3A_242] : memref<10240x32xf32, #tpu.memory_space<vmem_shared>> -> memref<10240x32xf32, #tpu.memory_space<vmem_shared>>
    tpu.wait_indirect_dma semaphore(%arg11 : memref<!tpu.dma_semaphore, #tpu.memory_space<semaphore_mem>>) src(%dma_wait3A_243 : memref<10240x32xf32, #tpu.memory_space<vmem_shared>>) dst(%dma_wait3A_237 : memref<256x32xf32, #tpu.memory_space<vmem>>)
    %dma_wait3A_244 = arith.constant 34 : i32
    %dma_wait3A_245 = arith.constant 0 : i32
    %dma_wait3A_246 = arith.constant 2 : i32
    %dma_wait3A_247 = arith.constant 0 : i32
    %dma_wait3A_248 = arith.constant 0 : i32
    %dma_wait3A_249 = arith.constant 0 : i32
    %dma_wait3A_250 = tpu.memref_slice %arg8[%dma_wait3A_245, %dma_wait3A_247, %dma_wait3A_248, %dma_wait3A_249] : memref<2x4x256x32xf32, #tpu.memory_space<vmem>> -> memref<1x4x256x32xf32, #tpu.memory_space<vmem>>
    %dma_wait3A_251 = tpu.memref_squeeze %dma_wait3A_250 : memref<1x4x256x32xf32, #tpu.memory_space<vmem>> -> memref<4x256x32xf32, #tpu.memory_space<vmem>>
    %dma_wait3A_252 = arith.constant 0 : i32
    %dma_wait3A_253 = arith.constant 0 : i32
    %dma_wait3A_254 = tpu.memref_slice %dma_wait3A_251[%dma_wait3A_246, %dma_wait3A_252, %dma_wait3A_253] : memref<4x256x32xf32, #tpu.memory_space<vmem>> -> memref<1x256x32xf32, #tpu.memory_space<vmem>>
    %dma_wait3A_255 = tpu.memref_squeeze %dma_wait3A_254 : memref<1x256x32xf32, #tpu.memory_space<vmem>> -> memref<256x32xf32, #tpu.memory_space<vmem>>
    %dma_wait3A_256 = arith.constant 0 : i32
    %dma_wait3A_257 = tpu.memref_slice %arg6[%dma_wait3A_244, %dma_wait3A_256] : memref<40x256xi32, #tpu.memory_space<vmem>> -> memref<1x256xi32, #tpu.memory_space<vmem>>
    %dma_wait3A_258 = tpu.memref_squeeze %dma_wait3A_257 : memref<1x256xi32, #tpu.memory_space<vmem>> -> memref<256xi32, #tpu.memory_space<vmem>>
    %dma_wait3A_259 = arith.constant 0 : i32
    %dma_wait3A_260 = arith.constant 0 : i32
    %dma_wait3A_261 = tpu.memref_slice %arg10[%dma_wait3A_259, %dma_wait3A_260] : memref<10240x32xf32, #tpu.memory_space<vmem_shared>> -> memref<10240x32xf32, #tpu.memory_space<vmem_shared>>
    tpu.wait_indirect_dma semaphore(%arg11 : memref<!tpu.dma_semaphore, #tpu.memory_space<semaphore_mem>>) src(%dma_wait3A_261 : memref<10240x32xf32, #tpu.memory_space<vmem_shared>>) dst(%dma_wait3A_255 : memref<256x32xf32, #tpu.memory_space<vmem>>)
    %dma_wait3A_262 = arith.constant 35 : i32
    %dma_wait3A_263 = arith.constant 0 : i32
    %dma_wait3A_264 = arith.constant 3 : i32
    %dma_wait3A_265 = arith.constant 0 : i32
    %dma_wait3A_266 = arith.constant 0 : i32
    %dma_wait3A_267 = arith.constant 0 : i32
    %dma_wait3A_268 = tpu.memref_slice %arg8[%dma_wait3A_263, %dma_wait3A_265, %dma_wait3A_266, %dma_wait3A_267] : memref<2x4x256x32xf32, #tpu.memory_space<vmem>> -> memref<1x4x256x32xf32, #tpu.memory_space<vmem>>
    %dma_wait3A_269 = tpu.memref_squeeze %dma_wait3A_268 : memref<1x4x256x32xf32, #tpu.memory_space<vmem>> -> memref<4x256x32xf32, #tpu.memory_space<vmem>>
    %dma_wait3A_270 = arith.constant 0 : i32
    %dma_wait3A_271 = arith.constant 0 : i32
    %dma_wait3A_272 = tpu.memref_slice %dma_wait3A_269[%dma_wait3A_264, %dma_wait3A_270, %dma_wait3A_271] : memref<4x256x32xf32, #tpu.memory_space<vmem>> -> memref<1x256x32xf32, #tpu.memory_space<vmem>>
    %dma_wait3A_273 = tpu.memref_squeeze %dma_wait3A_272 : memref<1x256x32xf32, #tpu.memory_space<vmem>> -> memref<256x32xf32, #tpu.memory_space<vmem>>
    %dma_wait3A_274 = arith.constant 0 : i32
    %dma_wait3A_275 = tpu.memref_slice %arg6[%dma_wait3A_262, %dma_wait3A_274] : memref<40x256xi32, #tpu.memory_space<vmem>> -> memref<1x256xi32, #tpu.memory_space<vmem>>
    %dma_wait3A_276 = tpu.memref_squeeze %dma_wait3A_275 : memref<1x256xi32, #tpu.memory_space<vmem>> -> memref<256xi32, #tpu.memory_space<vmem>>
    %dma_wait3A_277 = arith.constant 0 : i32
    %dma_wait3A_278 = arith.constant 0 : i32
    %dma_wait3A_279 = tpu.memref_slice %arg10[%dma_wait3A_277, %dma_wait3A_278] : memref<10240x32xf32, #tpu.memory_space<vmem_shared>> -> memref<10240x32xf32, #tpu.memory_space<vmem_shared>>
    tpu.wait_indirect_dma semaphore(%arg11 : memref<!tpu.dma_semaphore, #tpu.memory_space<semaphore_mem>>) src(%dma_wait3A_279 : memref<10240x32xf32, #tpu.memory_space<vmem_shared>>) dst(%dma_wait3A_273 : memref<256x32xf32, #tpu.memory_space<vmem>>)
    %dma_start3A_280 = arith.constant 0 : i32
    %dma_start3A_281 = arith.constant 0 : i32
    %dma_start3A_282 = arith.constant 32 : i32
    %dma_start3A_283 = arith.constant 0 : i32
    %dma_start3A_284 = arith.constant 0 : i32
    %dma_start3A_285 = arith.constant 0 : i32
    %dma_start3A_286 = tpu.memref_slice %arg8[%dma_start3A_280, %dma_start3A_283, %dma_start3A_284, %dma_start3A_285] : memref<2x4x256x32xf32, #tpu.memory_space<vmem>> -> memref<1x4x256x32xf32, #tpu.memory_space<vmem>>
    %dma_start3A_287 = tpu.memref_squeeze %dma_start3A_286 : memref<1x4x256x32xf32, #tpu.memory_space<vmem>> -> memref<4x256x32xf32, #tpu.memory_space<vmem>>
    %dma_start3A_288 = arith.constant 0 : i32
    %dma_start3A_289 = arith.constant 0 : i32
    %dma_start3A_290 = tpu.memref_slice %dma_start3A_287[%dma_start3A_281, %dma_start3A_288, %dma_start3A_289] : memref<4x256x32xf32, #tpu.memory_space<vmem>> -> memref<1x256x32xf32, #tpu.memory_space<vmem>>
    %dma_start3A_291 = tpu.memref_squeeze %dma_start3A_290 : memref<1x256x32xf32, #tpu.memory_space<vmem>> -> memref<256x32xf32, #tpu.memory_space<vmem>>
    %dma_start3A_292 = arith.constant 0 : i32
    %dma_start3A_293 = tpu.memref_slice %arg7[%dma_start3A_282, %dma_start3A_292] : memref<40x256xi32, #tpu.memory_space<vmem>> -> memref<1x256xi32, #tpu.memory_space<vmem>>
    %dma_start3A_294 = tpu.memref_squeeze %dma_start3A_293 : memref<1x256xi32, #tpu.memory_space<vmem>> -> memref<256xi32, #tpu.memory_space<vmem>>
    %dma_start3A_295 = arith.constant 0 : i32
    %dma_start3A_296 = arith.constant 0 : i32
    %dma_start3A_297 = tpu.memref_slice %arg9[%dma_start3A_295, %dma_start3A_296] : memref<10240x32xf32, #tpu.memory_space<vmem_shared>> -> memref<10240x32xf32, #tpu.memory_space<vmem_shared>>
    tpu.enqueue_indirect_dma source(%dma_start3A_291 : memref<256x32xf32, #tpu.memory_space<vmem>>) target(%dma_start3A_297 : memref<10240x32xf32, #tpu.memory_space<vmem_shared>>) offsets(%dma_start3A_294 : memref<256xi32, #tpu.memory_space<vmem>>) semaphore(%arg13 : memref<!tpu.dma_semaphore, #tpu.memory_space<semaphore_mem>>) {add = true}
    %dma_start3A_298 = arith.constant 0 : i32
    %dma_start3A_299 = arith.constant 1 : i32
    %dma_start3A_300 = arith.constant 33 : i32
    %dma_start3A_301 = arith.constant 0 : i32
    %dma_start3A_302 = arith.constant 0 : i32
    %dma_start3A_303 = arith.constant 0 : i32
    %dma_start3A_304 = tpu.memref_slice %arg8[%dma_start3A_298, %dma_start3A_301, %dma_start3A_302, %dma_start3A_303] : memref<2x4x256x32xf32, #tpu.memory_space<vmem>> -> memref<1x4x256x32xf32, #tpu.memory_space<vmem>>
    %dma_start3A_305 = tpu.memref_squeeze %dma_start3A_304 : memref<1x4x256x32xf32, #tpu.memory_space<vmem>> -> memref<4x256x32xf32, #tpu.memory_space<vmem>>
    %dma_start3A_306 = arith.constant 0 : i32
    %dma_start3A_307 = arith.constant 0 : i32
    %dma_start3A_308 = tpu.memref_slice %dma_start3A_305[%dma_start3A_299, %dma_start3A_306, %dma_start3A_307] : memref<4x256x32xf32, #tpu.memory_space<vmem>> -> memref<1x256x32xf32, #tpu.memory_space<vmem>>
    %dma_start3A_309 = tpu.memref_squeeze %dma_start3A_308 : memref<1x256x32xf32, #tpu.memory_space<vmem>> -> memref<256x32xf32, #tpu.memory_space<vmem>>
    %dma_start3A_310 = arith.constant 0 : i32
    %dma_start3A_311 = tpu.memref_slice %arg7[%dma_start3A_300, %dma_start3A_310] : memref<40x256xi32, #tpu.memory_space<vmem>> -> memref<1x256xi32, #tpu.memory_space<vmem>>
    %dma_start3A_312 = tpu.memref_squeeze %dma_start3A_311 : memref<1x256xi32, #tpu.memory_space<vmem>> -> memref<256xi32, #tpu.memory_space<vmem>>
    %dma_start3A_313 = arith.constant 0 : i32
    %dma_start3A_314 = arith.constant 0 : i32
    %dma_start3A_315 = tpu.memref_slice %arg9[%dma_start3A_313, %dma_start3A_314] : memref<10240x32xf32, #tpu.memory_space<vmem_shared>> -> memref<10240x32xf32, #tpu.memory_space<vmem_shared>>
    tpu.enqueue_indirect_dma source(%dma_start3A_309 : memref<256x32xf32, #tpu.memory_space<vmem>>) target(%dma_start3A_315 : memref<10240x32xf32, #tpu.memory_space<vmem_shared>>) offsets(%dma_start3A_312 : memref<256xi32, #tpu.memory_space<vmem>>) semaphore(%arg13 : memref<!tpu.dma_semaphore, #tpu.memory_space<semaphore_mem>>) {add = true}
    %dma_start3A_316 = arith.constant 0 : i32
    %dma_start3A_317 = arith.constant 2 : i32
    %dma_start3A_318 = arith.constant 34 : i32
    %dma_start3A_319 = arith.constant 0 : i32
    %dma_start3A_320 = arith.constant 0 : i32
    %dma_start3A_321 = arith.constant 0 : i32
    %dma_start3A_322 = tpu.memref_slice %arg8[%dma_start3A_316, %dma_start3A_319, %dma_start3A_320, %dma_start3A_321] : memref<2x4x256x32xf32, #tpu.memory_space<vmem>> -> memref<1x4x256x32xf32, #tpu.memory_space<vmem>>
    %dma_start3A_323 = tpu.memref_squeeze %dma_start3A_322 : memref<1x4x256x32xf32, #tpu.memory_space<vmem>> -> memref<4x256x32xf32, #tpu.memory_space<vmem>>
    %dma_start3A_324 = arith.constant 0 : i32
    %dma_start3A_325 = arith.constant 0 : i32
    %dma_start3A_326 = tpu.memref_slice %dma_start3A_323[%dma_start3A_317, %dma_start3A_324, %dma_start3A_325] : memref<4x256x32xf32, #tpu.memory_space<vmem>> -> memref<1x256x32xf32, #tpu.memory_space<vmem>>
    %dma_start3A_327 = tpu.memref_squeeze %dma_start3A_326 : memref<1x256x32xf32, #tpu.memory_space<vmem>> -> memref<256x32xf32, #tpu.memory_space<vmem>>
    %dma_start3A_328 = arith.constant 0 : i32
    %dma_start3A_329 = tpu.memref_slice %arg7[%dma_start3A_318, %dma_start3A_328] : memref<40x256xi32, #tpu.memory_space<vmem>> -> memref<1x256xi32, #tpu.memory_space<vmem>>
    %dma_start3A_330 = tpu.memref_squeeze %dma_start3A_329 : memref<1x256xi32, #tpu.memory_space<vmem>> -> memref<256xi32, #tpu.memory_space<vmem>>
    %dma_start3A_331 = arith.constant 0 : i32
    %dma_start3A_332 = arith.constant 0 : i32
    %dma_start3A_333 = tpu.memref_slice %arg9[%dma_start3A_331, %dma_start3A_332] : memref<10240x32xf32, #tpu.memory_space<vmem_shared>> -> memref<10240x32xf32, #tpu.memory_space<vmem_shared>>
    tpu.enqueue_indirect_dma source(%dma_start3A_327 : memref<256x32xf32, #tpu.memory_space<vmem>>) target(%dma_start3A_333 : memref<10240x32xf32, #tpu.memory_space<vmem_shared>>) offsets(%dma_start3A_330 : memref<256xi32, #tpu.memory_space<vmem>>) semaphore(%arg13 : memref<!tpu.dma_semaphore, #tpu.memory_space<semaphore_mem>>) {add = true}
    %dma_start3A_334 = arith.constant 0 : i32
    %dma_start3A_335 = arith.constant 3 : i32
    %dma_start3A_336 = arith.constant 35 : i32
    %dma_start3A_337 = arith.constant 0 : i32
    %dma_start3A_338 = arith.constant 0 : i32
    %dma_start3A_339 = arith.constant 0 : i32
    %dma_start3A_340 = tpu.memref_slice %arg8[%dma_start3A_334, %dma_start3A_337, %dma_start3A_338, %dma_start3A_339] : memref<2x4x256x32xf32, #tpu.memory_space<vmem>> -> memref<1x4x256x32xf32, #tpu.memory_space<vmem>>
    %dma_start3A_341 = tpu.memref_squeeze %dma_start3A_340 : memref<1x4x256x32xf32, #tpu.memory_space<vmem>> -> memref<4x256x32xf32, #tpu.memory_space<vmem>>
    %dma_start3A_342 = arith.constant 0 : i32
    %dma_start3A_343 = arith.constant 0 : i32
    %dma_start3A_344 = tpu.memref_slice %dma_start3A_341[%dma_start3A_335, %dma_start3A_342, %dma_start3A_343] : memref<4x256x32xf32, #tpu.memory_space<vmem>> -> memref<1x256x32xf32, #tpu.memory_space<vmem>>
    %dma_start3A_345 = tpu.memref_squeeze %dma_start3A_344 : memref<1x256x32xf32, #tpu.memory_space<vmem>> -> memref<256x32xf32, #tpu.memory_space<vmem>>
    %dma_start3A_346 = arith.constant 0 : i32
    %dma_start3A_347 = tpu.memref_slice %arg7[%dma_start3A_336, %dma_start3A_346] : memref<40x256xi32, #tpu.memory_space<vmem>> -> memref<1x256xi32, #tpu.memory_space<vmem>>
    %dma_start3A_348 = tpu.memref_squeeze %dma_start3A_347 : memref<1x256xi32, #tpu.memory_space<vmem>> -> memref<256xi32, #tpu.memory_space<vmem>>
    %dma_start3A_349 = arith.constant 0 : i32
    %dma_start3A_350 = arith.constant 0 : i32
    %dma_start3A_351 = tpu.memref_slice %arg9[%dma_start3A_349, %dma_start3A_350] : memref<10240x32xf32, #tpu.memory_space<vmem_shared>> -> memref<10240x32xf32, #tpu.memory_space<vmem_shared>>
    tpu.enqueue_indirect_dma source(%dma_start3A_345 : memref<256x32xf32, #tpu.memory_space<vmem>>) target(%dma_start3A_351 : memref<10240x32xf32, #tpu.memory_space<vmem_shared>>) offsets(%dma_start3A_348 : memref<256xi32, #tpu.memory_space<vmem>>) semaphore(%arg13 : memref<!tpu.dma_semaphore, #tpu.memory_space<semaphore_mem>>) {add = true}
    %dma_wait3A_352 = arith.constant 0 : i32
    %dma_wait3A_353 = arith.constant 0 : i32
    %dma_wait3A_354 = arith.constant 32 : i32
    %dma_wait3A_355 = arith.constant 0 : i32
    %dma_wait3A_356 = arith.constant 0 : i32
    %dma_wait3A_357 = arith.constant 0 : i32
    %dma_wait3A_358 = tpu.memref_slice %arg8[%dma_wait3A_352, %dma_wait3A_355, %dma_wait3A_356, %dma_wait3A_357] : memref<2x4x256x32xf32, #tpu.memory_space<vmem>> -> memref<1x4x256x32xf32, #tpu.memory_space<vmem>>
    %dma_wait3A_359 = tpu.memref_squeeze %dma_wait3A_358 : memref<1x4x256x32xf32, #tpu.memory_space<vmem>> -> memref<4x256x32xf32, #tpu.memory_space<vmem>>
    %dma_wait3A_360 = arith.constant 0 : i32
    %dma_wait3A_361 = arith.constant 0 : i32
    %dma_wait3A_362 = tpu.memref_slice %dma_wait3A_359[%dma_wait3A_353, %dma_wait3A_360, %dma_wait3A_361] : memref<4x256x32xf32, #tpu.memory_space<vmem>> -> memref<1x256x32xf32, #tpu.memory_space<vmem>>
    %dma_wait3A_363 = tpu.memref_squeeze %dma_wait3A_362 : memref<1x256x32xf32, #tpu.memory_space<vmem>> -> memref<256x32xf32, #tpu.memory_space<vmem>>
    %dma_wait3A_364 = arith.constant 0 : i32
    %dma_wait3A_365 = tpu.memref_slice %arg7[%dma_wait3A_354, %dma_wait3A_364] : memref<40x256xi32, #tpu.memory_space<vmem>> -> memref<1x256xi32, #tpu.memory_space<vmem>>
    %dma_wait3A_366 = tpu.memref_squeeze %dma_wait3A_365 : memref<1x256xi32, #tpu.memory_space<vmem>> -> memref<256xi32, #tpu.memory_space<vmem>>
    %dma_wait3A_367 = arith.constant 0 : i32
    %dma_wait3A_368 = arith.constant 0 : i32
    %dma_wait3A_369 = tpu.memref_slice %arg9[%dma_wait3A_367, %dma_wait3A_368] : memref<10240x32xf32, #tpu.memory_space<vmem_shared>> -> memref<10240x32xf32, #tpu.memory_space<vmem_shared>>
    tpu.wait_indirect_dma semaphore(%arg13 : memref<!tpu.dma_semaphore, #tpu.memory_space<semaphore_mem>>) src(%dma_wait3A_363 : memref<256x32xf32, #tpu.memory_space<vmem>>) dst(%dma_wait3A_369 : memref<10240x32xf32, #tpu.memory_space<vmem_shared>>)
    %dma_wait3A_370 = arith.constant 0 : i32
    %dma_wait3A_371 = arith.constant 1 : i32
    %dma_wait3A_372 = arith.constant 33 : i32
    %dma_wait3A_373 = arith.constant 0 : i32
    %dma_wait3A_374 = arith.constant 0 : i32
    %dma_wait3A_375 = arith.constant 0 : i32
    %dma_wait3A_376 = tpu.memref_slice %arg8[%dma_wait3A_370, %dma_wait3A_373, %dma_wait3A_374, %dma_wait3A_375] : memref<2x4x256x32xf32, #tpu.memory_space<vmem>> -> memref<1x4x256x32xf32, #tpu.memory_space<vmem>>
    %dma_wait3A_377 = tpu.memref_squeeze %dma_wait3A_376 : memref<1x4x256x32xf32, #tpu.memory_space<vmem>> -> memref<4x256x32xf32, #tpu.memory_space<vmem>>
    %dma_wait3A_378 = arith.constant 0 : i32
    %dma_wait3A_379 = arith.constant 0 : i32
    %dma_wait3A_380 = tpu.memref_slice %dma_wait3A_377[%dma_wait3A_371, %dma_wait3A_378, %dma_wait3A_379] : memref<4x256x32xf32, #tpu.memory_space<vmem>> -> memref<1x256x32xf32, #tpu.memory_space<vmem>>
    %dma_wait3A_381 = tpu.memref_squeeze %dma_wait3A_380 : memref<1x256x32xf32, #tpu.memory_space<vmem>> -> memref<256x32xf32, #tpu.memory_space<vmem>>
    %dma_wait3A_382 = arith.constant 0 : i32
    %dma_wait3A_383 = tpu.memref_slice %arg7[%dma_wait3A_372, %dma_wait3A_382] : memref<40x256xi32, #tpu.memory_space<vmem>> -> memref<1x256xi32, #tpu.memory_space<vmem>>
    %dma_wait3A_384 = tpu.memref_squeeze %dma_wait3A_383 : memref<1x256xi32, #tpu.memory_space<vmem>> -> memref<256xi32, #tpu.memory_space<vmem>>
    %dma_wait3A_385 = arith.constant 0 : i32
    %dma_wait3A_386 = arith.constant 0 : i32
    %dma_wait3A_387 = tpu.memref_slice %arg9[%dma_wait3A_385, %dma_wait3A_386] : memref<10240x32xf32, #tpu.memory_space<vmem_shared>> -> memref<10240x32xf32, #tpu.memory_space<vmem_shared>>
    tpu.wait_indirect_dma semaphore(%arg13 : memref<!tpu.dma_semaphore, #tpu.memory_space<semaphore_mem>>) src(%dma_wait3A_381 : memref<256x32xf32, #tpu.memory_space<vmem>>) dst(%dma_wait3A_387 : memref<10240x32xf32, #tpu.memory_space<vmem_shared>>)
    %dma_wait3A_388 = arith.constant 0 : i32
    %dma_wait3A_389 = arith.constant 2 : i32
    %dma_wait3A_390 = arith.constant 34 : i32
    %dma_wait3A_391 = arith.constant 0 : i32
    %dma_wait3A_392 = arith.constant 0 : i32
    %dma_wait3A_393 = arith.constant 0 : i32
    %dma_wait3A_394 = tpu.memref_slice %arg8[%dma_wait3A_388, %dma_wait3A_391, %dma_wait3A_392, %dma_wait3A_393] : memref<2x4x256x32xf32, #tpu.memory_space<vmem>> -> memref<1x4x256x32xf32, #tpu.memory_space<vmem>>
    %dma_wait3A_395 = tpu.memref_squeeze %dma_wait3A_394 : memref<1x4x256x32xf32, #tpu.memory_space<vmem>> -> memref<4x256x32xf32, #tpu.memory_space<vmem>>
    %dma_wait3A_396 = arith.constant 0 : i32
    %dma_wait3A_397 = arith.constant 0 : i32
    %dma_wait3A_398 = tpu.memref_slice %dma_wait3A_395[%dma_wait3A_389, %dma_wait3A_396, %dma_wait3A_397] : memref<4x256x32xf32, #tpu.memory_space<vmem>> -> memref<1x256x32xf32, #tpu.memory_space<vmem>>
    %dma_wait3A_399 = tpu.memref_squeeze %dma_wait3A_398 : memref<1x256x32xf32, #tpu.memory_space<vmem>> -> memref<256x32xf32, #tpu.memory_space<vmem>>
    %dma_wait3A_400 = arith.constant 0 : i32
    %dma_wait3A_401 = tpu.memref_slice %arg7[%dma_wait3A_390, %dma_wait3A_400] : memref<40x256xi32, #tpu.memory_space<vmem>> -> memref<1x256xi32, #tpu.memory_space<vmem>>
    %dma_wait3A_402 = tpu.memref_squeeze %dma_wait3A_401 : memref<1x256xi32, #tpu.memory_space<vmem>> -> memref<256xi32, #tpu.memory_space<vmem>>
    %dma_wait3A_403 = arith.constant 0 : i32
    %dma_wait3A_404 = arith.constant 0 : i32
    %dma_wait3A_405 = tpu.memref_slice %arg9[%dma_wait3A_403, %dma_wait3A_404] : memref<10240x32xf32, #tpu.memory_space<vmem_shared>> -> memref<10240x32xf32, #tpu.memory_space<vmem_shared>>
    tpu.wait_indirect_dma semaphore(%arg13 : memref<!tpu.dma_semaphore, #tpu.memory_space<semaphore_mem>>) src(%dma_wait3A_399 : memref<256x32xf32, #tpu.memory_space<vmem>>) dst(%dma_wait3A_405 : memref<10240x32xf32, #tpu.memory_space<vmem_shared>>)
    %dma_wait3A_406 = arith.constant 0 : i32
    %dma_wait3A_407 = arith.constant 3 : i32
    %dma_wait3A_408 = arith.constant 35 : i32
    %dma_wait3A_409 = arith.constant 0 : i32
    %dma_wait3A_410 = arith.constant 0 : i32
    %dma_wait3A_411 = arith.constant 0 : i32
    %dma_wait3A_412 = tpu.memref_slice %arg8[%dma_wait3A_406, %dma_wait3A_409, %dma_wait3A_410, %dma_wait3A_411] : memref<2x4x256x32xf32, #tpu.memory_space<vmem>> -> memref<1x4x256x32xf32, #tpu.memory_space<vmem>>
    %dma_wait3A_413 = tpu.memref_squeeze %dma_wait3A_412 : memref<1x4x256x32xf32, #tpu.memory_space<vmem>> -> memref<4x256x32xf32, #tpu.memory_space<vmem>>
    %dma_wait3A_414 = arith.constant 0 : i32
    %dma_wait3A_415 = arith.constant 0 : i32
    %dma_wait3A_416 = tpu.memref_slice %dma_wait3A_413[%dma_wait3A_407, %dma_wait3A_414, %dma_wait3A_415] : memref<4x256x32xf32, #tpu.memory_space<vmem>> -> memref<1x256x32xf32, #tpu.memory_space<vmem>>
    %dma_wait3A_417 = tpu.memref_squeeze %dma_wait3A_416 : memref<1x256x32xf32, #tpu.memory_space<vmem>> -> memref<256x32xf32, #tpu.memory_space<vmem>>
    %dma_wait3A_418 = arith.constant 0 : i32
    %dma_wait3A_419 = tpu.memref_slice %arg7[%dma_wait3A_408, %dma_wait3A_418] : memref<40x256xi32, #tpu.memory_space<vmem>> -> memref<1x256xi32, #tpu.memory_space<vmem>>
    %dma_wait3A_420 = tpu.memref_squeeze %dma_wait3A_419 : memref<1x256xi32, #tpu.memory_space<vmem>> -> memref<256xi32, #tpu.memory_space<vmem>>
    %dma_wait3A_421 = arith.constant 0 : i32
    %dma_wait3A_422 = arith.constant 0 : i32
    %dma_wait3A_423 = tpu.memref_slice %arg9[%dma_wait3A_421, %dma_wait3A_422] : memref<10240x32xf32, #tpu.memory_space<vmem_shared>> -> memref<10240x32xf32, #tpu.memory_space<vmem_shared>>
    tpu.wait_indirect_dma semaphore(%arg13 : memref<!tpu.dma_semaphore, #tpu.memory_space<semaphore_mem>>) src(%dma_wait3A_417 : memref<256x32xf32, #tpu.memory_space<vmem>>) dst(%dma_wait3A_423 : memref<10240x32xf32, #tpu.memory_space<vmem_shared>>)
    %dma_wait3A_424 = arith.constant 36 : i32
    %dma_wait3A_425 = arith.constant 1 : i32
    %dma_wait3A_426 = arith.constant 0 : i32
    %dma_wait3A_427 = arith.constant 0 : i32
    %dma_wait3A_428 = arith.constant 0 : i32
    %dma_wait3A_429 = arith.constant 0 : i32
    %dma_wait3A_430 = tpu.memref_slice %arg8[%dma_wait3A_425, %dma_wait3A_427, %dma_wait3A_428, %dma_wait3A_429] : memref<2x4x256x32xf32, #tpu.memory_space<vmem>> -> memref<1x4x256x32xf32, #tpu.memory_space<vmem>>
    %dma_wait3A_431 = tpu.memref_squeeze %dma_wait3A_430 : memref<1x4x256x32xf32, #tpu.memory_space<vmem>> -> memref<4x256x32xf32, #tpu.memory_space<vmem>>
    %dma_wait3A_432 = arith.constant 0 : i32
    %dma_wait3A_433 = arith.constant 0 : i32
    %dma_wait3A_434 = tpu.memref_slice %dma_wait3A_431[%dma_wait3A_426, %dma_wait3A_432, %dma_wait3A_433] : memref<4x256x32xf32, #tpu.memory_space<vmem>> -> memref<1x256x32xf32, #tpu.memory_space<vmem>>
    %dma_wait3A_435 = tpu.memref_squeeze %dma_wait3A_434 : memref<1x256x32xf32, #tpu.memory_space<vmem>> -> memref<256x32xf32, #tpu.memory_space<vmem>>
    %dma_wait3A_436 = arith.constant 0 : i32
    %dma_wait3A_437 = tpu.memref_slice %arg6[%dma_wait3A_424, %dma_wait3A_436] : memref<40x256xi32, #tpu.memory_space<vmem>> -> memref<1x256xi32, #tpu.memory_space<vmem>>
    %dma_wait3A_438 = tpu.memref_squeeze %dma_wait3A_437 : memref<1x256xi32, #tpu.memory_space<vmem>> -> memref<256xi32, #tpu.memory_space<vmem>>
    %dma_wait3A_439 = arith.constant 0 : i32
    %dma_wait3A_440 = arith.constant 0 : i32
    %dma_wait3A_441 = tpu.memref_slice %arg10[%dma_wait3A_439, %dma_wait3A_440] : memref<10240x32xf32, #tpu.memory_space<vmem_shared>> -> memref<10240x32xf32, #tpu.memory_space<vmem_shared>>
    tpu.wait_indirect_dma semaphore(%arg12 : memref<!tpu.dma_semaphore, #tpu.memory_space<semaphore_mem>>) src(%dma_wait3A_441 : memref<10240x32xf32, #tpu.memory_space<vmem_shared>>) dst(%dma_wait3A_435 : memref<256x32xf32, #tpu.memory_space<vmem>>)
    %dma_wait3A_442 = arith.constant 37 : i32
    %dma_wait3A_443 = arith.constant 1 : i32
    %dma_wait3A_444 = arith.constant 1 : i32
    %dma_wait3A_445 = arith.constant 0 : i32
    %dma_wait3A_446 = arith.constant 0 : i32
    %dma_wait3A_447 = arith.constant 0 : i32
    %dma_wait3A_448 = tpu.memref_slice %arg8[%dma_wait3A_443, %dma_wait3A_445, %dma_wait3A_446, %dma_wait3A_447] : memref<2x4x256x32xf32, #tpu.memory_space<vmem>> -> memref<1x4x256x32xf32, #tpu.memory_space<vmem>>
    %dma_wait3A_449 = tpu.memref_squeeze %dma_wait3A_448 : memref<1x4x256x32xf32, #tpu.memory_space<vmem>> -> memref<4x256x32xf32, #tpu.memory_space<vmem>>
    %dma_wait3A_450 = arith.constant 0 : i32
    %dma_wait3A_451 = arith.constant 0 : i32
    %dma_wait3A_452 = tpu.memref_slice %dma_wait3A_449[%dma_wait3A_444, %dma_wait3A_450, %dma_wait3A_451] : memref<4x256x32xf32, #tpu.memory_space<vmem>> -> memref<1x256x32xf32, #tpu.memory_space<vmem>>
    %dma_wait3A_453 = tpu.memref_squeeze %dma_wait3A_452 : memref<1x256x32xf32, #tpu.memory_space<vmem>> -> memref<256x32xf32, #tpu.memory_space<vmem>>
    %dma_wait3A_454 = arith.constant 0 : i32
    %dma_wait3A_455 = tpu.memref_slice %arg6[%dma_wait3A_442, %dma_wait3A_454] : memref<40x256xi32, #tpu.memory_space<vmem>> -> memref<1x256xi32, #tpu.memory_space<vmem>>
    %dma_wait3A_456 = tpu.memref_squeeze %dma_wait3A_455 : memref<1x256xi32, #tpu.memory_space<vmem>> -> memref<256xi32, #tpu.memory_space<vmem>>
    %dma_wait3A_457 = arith.constant 0 : i32
    %dma_wait3A_458 = arith.constant 0 : i32
    %dma_wait3A_459 = tpu.memref_slice %arg10[%dma_wait3A_457, %dma_wait3A_458] : memref<10240x32xf32, #tpu.memory_space<vmem_shared>> -> memref<10240x32xf32, #tpu.memory_space<vmem_shared>>
    tpu.wait_indirect_dma semaphore(%arg12 : memref<!tpu.dma_semaphore, #tpu.memory_space<semaphore_mem>>) src(%dma_wait3A_459 : memref<10240x32xf32, #tpu.memory_space<vmem_shared>>) dst(%dma_wait3A_453 : memref<256x32xf32, #tpu.memory_space<vmem>>)
    %dma_wait3A_460 = arith.constant 38 : i32
    %dma_wait3A_461 = arith.constant 1 : i32
    %dma_wait3A_462 = arith.constant 2 : i32
    %dma_wait3A_463 = arith.constant 0 : i32
    %dma_wait3A_464 = arith.constant 0 : i32
    %dma_wait3A_465 = arith.constant 0 : i32
    %dma_wait3A_466 = tpu.memref_slice %arg8[%dma_wait3A_461, %dma_wait3A_463, %dma_wait3A_464, %dma_wait3A_465] : memref<2x4x256x32xf32, #tpu.memory_space<vmem>> -> memref<1x4x256x32xf32, #tpu.memory_space<vmem>>
    %dma_wait3A_467 = tpu.memref_squeeze %dma_wait3A_466 : memref<1x4x256x32xf32, #tpu.memory_space<vmem>> -> memref<4x256x32xf32, #tpu.memory_space<vmem>>
    %dma_wait3A_468 = arith.constant 0 : i32
    %dma_wait3A_469 = arith.constant 0 : i32
    %dma_wait3A_470 = tpu.memref_slice %dma_wait3A_467[%dma_wait3A_462, %dma_wait3A_468, %dma_wait3A_469] : memref<4x256x32xf32, #tpu.memory_space<vmem>> -> memref<1x256x32xf32, #tpu.memory_space<vmem>>
    %dma_wait3A_471 = tpu.memref_squeeze %dma_wait3A_470 : memref<1x256x32xf32, #tpu.memory_space<vmem>> -> memref<256x32xf32, #tpu.memory_space<vmem>>
    %dma_wait3A_472 = arith.constant 0 : i32
    %dma_wait3A_473 = tpu.memref_slice %arg6[%dma_wait3A_460, %dma_wait3A_472] : memref<40x256xi32, #tpu.memory_space<vmem>> -> memref<1x256xi32, #tpu.memory_space<vmem>>
    %dma_wait3A_474 = tpu.memref_squeeze %dma_wait3A_473 : memref<1x256xi32, #tpu.memory_space<vmem>> -> memref<256xi32, #tpu.memory_space<vmem>>
    %dma_wait3A_475 = arith.constant 0 : i32
    %dma_wait3A_476 = arith.constant 0 : i32
    %dma_wait3A_477 = tpu.memref_slice %arg10[%dma_wait3A_475, %dma_wait3A_476] : memref<10240x32xf32, #tpu.memory_space<vmem_shared>> -> memref<10240x32xf32, #tpu.memory_space<vmem_shared>>
    tpu.wait_indirect_dma semaphore(%arg12 : memref<!tpu.dma_semaphore, #tpu.memory_space<semaphore_mem>>) src(%dma_wait3A_477 : memref<10240x32xf32, #tpu.memory_space<vmem_shared>>) dst(%dma_wait3A_471 : memref<256x32xf32, #tpu.memory_space<vmem>>)
    %dma_wait3A_478 = arith.constant 39 : i32
    %dma_wait3A_479 = arith.constant 1 : i32
    %dma_wait3A_480 = arith.constant 3 : i32
    %dma_wait3A_481 = arith.constant 0 : i32
    %dma_wait3A_482 = arith.constant 0 : i32
    %dma_wait3A_483 = arith.constant 0 : i32
    %dma_wait3A_484 = tpu.memref_slice %arg8[%dma_wait3A_479, %dma_wait3A_481, %dma_wait3A_482, %dma_wait3A_483] : memref<2x4x256x32xf32, #tpu.memory_space<vmem>> -> memref<1x4x256x32xf32, #tpu.memory_space<vmem>>
    %dma_wait3A_485 = tpu.memref_squeeze %dma_wait3A_484 : memref<1x4x256x32xf32, #tpu.memory_space<vmem>> -> memref<4x256x32xf32, #tpu.memory_space<vmem>>
    %dma_wait3A_486 = arith.constant 0 : i32
    %dma_wait3A_487 = arith.constant 0 : i32
    %dma_wait3A_488 = tpu.memref_slice %dma_wait3A_485[%dma_wait3A_480, %dma_wait3A_486, %dma_wait3A_487] : memref<4x256x32xf32, #tpu.memory_space<vmem>> -> memref<1x256x32xf32, #tpu.memory_space<vmem>>
    %dma_wait3A_489 = tpu.memref_squeeze %dma_wait3A_488 : memref<1x256x32xf32, #tpu.memory_space<vmem>> -> memref<256x32xf32, #tpu.memory_space<vmem>>
    %dma_wait3A_490 = arith.constant 0 : i32
    %dma_wait3A_491 = tpu.memref_slice %arg6[%dma_wait3A_478, %dma_wait3A_490] : memref<40x256xi32, #tpu.memory_space<vmem>> -> memref<1x256xi32, #tpu.memory_space<vmem>>
    %dma_wait3A_492 = tpu.memref_squeeze %dma_wait3A_491 : memref<1x256xi32, #tpu.memory_space<vmem>> -> memref<256xi32, #tpu.memory_space<vmem>>
    %dma_wait3A_493 = arith.constant 0 : i32
    %dma_wait3A_494 = arith.constant 0 : i32
    %dma_wait3A_495 = tpu.memref_slice %arg10[%dma_wait3A_493, %dma_wait3A_494] : memref<10240x32xf32, #tpu.memory_space<vmem_shared>> -> memref<10240x32xf32, #tpu.memory_space<vmem_shared>>
    tpu.wait_indirect_dma semaphore(%arg12 : memref<!tpu.dma_semaphore, #tpu.memory_space<semaphore_mem>>) src(%dma_wait3A_495 : memref<10240x32xf32, #tpu.memory_space<vmem_shared>>) dst(%dma_wait3A_489 : memref<256x32xf32, #tpu.memory_space<vmem>>)
    %dma_start3A_496 = arith.constant 1 : i32
    %dma_start3A_497 = arith.constant 0 : i32
    %dma_start3A_498 = arith.constant 36 : i32
    %dma_start3A_499 = arith.constant 0 : i32
    %dma_start3A_500 = arith.constant 0 : i32
    %dma_start3A_501 = arith.constant 0 : i32
    %dma_start3A_502 = tpu.memref_slice %arg8[%dma_start3A_496, %dma_start3A_499, %dma_start3A_500, %dma_start3A_501] : memref<2x4x256x32xf32, #tpu.memory_space<vmem>> -> memref<1x4x256x32xf32, #tpu.memory_space<vmem>>
    %dma_start3A_503 = tpu.memref_squeeze %dma_start3A_502 : memref<1x4x256x32xf32, #tpu.memory_space<vmem>> -> memref<4x256x32xf32, #tpu.memory_space<vmem>>
    %dma_start3A_504 = arith.constant 0 : i32
    %dma_start3A_505 = arith.constant 0 : i32
    %dma_start3A_506 = tpu.memref_slice %dma_start3A_503[%dma_start3A_497, %dma_start3A_504, %dma_start3A_505] : memref<4x256x32xf32, #tpu.memory_space<vmem>> -> memref<1x256x32xf32, #tpu.memory_space<vmem>>
    %dma_start3A_507 = tpu.memref_squeeze %dma_start3A_506 : memref<1x256x32xf32, #tpu.memory_space<vmem>> -> memref<256x32xf32, #tpu.memory_space<vmem>>
    %dma_start3A_508 = arith.constant 0 : i32
    %dma_start3A_509 = tpu.memref_slice %arg7[%dma_start3A_498, %dma_start3A_508] : memref<40x256xi32, #tpu.memory_space<vmem>> -> memref<1x256xi32, #tpu.memory_space<vmem>>
    %dma_start3A_510 = tpu.memref_squeeze %dma_start3A_509 : memref<1x256xi32, #tpu.memory_space<vmem>> -> memref<256xi32, #tpu.memory_space<vmem>>
    %dma_start3A_511 = arith.constant 0 : i32
    %dma_start3A_512 = arith.constant 0 : i32
    %dma_start3A_513 = tpu.memref_slice %arg9[%dma_start3A_511, %dma_start3A_512] : memref<10240x32xf32, #tpu.memory_space<vmem_shared>> -> memref<10240x32xf32, #tpu.memory_space<vmem_shared>>
    tpu.enqueue_indirect_dma source(%dma_start3A_507 : memref<256x32xf32, #tpu.memory_space<vmem>>) target(%dma_start3A_513 : memref<10240x32xf32, #tpu.memory_space<vmem_shared>>) offsets(%dma_start3A_510 : memref<256xi32, #tpu.memory_space<vmem>>) semaphore(%arg14 : memref<!tpu.dma_semaphore, #tpu.memory_space<semaphore_mem>>) {add = true}
    %dma_start3A_514 = arith.constant 1 : i32
    %dma_start3A_515 = arith.constant 1 : i32
    %dma_start3A_516 = arith.constant 37 : i32
    %dma_start3A_517 = arith.constant 0 : i32
    %dma_start3A_518 = arith.constant 0 : i32
    %dma_start3A_519 = arith.constant 0 : i32
    %dma_start3A_520 = tpu.memref_slice %arg8[%dma_start3A_514, %dma_start3A_517, %dma_start3A_518, %dma_start3A_519] : memref<2x4x256x32xf32, #tpu.memory_space<vmem>> -> memref<1x4x256x32xf32, #tpu.memory_space<vmem>>
    %dma_start3A_521 = tpu.memref_squeeze %dma_start3A_520 : memref<1x4x256x32xf32, #tpu.memory_space<vmem>> -> memref<4x256x32xf32, #tpu.memory_space<vmem>>
    %dma_start3A_522 = arith.constant 0 : i32
    %dma_start3A_523 = arith.constant 0 : i32
    %dma_start3A_524 = tpu.memref_slice %dma_start3A_521[%dma_start3A_515, %dma_start3A_522, %dma_start3A_523] : memref<4x256x32xf32, #tpu.memory_space<vmem>> -> memref<1x256x32xf32, #tpu.memory_space<vmem>>
    %dma_start3A_525 = tpu.memref_squeeze %dma_start3A_524 : memref<1x256x32xf32, #tpu.memory_space<vmem>> -> memref<256x32xf32, #tpu.memory_space<vmem>>
    %dma_start3A_526 = arith.constant 0 : i32
    %dma_start3A_527 = tpu.memref_slice %arg7[%dma_start3A_516, %dma_start3A_526] : memref<40x256xi32, #tpu.memory_space<vmem>> -> memref<1x256xi32, #tpu.memory_space<vmem>>
    %dma_start3A_528 = tpu.memref_squeeze %dma_start3A_527 : memref<1x256xi32, #tpu.memory_space<vmem>> -> memref<256xi32, #tpu.memory_space<vmem>>
    %dma_start3A_529 = arith.constant 0 : i32
    %dma_start3A_530 = arith.constant 0 : i32
    %dma_start3A_531 = tpu.memref_slice %arg9[%dma_start3A_529, %dma_start3A_530] : memref<10240x32xf32, #tpu.memory_space<vmem_shared>> -> memref<10240x32xf32, #tpu.memory_space<vmem_shared>>
    tpu.enqueue_indirect_dma source(%dma_start3A_525 : memref<256x32xf32, #tpu.memory_space<vmem>>) target(%dma_start3A_531 : memref<10240x32xf32, #tpu.memory_space<vmem_shared>>) offsets(%dma_start3A_528 : memref<256xi32, #tpu.memory_space<vmem>>) semaphore(%arg14 : memref<!tpu.dma_semaphore, #tpu.memory_space<semaphore_mem>>) {add = true}
    %dma_start3A_532 = arith.constant 1 : i32
    %dma_start3A_533 = arith.constant 2 : i32
    %dma_start3A_534 = arith.constant 38 : i32
    %dma_start3A_535 = arith.constant 0 : i32
    %dma_start3A_536 = arith.constant 0 : i32
    %dma_start3A_537 = arith.constant 0 : i32
    %dma_start3A_538 = tpu.memref_slice %arg8[%dma_start3A_532, %dma_start3A_535, %dma_start3A_536, %dma_start3A_537] : memref<2x4x256x32xf32, #tpu.memory_space<vmem>> -> memref<1x4x256x32xf32, #tpu.memory_space<vmem>>
    %dma_start3A_539 = tpu.memref_squeeze %dma_start3A_538 : memref<1x4x256x32xf32, #tpu.memory_space<vmem>> -> memref<4x256x32xf32, #tpu.memory_space<vmem>>
    %dma_start3A_540 = arith.constant 0 : i32
    %dma_start3A_541 = arith.constant 0 : i32
    %dma_start3A_542 = tpu.memref_slice %dma_start3A_539[%dma_start3A_533, %dma_start3A_540, %dma_start3A_541] : memref<4x256x32xf32, #tpu.memory_space<vmem>> -> memref<1x256x32xf32, #tpu.memory_space<vmem>>
    %dma_start3A_543 = tpu.memref_squeeze %dma_start3A_542 : memref<1x256x32xf32, #tpu.memory_space<vmem>> -> memref<256x32xf32, #tpu.memory_space<vmem>>
    %dma_start3A_544 = arith.constant 0 : i32
    %dma_start3A_545 = tpu.memref_slice %arg7[%dma_start3A_534, %dma_start3A_544] : memref<40x256xi32, #tpu.memory_space<vmem>> -> memref<1x256xi32, #tpu.memory_space<vmem>>
    %dma_start3A_546 = tpu.memref_squeeze %dma_start3A_545 : memref<1x256xi32, #tpu.memory_space<vmem>> -> memref<256xi32, #tpu.memory_space<vmem>>
    %dma_start3A_547 = arith.constant 0 : i32
    %dma_start3A_548 = arith.constant 0 : i32
    %dma_start3A_549 = tpu.memref_slice %arg9[%dma_start3A_547, %dma_start3A_548] : memref<10240x32xf32, #tpu.memory_space<vmem_shared>> -> memref<10240x32xf32, #tpu.memory_space<vmem_shared>>
    tpu.enqueue_indirect_dma source(%dma_start3A_543 : memref<256x32xf32, #tpu.memory_space<vmem>>) target(%dma_start3A_549 : memref<10240x32xf32, #tpu.memory_space<vmem_shared>>) offsets(%dma_start3A_546 : memref<256xi32, #tpu.memory_space<vmem>>) semaphore(%arg14 : memref<!tpu.dma_semaphore, #tpu.memory_space<semaphore_mem>>) {add = true}
    %dma_start3A_550 = arith.constant 1 : i32
    %dma_start3A_551 = arith.constant 3 : i32
    %dma_start3A_552 = arith.constant 39 : i32
    %dma_start3A_553 = arith.constant 0 : i32
    %dma_start3A_554 = arith.constant 0 : i32
    %dma_start3A_555 = arith.constant 0 : i32
    %dma_start3A_556 = tpu.memref_slice %arg8[%dma_start3A_550, %dma_start3A_553, %dma_start3A_554, %dma_start3A_555] : memref<2x4x256x32xf32, #tpu.memory_space<vmem>> -> memref<1x4x256x32xf32, #tpu.memory_space<vmem>>
    %dma_start3A_557 = tpu.memref_squeeze %dma_start3A_556 : memref<1x4x256x32xf32, #tpu.memory_space<vmem>> -> memref<4x256x32xf32, #tpu.memory_space<vmem>>
    %dma_start3A_558 = arith.constant 0 : i32
    %dma_start3A_559 = arith.constant 0 : i32
    %dma_start3A_560 = tpu.memref_slice %dma_start3A_557[%dma_start3A_551, %dma_start3A_558, %dma_start3A_559] : memref<4x256x32xf32, #tpu.memory_space<vmem>> -> memref<1x256x32xf32, #tpu.memory_space<vmem>>
    %dma_start3A_561 = tpu.memref_squeeze %dma_start3A_560 : memref<1x256x32xf32, #tpu.memory_space<vmem>> -> memref<256x32xf32, #tpu.memory_space<vmem>>
    %dma_start3A_562 = arith.constant 0 : i32
    %dma_start3A_563 = tpu.memref_slice %arg7[%dma_start3A_552, %dma_start3A_562] : memref<40x256xi32, #tpu.memory_space<vmem>> -> memref<1x256xi32, #tpu.memory_space<vmem>>
    %dma_start3A_564 = tpu.memref_squeeze %dma_start3A_563 : memref<1x256xi32, #tpu.memory_space<vmem>> -> memref<256xi32, #tpu.memory_space<vmem>>
    %dma_start3A_565 = arith.constant 0 : i32
    %dma_start3A_566 = arith.constant 0 : i32
    %dma_start3A_567 = tpu.memref_slice %arg9[%dma_start3A_565, %dma_start3A_566] : memref<10240x32xf32, #tpu.memory_space<vmem_shared>> -> memref<10240x32xf32, #tpu.memory_space<vmem_shared>>
    tpu.enqueue_indirect_dma source(%dma_start3A_561 : memref<256x32xf32, #tpu.memory_space<vmem>>) target(%dma_start3A_567 : memref<10240x32xf32, #tpu.memory_space<vmem_shared>>) offsets(%dma_start3A_564 : memref<256xi32, #tpu.memory_space<vmem>>) semaphore(%arg14 : memref<!tpu.dma_semaphore, #tpu.memory_space<semaphore_mem>>) {add = true}
    %dma_wait3A_568 = arith.constant 1 : i32
    %dma_wait3A_569 = arith.constant 0 : i32
    %dma_wait3A_570 = arith.constant 36 : i32
    %dma_wait3A_571 = arith.constant 0 : i32
    %dma_wait3A_572 = arith.constant 0 : i32
    %dma_wait3A_573 = arith.constant 0 : i32
    %dma_wait3A_574 = tpu.memref_slice %arg8[%dma_wait3A_568, %dma_wait3A_571, %dma_wait3A_572, %dma_wait3A_573] : memref<2x4x256x32xf32, #tpu.memory_space<vmem>> -> memref<1x4x256x32xf32, #tpu.memory_space<vmem>>
    %dma_wait3A_575 = tpu.memref_squeeze %dma_wait3A_574 : memref<1x4x256x32xf32, #tpu.memory_space<vmem>> -> memref<4x256x32xf32, #tpu.memory_space<vmem>>
    %dma_wait3A_576 = arith.constant 0 : i32
    %dma_wait3A_577 = arith.constant 0 : i32
    %dma_wait3A_578 = tpu.memref_slice %dma_wait3A_575[%dma_wait3A_569, %dma_wait3A_576, %dma_wait3A_577] : memref<4x256x32xf32, #tpu.memory_space<vmem>> -> memref<1x256x32xf32, #tpu.memory_space<vmem>>
    %dma_wait3A_579 = tpu.memref_squeeze %dma_wait3A_578 : memref<1x256x32xf32, #tpu.memory_space<vmem>> -> memref<256x32xf32, #tpu.memory_space<vmem>>
    %dma_wait3A_580 = arith.constant 0 : i32
    %dma_wait3A_581 = tpu.memref_slice %arg7[%dma_wait3A_570, %dma_wait3A_580] : memref<40x256xi32, #tpu.memory_space<vmem>> -> memref<1x256xi32, #tpu.memory_space<vmem>>
    %dma_wait3A_582 = tpu.memref_squeeze %dma_wait3A_581 : memref<1x256xi32, #tpu.memory_space<vmem>> -> memref<256xi32, #tpu.memory_space<vmem>>
    %dma_wait3A_583 = arith.constant 0 : i32
    %dma_wait3A_584 = arith.constant 0 : i32
    %dma_wait3A_585 = tpu.memref_slice %arg9[%dma_wait3A_583, %dma_wait3A_584] : memref<10240x32xf32, #tpu.memory_space<vmem_shared>> -> memref<10240x32xf32, #tpu.memory_space<vmem_shared>>
    tpu.wait_indirect_dma semaphore(%arg14 : memref<!tpu.dma_semaphore, #tpu.memory_space<semaphore_mem>>) src(%dma_wait3A_579 : memref<256x32xf32, #tpu.memory_space<vmem>>) dst(%dma_wait3A_585 : memref<10240x32xf32, #tpu.memory_space<vmem_shared>>)
    %dma_wait3A_586 = arith.constant 1 : i32
    %dma_wait3A_587 = arith.constant 1 : i32
    %dma_wait3A_588 = arith.constant 37 : i32
    %dma_wait3A_589 = arith.constant 0 : i32
    %dma_wait3A_590 = arith.constant 0 : i32
    %dma_wait3A_591 = arith.constant 0 : i32
    %dma_wait3A_592 = tpu.memref_slice %arg8[%dma_wait3A_586, %dma_wait3A_589, %dma_wait3A_590, %dma_wait3A_591] : memref<2x4x256x32xf32, #tpu.memory_space<vmem>> -> memref<1x4x256x32xf32, #tpu.memory_space<vmem>>
    %dma_wait3A_593 = tpu.memref_squeeze %dma_wait3A_592 : memref<1x4x256x32xf32, #tpu.memory_space<vmem>> -> memref<4x256x32xf32, #tpu.memory_space<vmem>>
    %dma_wait3A_594 = arith.constant 0 : i32
    %dma_wait3A_595 = arith.constant 0 : i32
    %dma_wait3A_596 = tpu.memref_slice %dma_wait3A_593[%dma_wait3A_587, %dma_wait3A_594, %dma_wait3A_595] : memref<4x256x32xf32, #tpu.memory_space<vmem>> -> memref<1x256x32xf32, #tpu.memory_space<vmem>>
    %dma_wait3A_597 = tpu.memref_squeeze %dma_wait3A_596 : memref<1x256x32xf32, #tpu.memory_space<vmem>> -> memref<256x32xf32, #tpu.memory_space<vmem>>
    %dma_wait3A_598 = arith.constant 0 : i32
    %dma_wait3A_599 = tpu.memref_slice %arg7[%dma_wait3A_588, %dma_wait3A_598] : memref<40x256xi32, #tpu.memory_space<vmem>> -> memref<1x256xi32, #tpu.memory_space<vmem>>
    %dma_wait3A_600 = tpu.memref_squeeze %dma_wait3A_599 : memref<1x256xi32, #tpu.memory_space<vmem>> -> memref<256xi32, #tpu.memory_space<vmem>>
    %dma_wait3A_601 = arith.constant 0 : i32
    %dma_wait3A_602 = arith.constant 0 : i32
    %dma_wait3A_603 = tpu.memref_slice %arg9[%dma_wait3A_601, %dma_wait3A_602] : memref<10240x32xf32, #tpu.memory_space<vmem_shared>> -> memref<10240x32xf32, #tpu.memory_space<vmem_shared>>
    tpu.wait_indirect_dma semaphore(%arg14 : memref<!tpu.dma_semaphore, #tpu.memory_space<semaphore_mem>>) src(%dma_wait3A_597 : memref<256x32xf32, #tpu.memory_space<vmem>>) dst(%dma_wait3A_603 : memref<10240x32xf32, #tpu.memory_space<vmem_shared>>)
    %dma_wait3A_604 = arith.constant 1 : i32
    %dma_wait3A_605 = arith.constant 2 : i32
    %dma_wait3A_606 = arith.constant 38 : i32
    %dma_wait3A_607 = arith.constant 0 : i32
    %dma_wait3A_608 = arith.constant 0 : i32
    %dma_wait3A_609 = arith.constant 0 : i32
    %dma_wait3A_610 = tpu.memref_slice %arg8[%dma_wait3A_604, %dma_wait3A_607, %dma_wait3A_608, %dma_wait3A_609] : memref<2x4x256x32xf32, #tpu.memory_space<vmem>> -> memref<1x4x256x32xf32, #tpu.memory_space<vmem>>
    %dma_wait3A_611 = tpu.memref_squeeze %dma_wait3A_610 : memref<1x4x256x32xf32, #tpu.memory_space<vmem>> -> memref<4x256x32xf32, #tpu.memory_space<vmem>>
    %dma_wait3A_612 = arith.constant 0 : i32
    %dma_wait3A_613 = arith.constant 0 : i32
    %dma_wait3A_614 = tpu.memref_slice %dma_wait3A_611[%dma_wait3A_605, %dma_wait3A_612, %dma_wait3A_613] : memref<4x256x32xf32, #tpu.memory_space<vmem>> -> memref<1x256x32xf32, #tpu.memory_space<vmem>>
    %dma_wait3A_615 = tpu.memref_squeeze %dma_wait3A_614 : memref<1x256x32xf32, #tpu.memory_space<vmem>> -> memref<256x32xf32, #tpu.memory_space<vmem>>
    %dma_wait3A_616 = arith.constant 0 : i32
    %dma_wait3A_617 = tpu.memref_slice %arg7[%dma_wait3A_606, %dma_wait3A_616] : memref<40x256xi32, #tpu.memory_space<vmem>> -> memref<1x256xi32, #tpu.memory_space<vmem>>
    %dma_wait3A_618 = tpu.memref_squeeze %dma_wait3A_617 : memref<1x256xi32, #tpu.memory_space<vmem>> -> memref<256xi32, #tpu.memory_space<vmem>>
    %dma_wait3A_619 = arith.constant 0 : i32
    %dma_wait3A_620 = arith.constant 0 : i32
    %dma_wait3A_621 = tpu.memref_slice %arg9[%dma_wait3A_619, %dma_wait3A_620] : memref<10240x32xf32, #tpu.memory_space<vmem_shared>> -> memref<10240x32xf32, #tpu.memory_space<vmem_shared>>
    tpu.wait_indirect_dma semaphore(%arg14 : memref<!tpu.dma_semaphore, #tpu.memory_space<semaphore_mem>>) src(%dma_wait3A_615 : memref<256x32xf32, #tpu.memory_space<vmem>>) dst(%dma_wait3A_621 : memref<10240x32xf32, #tpu.memory_space<vmem_shared>>)
    %dma_wait3A_622 = arith.constant 1 : i32
    %dma_wait3A_623 = arith.constant 3 : i32
    %dma_wait3A_624 = arith.constant 39 : i32
    %dma_wait3A_625 = arith.constant 0 : i32
    %dma_wait3A_626 = arith.constant 0 : i32
    %dma_wait3A_627 = arith.constant 0 : i32
    %dma_wait3A_628 = tpu.memref_slice %arg8[%dma_wait3A_622, %dma_wait3A_625, %dma_wait3A_626, %dma_wait3A_627] : memref<2x4x256x32xf32, #tpu.memory_space<vmem>> -> memref<1x4x256x32xf32, #tpu.memory_space<vmem>>
    %dma_wait3A_629 = tpu.memref_squeeze %dma_wait3A_628 : memref<1x4x256x32xf32, #tpu.memory_space<vmem>> -> memref<4x256x32xf32, #tpu.memory_space<vmem>>
    %dma_wait3A_630 = arith.constant 0 : i32
    %dma_wait3A_631 = arith.constant 0 : i32
    %dma_wait3A_632 = tpu.memref_slice %dma_wait3A_629[%dma_wait3A_623, %dma_wait3A_630, %dma_wait3A_631] : memref<4x256x32xf32, #tpu.memory_space<vmem>> -> memref<1x256x32xf32, #tpu.memory_space<vmem>>
    %dma_wait3A_633 = tpu.memref_squeeze %dma_wait3A_632 : memref<1x256x32xf32, #tpu.memory_space<vmem>> -> memref<256x32xf32, #tpu.memory_space<vmem>>
    %dma_wait3A_634 = arith.constant 0 : i32
    %dma_wait3A_635 = tpu.memref_slice %arg7[%dma_wait3A_624, %dma_wait3A_634] : memref<40x256xi32, #tpu.memory_space<vmem>> -> memref<1x256xi32, #tpu.memory_space<vmem>>
    %dma_wait3A_636 = tpu.memref_squeeze %dma_wait3A_635 : memref<1x256xi32, #tpu.memory_space<vmem>> -> memref<256xi32, #tpu.memory_space<vmem>>
    %dma_wait3A_637 = arith.constant 0 : i32
    %dma_wait3A_638 = arith.constant 0 : i32
    %dma_wait3A_639 = tpu.memref_slice %arg9[%dma_wait3A_637, %dma_wait3A_638] : memref<10240x32xf32, #tpu.memory_space<vmem_shared>> -> memref<10240x32xf32, #tpu.memory_space<vmem_shared>>
    tpu.wait_indirect_dma semaphore(%arg14 : memref<!tpu.dma_semaphore, #tpu.memory_space<semaphore_mem>>) src(%dma_wait3A_633 : memref<256x32xf32, #tpu.memory_space<vmem>>) dst(%dma_wait3A_639 : memref<10240x32xf32, #tpu.memory_space<vmem_shared>>)
    %barrier3A_640 = arith.constant 0 : index
    tpu.barrier barrier_id(%barrier3A_640)
    %mul3A_641 = arith.constant 640 : i32
    %mul3A_642 = arith.muli %arg1, %mul3A_641 : i32
    %mul3A_643 = arith.constant 640 : i32
    %mul3A_644 = arith.muli %arg1, %mul3A_643 : i32
    "tpu.region"() ({
      %run_scoped3A_645 = tpu.sem_alloc : memref<!tpu.dma_semaphore, #tpu.memory_space<semaphore_mem>>
      %dma_start3A_646 = arith.constant 0 : i32
      %dma_start3A_647 = arith.constant 0 : i32
      %dma_start3A_648 = tpu.memref_slice %arg5[%arg0, %dma_start3A_646, %dma_start3A_647] : memref<2x10240x32xf32, #tpu.memory_space<hbm>> -> memref<1x10240x32xf32, #tpu.memory_space<hbm>>
      %dma_start3A_649 = tpu.memref_squeeze %dma_start3A_648 : memref<1x10240x32xf32, #tpu.memory_space<hbm>> -> memref<10240x32xf32, #tpu.memory_space<hbm>>
      %dma_start3A_650 = arith.constant 0 : i32
      %dma_start3A_651 = tpu.memref_slice %dma_start3A_649[%mul3A_644, %dma_start3A_650] : memref<10240x32xf32, #tpu.memory_space<hbm>> -> memref<640x32xf32, #tpu.memory_space<hbm>>
      %dma_start3A_652 = arith.constant 0 : i32
      %dma_start3A_653 = tpu.memref_slice %arg9[%mul3A_642, %dma_start3A_652] : memref<10240x32xf32, #tpu.memory_space<vmem_shared>> -> memref<640x32xf32, #tpu.memory_space<vmem_shared>>
      tpu.enqueue_dma source(%dma_start3A_653 : memref<640x32xf32, #tpu.memory_space<vmem_shared>>) target(%dma_start3A_651 : memref<640x32xf32, #tpu.memory_space<hbm>>) target_semaphore(%run_scoped3A_645 : memref<!tpu.dma_semaphore, #tpu.memory_space<semaphore_mem>>)
      %dma_wait3A_654 = arith.constant 0 : i32
      %dma_wait3A_655 = arith.constant 0 : i32
      %dma_wait3A_656 = tpu.memref_slice %arg5[%arg0, %dma_wait3A_654, %dma_wait3A_655] : memref<2x10240x32xf32, #tpu.memory_space<hbm>> -> memref<1x10240x32xf32, #tpu.memory_space<hbm>>
      %dma_wait3A_657 = tpu.memref_squeeze %dma_wait3A_656 : memref<1x10240x32xf32, #tpu.memory_space<hbm>> -> memref<10240x32xf32, #tpu.memory_space<hbm>>
      %dma_wait3A_658 = arith.constant 0 : i32
      %dma_wait3A_659 = tpu.memref_slice %dma_wait3A_657[%mul3A_644, %dma_wait3A_658] : memref<10240x32xf32, #tpu.memory_space<hbm>> -> memref<640x32xf32, #tpu.memory_space<hbm>>
      %dma_wait3A_660 = arith.constant 0 : i32
      %dma_wait3A_661 = tpu.memref_slice %arg9[%mul3A_642, %dma_wait3A_660] : memref<10240x32xf32, #tpu.memory_space<vmem_shared>> -> memref<640x32xf32, #tpu.memory_space<vmem_shared>>
      tpu.wait_dma2 semaphore(%run_scoped3A_645 : memref<!tpu.dma_semaphore, #tpu.memory_space<semaphore_mem>>) src(%dma_wait3A_661 : memref<640x32xf32, #tpu.memory_space<vmem_shared>>) dst(%dma_wait3A_659 : memref<640x32xf32, #tpu.memory_space<hbm>>)
      tpu.yield
    }) : () -> ()
    return
  }
}

#map = affine_map<(d0, d1) -> (0, 0)>
module attributes {stable_mosaic.version = 14 : i64} {
  func.func @_sc_count(%arg0: i32, %arg1: i32, %arg2: memref<1280x256xi32, #tpu.memory_space<hbm>>, %arg3: memref<2x10240xf32, #tpu.memory_space<hbm>>, %arg4: memref<40x256xi32, #tpu.memory_space<vmem>>, %arg5: memref<256xf32, #tpu.memory_space<vmem>>, %arg6: memref<640xf32, #tpu.memory_space<vmem>>, %arg7: memref<10240xf32, #tpu.memory_space<vmem_shared>>, %arg8: memref<!tpu.dma_semaphore, #tpu.memory_space<semaphore_mem>>) attributes {dimension_semantics = [#tpu.dimension_semantics<core_parallel>, #tpu.dimension_semantics<subcore_parallel>], iteration_bounds = array<i64: 2, 16>, scalar_prefetch = 0 : i64, scratch_operands = 5 : i64, tpu.core_type = #tpu.core_type<sc_vector_subcore>, window_params = [{transform_indices = #map}, {transform_indices = #map}]} {
    %mul3A = arith.constant 2 : i32
    %mul3A_0 = arith.muli %arg1, %mul3A : i32
    %add3A = arith.addi %mul3A_0, %arg0 : i32
    %broadcast_in_dim3A = arith.constant 0.000000e+00 : f32
    %broadcast_in_dim3A_1 = vector.broadcast %broadcast_in_dim3A : f32 to vector<16xf32>
    %broadcast_in_dim3A_2 = arith.constant 1.000000e+00 : f32
    %broadcast_in_dim3A_3 = vector.broadcast %broadcast_in_dim3A_2 : f32 to vector<16xf32>
    %mul3A_4 = arith.constant 40 : i32
    %mul3A_5 = arith.muli %add3A, %mul3A_4 : i32
    %dma_start3A = arith.constant 0 : i32
    %dma_start3A_6 = tpu.memref_slice %arg2[%mul3A_5, %dma_start3A] : memref<1280x256xi32, #tpu.memory_space<hbm>> -> memref<40x256xi32, #tpu.memory_space<hbm>>
    %dma_start3A_7 = arith.constant 0 : i32
    %dma_start3A_8 = tpu.memref_slice %arg2[%mul3A_5, %dma_start3A_7] : memref<1280x256xi32, #tpu.memory_space<hbm>> -> memref<40x256xi32, #tpu.memory_space<hbm>>
    tpu.enqueue_dma source(%dma_start3A_8 : memref<40x256xi32, #tpu.memory_space<hbm>>) target(%arg4 : memref<40x256xi32, #tpu.memory_space<vmem>>) target_semaphore(%arg8 : memref<!tpu.dma_semaphore, #tpu.memory_space<semaphore_mem>>)
    %scan3A = arith.constant 0 : i32
    %scan3A_9 = arith.constant 0 : i32
    %scan3A_10 = arith.constant 40 : i32
    %scan3A_11 = arith.addi %scan3A_9, %scan3A_10 : i32
    %scan3A_12 = arith.constant 1 : i32
    %scan3A_13 = scf.for %scan3A_95 = %scan3A_9 to %scan3A_11 step %scan3A_12 iter_args(%scan3A_96 = %scan3A) -> (i32)  : i32 {
      %mul3A_97 = arith.constant 16 : i32
      %mul3A_98 = arith.muli %scan3A_95, %mul3A_97 : i32
      %swap3A_99 = arith.index_cast %mul3A_98 : i32 to index
      %swap3A_100 = tpu.vector_load %arg6[%swap3A_99] {strides = array<i32>} : memref<640xf32, #tpu.memory_space<vmem>>, vector<16xf32>,
      %swap3A_101 = vector.shape_cast %swap3A_100 : vector<16xf32> to vector<16xf32>
      %swap3A_102 = vector.shape_cast %broadcast_in_dim3A_1 : vector<16xf32> to vector<16xf32>
      tpu.vector_store %arg6[%swap3A_99], %swap3A_102 {strides = array<i32>} : memref<640xf32, #tpu.memory_space<vmem>>, vector<16xf32>,
      %scan3A_103 = arith.constant 0 : i32
      scf.yield %scan3A_103 : i32
    }
    %scan3A_14 = arith.constant 40 : i32
    %swap3A = arith.constant 0 : index
    %swap3A_15 = tpu.vector_load %arg5[%swap3A] {strides = array<i32>} : memref<256xf32, #tpu.memory_space<vmem>>, vector<16xf32>,
    %swap3A_16 = vector.shape_cast %swap3A_15 : vector<16xf32> to vector<16xf32>
    %swap3A_17 = vector.shape_cast %broadcast_in_dim3A_3 : vector<16xf32> to vector<16xf32>
    tpu.vector_store %arg5[%swap3A], %swap3A_17 {strides = array<i32>} : memref<256xf32, #tpu.memory_space<vmem>>, vector<16xf32>,
    %swap3A_18 = arith.constant 16 : index
    %swap3A_19 = tpu.vector_load %arg5[%swap3A_18] {strides = array<i32>} : memref<256xf32, #tpu.memory_space<vmem>>, vector<16xf32>,
    %swap3A_20 = vector.shape_cast %swap3A_19 : vector<16xf32> to vector<16xf32>
    %swap3A_21 = vector.shape_cast %broadcast_in_dim3A_3 : vector<16xf32> to vector<16xf32>
    tpu.vector_store %arg5[%swap3A_18], %swap3A_21 {strides = array<i32>} : memref<256xf32, #tpu.memory_space<vmem>>, vector<16xf32>,
    %swap3A_22 = arith.constant 32 : index
    %swap3A_23 = tpu.vector_load %arg5[%swap3A_22] {strides = array<i32>} : memref<256xf32, #tpu.memory_space<vmem>>, vector<16xf32>,
    %swap3A_24 = vector.shape_cast %swap3A_23 : vector<16xf32> to vector<16xf32>
    %swap3A_25 = vector.shape_cast %broadcast_in_dim3A_3 : vector<16xf32> to vector<16xf32>
    tpu.vector_store %arg5[%swap3A_22], %swap3A_25 {strides = array<i32>} : memref<256xf32, #tpu.memory_space<vmem>>, vector<16xf32>,
    %swap3A_26 = arith.constant 48 : index
    %swap3A_27 = tpu.vector_load %arg5[%swap3A_26] {strides = array<i32>} : memref<256xf32, #tpu.memory_space<vmem>>, vector<16xf32>,
    %swap3A_28 = vector.shape_cast %swap3A_27 : vector<16xf32> to vector<16xf32>
    %swap3A_29 = vector.shape_cast %broadcast_in_dim3A_3 : vector<16xf32> to vector<16xf32>
    tpu.vector_store %arg5[%swap3A_26], %swap3A_29 {strides = array<i32>} : memref<256xf32, #tpu.memory_space<vmem>>, vector<16xf32>,
    %swap3A_30 = arith.constant 64 : index
    %swap3A_31 = tpu.vector_load %arg5[%swap3A_30] {strides = array<i32>} : memref<256xf32, #tpu.memory_space<vmem>>, vector<16xf32>,
    %swap3A_32 = vector.shape_cast %swap3A_31 : vector<16xf32> to vector<16xf32>
    %swap3A_33 = vector.shape_cast %broadcast_in_dim3A_3 : vector<16xf32> to vector<16xf32>
    tpu.vector_store %arg5[%swap3A_30], %swap3A_33 {strides = array<i32>} : memref<256xf32, #tpu.memory_space<vmem>>, vector<16xf32>,
    %swap3A_34 = arith.constant 80 : index
    %swap3A_35 = tpu.vector_load %arg5[%swap3A_34] {strides = array<i32>} : memref<256xf32, #tpu.memory_space<vmem>>, vector<16xf32>,
    %swap3A_36 = vector.shape_cast %swap3A_35 : vector<16xf32> to vector<16xf32>
    %swap3A_37 = vector.shape_cast %broadcast_in_dim3A_3 : vector<16xf32> to vector<16xf32>
    tpu.vector_store %arg5[%swap3A_34], %swap3A_37 {strides = array<i32>} : memref<256xf32, #tpu.memory_space<vmem>>, vector<16xf32>,
    %swap3A_38 = arith.constant 96 : index
    %swap3A_39 = tpu.vector_load %arg5[%swap3A_38] {strides = array<i32>} : memref<256xf32, #tpu.memory_space<vmem>>, vector<16xf32>,
    %swap3A_40 = vector.shape_cast %swap3A_39 : vector<16xf32> to vector<16xf32>
    %swap3A_41 = vector.shape_cast %broadcast_in_dim3A_3 : vector<16xf32> to vector<16xf32>
    tpu.vector_store %arg5[%swap3A_38], %swap3A_41 {strides = array<i32>} : memref<256xf32, #tpu.memory_space<vmem>>, vector<16xf32>,
    %swap3A_42 = arith.constant 112 : index
    %swap3A_43 = tpu.vector_load %arg5[%swap3A_42] {strides = array<i32>} : memref<256xf32, #tpu.memory_space<vmem>>, vector<16xf32>,
    %swap3A_44 = vector.shape_cast %swap3A_43 : vector<16xf32> to vector<16xf32>
    %swap3A_45 = vector.shape_cast %broadcast_in_dim3A_3 : vector<16xf32> to vector<16xf32>
    tpu.vector_store %arg5[%swap3A_42], %swap3A_45 {strides = array<i32>} : memref<256xf32, #tpu.memory_space<vmem>>, vector<16xf32>,
    %swap3A_46 = arith.constant 128 : index
    %swap3A_47 = tpu.vector_load %arg5[%swap3A_46] {strides = array<i32>} : memref<256xf32, #tpu.memory_space<vmem>>, vector<16xf32>,
    %swap3A_48 = vector.shape_cast %swap3A_47 : vector<16xf32> to vector<16xf32>
    %swap3A_49 = vector.shape_cast %broadcast_in_dim3A_3 : vector<16xf32> to vector<16xf32>
    tpu.vector_store %arg5[%swap3A_46], %swap3A_49 {strides = array<i32>} : memref<256xf32, #tpu.memory_space<vmem>>, vector<16xf32>,
    %swap3A_50 = arith.constant 144 : index
    %swap3A_51 = tpu.vector_load %arg5[%swap3A_50] {strides = array<i32>} : memref<256xf32, #tpu.memory_space<vmem>>, vector<16xf32>,
    %swap3A_52 = vector.shape_cast %swap3A_51 : vector<16xf32> to vector<16xf32>
    %swap3A_53 = vector.shape_cast %broadcast_in_dim3A_3 : vector<16xf32> to vector<16xf32>
    tpu.vector_store %arg5[%swap3A_50], %swap3A_53 {strides = array<i32>} : memref<256xf32, #tpu.memory_space<vmem>>, vector<16xf32>,
    %swap3A_54 = arith.constant 160 : index
    %swap3A_55 = tpu.vector_load %arg5[%swap3A_54] {strides = array<i32>} : memref<256xf32, #tpu.memory_space<vmem>>, vector<16xf32>,
    %swap3A_56 = vector.shape_cast %swap3A_55 : vector<16xf32> to vector<16xf32>
    %swap3A_57 = vector.shape_cast %broadcast_in_dim3A_3 : vector<16xf32> to vector<16xf32>
    tpu.vector_store %arg5[%swap3A_54], %swap3A_57 {strides = array<i32>} : memref<256xf32, #tpu.memory_space<vmem>>, vector<16xf32>,
    %swap3A_58 = arith.constant 176 : index
    %swap3A_59 = tpu.vector_load %arg5[%swap3A_58] {strides = array<i32>} : memref<256xf32, #tpu.memory_space<vmem>>, vector<16xf32>,
    %swap3A_60 = vector.shape_cast %swap3A_59 : vector<16xf32> to vector<16xf32>
    %swap3A_61 = vector.shape_cast %broadcast_in_dim3A_3 : vector<16xf32> to vector<16xf32>
    tpu.vector_store %arg5[%swap3A_58], %swap3A_61 {strides = array<i32>} : memref<256xf32, #tpu.memory_space<vmem>>, vector<16xf32>,
    %swap3A_62 = arith.constant 192 : index
    %swap3A_63 = tpu.vector_load %arg5[%swap3A_62] {strides = array<i32>} : memref<256xf32, #tpu.memory_space<vmem>>, vector<16xf32>,
    %swap3A_64 = vector.shape_cast %swap3A_63 : vector<16xf32> to vector<16xf32>
    %swap3A_65 = vector.shape_cast %broadcast_in_dim3A_3 : vector<16xf32> to vector<16xf32>
    tpu.vector_store %arg5[%swap3A_62], %swap3A_65 {strides = array<i32>} : memref<256xf32, #tpu.memory_space<vmem>>, vector<16xf32>,
    %swap3A_66 = arith.constant 208 : index
    %swap3A_67 = tpu.vector_load %arg5[%swap3A_66] {strides = array<i32>} : memref<256xf32, #tpu.memory_space<vmem>>, vector<16xf32>,
    %swap3A_68 = vector.shape_cast %swap3A_67 : vector<16xf32> to vector<16xf32>
    %swap3A_69 = vector.shape_cast %broadcast_in_dim3A_3 : vector<16xf32> to vector<16xf32>
    tpu.vector_store %arg5[%swap3A_66], %swap3A_69 {strides = array<i32>} : memref<256xf32, #tpu.memory_space<vmem>>, vector<16xf32>,
    %swap3A_70 = arith.constant 224 : index
    %swap3A_71 = tpu.vector_load %arg5[%swap3A_70] {strides = array<i32>} : memref<256xf32, #tpu.memory_space<vmem>>, vector<16xf32>,
    %swap3A_72 = vector.shape_cast %swap3A_71 : vector<16xf32> to vector<16xf32>
    %swap3A_73 = vector.shape_cast %broadcast_in_dim3A_3 : vector<16xf32> to vector<16xf32>
    tpu.vector_store %arg5[%swap3A_70], %swap3A_73 {strides = array<i32>} : memref<256xf32, #tpu.memory_space<vmem>>, vector<16xf32>,
    %swap3A_74 = arith.constant 240 : index
    %swap3A_75 = tpu.vector_load %arg5[%swap3A_74] {strides = array<i32>} : memref<256xf32, #tpu.memory_space<vmem>>, vector<16xf32>,
    %swap3A_76 = vector.shape_cast %swap3A_75 : vector<16xf32> to vector<16xf32>
    %swap3A_77 = vector.shape_cast %broadcast_in_dim3A_3 : vector<16xf32> to vector<16xf32>
    tpu.vector_store %arg5[%swap3A_74], %swap3A_77 {strides = array<i32>} : memref<256xf32, #tpu.memory_space<vmem>>, vector<16xf32>,
    %mul3A_78 = arith.constant 640 : i32
    %mul3A_79 = arith.muli %arg1, %mul3A_78 : i32
    "tpu.region"() ({
      %run_scoped3A = tpu.sem_alloc : memref<!tpu.dma_semaphore, #tpu.memory_space<semaphore_mem>>
      %dma_start3A_95 = tpu.memref_slice %arg7[%mul3A_79] : memref<10240xf32, #tpu.memory_space<vmem_shared>> -> memref<640xf32, #tpu.memory_space<vmem_shared>>
      %dma_start3A_96 = tpu.memref_slice %arg7[%mul3A_79] : memref<10240xf32, #tpu.memory_space<vmem_shared>> -> memref<640xf32, #tpu.memory_space<vmem_shared>>
      tpu.enqueue_dma source(%arg6 : memref<640xf32, #tpu.memory_space<vmem>>) target(%dma_start3A_96 : memref<640xf32, #tpu.memory_space<vmem_shared>>) target_semaphore(%run_scoped3A : memref<!tpu.dma_semaphore, #tpu.memory_space<semaphore_mem>>)
      %dma_wait3A_97 = tpu.memref_slice %arg7[%mul3A_79] : memref<10240xf32, #tpu.memory_space<vmem_shared>> -> memref<640xf32, #tpu.memory_space<vmem_shared>>
      %dma_wait3A_98 = tpu.memref_slice %arg7[%mul3A_79] : memref<10240xf32, #tpu.memory_space<vmem_shared>> -> memref<640xf32, #tpu.memory_space<vmem_shared>>
      tpu.wait_dma2 semaphore(%run_scoped3A : memref<!tpu.dma_semaphore, #tpu.memory_space<semaphore_mem>>) src(%arg6 : memref<640xf32, #tpu.memory_space<vmem>>) dst(%dma_wait3A_98 : memref<640xf32, #tpu.memory_space<vmem_shared>>)
      tpu.yield
    }) : () -> ()
    %dma_wait3A = arith.constant 0 : i32
    %dma_wait3A_80 = tpu.memref_slice %arg2[%mul3A_5, %dma_wait3A] : memref<1280x256xi32, #tpu.memory_space<hbm>> -> memref<40x256xi32, #tpu.memory_space<hbm>>
    %dma_wait3A_81 = arith.constant 0 : i32
    %dma_wait3A_82 = tpu.memref_slice %arg2[%mul3A_5, %dma_wait3A_81] : memref<1280x256xi32, #tpu.memory_space<hbm>> -> memref<40x256xi32, #tpu.memory_space<hbm>>
    tpu.wait_dma2 semaphore(%arg8 : memref<!tpu.dma_semaphore, #tpu.memory_space<semaphore_mem>>) src(%dma_wait3A_82 : memref<40x256xi32, #tpu.memory_space<hbm>>) dst(%arg4 : memref<40x256xi32, #tpu.memory_space<vmem>>)
    %barrier3A = arith.constant 0 : index
    tpu.barrier barrier_id(%barrier3A)
    %scan3A_83 = arith.constant 0 : i32
    %scan3A_84 = arith.constant 0 : i32
    %scan3A_85 = arith.constant 5 : i32
    %scan3A_86 = arith.addi %scan3A_84, %scan3A_85 : i32
    %scan3A_87 = arith.constant 1 : i32
    %scan3A_88 = scf.for %scan3A_95 = %scan3A_84 to %scan3A_86 step %scan3A_87 iter_args(%scan3A_96 = %scan3A_83) -> (i32)  : i32 {
      %mul3A_97 = arith.constant 8 : i32
      %mul3A_98 = arith.muli %scan3A_95, %mul3A_97 : i32
      %add3A_99 = arith.constant 0 : i32
      %add3A_100 = arith.addi %mul3A_98, %add3A_99 : i32
      %dma_start3A_101 = arith.constant 0 : i32
      %dma_start3A_102 = tpu.memref_slice %arg4[%add3A_100, %dma_start3A_101] : memref<40x256xi32, #tpu.memory_space<vmem>> -> memref<1x256xi32, #tpu.memory_space<vmem>>
      %dma_start3A_103 = tpu.memref_squeeze %dma_start3A_102 : memref<1x256xi32, #tpu.memory_space<vmem>> -> memref<256xi32, #tpu.memory_space<vmem>>
      %dma_start3A_104 = arith.constant 0 : i32
      %dma_start3A_105 = tpu.memref_slice %arg7[%dma_start3A_104] : memref<10240xf32, #tpu.memory_space<vmem_shared>> -> memref<10240xf32, #tpu.memory_space<vmem_shared>>
      tpu.enqueue_indirect_dma source(%arg5 : memref<256xf32, #tpu.memory_space<vmem>>) target(%dma_start3A_105 : memref<10240xf32, #tpu.memory_space<vmem_shared>>) offsets(%dma_start3A_103 : memref<256xi32, #tpu.memory_space<vmem>>) semaphore(%arg8 : memref<!tpu.dma_semaphore, #tpu.memory_space<semaphore_mem>>) {add = true}
      %mul3A_106 = arith.constant 8 : i32
      %mul3A_107 = arith.muli %scan3A_95, %mul3A_106 : i32
      %add3A_108 = arith.constant 1 : i32
      %add3A_109 = arith.addi %mul3A_107, %add3A_108 : i32
      %dma_start3A_110 = arith.constant 0 : i32
      %dma_start3A_111 = tpu.memref_slice %arg4[%add3A_109, %dma_start3A_110] : memref<40x256xi32, #tpu.memory_space<vmem>> -> memref<1x256xi32, #tpu.memory_space<vmem>>
      %dma_start3A_112 = tpu.memref_squeeze %dma_start3A_111 : memref<1x256xi32, #tpu.memory_space<vmem>> -> memref<256xi32, #tpu.memory_space<vmem>>
      %dma_start3A_113 = arith.constant 0 : i32
      %dma_start3A_114 = tpu.memref_slice %arg7[%dma_start3A_113] : memref<10240xf32, #tpu.memory_space<vmem_shared>> -> memref<10240xf32, #tpu.memory_space<vmem_shared>>
      tpu.enqueue_indirect_dma source(%arg5 : memref<256xf32, #tpu.memory_space<vmem>>) target(%dma_start3A_114 : memref<10240xf32, #tpu.memory_space<vmem_shared>>) offsets(%dma_start3A_112 : memref<256xi32, #tpu.memory_space<vmem>>) semaphore(%arg8 : memref<!tpu.dma_semaphore, #tpu.memory_space<semaphore_mem>>) {add = true}
      %mul3A_115 = arith.constant 8 : i32
      %mul3A_116 = arith.muli %scan3A_95, %mul3A_115 : i32
      %add3A_117 = arith.constant 2 : i32
      %add3A_118 = arith.addi %mul3A_116, %add3A_117 : i32
      %dma_start3A_119 = arith.constant 0 : i32
      %dma_start3A_120 = tpu.memref_slice %arg4[%add3A_118, %dma_start3A_119] : memref<40x256xi32, #tpu.memory_space<vmem>> -> memref<1x256xi32, #tpu.memory_space<vmem>>
      %dma_start3A_121 = tpu.memref_squeeze %dma_start3A_120 : memref<1x256xi32, #tpu.memory_space<vmem>> -> memref<256xi32, #tpu.memory_space<vmem>>
      %dma_start3A_122 = arith.constant 0 : i32
      %dma_start3A_123 = tpu.memref_slice %arg7[%dma_start3A_122] : memref<10240xf32, #tpu.memory_space<vmem_shared>> -> memref<10240xf32, #tpu.memory_space<vmem_shared>>
      tpu.enqueue_indirect_dma source(%arg5 : memref<256xf32, #tpu.memory_space<vmem>>) target(%dma_start3A_123 : memref<10240xf32, #tpu.memory_space<vmem_shared>>) offsets(%dma_start3A_121 : memref<256xi32, #tpu.memory_space<vmem>>) semaphore(%arg8 : memref<!tpu.dma_semaphore, #tpu.memory_space<semaphore_mem>>) {add = true}
      %mul3A_124 = arith.constant 8 : i32
      %mul3A_125 = arith.muli %scan3A_95, %mul3A_124 : i32
      %add3A_126 = arith.constant 3 : i32
      %add3A_127 = arith.addi %mul3A_125, %add3A_126 : i32
      %dma_start3A_128 = arith.constant 0 : i32
      %dma_start3A_129 = tpu.memref_slice %arg4[%add3A_127, %dma_start3A_128] : memref<40x256xi32, #tpu.memory_space<vmem>> -> memref<1x256xi32, #tpu.memory_space<vmem>>
      %dma_start3A_130 = tpu.memref_squeeze %dma_start3A_129 : memref<1x256xi32, #tpu.memory_space<vmem>> -> memref<256xi32, #tpu.memory_space<vmem>>
      %dma_start3A_131 = arith.constant 0 : i32
      %dma_start3A_132 = tpu.memref_slice %arg7[%dma_start3A_131] : memref<10240xf32, #tpu.memory_space<vmem_shared>> -> memref<10240xf32, #tpu.memory_space<vmem_shared>>
      tpu.enqueue_indirect_dma source(%arg5 : memref<256xf32, #tpu.memory_space<vmem>>) target(%dma_start3A_132 : memref<10240xf32, #tpu.memory_space<vmem_shared>>) offsets(%dma_start3A_130 : memref<256xi32, #tpu.memory_space<vmem>>) semaphore(%arg8 : memref<!tpu.dma_semaphore, #tpu.memory_space<semaphore_mem>>) {add = true}
      %mul3A_133 = arith.constant 8 : i32
      %mul3A_134 = arith.muli %scan3A_95, %mul3A_133 : i32
      %add3A_135 = arith.constant 4 : i32
      %add3A_136 = arith.addi %mul3A_134, %add3A_135 : i32
      %dma_start3A_137 = arith.constant 0 : i32
      %dma_start3A_138 = tpu.memref_slice %arg4[%add3A_136, %dma_start3A_137] : memref<40x256xi32, #tpu.memory_space<vmem>> -> memref<1x256xi32, #tpu.memory_space<vmem>>
      %dma_start3A_139 = tpu.memref_squeeze %dma_start3A_138 : memref<1x256xi32, #tpu.memory_space<vmem>> -> memref<256xi32, #tpu.memory_space<vmem>>
      %dma_start3A_140 = arith.constant 0 : i32
      %dma_start3A_141 = tpu.memref_slice %arg7[%dma_start3A_140] : memref<10240xf32, #tpu.memory_space<vmem_shared>> -> memref<10240xf32, #tpu.memory_space<vmem_shared>>
      tpu.enqueue_indirect_dma source(%arg5 : memref<256xf32, #tpu.memory_space<vmem>>) target(%dma_start3A_141 : memref<10240xf32, #tpu.memory_space<vmem_shared>>) offsets(%dma_start3A_139 : memref<256xi32, #tpu.memory_space<vmem>>) semaphore(%arg8 : memref<!tpu.dma_semaphore, #tpu.memory_space<semaphore_mem>>) {add = true}
      %mul3A_142 = arith.constant 8 : i32
      %mul3A_143 = arith.muli %scan3A_95, %mul3A_142 : i32
      %add3A_144 = arith.constant 5 : i32
      %add3A_145 = arith.addi %mul3A_143, %add3A_144 : i32
      %dma_start3A_146 = arith.constant 0 : i32
      %dma_start3A_147 = tpu.memref_slice %arg4[%add3A_145, %dma_start3A_146] : memref<40x256xi32, #tpu.memory_space<vmem>> -> memref<1x256xi32, #tpu.memory_space<vmem>>
      %dma_start3A_148 = tpu.memref_squeeze %dma_start3A_147 : memref<1x256xi32, #tpu.memory_space<vmem>> -> memref<256xi32, #tpu.memory_space<vmem>>
      %dma_start3A_149 = arith.constant 0 : i32
      %dma_start3A_150 = tpu.memref_slice %arg7[%dma_start3A_149] : memref<10240xf32, #tpu.memory_space<vmem_shared>> -> memref<10240xf32, #tpu.memory_space<vmem_shared>>
      tpu.enqueue_indirect_dma source(%arg5 : memref<256xf32, #tpu.memory_space<vmem>>) target(%dma_start3A_150 : memref<10240xf32, #tpu.memory_space<vmem_shared>>) offsets(%dma_start3A_148 : memref<256xi32, #tpu.memory_space<vmem>>) semaphore(%arg8 : memref<!tpu.dma_semaphore, #tpu.memory_space<semaphore_mem>>) {add = true}
      %mul3A_151 = arith.constant 8 : i32
      %mul3A_152 = arith.muli %scan3A_95, %mul3A_151 : i32
      %add3A_153 = arith.constant 6 : i32
      %add3A_154 = arith.addi %mul3A_152, %add3A_153 : i32
      %dma_start3A_155 = arith.constant 0 : i32
      %dma_start3A_156 = tpu.memref_slice %arg4[%add3A_154, %dma_start3A_155] : memref<40x256xi32, #tpu.memory_space<vmem>> -> memref<1x256xi32, #tpu.memory_space<vmem>>
      %dma_start3A_157 = tpu.memref_squeeze %dma_start3A_156 : memref<1x256xi32, #tpu.memory_space<vmem>> -> memref<256xi32, #tpu.memory_space<vmem>>
      %dma_start3A_158 = arith.constant 0 : i32
      %dma_start3A_159 = tpu.memref_slice %arg7[%dma_start3A_158] : memref<10240xf32, #tpu.memory_space<vmem_shared>> -> memref<10240xf32, #tpu.memory_space<vmem_shared>>
      tpu.enqueue_indirect_dma source(%arg5 : memref<256xf32, #tpu.memory_space<vmem>>) target(%dma_start3A_159 : memref<10240xf32, #tpu.memory_space<vmem_shared>>) offsets(%dma_start3A_157 : memref<256xi32, #tpu.memory_space<vmem>>) semaphore(%arg8 : memref<!tpu.dma_semaphore, #tpu.memory_space<semaphore_mem>>) {add = true}
      %mul3A_160 = arith.constant 8 : i32
      %mul3A_161 = arith.muli %scan3A_95, %mul3A_160 : i32
      %add3A_162 = arith.constant 7 : i32
      %add3A_163 = arith.addi %mul3A_161, %add3A_162 : i32
      %dma_start3A_164 = arith.constant 0 : i32
      %dma_start3A_165 = tpu.memref_slice %arg4[%add3A_163, %dma_start3A_164] : memref<40x256xi32, #tpu.memory_space<vmem>> -> memref<1x256xi32, #tpu.memory_space<vmem>>
      %dma_start3A_166 = tpu.memref_squeeze %dma_start3A_165 : memref<1x256xi32, #tpu.memory_space<vmem>> -> memref<256xi32, #tpu.memory_space<vmem>>
      %dma_start3A_167 = arith.constant 0 : i32
      %dma_start3A_168 = tpu.memref_slice %arg7[%dma_start3A_167] : memref<10240xf32, #tpu.memory_space<vmem_shared>> -> memref<10240xf32, #tpu.memory_space<vmem_shared>>
      tpu.enqueue_indirect_dma source(%arg5 : memref<256xf32, #tpu.memory_space<vmem>>) target(%dma_start3A_168 : memref<10240xf32, #tpu.memory_space<vmem_shared>>) offsets(%dma_start3A_166 : memref<256xi32, #tpu.memory_space<vmem>>) semaphore(%arg8 : memref<!tpu.dma_semaphore, #tpu.memory_space<semaphore_mem>>) {add = true}
      %dma_wait3A_169 = arith.constant 0 : i32
      %dma_wait3A_170 = tpu.memref_slice %arg4[%add3A_100, %dma_wait3A_169] : memref<40x256xi32, #tpu.memory_space<vmem>> -> memref<1x256xi32, #tpu.memory_space<vmem>>
      %dma_wait3A_171 = tpu.memref_squeeze %dma_wait3A_170 : memref<1x256xi32, #tpu.memory_space<vmem>> -> memref<256xi32, #tpu.memory_space<vmem>>
      %dma_wait3A_172 = arith.constant 0 : i32
      %dma_wait3A_173 = tpu.memref_slice %arg7[%dma_wait3A_172] : memref<10240xf32, #tpu.memory_space<vmem_shared>> -> memref<10240xf32, #tpu.memory_space<vmem_shared>>
      tpu.wait_indirect_dma semaphore(%arg8 : memref<!tpu.dma_semaphore, #tpu.memory_space<semaphore_mem>>) src(%arg5 : memref<256xf32, #tpu.memory_space<vmem>>) dst(%dma_wait3A_173 : memref<10240xf32, #tpu.memory_space<vmem_shared>>)
      %dma_wait3A_174 = arith.constant 0 : i32
      %dma_wait3A_175 = tpu.memref_slice %arg4[%add3A_109, %dma_wait3A_174] : memref<40x256xi32, #tpu.memory_space<vmem>> -> memref<1x256xi32, #tpu.memory_space<vmem>>
      %dma_wait3A_176 = tpu.memref_squeeze %dma_wait3A_175 : memref<1x256xi32, #tpu.memory_space<vmem>> -> memref<256xi32, #tpu.memory_space<vmem>>
      %dma_wait3A_177 = arith.constant 0 : i32
      %dma_wait3A_178 = tpu.memref_slice %arg7[%dma_wait3A_177] : memref<10240xf32, #tpu.memory_space<vmem_shared>> -> memref<10240xf32, #tpu.memory_space<vmem_shared>>
      tpu.wait_indirect_dma semaphore(%arg8 : memref<!tpu.dma_semaphore, #tpu.memory_space<semaphore_mem>>) src(%arg5 : memref<256xf32, #tpu.memory_space<vmem>>) dst(%dma_wait3A_178 : memref<10240xf32, #tpu.memory_space<vmem_shared>>)
      %dma_wait3A_179 = arith.constant 0 : i32
      %dma_wait3A_180 = tpu.memref_slice %arg4[%add3A_118, %dma_wait3A_179] : memref<40x256xi32, #tpu.memory_space<vmem>> -> memref<1x256xi32, #tpu.memory_space<vmem>>
      %dma_wait3A_181 = tpu.memref_squeeze %dma_wait3A_180 : memref<1x256xi32, #tpu.memory_space<vmem>> -> memref<256xi32, #tpu.memory_space<vmem>>
      %dma_wait3A_182 = arith.constant 0 : i32
      %dma_wait3A_183 = tpu.memref_slice %arg7[%dma_wait3A_182] : memref<10240xf32, #tpu.memory_space<vmem_shared>> -> memref<10240xf32, #tpu.memory_space<vmem_shared>>
      tpu.wait_indirect_dma semaphore(%arg8 : memref<!tpu.dma_semaphore, #tpu.memory_space<semaphore_mem>>) src(%arg5 : memref<256xf32, #tpu.memory_space<vmem>>) dst(%dma_wait3A_183 : memref<10240xf32, #tpu.memory_space<vmem_shared>>)
      %dma_wait3A_184 = arith.constant 0 : i32
      %dma_wait3A_185 = tpu.memref_slice %arg4[%add3A_127, %dma_wait3A_184] : memref<40x256xi32, #tpu.memory_space<vmem>> -> memref<1x256xi32, #tpu.memory_space<vmem>>
      %dma_wait3A_186 = tpu.memref_squeeze %dma_wait3A_185 : memref<1x256xi32, #tpu.memory_space<vmem>> -> memref<256xi32, #tpu.memory_space<vmem>>
      %dma_wait3A_187 = arith.constant 0 : i32
      %dma_wait3A_188 = tpu.memref_slice %arg7[%dma_wait3A_187] : memref<10240xf32, #tpu.memory_space<vmem_shared>> -> memref<10240xf32, #tpu.memory_space<vmem_shared>>
      tpu.wait_indirect_dma semaphore(%arg8 : memref<!tpu.dma_semaphore, #tpu.memory_space<semaphore_mem>>) src(%arg5 : memref<256xf32, #tpu.memory_space<vmem>>) dst(%dma_wait3A_188 : memref<10240xf32, #tpu.memory_space<vmem_shared>>)
      %dma_wait3A_189 = arith.constant 0 : i32
      %dma_wait3A_190 = tpu.memref_slice %arg4[%add3A_136, %dma_wait3A_189] : memref<40x256xi32, #tpu.memory_space<vmem>> -> memref<1x256xi32, #tpu.memory_space<vmem>>
      %dma_wait3A_191 = tpu.memref_squeeze %dma_wait3A_190 : memref<1x256xi32, #tpu.memory_space<vmem>> -> memref<256xi32, #tpu.memory_space<vmem>>
      %dma_wait3A_192 = arith.constant 0 : i32
      %dma_wait3A_193 = tpu.memref_slice %arg7[%dma_wait3A_192] : memref<10240xf32, #tpu.memory_space<vmem_shared>> -> memref<10240xf32, #tpu.memory_space<vmem_shared>>
      tpu.wait_indirect_dma semaphore(%arg8 : memref<!tpu.dma_semaphore, #tpu.memory_space<semaphore_mem>>) src(%arg5 : memref<256xf32, #tpu.memory_space<vmem>>) dst(%dma_wait3A_193 : memref<10240xf32, #tpu.memory_space<vmem_shared>>)
      %dma_wait3A_194 = arith.constant 0 : i32
      %dma_wait3A_195 = tpu.memref_slice %arg4[%add3A_145, %dma_wait3A_194] : memref<40x256xi32, #tpu.memory_space<vmem>> -> memref<1x256xi32, #tpu.memory_space<vmem>>
      %dma_wait3A_196 = tpu.memref_squeeze %dma_wait3A_195 : memref<1x256xi32, #tpu.memory_space<vmem>> -> memref<256xi32, #tpu.memory_space<vmem>>
      %dma_wait3A_197 = arith.constant 0 : i32
      %dma_wait3A_198 = tpu.memref_slice %arg7[%dma_wait3A_197] : memref<10240xf32, #tpu.memory_space<vmem_shared>> -> memref<10240xf32, #tpu.memory_space<vmem_shared>>
      tpu.wait_indirect_dma semaphore(%arg8 : memref<!tpu.dma_semaphore, #tpu.memory_space<semaphore_mem>>) src(%arg5 : memref<256xf32, #tpu.memory_space<vmem>>) dst(%dma_wait3A_198 : memref<10240xf32, #tpu.memory_space<vmem_shared>>)
      %dma_wait3A_199 = arith.constant 0 : i32
      %dma_wait3A_200 = tpu.memref_slice %arg4[%add3A_154, %dma_wait3A_199] : memref<40x256xi32, #tpu.memory_space<vmem>> -> memref<1x256xi32, #tpu.memory_space<vmem>>
      %dma_wait3A_201 = tpu.memref_squeeze %dma_wait3A_200 : memref<1x256xi32, #tpu.memory_space<vmem>> -> memref<256xi32, #tpu.memory_space<vmem>>
      %dma_wait3A_202 = arith.constant 0 : i32
      %dma_wait3A_203 = tpu.memref_slice %arg7[%dma_wait3A_202] : memref<10240xf32, #tpu.memory_space<vmem_shared>> -> memref<10240xf32, #tpu.memory_space<vmem_shared>>
      tpu.wait_indirect_dma semaphore(%arg8 : memref<!tpu.dma_semaphore, #tpu.memory_space<semaphore_mem>>) src(%arg5 : memref<256xf32, #tpu.memory_space<vmem>>) dst(%dma_wait3A_203 : memref<10240xf32, #tpu.memory_space<vmem_shared>>)
      %dma_wait3A_204 = arith.constant 0 : i32
      %dma_wait3A_205 = tpu.memref_slice %arg4[%add3A_163, %dma_wait3A_204] : memref<40x256xi32, #tpu.memory_space<vmem>> -> memref<1x256xi32, #tpu.memory_space<vmem>>
      %dma_wait3A_206 = tpu.memref_squeeze %dma_wait3A_205 : memref<1x256xi32, #tpu.memory_space<vmem>> -> memref<256xi32, #tpu.memory_space<vmem>>
      %dma_wait3A_207 = arith.constant 0 : i32
      %dma_wait3A_208 = tpu.memref_slice %arg7[%dma_wait3A_207] : memref<10240xf32, #tpu.memory_space<vmem_shared>> -> memref<10240xf32, #tpu.memory_space<vmem_shared>>
      tpu.wait_indirect_dma semaphore(%arg8 : memref<!tpu.dma_semaphore, #tpu.memory_space<semaphore_mem>>) src(%arg5 : memref<256xf32, #tpu.memory_space<vmem>>) dst(%dma_wait3A_208 : memref<10240xf32, #tpu.memory_space<vmem_shared>>)
      %scan3A_209 = arith.constant 0 : i32
      scf.yield %scan3A_209 : i32
    }
    %scan3A_89 = arith.constant 5 : i32
    %barrier3A_90 = arith.constant 0 : index
    tpu.barrier barrier_id(%barrier3A_90)
    %mul3A_91 = arith.constant 640 : i32
    %mul3A_92 = arith.muli %arg1, %mul3A_91 : i32
    %mul3A_93 = arith.constant 640 : i32
    %mul3A_94 = arith.muli %arg1, %mul3A_93 : i32
    "tpu.region"() ({
      %run_scoped3A = tpu.sem_alloc : memref<!tpu.dma_semaphore, #tpu.memory_space<semaphore_mem>>
      %dma_start3A_95 = arith.constant 0 : i32
      %dma_start3A_96 = tpu.memref_slice %arg3[%arg0, %dma_start3A_95] : memref<2x10240xf32, #tpu.memory_space<hbm>> -> memref<1x10240xf32, #tpu.memory_space<hbm>>
      %dma_start3A_97 = tpu.memref_squeeze %dma_start3A_96 : memref<1x10240xf32, #tpu.memory_space<hbm>> -> memref<10240xf32, #tpu.memory_space<hbm>>
      %dma_start3A_98 = tpu.memref_slice %dma_start3A_97[%mul3A_94] : memref<10240xf32, #tpu.memory_space<hbm>> -> memref<640xf32, #tpu.memory_space<hbm>>
      %dma_start3A_99 = tpu.memref_slice %arg7[%mul3A_92] : memref<10240xf32, #tpu.memory_space<vmem_shared>> -> memref<640xf32, #tpu.memory_space<vmem_shared>>
      tpu.enqueue_dma source(%dma_start3A_99 : memref<640xf32, #tpu.memory_space<vmem_shared>>) target(%dma_start3A_98 : memref<640xf32, #tpu.memory_space<hbm>>) target_semaphore(%run_scoped3A : memref<!tpu.dma_semaphore, #tpu.memory_space<semaphore_mem>>)
      %dma_wait3A_100 = arith.constant 0 : i32
      %dma_wait3A_101 = tpu.memref_slice %arg3[%arg0, %dma_wait3A_100] : memref<2x10240xf32, #tpu.memory_space<hbm>> -> memref<1x10240xf32, #tpu.memory_space<hbm>>
      %dma_wait3A_102 = tpu.memref_squeeze %dma_wait3A_101 : memref<1x10240xf32, #tpu.memory_space<hbm>> -> memref<10240xf32, #tpu.memory_space<hbm>>
      %dma_wait3A_103 = tpu.memref_slice %dma_wait3A_102[%mul3A_94] : memref<10240xf32, #tpu.memory_space<hbm>> -> memref<640xf32, #tpu.memory_space<hbm>>
      %dma_wait3A_104 = tpu.memref_slice %arg7[%mul3A_92] : memref<10240xf32, #tpu.memory_space<vmem_shared>> -> memref<640xf32, #tpu.memory_space<vmem_shared>>
      tpu.wait_dma2 semaphore(%run_scoped3A : memref<!tpu.dma_semaphore, #tpu.memory_space<semaphore_mem>>) src(%dma_wait3A_104 : memref<640xf32, #tpu.memory_space<vmem_shared>>) dst(%dma_wait3A_103 : memref<640xf32, #tpu.memory_space<hbm>>)
      tpu.yield
    }) : () -> ()
    return
  }
}

#map = affine_map<(d0, d1) -> (0, 0)>
#map1 = affine_map<(d0, d1) -> (0, 0, 0)>
module attributes {stable_mosaic.version = 14 : i64} {
  func.func @_sc_msgpass(%arg0: i32, %arg1: i32, %arg2: memref<10240x32xf32, #tpu.memory_space<hbm>>, %arg3: memref<1280x256xi32, #tpu.memory_space<hbm>>, %arg4: memref<1280x256xi32, #tpu.memory_space<hbm>>, %arg5: memref<2x10240x32xf32, #tpu.memory_space<hbm>>, %arg6: memref<40x256xi32, #tpu.memory_space<vmem>>, %arg7: memref<40x256xi32, #tpu.memory_space<vmem>>, %arg8: memref<2x4x256x32xf32, #tpu.memory_space<vmem>>, %arg9: memref<10240x32xf32, #tpu.memory_space<vmem_shared>>, %arg10: memref<10240x32xf32, #tpu.memory_space<vmem_shared>>, %arg11: memref<!tpu.dma_semaphore, #tpu.memory_space<semaphore_mem>>, %arg12: memref<!tpu.dma_semaphore, #tpu.memory_space<semaphore_mem>>, %arg13: memref<!tpu.dma_semaphore, #tpu.memory_space<semaphore_mem>>, %arg14: memref<!tpu.dma_semaphore, #tpu.memory_space<semaphore_mem>>) attributes {dimension_semantics = [#tpu.dimension_semantics<core_parallel>, #tpu.dimension_semantics<subcore_parallel>], iteration_bounds = array<i64: 2, 16>, scalar_prefetch = 0 : i64, scratch_operands = 9 : i64, tpu.core_type = #tpu.core_type<sc_vector_subcore>, window_params = [{transform_indices = #map}, {transform_indices = #map}, {transform_indices = #map}, {transform_indices = #map1}]} {
    %mul3A = arith.constant 2 : i32
    %mul3A_0 = arith.muli %arg1, %mul3A : i32
    %add3A = arith.addi %mul3A_0, %arg0 : i32
    %broadcast_in_dim3A = arith.constant 0.000000e+00 : f32
    %broadcast_in_dim3A_1 = vector.broadcast %broadcast_in_dim3A : f32 to vector<16xf32>
    %mul3A_2 = arith.constant 640 : i32
    %mul3A_3 = arith.muli %arg1, %mul3A_2 : i32
    %mul3A_4 = arith.constant 640 : i32
    %mul3A_5 = arith.muli %arg1, %mul3A_4 : i32
    %dma_start3A = arith.constant 0 : i32
    %dma_start3A_6 = tpu.memref_slice %arg10[%mul3A_5, %dma_start3A] : memref<10240x32xf32, #tpu.memory_space<vmem_shared>> -> memref<640x32xf32, #tpu.memory_space<vmem_shared>>
    %dma_start3A_7 = arith.constant 0 : i32
    %dma_start3A_8 = tpu.memref_slice %arg2[%mul3A_3, %dma_start3A_7] : memref<10240x32xf32, #tpu.memory_space<hbm>> -> memref<640x32xf32, #tpu.memory_space<hbm>>
    tpu.enqueue_dma source(%dma_start3A_8 : memref<640x32xf32, #tpu.memory_space<hbm>>) target(%dma_start3A_6 : memref<640x32xf32, #tpu.memory_space<vmem_shared>>) target_semaphore(%arg11 : memref<!tpu.dma_semaphore, #tpu.memory_space<semaphore_mem>>)
    %mul3A_9 = arith.constant 40 : i32
    %mul3A_10 = arith.muli %add3A, %mul3A_9 : i32
    %dma_start3A_11 = arith.constant 0 : i32
    %dma_start3A_12 = tpu.memref_slice %arg3[%mul3A_10, %dma_start3A_11] : memref<1280x256xi32, #tpu.memory_space<hbm>> -> memref<40x256xi32, #tpu.memory_space<hbm>>
    %dma_start3A_13 = arith.constant 0 : i32
    %dma_start3A_14 = tpu.memref_slice %arg3[%mul3A_10, %dma_start3A_13] : memref<1280x256xi32, #tpu.memory_space<hbm>> -> memref<40x256xi32, #tpu.memory_space<hbm>>
    tpu.enqueue_dma source(%dma_start3A_14 : memref<40x256xi32, #tpu.memory_space<hbm>>) target(%arg6 : memref<40x256xi32, #tpu.memory_space<vmem>>) target_semaphore(%arg13 : memref<!tpu.dma_semaphore, #tpu.memory_space<semaphore_mem>>)
    %mul3A_15 = arith.constant 40 : i32
    %mul3A_16 = arith.muli %add3A, %mul3A_15 : i32
    %dma_start3A_17 = arith.constant 0 : i32
    %dma_start3A_18 = tpu.memref_slice %arg4[%mul3A_16, %dma_start3A_17] : memref<1280x256xi32, #tpu.memory_space<hbm>> -> memref<40x256xi32, #tpu.memory_space<hbm>>
    %dma_start3A_19 = arith.constant 0 : i32
    %dma_start3A_20 = tpu.memref_slice %arg4[%mul3A_16, %dma_start3A_19] : memref<1280x256xi32, #tpu.memory_space<hbm>> -> memref<40x256xi32, #tpu.memory_space<hbm>>
    tpu.enqueue_dma source(%dma_start3A_20 : memref<40x256xi32, #tpu.memory_space<hbm>>) target(%arg7 : memref<40x256xi32, #tpu.memory_space<vmem>>) target_semaphore(%arg14 : memref<!tpu.dma_semaphore, #tpu.memory_space<semaphore_mem>>)
    %scan3A = arith.constant 0 : i32
    %scan3A_21 = arith.constant 0 : i32
    %scan3A_22 = arith.constant 0 : i32
    %scan3A_23 = arith.constant 0 : i32
    %scan3A_24 = arith.constant 256 : i32
    %scan3A_25 = arith.addi %scan3A_23, %scan3A_24 : i32
    %scan3A_26 = arith.constant 1 : i32
    %scan3A_27 = scf.for %scan3A_645 = %scan3A_23 to %scan3A_25 step %scan3A_26 iter_args(%scan3A_646 = %scan3A_22) -> (i32)  : i32 {
      %swap3A = arith.constant 0 : i32
      %swap3A_647 = arith.constant 0 : i32
      %swap3A_648 = arith.constant 0 : i32
      %swap3A_649 = tpu.memref_slice %arg8[%scan3A, %swap3A, %swap3A_647, %swap3A_648] : memref<2x4x256x32xf32, #tpu.memory_space<vmem>> -> memref<1x4x256x32xf32, #tpu.memory_space<vmem>>
      %swap3A_650 = tpu.memref_squeeze %swap3A_649 : memref<1x4x256x32xf32, #tpu.memory_space<vmem>> -> memref<4x256x32xf32, #tpu.memory_space<vmem>>
      %swap3A_651 = arith.constant 0 : i32
      %swap3A_652 = arith.constant 0 : i32
      %swap3A_653 = tpu.memref_slice %swap3A_650[%scan3A_21, %swap3A_651, %swap3A_652] : memref<4x256x32xf32, #tpu.memory_space<vmem>> -> memref<1x256x32xf32, #tpu.memory_space<vmem>>
      %swap3A_654 = tpu.memref_squeeze %swap3A_653 : memref<1x256x32xf32, #tpu.memory_space<vmem>> -> memref<256x32xf32, #tpu.memory_space<vmem>>
      %swap3A_655 = arith.constant 0 : i32
      %swap3A_656 = tpu.memref_slice %swap3A_654[%scan3A_645, %swap3A_655] : memref<256x32xf32, #tpu.memory_space<vmem>> -> memref<1x32xf32, #tpu.memory_space<vmem>>
      %swap3A_657 = tpu.memref_squeeze %swap3A_656 : memref<1x32xf32, #tpu.memory_space<vmem>> -> memref<32xf32, #tpu.memory_space<vmem>>
      %swap3A_658 = arith.constant 0 : index
      %swap3A_659 = tpu.vector_load %swap3A_657[%swap3A_658] {strides = array<i32>} : memref<32xf32, #tpu.memory_space<vmem>>, vector<16xf32>,
      %swap3A_660 = vector.shape_cast %swap3A_659 : vector<16xf32> to vector<16xf32>
      %swap3A_661 = vector.shape_cast %broadcast_in_dim3A_1 : vector<16xf32> to vector<16xf32>
      tpu.vector_store %swap3A_657[%swap3A_658], %swap3A_661 {strides = array<i32>} : memref<32xf32, #tpu.memory_space<vmem>>, vector<16xf32>,
      %swap3A_662 = arith.constant 0 : i32
      %swap3A_663 = arith.constant 0 : i32
      %swap3A_664 = arith.constant 0 : i32
      %swap3A_665 = tpu.memref_slice %arg8[%scan3A, %swap3A_662, %swap3A_663, %swap3A_664] : memref<2x4x256x32xf32, #tpu.memory_space<vmem>> -> memref<1x4x256x32xf32, #tpu.memory_space<vmem>>
      %swap3A_666 = tpu.memref_squeeze %swap3A_665 : memref<1x4x256x32xf32, #tpu.memory_space<vmem>> -> memref<4x256x32xf32, #tpu.memory_space<vmem>>
      %swap3A_667 = arith.constant 0 : i32
      %swap3A_668 = arith.constant 0 : i32
      %swap3A_669 = tpu.memref_slice %swap3A_666[%scan3A_21, %swap3A_667, %swap3A_668] : memref<4x256x32xf32, #tpu.memory_space<vmem>> -> memref<1x256x32xf32, #tpu.memory_space<vmem>>
      %swap3A_670 = tpu.memref_squeeze %swap3A_669 : memref<1x256x32xf32, #tpu.memory_space<vmem>> -> memref<256x32xf32, #tpu.memory_space<vmem>>
      %swap3A_671 = arith.constant 0 : i32
      %swap3A_672 = tpu.memref_slice %swap3A_670[%scan3A_645, %swap3A_671] : memref<256x32xf32, #tpu.memory_space<vmem>> -> memref<1x32xf32, #tpu.memory_space<vmem>>
      %swap3A_673 = tpu.memref_squeeze %swap3A_672 : memref<1x32xf32, #tpu.memory_space<vmem>> -> memref<32xf32, #tpu.memory_space<vmem>>
      %swap3A_674 = arith.constant 16 : index
      %swap3A_675 = tpu.vector_load %swap3A_673[%swap3A_674] {strides = array<i32>} : memref<32xf32, #tpu.memory_space<vmem>>, vector<16xf32>,
      %swap3A_676 = vector.shape_cast %swap3A_675 : vector<16xf32> to vector<16xf32>
      %swap3A_677 = vector.shape_cast %broadcast_in_dim3A_1 : vector<16xf32> to vector<16xf32>
      tpu.vector_store %swap3A_673[%swap3A_674], %swap3A_677 {strides = array<i32>} : memref<32xf32, #tpu.memory_space<vmem>>, vector<16xf32>,
      %scan3A_678 = arith.constant 0 : i32
      scf.yield %scan3A_678 : i32
    }
    %scan3A_28 = arith.constant 256 : i32
    %mul3A_29 = arith.constant 640 : i32
    %mul3A_30 = arith.muli %arg1, %mul3A_29 : i32
    %add3A_31 = arith.constant 0 : i32
    %add3A_32 = arith.addi %mul3A_30, %add3A_31 : i32
    %run_scoped3A = arith.constant 0 : i32
    %run_scoped3A_33 = arith.constant 0 : i32
    "tpu.region"() ({
      %run_scoped3A_645 = tpu.sem_alloc : memref<!tpu.dma_semaphore, #tpu.memory_space<semaphore_mem>>
      %dma_start3A_646 = arith.constant 0 : i32
      %dma_start3A_647 = arith.constant 0 : i32
      %dma_start3A_648 = arith.constant 0 : i32
      %dma_start3A_649 = tpu.memref_slice %arg8[%run_scoped3A, %dma_start3A_646, %dma_start3A_647, %dma_start3A_648] : memref<2x4x256x32xf32, #tpu.memory_space<vmem>> -> memref<1x4x256x32xf32, #tpu.memory_space<vmem>>
      %dma_start3A_650 = tpu.memref_squeeze %dma_start3A_649 : memref<1x4x256x32xf32, #tpu.memory_space<vmem>> -> memref<4x256x32xf32, #tpu.memory_space<vmem>>
      %dma_start3A_651 = arith.constant 0 : i32
      %dma_start3A_652 = arith.constant 0 : i32
      %dma_start3A_653 = tpu.memref_slice %dma_start3A_650[%run_scoped3A_33, %dma_start3A_651, %dma_start3A_652] : memref<4x256x32xf32, #tpu.memory_space<vmem>> -> memref<1x256x32xf32, #tpu.memory_space<vmem>>
      %dma_start3A_654 = tpu.memref_squeeze %dma_start3A_653 : memref<1x256x32xf32, #tpu.memory_space<vmem>> -> memref<256x32xf32, #tpu.memory_space<vmem>>
      %dma_start3A_655 = arith.constant 0 : i32
      %dma_start3A_656 = tpu.memref_slice %arg9[%add3A_32, %dma_start3A_655] : memref<10240x32xf32, #tpu.memory_space<vmem_shared>> -> memref<256x32xf32, #tpu.memory_space<vmem_shared>>
      %dma_start3A_657 = arith.constant 0 : i32
      %dma_start3A_658 = tpu.memref_slice %arg9[%add3A_32, %dma_start3A_657] : memref<10240x32xf32, #tpu.memory_space<vmem_shared>> -> memref<256x32xf32, #tpu.memory_space<vmem_shared>>
      %dma_start3A_659 = arith.constant 0 : i32
      %dma_start3A_660 = arith.constant 0 : i32
      %dma_start3A_661 = arith.constant 0 : i32
      %dma_start3A_662 = tpu.memref_slice %arg8[%run_scoped3A, %dma_start3A_659, %dma_start3A_660, %dma_start3A_661] : memref<2x4x256x32xf32, #tpu.memory_space<vmem>> -> memref<1x4x256x32xf32, #tpu.memory_space<vmem>>
      %dma_start3A_663 = tpu.memref_squeeze %dma_start3A_662 : memref<1x4x256x32xf32, #tpu.memory_space<vmem>> -> memref<4x256x32xf32, #tpu.memory_space<vmem>>
      %dma_start3A_664 = arith.constant 0 : i32
      %dma_start3A_665 = arith.constant 0 : i32
      %dma_start3A_666 = tpu.memref_slice %dma_start3A_663[%run_scoped3A_33, %dma_start3A_664, %dma_start3A_665] : memref<4x256x32xf32, #tpu.memory_space<vmem>> -> memref<1x256x32xf32, #tpu.memory_space<vmem>>
      %dma_start3A_667 = tpu.memref_squeeze %dma_start3A_666 : memref<1x256x32xf32, #tpu.memory_space<vmem>> -> memref<256x32xf32, #tpu.memory_space<vmem>>
      tpu.enqueue_dma source(%dma_start3A_667 : memref<256x32xf32, #tpu.memory_space<vmem>>) target(%dma_start3A_658 : memref<256x32xf32, #tpu.memory_space<vmem_shared>>) target_semaphore(%run_scoped3A_645 : memref<!tpu.dma_semaphore, #tpu.memory_space<semaphore_mem>>)
      %dma_wait3A_668 = arith.constant 0 : i32
      %dma_wait3A_669 = arith.constant 0 : i32
      %dma_wait3A_670 = arith.constant 0 : i32
      %dma_wait3A_671 = tpu.memref_slice %arg8[%run_scoped3A, %dma_wait3A_668, %dma_wait3A_669, %dma_wait3A_670] : memref<2x4x256x32xf32, #tpu.memory_space<vmem>> -> memref<1x4x256x32xf32, #tpu.memory_space<vmem>>
      %dma_wait3A_672 = tpu.memref_squeeze %dma_wait3A_671 : memref<1x4x256x32xf32, #tpu.memory_space<vmem>> -> memref<4x256x32xf32, #tpu.memory_space<vmem>>
      %dma_wait3A_673 = arith.constant 0 : i32
      %dma_wait3A_674 = arith.constant 0 : i32
      %dma_wait3A_675 = tpu.memref_slice %dma_wait3A_672[%run_scoped3A_33, %dma_wait3A_673, %dma_wait3A_674] : memref<4x256x32xf32, #tpu.memory_space<vmem>> -> memref<1x256x32xf32, #tpu.memory_space<vmem>>
      %dma_wait3A_676 = tpu.memref_squeeze %dma_wait3A_675 : memref<1x256x32xf32, #tpu.memory_space<vmem>> -> memref<256x32xf32, #tpu.memory_space<vmem>>
      %dma_wait3A_677 = arith.constant 0 : i32
      %dma_wait3A_678 = tpu.memref_slice %arg9[%add3A_32, %dma_wait3A_677] : memref<10240x32xf32, #tpu.memory_space<vmem_shared>> -> memref<256x32xf32, #tpu.memory_space<vmem_shared>>
      %dma_wait3A_679 = arith.constant 0 : i32
      %dma_wait3A_680 = tpu.memref_slice %arg9[%add3A_32, %dma_wait3A_679] : memref<10240x32xf32, #tpu.memory_space<vmem_shared>> -> memref<256x32xf32, #tpu.memory_space<vmem_shared>>
      %dma_wait3A_681 = arith.constant 0 : i32
      %dma_wait3A_682 = arith.constant 0 : i32
      %dma_wait3A_683 = arith.constant 0 : i32
      %dma_wait3A_684 = tpu.memref_slice %arg8[%run_scoped3A, %dma_wait3A_681, %dma_wait3A_682, %dma_wait3A_683] : memref<2x4x256x32xf32, #tpu.memory_space<vmem>> -> memref<1x4x256x32xf32, #tpu.memory_space<vmem>>
      %dma_wait3A_685 = tpu.memref_squeeze %dma_wait3A_684 : memref<1x4x256x32xf32, #tpu.memory_space<vmem>> -> memref<4x256x32xf32, #tpu.memory_space<vmem>>
      %dma_wait3A_686 = arith.constant 0 : i32
      %dma_wait3A_687 = arith.constant 0 : i32
      %dma_wait3A_688 = tpu.memref_slice %dma_wait3A_685[%run_scoped3A_33, %dma_wait3A_686, %dma_wait3A_687] : memref<4x256x32xf32, #tpu.memory_space<vmem>> -> memref<1x256x32xf32, #tpu.memory_space<vmem>>
      %dma_wait3A_689 = tpu.memref_squeeze %dma_wait3A_688 : memref<1x256x32xf32, #tpu.memory_space<vmem>> -> memref<256x32xf32, #tpu.memory_space<vmem>>
      tpu.wait_dma2 semaphore(%run_scoped3A_645 : memref<!tpu.dma_semaphore, #tpu.memory_space<semaphore_mem>>) src(%dma_wait3A_689 : memref<256x32xf32, #tpu.memory_space<vmem>>) dst(%dma_wait3A_680 : memref<256x32xf32, #tpu.memory_space<vmem_shared>>)
      tpu.yield
    }) : () -> ()
    %mul3A_34 = arith.constant 640 : i32
    %mul3A_35 = arith.muli %arg1, %mul3A_34 : i32
    %add3A_36 = arith.constant 256 : i32
    %add3A_37 = arith.addi %mul3A_35, %add3A_36 : i32
    %run_scoped3A_38 = arith.constant 0 : i32
    %run_scoped3A_39 = arith.constant 0 : i32
    "tpu.region"() ({
      %run_scoped3A_645 = tpu.sem_alloc : memref<!tpu.dma_semaphore, #tpu.memory_space<semaphore_mem>>
      %dma_start3A_646 = arith.constant 0 : i32
      %dma_start3A_647 = arith.constant 0 : i32
      %dma_start3A_648 = arith.constant 0 : i32
      %dma_start3A_649 = tpu.memref_slice %arg8[%run_scoped3A_38, %dma_start3A_646, %dma_start3A_647, %dma_start3A_648] : memref<2x4x256x32xf32, #tpu.memory_space<vmem>> -> memref<1x4x256x32xf32, #tpu.memory_space<vmem>>
      %dma_start3A_650 = tpu.memref_squeeze %dma_start3A_649 : memref<1x4x256x32xf32, #tpu.memory_space<vmem>> -> memref<4x256x32xf32, #tpu.memory_space<vmem>>
      %dma_start3A_651 = arith.constant 0 : i32
      %dma_start3A_652 = arith.constant 0 : i32
      %dma_start3A_653 = tpu.memref_slice %dma_start3A_650[%run_scoped3A_39, %dma_start3A_651, %dma_start3A_652] : memref<4x256x32xf32, #tpu.memory_space<vmem>> -> memref<1x256x32xf32, #tpu.memory_space<vmem>>
      %dma_start3A_654 = tpu.memref_squeeze %dma_start3A_653 : memref<1x256x32xf32, #tpu.memory_space<vmem>> -> memref<256x32xf32, #tpu.memory_space<vmem>>
      %dma_start3A_655 = arith.constant 0 : i32
      %dma_start3A_656 = tpu.memref_slice %arg9[%add3A_37, %dma_start3A_655] : memref<10240x32xf32, #tpu.memory_space<vmem_shared>> -> memref<256x32xf32, #tpu.memory_space<vmem_shared>>
      %dma_start3A_657 = arith.constant 0 : i32
      %dma_start3A_658 = tpu.memref_slice %arg9[%add3A_37, %dma_start3A_657] : memref<10240x32xf32, #tpu.memory_space<vmem_shared>> -> memref<256x32xf32, #tpu.memory_space<vmem_shared>>
      %dma_start3A_659 = arith.constant 0 : i32
      %dma_start3A_660 = arith.constant 0 : i32
      %dma_start3A_661 = arith.constant 0 : i32
      %dma_start3A_662 = tpu.memref_slice %arg8[%run_scoped3A_38, %dma_start3A_659, %dma_start3A_660, %dma_start3A_661] : memref<2x4x256x32xf32, #tpu.memory_space<vmem>> -> memref<1x4x256x32xf32, #tpu.memory_space<vmem>>
      %dma_start3A_663 = tpu.memref_squeeze %dma_start3A_662 : memref<1x4x256x32xf32, #tpu.memory_space<vmem>> -> memref<4x256x32xf32, #tpu.memory_space<vmem>>
      %dma_start3A_664 = arith.constant 0 : i32
      %dma_start3A_665 = arith.constant 0 : i32
      %dma_start3A_666 = tpu.memref_slice %dma_start3A_663[%run_scoped3A_39, %dma_start3A_664, %dma_start3A_665] : memref<4x256x32xf32, #tpu.memory_space<vmem>> -> memref<1x256x32xf32, #tpu.memory_space<vmem>>
      %dma_start3A_667 = tpu.memref_squeeze %dma_start3A_666 : memref<1x256x32xf32, #tpu.memory_space<vmem>> -> memref<256x32xf32, #tpu.memory_space<vmem>>
      tpu.enqueue_dma source(%dma_start3A_667 : memref<256x32xf32, #tpu.memory_space<vmem>>) target(%dma_start3A_658 : memref<256x32xf32, #tpu.memory_space<vmem_shared>>) target_semaphore(%run_scoped3A_645 : memref<!tpu.dma_semaphore, #tpu.memory_space<semaphore_mem>>)
      %dma_wait3A_668 = arith.constant 0 : i32
      %dma_wait3A_669 = arith.constant 0 : i32
      %dma_wait3A_670 = arith.constant 0 : i32
      %dma_wait3A_671 = tpu.memref_slice %arg8[%run_scoped3A_38, %dma_wait3A_668, %dma_wait3A_669, %dma_wait3A_670] : memref<2x4x256x32xf32, #tpu.memory_space<vmem>> -> memref<1x4x256x32xf32, #tpu.memory_space<vmem>>
      %dma_wait3A_672 = tpu.memref_squeeze %dma_wait3A_671 : memref<1x4x256x32xf32, #tpu.memory_space<vmem>> -> memref<4x256x32xf32, #tpu.memory_space<vmem>>
      %dma_wait3A_673 = arith.constant 0 : i32
      %dma_wait3A_674 = arith.constant 0 : i32
      %dma_wait3A_675 = tpu.memref_slice %dma_wait3A_672[%run_scoped3A_39, %dma_wait3A_673, %dma_wait3A_674] : memref<4x256x32xf32, #tpu.memory_space<vmem>> -> memref<1x256x32xf32, #tpu.memory_space<vmem>>
      %dma_wait3A_676 = tpu.memref_squeeze %dma_wait3A_675 : memref<1x256x32xf32, #tpu.memory_space<vmem>> -> memref<256x32xf32, #tpu.memory_space<vmem>>
      %dma_wait3A_677 = arith.constant 0 : i32
      %dma_wait3A_678 = tpu.memref_slice %arg9[%add3A_37, %dma_wait3A_677] : memref<10240x32xf32, #tpu.memory_space<vmem_shared>> -> memref<256x32xf32, #tpu.memory_space<vmem_shared>>
      %dma_wait3A_679 = arith.constant 0 : i32
      %dma_wait3A_680 = tpu.memref_slice %arg9[%add3A_37, %dma_wait3A_679] : memref<10240x32xf32, #tpu.memory_space<vmem_shared>> -> memref<256x32xf32, #tpu.memory_space<vmem_shared>>
      %dma_wait3A_681 = arith.constant 0 : i32
      %dma_wait3A_682 = arith.constant 0 : i32
      %dma_wait3A_683 = arith.constant 0 : i32
      %dma_wait3A_684 = tpu.memref_slice %arg8[%run_scoped3A_38, %dma_wait3A_681, %dma_wait3A_682, %dma_wait3A_683] : memref<2x4x256x32xf32, #tpu.memory_space<vmem>> -> memref<1x4x256x32xf32, #tpu.memory_space<vmem>>
      %dma_wait3A_685 = tpu.memref_squeeze %dma_wait3A_684 : memref<1x4x256x32xf32, #tpu.memory_space<vmem>> -> memref<4x256x32xf32, #tpu.memory_space<vmem>>
      %dma_wait3A_686 = arith.constant 0 : i32
      %dma_wait3A_687 = arith.constant 0 : i32
      %dma_wait3A_688 = tpu.memref_slice %dma_wait3A_685[%run_scoped3A_39, %dma_wait3A_686, %dma_wait3A_687] : memref<4x256x32xf32, #tpu.memory_space<vmem>> -> memref<1x256x32xf32, #tpu.memory_space<vmem>>
      %dma_wait3A_689 = tpu.memref_squeeze %dma_wait3A_688 : memref<1x256x32xf32, #tpu.memory_space<vmem>> -> memref<256x32xf32, #tpu.memory_space<vmem>>
      tpu.wait_dma2 semaphore(%run_scoped3A_645 : memref<!tpu.dma_semaphore, #tpu.memory_space<semaphore_mem>>) src(%dma_wait3A_689 : memref<256x32xf32, #tpu.memory_space<vmem>>) dst(%dma_wait3A_680 : memref<256x32xf32, #tpu.memory_space<vmem_shared>>)
      tpu.yield
    }) : () -> ()
    %mul3A_40 = arith.constant 640 : i32
    %mul3A_41 = arith.muli %arg1, %mul3A_40 : i32
    %add3A_42 = arith.constant 512 : i32
    %add3A_43 = arith.addi %mul3A_41, %add3A_42 : i32
    %run_scoped3A_44 = arith.constant 0 : i32
    %run_scoped3A_45 = arith.constant 0 : i32
    "tpu.region"() ({
      %run_scoped3A_645 = tpu.sem_alloc : memref<!tpu.dma_semaphore, #tpu.memory_space<semaphore_mem>>
      %dma_start3A_646 = arith.constant 0 : i32
      %dma_start3A_647 = arith.constant 0 : i32
      %dma_start3A_648 = arith.constant 0 : i32
      %dma_start3A_649 = tpu.memref_slice %arg8[%run_scoped3A_44, %dma_start3A_646, %dma_start3A_647, %dma_start3A_648] : memref<2x4x256x32xf32, #tpu.memory_space<vmem>> -> memref<1x4x256x32xf32, #tpu.memory_space<vmem>>
      %dma_start3A_650 = tpu.memref_squeeze %dma_start3A_649 : memref<1x4x256x32xf32, #tpu.memory_space<vmem>> -> memref<4x256x32xf32, #tpu.memory_space<vmem>>
      %dma_start3A_651 = arith.constant 0 : i32
      %dma_start3A_652 = arith.constant 0 : i32
      %dma_start3A_653 = tpu.memref_slice %dma_start3A_650[%run_scoped3A_45, %dma_start3A_651, %dma_start3A_652] : memref<4x256x32xf32, #tpu.memory_space<vmem>> -> memref<1x256x32xf32, #tpu.memory_space<vmem>>
      %dma_start3A_654 = tpu.memref_squeeze %dma_start3A_653 : memref<1x256x32xf32, #tpu.memory_space<vmem>> -> memref<256x32xf32, #tpu.memory_space<vmem>>
      %dma_start3A_655 = arith.constant 0 : i32
      %dma_start3A_656 = arith.constant 0 : i32
      %dma_start3A_657 = tpu.memref_slice %dma_start3A_654[%dma_start3A_655, %dma_start3A_656] : memref<256x32xf32, #tpu.memory_space<vmem>> -> memref<128x32xf32, #tpu.memory_space<vmem>>
      %dma_start3A_658 = arith.constant 0 : i32
      %dma_start3A_659 = tpu.memref_slice %arg9[%add3A_43, %dma_start3A_658] : memref<10240x32xf32, #tpu.memory_space<vmem_shared>> -> memref<128x32xf32, #tpu.memory_space<vmem_shared>>
      %dma_start3A_660 = arith.constant 0 : i32
      %dma_start3A_661 = tpu.memref_slice %arg9[%add3A_43, %dma_start3A_660] : memref<10240x32xf32, #tpu.memory_space<vmem_shared>> -> memref<128x32xf32, #tpu.memory_space<vmem_shared>>
      %dma_start3A_662 = arith.constant 0 : i32
      %dma_start3A_663 = arith.constant 0 : i32
      %dma_start3A_664 = arith.constant 0 : i32
      %dma_start3A_665 = tpu.memref_slice %arg8[%run_scoped3A_44, %dma_start3A_662, %dma_start3A_663, %dma_start3A_664] : memref<2x4x256x32xf32, #tpu.memory_space<vmem>> -> memref<1x4x256x32xf32, #tpu.memory_space<vmem>>
      %dma_start3A_666 = tpu.memref_squeeze %dma_start3A_665 : memref<1x4x256x32xf32, #tpu.memory_space<vmem>> -> memref<4x256x32xf32, #tpu.memory_space<vmem>>
      %dma_start3A_667 = arith.constant 0 : i32
      %dma_start3A_668 = arith.constant 0 : i32
      %dma_start3A_669 = tpu.memref_slice %dma_start3A_666[%run_scoped3A_45, %dma_start3A_667, %dma_start3A_668] : memref<4x256x32xf32, #tpu.memory_space<vmem>> -> memref<1x256x32xf32, #tpu.memory_space<vmem>>
      %dma_start3A_670 = tpu.memref_squeeze %dma_start3A_669 : memref<1x256x32xf32, #tpu.memory_space<vmem>> -> memref<256x32xf32, #tpu.memory_space<vmem>>
      %dma_start3A_671 = arith.constant 0 : i32
      %dma_start3A_672 = arith.constant 0 : i32
      %dma_start3A_673 = tpu.memref_slice %dma_start3A_670[%dma_start3A_671, %dma_start3A_672] : memref<256x32xf32, #tpu.memory_space<vmem>> -> memref<128x32xf32, #tpu.memory_space<vmem>>
      tpu.enqueue_dma source(%dma_start3A_673 : memref<128x32xf32, #tpu.memory_space<vmem>>) target(%dma_start3A_661 : memref<128x32xf32, #tpu.memory_space<vmem_shared>>) target_semaphore(%run_scoped3A_645 : memref<!tpu.dma_semaphore, #tpu.memory_space<semaphore_mem>>)
      %dma_wait3A_674 = arith.constant 0 : i32
      %dma_wait3A_675 = arith.constant 0 : i32
      %dma_wait3A_676 = arith.constant 0 : i32
      %dma_wait3A_677 = tpu.memref_slice %arg8[%run_scoped3A_44, %dma_wait3A_674, %dma_wait3A_675, %dma_wait3A_676] : memref<2x4x256x32xf32, #tpu.memory_space<vmem>> -> memref<1x4x256x32xf32, #tpu.memory_space<vmem>>
      %dma_wait3A_678 = tpu.memref_squeeze %dma_wait3A_677 : memref<1x4x256x32xf32, #tpu.memory_space<vmem>> -> memref<4x256x32xf32, #tpu.memory_space<vmem>>
      %dma_wait3A_679 = arith.constant 0 : i32
      %dma_wait3A_680 = arith.constant 0 : i32
      %dma_wait3A_681 = tpu.memref_slice %dma_wait3A_678[%run_scoped3A_45, %dma_wait3A_679, %dma_wait3A_680] : memref<4x256x32xf32, #tpu.memory_space<vmem>> -> memref<1x256x32xf32, #tpu.memory_space<vmem>>
      %dma_wait3A_682 = tpu.memref_squeeze %dma_wait3A_681 : memref<1x256x32xf32, #tpu.memory_space<vmem>> -> memref<256x32xf32, #tpu.memory_space<vmem>>
      %dma_wait3A_683 = arith.constant 0 : i32
      %dma_wait3A_684 = arith.constant 0 : i32
      %dma_wait3A_685 = tpu.memref_slice %dma_wait3A_682[%dma_wait3A_683, %dma_wait3A_684] : memref<256x32xf32, #tpu.memory_space<vmem>> -> memref<128x32xf32, #tpu.memory_space<vmem>>
      %dma_wait3A_686 = arith.constant 0 : i32
      %dma_wait3A_687 = tpu.memref_slice %arg9[%add3A_43, %dma_wait3A_686] : memref<10240x32xf32, #tpu.memory_space<vmem_shared>> -> memref<128x32xf32, #tpu.memory_space<vmem_shared>>
      %dma_wait3A_688 = arith.constant 0 : i32
      %dma_wait3A_689 = tpu.memref_slice %arg9[%add3A_43, %dma_wait3A_688] : memref<10240x32xf32, #tpu.memory_space<vmem_shared>> -> memref<128x32xf32, #tpu.memory_space<vmem_shared>>
      %dma_wait3A_690 = arith.constant 0 : i32
      %dma_wait3A_691 = arith.constant 0 : i32
      %dma_wait3A_692 = arith.constant 0 : i32
      %dma_wait3A_693 = tpu.memref_slice %arg8[%run_scoped3A_44, %dma_wait3A_690, %dma_wait3A_691, %dma_wait3A_692] : memref<2x4x256x32xf32, #tpu.memory_space<vmem>> -> memref<1x4x256x32xf32, #tpu.memory_space<vmem>>
      %dma_wait3A_694 = tpu.memref_squeeze %dma_wait3A_693 : memref<1x4x256x32xf32, #tpu.memory_space<vmem>> -> memref<4x256x32xf32, #tpu.memory_space<vmem>>
      %dma_wait3A_695 = arith.constant 0 : i32
      %dma_wait3A_696 = arith.constant 0 : i32
      %dma_wait3A_697 = tpu.memref_slice %dma_wait3A_694[%run_scoped3A_45, %dma_wait3A_695, %dma_wait3A_696] : memref<4x256x32xf32, #tpu.memory_space<vmem>> -> memref<1x256x32xf32, #tpu.memory_space<vmem>>
      %dma_wait3A_698 = tpu.memref_squeeze %dma_wait3A_697 : memref<1x256x32xf32, #tpu.memory_space<vmem>> -> memref<256x32xf32, #tpu.memory_space<vmem>>
      %dma_wait3A_699 = arith.constant 0 : i32
      %dma_wait3A_700 = arith.constant 0 : i32
      %dma_wait3A_701 = tpu.memref_slice %dma_wait3A_698[%dma_wait3A_699, %dma_wait3A_700] : memref<256x32xf32, #tpu.memory_space<vmem>> -> memref<128x32xf32, #tpu.memory_space<vmem>>
      tpu.wait_dma2 semaphore(%run_scoped3A_645 : memref<!tpu.dma_semaphore, #tpu.memory_space<semaphore_mem>>) src(%dma_wait3A_701 : memref<128x32xf32, #tpu.memory_space<vmem>>) dst(%dma_wait3A_689 : memref<128x32xf32, #tpu.memory_space<vmem_shared>>)
      tpu.yield
    }) : () -> ()
    %dma_wait3A = arith.constant 0 : i32
    %dma_wait3A_46 = tpu.memref_slice %arg10[%mul3A_5, %dma_wait3A] : memref<10240x32xf32, #tpu.memory_space<vmem_shared>> -> memref<640x32xf32, #tpu.memory_space<vmem_shared>>
    %dma_wait3A_47 = arith.constant 0 : i32
    %dma_wait3A_48 = tpu.memref_slice %arg2[%mul3A_3, %dma_wait3A_47] : memref<10240x32xf32, #tpu.memory_space<hbm>> -> memref<640x32xf32, #tpu.memory_space<hbm>>
    tpu.wait_dma2 semaphore(%arg11 : memref<!tpu.dma_semaphore, #tpu.memory_space<semaphore_mem>>) src(%dma_wait3A_48 : memref<640x32xf32, #tpu.memory_space<hbm>>) dst(%dma_wait3A_46 : memref<640x32xf32, #tpu.memory_space<vmem_shared>>)
    %dma_wait3A_49 = arith.constant 0 : i32
    %dma_wait3A_50 = tpu.memref_slice %arg3[%mul3A_10, %dma_wait3A_49] : memref<1280x256xi32, #tpu.memory_space<hbm>> -> memref<40x256xi32, #tpu.memory_space<hbm>>
    %dma_wait3A_51 = arith.constant 0 : i32
    %dma_wait3A_52 = tpu.memref_slice %arg3[%mul3A_10, %dma_wait3A_51] : memref<1280x256xi32, #tpu.memory_space<hbm>> -> memref<40x256xi32, #tpu.memory_space<hbm>>
    tpu.wait_dma2 semaphore(%arg13 : memref<!tpu.dma_semaphore, #tpu.memory_space<semaphore_mem>>) src(%dma_wait3A_52 : memref<40x256xi32, #tpu.memory_space<hbm>>) dst(%arg6 : memref<40x256xi32, #tpu.memory_space<vmem>>)
    %dma_wait3A_53 = arith.constant 0 : i32
    %dma_wait3A_54 = tpu.memref_slice %arg4[%mul3A_16, %dma_wait3A_53] : memref<1280x256xi32, #tpu.memory_space<hbm>> -> memref<40x256xi32, #tpu.memory_space<hbm>>
    %dma_wait3A_55 = arith.constant 0 : i32
    %dma_wait3A_56 = tpu.memref_slice %arg4[%mul3A_16, %dma_wait3A_55] : memref<1280x256xi32, #tpu.memory_space<hbm>> -> memref<40x256xi32, #tpu.memory_space<hbm>>
    tpu.wait_dma2 semaphore(%arg14 : memref<!tpu.dma_semaphore, #tpu.memory_space<semaphore_mem>>) src(%dma_wait3A_56 : memref<40x256xi32, #tpu.memory_space<hbm>>) dst(%arg7 : memref<40x256xi32, #tpu.memory_space<vmem>>)
    %barrier3A = arith.constant 0 : index
    tpu.barrier barrier_id(%barrier3A)
    %dma_start3A_57 = arith.constant 0 : i32
    %dma_start3A_58 = arith.constant 0 : i32
    %dma_start3A_59 = arith.constant 0 : i32
    %dma_start3A_60 = arith.constant 0 : i32
    %dma_start3A_61 = arith.constant 0 : i32
    %dma_start3A_62 = arith.constant 0 : i32
    %dma_start3A_63 = tpu.memref_slice %arg8[%dma_start3A_58, %dma_start3A_60, %dma_start3A_61, %dma_start3A_62] : memref<2x4x256x32xf32, #tpu.memory_space<vmem>> -> memref<1x4x256x32xf32, #tpu.memory_space<vmem>>
    %dma_start3A_64 = tpu.memref_squeeze %dma_start3A_63 : memref<1x4x256x32xf32, #tpu.memory_space<vmem>> -> memref<4x256x32xf32, #tpu.memory_space<vmem>>
    %dma_start3A_65 = arith.constant 0 : i32
    %dma_start3A_66 = arith.constant 0 : i32
    %dma_start3A_67 = tpu.memref_slice %dma_start3A_64[%dma_start3A_59, %dma_start3A_65, %dma_start3A_66] : memref<4x256x32xf32, #tpu.memory_space<vmem>> -> memref<1x256x32xf32, #tpu.memory_space<vmem>>
    %dma_start3A_68 = tpu.memref_squeeze %dma_start3A_67 : memref<1x256x32xf32, #tpu.memory_space<vmem>> -> memref<256x32xf32, #tpu.memory_space<vmem>>
    %dma_start3A_69 = arith.constant 0 : i32
    %dma_start3A_70 = tpu.memref_slice %arg6[%dma_start3A_57, %dma_start3A_69] : memref<40x256xi32, #tpu.memory_space<vmem>> -> memref<1x256xi32, #tpu.memory_space<vmem>>
    %dma_start3A_71 = tpu.memref_squeeze %dma_start3A_70 : memref<1x256xi32, #tpu.memory_space<vmem>> -> memref<256xi32, #tpu.memory_space<vmem>>
    %dma_start3A_72 = arith.constant 0 : i32
    %dma_start3A_73 = arith.constant 0 : i32
    %dma_start3A_74 = tpu.memref_slice %arg10[%dma_start3A_72, %dma_start3A_73] : memref<10240x32xf32, #tpu.memory_space<vmem_shared>> -> memref<10240x32xf32, #tpu.memory_space<vmem_shared>>
    tpu.enqueue_indirect_dma source(%dma_start3A_74 : memref<10240x32xf32, #tpu.memory_space<vmem_shared>>) target(%dma_start3A_68 : memref<256x32xf32, #tpu.memory_space<vmem>>) offsets(%dma_start3A_71 : memref<256xi32, #tpu.memory_space<vmem>>) semaphore(%arg11 : memref<!tpu.dma_semaphore, #tpu.memory_space<semaphore_mem>>)
    %dma_start3A_75 = arith.constant 1 : i32
    %dma_start3A_76 = arith.constant 0 : i32
    %dma_start3A_77 = arith.constant 1 : i32
    %dma_start3A_78 = arith.constant 0 : i32
    %dma_start3A_79 = arith.constant 0 : i32
    %dma_start3A_80 = arith.constant 0 : i32
    %dma_start3A_81 = tpu.memref_slice %arg8[%dma_start3A_76, %dma_start3A_78, %dma_start3A_79, %dma_start3A_80] : memref<2x4x256x32xf32, #tpu.memory_space<vmem>> -> memref<1x4x256x32xf32, #tpu.memory_space<vmem>>
    %dma_start3A_82 = tpu.memref_squeeze %dma_start3A_81 : memref<1x4x256x32xf32, #tpu.memory_space<vmem>> -> memref<4x256x32xf32, #tpu.memory_space<vmem>>
    %dma_start3A_83 = arith.constant 0 : i32
    %dma_start3A_84 = arith.constant 0 : i32
    %dma_start3A_85 = tpu.memref_slice %dma_start3A_82[%dma_start3A_77, %dma_start3A_83, %dma_start3A_84] : memref<4x256x32xf32, #tpu.memory_space<vmem>> -> memref<1x256x32xf32, #tpu.memory_space<vmem>>
    %dma_start3A_86 = tpu.memref_squeeze %dma_start3A_85 : memref<1x256x32xf32, #tpu.memory_space<vmem>> -> memref<256x32xf32, #tpu.memory_space<vmem>>
    %dma_start3A_87 = arith.constant 0 : i32
    %dma_start3A_88 = tpu.memref_slice %arg6[%dma_start3A_75, %dma_start3A_87] : memref<40x256xi32, #tpu.memory_space<vmem>> -> memref<1x256xi32, #tpu.memory_space<vmem>>
    %dma_start3A_89 = tpu.memref_squeeze %dma_start3A_88 : memref<1x256xi32, #tpu.memory_space<vmem>> -> memref<256xi32, #tpu.memory_space<vmem>>
    %dma_start3A_90 = arith.constant 0 : i32
    %dma_start3A_91 = arith.constant 0 : i32
    %dma_start3A_92 = tpu.memref_slice %arg10[%dma_start3A_90, %dma_start3A_91] : memref<10240x32xf32, #tpu.memory_space<vmem_shared>> -> memref<10240x32xf32, #tpu.memory_space<vmem_shared>>
    tpu.enqueue_indirect_dma source(%dma_start3A_92 : memref<10240x32xf32, #tpu.memory_space<vmem_shared>>) target(%dma_start3A_86 : memref<256x32xf32, #tpu.memory_space<vmem>>) offsets(%dma_start3A_89 : memref<256xi32, #tpu.memory_space<vmem>>) semaphore(%arg11 : memref<!tpu.dma_semaphore, #tpu.memory_space<semaphore_mem>>)
    %dma_start3A_93 = arith.constant 2 : i32
    %dma_start3A_94 = arith.constant 0 : i32
    %dma_start3A_95 = arith.constant 2 : i32
    %dma_start3A_96 = arith.constant 0 : i32
    %dma_start3A_97 = arith.constant 0 : i32
    %dma_start3A_98 = arith.constant 0 : i32
    %dma_start3A_99 = tpu.memref_slice %arg8[%dma_start3A_94, %dma_start3A_96, %dma_start3A_97, %dma_start3A_98] : memref<2x4x256x32xf32, #tpu.memory_space<vmem>> -> memref<1x4x256x32xf32, #tpu.memory_space<vmem>>
    %dma_start3A_100 = tpu.memref_squeeze %dma_start3A_99 : memref<1x4x256x32xf32, #tpu.memory_space<vmem>> -> memref<4x256x32xf32, #tpu.memory_space<vmem>>
    %dma_start3A_101 = arith.constant 0 : i32
    %dma_start3A_102 = arith.constant 0 : i32
    %dma_start3A_103 = tpu.memref_slice %dma_start3A_100[%dma_start3A_95, %dma_start3A_101, %dma_start3A_102] : memref<4x256x32xf32, #tpu.memory_space<vmem>> -> memref<1x256x32xf32, #tpu.memory_space<vmem>>
    %dma_start3A_104 = tpu.memref_squeeze %dma_start3A_103 : memref<1x256x32xf32, #tpu.memory_space<vmem>> -> memref<256x32xf32, #tpu.memory_space<vmem>>
    %dma_start3A_105 = arith.constant 0 : i32
    %dma_start3A_106 = tpu.memref_slice %arg6[%dma_start3A_93, %dma_start3A_105] : memref<40x256xi32, #tpu.memory_space<vmem>> -> memref<1x256xi32, #tpu.memory_space<vmem>>
    %dma_start3A_107 = tpu.memref_squeeze %dma_start3A_106 : memref<1x256xi32, #tpu.memory_space<vmem>> -> memref<256xi32, #tpu.memory_space<vmem>>
    %dma_start3A_108 = arith.constant 0 : i32
    %dma_start3A_109 = arith.constant 0 : i32
    %dma_start3A_110 = tpu.memref_slice %arg10[%dma_start3A_108, %dma_start3A_109] : memref<10240x32xf32, #tpu.memory_space<vmem_shared>> -> memref<10240x32xf32, #tpu.memory_space<vmem_shared>>
    tpu.enqueue_indirect_dma source(%dma_start3A_110 : memref<10240x32xf32, #tpu.memory_space<vmem_shared>>) target(%dma_start3A_104 : memref<256x32xf32, #tpu.memory_space<vmem>>) offsets(%dma_start3A_107 : memref<256xi32, #tpu.memory_space<vmem>>) semaphore(%arg11 : memref<!tpu.dma_semaphore, #tpu.memory_space<semaphore_mem>>)
    %dma_start3A_111 = arith.constant 3 : i32
    %dma_start3A_112 = arith.constant 0 : i32
    %dma_start3A_113 = arith.constant 3 : i32
    %dma_start3A_114 = arith.constant 0 : i32
    %dma_start3A_115 = arith.constant 0 : i32
    %dma_start3A_116 = arith.constant 0 : i32
    %dma_start3A_117 = tpu.memref_slice %arg8[%dma_start3A_112, %dma_start3A_114, %dma_start3A_115, %dma_start3A_116] : memref<2x4x256x32xf32, #tpu.memory_space<vmem>> -> memref<1x4x256x32xf32, #tpu.memory_space<vmem>>
    %dma_start3A_118 = tpu.memref_squeeze %dma_start3A_117 : memref<1x4x256x32xf32, #tpu.memory_space<vmem>> -> memref<4x256x32xf32, #tpu.memory_space<vmem>>
    %dma_start3A_119 = arith.constant 0 : i32
    %dma_start3A_120 = arith.constant 0 : i32
    %dma_start3A_121 = tpu.memref_slice %dma_start3A_118[%dma_start3A_113, %dma_start3A_119, %dma_start3A_120] : memref<4x256x32xf32, #tpu.memory_space<vmem>> -> memref<1x256x32xf32, #tpu.memory_space<vmem>>
    %dma_start3A_122 = tpu.memref_squeeze %dma_start3A_121 : memref<1x256x32xf32, #tpu.memory_space<vmem>> -> memref<256x32xf32, #tpu.memory_space<vmem>>
    %dma_start3A_123 = arith.constant 0 : i32
    %dma_start3A_124 = tpu.memref_slice %arg6[%dma_start3A_111, %dma_start3A_123] : memref<40x256xi32, #tpu.memory_space<vmem>> -> memref<1x256xi32, #tpu.memory_space<vmem>>
    %dma_start3A_125 = tpu.memref_squeeze %dma_start3A_124 : memref<1x256xi32, #tpu.memory_space<vmem>> -> memref<256xi32, #tpu.memory_space<vmem>>
    %dma_start3A_126 = arith.constant 0 : i32
    %dma_start3A_127 = arith.constant 0 : i32
    %dma_start3A_128 = tpu.memref_slice %arg10[%dma_start3A_126, %dma_start3A_127] : memref<10240x32xf32, #tpu.memory_space<vmem_shared>> -> memref<10240x32xf32, #tpu.memory_space<vmem_shared>>
    tpu.enqueue_indirect_dma source(%dma_start3A_128 : memref<10240x32xf32, #tpu.memory_space<vmem_shared>>) target(%dma_start3A_122 : memref<256x32xf32, #tpu.memory_space<vmem>>) offsets(%dma_start3A_125 : memref<256xi32, #tpu.memory_space<vmem>>) semaphore(%arg11 : memref<!tpu.dma_semaphore, #tpu.memory_space<semaphore_mem>>)
    %scan3A_129 = arith.constant 0 : i32
    %scan3A_130 = arith.constant 0 : i32
    %scan3A_131 = arith.constant 4 : i32
    %scan3A_132 = arith.addi %scan3A_130, %scan3A_131 : i32
    %scan3A_133 = arith.constant 1 : i32
    %scan3A_134 = scf.for %scan3A_645 = %scan3A_130 to %scan3A_132 step %scan3A_133 iter_args(%scan3A_646 = %scan3A_129) -> (i32)  : i32 {
      %mul3A_647 = arith.constant 2 : i32
      %mul3A_648 = arith.muli %mul3A_647, %scan3A_645 : i32
      %add3A_649 = arith.constant 1 : i32
      %add3A_650 = arith.addi %mul3A_648, %add3A_649 : i32
      %mul3A_651 = arith.constant 4 : i32
      %mul3A_652 = arith.muli %add3A_650, %mul3A_651 : i32
      %add3A_653 = arith.constant 0 : i32
      %add3A_654 = arith.addi %mul3A_652, %add3A_653 : i32
      %dma_start3A_655 = arith.constant 1 : i32
      %dma_start3A_656 = arith.constant 0 : i32
      %dma_start3A_657 = arith.constant 0 : i32
      %dma_start3A_658 = arith.constant 0 : i32
      %dma_start3A_659 = arith.constant 0 : i32
      %dma_start3A_660 = tpu.memref_slice %arg8[%dma_start3A_655, %dma_start3A_657, %dma_start3A_658, %dma_start3A_659] : memref<2x4x256x32xf32, #tpu.memory_space<vmem>> -> memref<1x4x256x32xf32, #tpu.memory_space<vmem>>
      %dma_start3A_661 = tpu.memref_squeeze %dma_start3A_660 : memref<1x4x256x32xf32, #tpu.memory_space<vmem>> -> memref<4x256x32xf32, #tpu.memory_space<vmem>>
      %dma_start3A_662 = arith.constant 0 : i32
      %dma_start3A_663 = arith.constant 0 : i32
      %dma_start3A_664 = tpu.memref_slice %dma_start3A_661[%dma_start3A_656, %dma_start3A_662, %dma_start3A_663] : memref<4x256x32xf32, #tpu.memory_space<vmem>> -> memref<1x256x32xf32, #tpu.memory_space<vmem>>
      %dma_start3A_665 = tpu.memref_squeeze %dma_start3A_664 : memref<1x256x32xf32, #tpu.memory_space<vmem>> -> memref<256x32xf32, #tpu.memory_space<vmem>>
      %dma_start3A_666 = arith.constant 0 : i32
      %dma_start3A_667 = tpu.memref_slice %arg6[%add3A_654, %dma_start3A_666] : memref<40x256xi32, #tpu.memory_space<vmem>> -> memref<1x256xi32, #tpu.memory_space<vmem>>
      %dma_start3A_668 = tpu.memref_squeeze %dma_start3A_667 : memref<1x256xi32, #tpu.memory_space<vmem>> -> memref<256xi32, #tpu.memory_space<vmem>>
      %dma_start3A_669 = arith.constant 0 : i32
      %dma_start3A_670 = arith.constant 0 : i32
      %dma_start3A_671 = tpu.memref_slice %arg10[%dma_start3A_669, %dma_start3A_670] : memref<10240x32xf32, #tpu.memory_space<vmem_shared>> -> memref<10240x32xf32, #tpu.memory_space<vmem_shared>>
      tpu.enqueue_indirect_dma source(%dma_start3A_671 : memref<10240x32xf32, #tpu.memory_space<vmem_shared>>) target(%dma_start3A_665 : memref<256x32xf32, #tpu.memory_space<vmem>>) offsets(%dma_start3A_668 : memref<256xi32, #tpu.memory_space<vmem>>) semaphore(%arg12 : memref<!tpu.dma_semaphore, #tpu.memory_space<semaphore_mem>>)
      %mul3A_672 = arith.constant 4 : i32
      %mul3A_673 = arith.muli %add3A_650, %mul3A_672 : i32
      %add3A_674 = arith.constant 1 : i32
      %add3A_675 = arith.addi %mul3A_673, %add3A_674 : i32
      %dma_start3A_676 = arith.constant 1 : i32
      %dma_start3A_677 = arith.constant 1 : i32
      %dma_start3A_678 = arith.constant 0 : i32
      %dma_start3A_679 = arith.constant 0 : i32
      %dma_start3A_680 = arith.constant 0 : i32
      %dma_start3A_681 = tpu.memref_slice %arg8[%dma_start3A_676, %dma_start3A_678, %dma_start3A_679, %dma_start3A_680] : memref<2x4x256x32xf32, #tpu.memory_space<vmem>> -> memref<1x4x256x32xf32, #tpu.memory_space<vmem>>
      %dma_start3A_682 = tpu.memref_squeeze %dma_start3A_681 : memref<1x4x256x32xf32, #tpu.memory_space<vmem>> -> memref<4x256x32xf32, #tpu.memory_space<vmem>>
      %dma_start3A_683 = arith.constant 0 : i32
      %dma_start3A_684 = arith.constant 0 : i32
      %dma_start3A_685 = tpu.memref_slice %dma_start3A_682[%dma_start3A_677, %dma_start3A_683, %dma_start3A_684] : memref<4x256x32xf32, #tpu.memory_space<vmem>> -> memref<1x256x32xf32, #tpu.memory_space<vmem>>
      %dma_start3A_686 = tpu.memref_squeeze %dma_start3A_685 : memref<1x256x32xf32, #tpu.memory_space<vmem>> -> memref<256x32xf32, #tpu.memory_space<vmem>>
      %dma_start3A_687 = arith.constant 0 : i32
      %dma_start3A_688 = tpu.memref_slice %arg6[%add3A_675, %dma_start3A_687] : memref<40x256xi32, #tpu.memory_space<vmem>> -> memref<1x256xi32, #tpu.memory_space<vmem>>
      %dma_start3A_689 = tpu.memref_squeeze %dma_start3A_688 : memref<1x256xi32, #tpu.memory_space<vmem>> -> memref<256xi32, #tpu.memory_space<vmem>>
      %dma_start3A_690 = arith.constant 0 : i32
      %dma_start3A_691 = arith.constant 0 : i32
      %dma_start3A_692 = tpu.memref_slice %arg10[%dma_start3A_690, %dma_start3A_691] : memref<10240x32xf32, #tpu.memory_space<vmem_shared>> -> memref<10240x32xf32, #tpu.memory_space<vmem_shared>>
      tpu.enqueue_indirect_dma source(%dma_start3A_692 : memref<10240x32xf32, #tpu.memory_space<vmem_shared>>) target(%dma_start3A_686 : memref<256x32xf32, #tpu.memory_space<vmem>>) offsets(%dma_start3A_689 : memref<256xi32, #tpu.memory_space<vmem>>) semaphore(%arg12 : memref<!tpu.dma_semaphore, #tpu.memory_space<semaphore_mem>>)
      %mul3A_693 = arith.constant 4 : i32
      %mul3A_694 = arith.muli %add3A_650, %mul3A_693 : i32
      %add3A_695 = arith.constant 2 : i32
      %add3A_696 = arith.addi %mul3A_694, %add3A_695 : i32
      %dma_start3A_697 = arith.constant 1 : i32
      %dma_start3A_698 = arith.constant 2 : i32
      %dma_start3A_699 = arith.constant 0 : i32
      %dma_start3A_700 = arith.constant 0 : i32
      %dma_start3A_701 = arith.constant 0 : i32
      %dma_start3A_702 = tpu.memref_slice %arg8[%dma_start3A_697, %dma_start3A_699, %dma_start3A_700, %dma_start3A_701] : memref<2x4x256x32xf32, #tpu.memory_space<vmem>> -> memref<1x4x256x32xf32, #tpu.memory_space<vmem>>
      %dma_start3A_703 = tpu.memref_squeeze %dma_start3A_702 : memref<1x4x256x32xf32, #tpu.memory_space<vmem>> -> memref<4x256x32xf32, #tpu.memory_space<vmem>>
      %dma_start3A_704 = arith.constant 0 : i32
      %dma_start3A_705 = arith.constant 0 : i32
      %dma_start3A_706 = tpu.memref_slice %dma_start3A_703[%dma_start3A_698, %dma_start3A_704, %dma_start3A_705] : memref<4x256x32xf32, #tpu.memory_space<vmem>> -> memref<1x256x32xf32, #tpu.memory_space<vmem>>
      %dma_start3A_707 = tpu.memref_squeeze %dma_start3A_706 : memref<1x256x32xf32, #tpu.memory_space<vmem>> -> memref<256x32xf32, #tpu.memory_space<vmem>>
      %dma_start3A_708 = arith.constant 0 : i32
      %dma_start3A_709 = tpu.memref_slice %arg6[%add3A_696, %dma_start3A_708] : memref<40x256xi32, #tpu.memory_space<vmem>> -> memref<1x256xi32, #tpu.memory_space<vmem>>
      %dma_start3A_710 = tpu.memref_squeeze %dma_start3A_709 : memref<1x256xi32, #tpu.memory_space<vmem>> -> memref<256xi32, #tpu.memory_space<vmem>>
      %dma_start3A_711 = arith.constant 0 : i32
      %dma_start3A_712 = arith.constant 0 : i32
      %dma_start3A_713 = tpu.memref_slice %arg10[%dma_start3A_711, %dma_start3A_712] : memref<10240x32xf32, #tpu.memory_space<vmem_shared>> -> memref<10240x32xf32, #tpu.memory_space<vmem_shared>>
      tpu.enqueue_indirect_dma source(%dma_start3A_713 : memref<10240x32xf32, #tpu.memory_space<vmem_shared>>) target(%dma_start3A_707 : memref<256x32xf32, #tpu.memory_space<vmem>>) offsets(%dma_start3A_710 : memref<256xi32, #tpu.memory_space<vmem>>) semaphore(%arg12 : memref<!tpu.dma_semaphore, #tpu.memory_space<semaphore_mem>>)
      %mul3A_714 = arith.constant 4 : i32
      %mul3A_715 = arith.muli %add3A_650, %mul3A_714 : i32
      %add3A_716 = arith.constant 3 : i32
      %add3A_717 = arith.addi %mul3A_715, %add3A_716 : i32
      %dma_start3A_718 = arith.constant 1 : i32
      %dma_start3A_719 = arith.constant 3 : i32
      %dma_start3A_720 = arith.constant 0 : i32
      %dma_start3A_721 = arith.constant 0 : i32
      %dma_start3A_722 = arith.constant 0 : i32
      %dma_start3A_723 = tpu.memref_slice %arg8[%dma_start3A_718, %dma_start3A_720, %dma_start3A_721, %dma_start3A_722] : memref<2x4x256x32xf32, #tpu.memory_space<vmem>> -> memref<1x4x256x32xf32, #tpu.memory_space<vmem>>
      %dma_start3A_724 = tpu.memref_squeeze %dma_start3A_723 : memref<1x4x256x32xf32, #tpu.memory_space<vmem>> -> memref<4x256x32xf32, #tpu.memory_space<vmem>>
      %dma_start3A_725 = arith.constant 0 : i32
      %dma_start3A_726 = arith.constant 0 : i32
      %dma_start3A_727 = tpu.memref_slice %dma_start3A_724[%dma_start3A_719, %dma_start3A_725, %dma_start3A_726] : memref<4x256x32xf32, #tpu.memory_space<vmem>> -> memref<1x256x32xf32, #tpu.memory_space<vmem>>
      %dma_start3A_728 = tpu.memref_squeeze %dma_start3A_727 : memref<1x256x32xf32, #tpu.memory_space<vmem>> -> memref<256x32xf32, #tpu.memory_space<vmem>>
      %dma_start3A_729 = arith.constant 0 : i32
      %dma_start3A_730 = tpu.memref_slice %arg6[%add3A_717, %dma_start3A_729] : memref<40x256xi32, #tpu.memory_space<vmem>> -> memref<1x256xi32, #tpu.memory_space<vmem>>
      %dma_start3A_731 = tpu.memref_squeeze %dma_start3A_730 : memref<1x256xi32, #tpu.memory_space<vmem>> -> memref<256xi32, #tpu.memory_space<vmem>>
      %dma_start3A_732 = arith.constant 0 : i32
      %dma_start3A_733 = arith.constant 0 : i32
      %dma_start3A_734 = tpu.memref_slice %arg10[%dma_start3A_732, %dma_start3A_733] : memref<10240x32xf32, #tpu.memory_space<vmem_shared>> -> memref<10240x32xf32, #tpu.memory_space<vmem_shared>>
      tpu.enqueue_indirect_dma source(%dma_start3A_734 : memref<10240x32xf32, #tpu.memory_space<vmem_shared>>) target(%dma_start3A_728 : memref<256x32xf32, #tpu.memory_space<vmem>>) offsets(%dma_start3A_731 : memref<256xi32, #tpu.memory_space<vmem>>) semaphore(%arg12 : memref<!tpu.dma_semaphore, #tpu.memory_space<semaphore_mem>>)
      %mul3A_735 = arith.constant 4 : i32
      %mul3A_736 = arith.muli %mul3A_648, %mul3A_735 : i32
      %add3A_737 = arith.constant 0 : i32
      %add3A_738 = arith.addi %mul3A_736, %add3A_737 : i32
      %dma_wait3A_739 = arith.constant 0 : i32
      %dma_wait3A_740 = arith.constant 0 : i32
      %dma_wait3A_741 = arith.constant 0 : i32
      %dma_wait3A_742 = arith.constant 0 : i32
      %dma_wait3A_743 = arith.constant 0 : i32
      %dma_wait3A_744 = tpu.memref_slice %arg8[%dma_wait3A_739, %dma_wait3A_741, %dma_wait3A_742, %dma_wait3A_743] : memref<2x4x256x32xf32, #tpu.memory_space<vmem>> -> memref<1x4x256x32xf32, #tpu.memory_space<vmem>>
      %dma_wait3A_745 = tpu.memref_squeeze %dma_wait3A_744 : memref<1x4x256x32xf32, #tpu.memory_space<vmem>> -> memref<4x256x32xf32, #tpu.memory_space<vmem>>
      %dma_wait3A_746 = arith.constant 0 : i32
      %dma_wait3A_747 = arith.constant 0 : i32
      %dma_wait3A_748 = tpu.memref_slice %dma_wait3A_745[%dma_wait3A_740, %dma_wait3A_746, %dma_wait3A_747] : memref<4x256x32xf32, #tpu.memory_space<vmem>> -> memref<1x256x32xf32, #tpu.memory_space<vmem>>
      %dma_wait3A_749 = tpu.memref_squeeze %dma_wait3A_748 : memref<1x256x32xf32, #tpu.memory_space<vmem>> -> memref<256x32xf32, #tpu.memory_space<vmem>>
      %dma_wait3A_750 = arith.constant 0 : i32
      %dma_wait3A_751 = tpu.memref_slice %arg6[%add3A_738, %dma_wait3A_750] : memref<40x256xi32, #tpu.memory_space<vmem>> -> memref<1x256xi32, #tpu.memory_space<vmem>>
      %dma_wait3A_752 = tpu.memref_squeeze %dma_wait3A_751 : memref<1x256xi32, #tpu.memory_space<vmem>> -> memref<256xi32, #tpu.memory_space<vmem>>
      %dma_wait3A_753 = arith.constant 0 : i32
      %dma_wait3A_754 = arith.constant 0 : i32
      %dma_wait3A_755 = tpu.memref_slice %arg10[%dma_wait3A_753, %dma_wait3A_754] : memref<10240x32xf32, #tpu.memory_space<vmem_shared>> -> memref<10240x32xf32, #tpu.memory_space<vmem_shared>>
      tpu.wait_indirect_dma semaphore(%arg11 : memref<!tpu.dma_semaphore, #tpu.memory_space<semaphore_mem>>) src(%dma_wait3A_755 : memref<10240x32xf32, #tpu.memory_space<vmem_shared>>) dst(%dma_wait3A_749 : memref<256x32xf32, #tpu.memory_space<vmem>>)
      %mul3A_756 = arith.constant 4 : i32
      %mul3A_757 = arith.muli %mul3A_648, %mul3A_756 : i32
      %add3A_758 = arith.constant 1 : i32
      %add3A_759 = arith.addi %mul3A_757, %add3A_758 : i32
      %dma_wait3A_760 = arith.constant 0 : i32
      %dma_wait3A_761 = arith.constant 1 : i32
      %dma_wait3A_762 = arith.constant 0 : i32
      %dma_wait3A_763 = arith.constant 0 : i32
      %dma_wait3A_764 = arith.constant 0 : i32
      %dma_wait3A_765 = tpu.memref_slice %arg8[%dma_wait3A_760, %dma_wait3A_762, %dma_wait3A_763, %dma_wait3A_764] : memref<2x4x256x32xf32, #tpu.memory_space<vmem>> -> memref<1x4x256x32xf32, #tpu.memory_space<vmem>>
      %dma_wait3A_766 = tpu.memref_squeeze %dma_wait3A_765 : memref<1x4x256x32xf32, #tpu.memory_space<vmem>> -> memref<4x256x32xf32, #tpu.memory_space<vmem>>
      %dma_wait3A_767 = arith.constant 0 : i32
      %dma_wait3A_768 = arith.constant 0 : i32
      %dma_wait3A_769 = tpu.memref_slice %dma_wait3A_766[%dma_wait3A_761, %dma_wait3A_767, %dma_wait3A_768] : memref<4x256x32xf32, #tpu.memory_space<vmem>> -> memref<1x256x32xf32, #tpu.memory_space<vmem>>
      %dma_wait3A_770 = tpu.memref_squeeze %dma_wait3A_769 : memref<1x256x32xf32, #tpu.memory_space<vmem>> -> memref<256x32xf32, #tpu.memory_space<vmem>>
      %dma_wait3A_771 = arith.constant 0 : i32
      %dma_wait3A_772 = tpu.memref_slice %arg6[%add3A_759, %dma_wait3A_771] : memref<40x256xi32, #tpu.memory_space<vmem>> -> memref<1x256xi32, #tpu.memory_space<vmem>>
      %dma_wait3A_773 = tpu.memref_squeeze %dma_wait3A_772 : memref<1x256xi32, #tpu.memory_space<vmem>> -> memref<256xi32, #tpu.memory_space<vmem>>
      %dma_wait3A_774 = arith.constant 0 : i32
      %dma_wait3A_775 = arith.constant 0 : i32
      %dma_wait3A_776 = tpu.memref_slice %arg10[%dma_wait3A_774, %dma_wait3A_775] : memref<10240x32xf32, #tpu.memory_space<vmem_shared>> -> memref<10240x32xf32, #tpu.memory_space<vmem_shared>>
      tpu.wait_indirect_dma semaphore(%arg11 : memref<!tpu.dma_semaphore, #tpu.memory_space<semaphore_mem>>) src(%dma_wait3A_776 : memref<10240x32xf32, #tpu.memory_space<vmem_shared>>) dst(%dma_wait3A_770 : memref<256x32xf32, #tpu.memory_space<vmem>>)
      %mul3A_777 = arith.constant 4 : i32
      %mul3A_778 = arith.muli %mul3A_648, %mul3A_777 : i32
      %add3A_779 = arith.constant 2 : i32
      %add3A_780 = arith.addi %mul3A_778, %add3A_779 : i32
      %dma_wait3A_781 = arith.constant 0 : i32
      %dma_wait3A_782 = arith.constant 2 : i32
      %dma_wait3A_783 = arith.constant 0 : i32
      %dma_wait3A_784 = arith.constant 0 : i32
      %dma_wait3A_785 = arith.constant 0 : i32
      %dma_wait3A_786 = tpu.memref_slice %arg8[%dma_wait3A_781, %dma_wait3A_783, %dma_wait3A_784, %dma_wait3A_785] : memref<2x4x256x32xf32, #tpu.memory_space<vmem>> -> memref<1x4x256x32xf32, #tpu.memory_space<vmem>>
      %dma_wait3A_787 = tpu.memref_squeeze %dma_wait3A_786 : memref<1x4x256x32xf32, #tpu.memory_space<vmem>> -> memref<4x256x32xf32, #tpu.memory_space<vmem>>
      %dma_wait3A_788 = arith.constant 0 : i32
      %dma_wait3A_789 = arith.constant 0 : i32
      %dma_wait3A_790 = tpu.memref_slice %dma_wait3A_787[%dma_wait3A_782, %dma_wait3A_788, %dma_wait3A_789] : memref<4x256x32xf32, #tpu.memory_space<vmem>> -> memref<1x256x32xf32, #tpu.memory_space<vmem>>
      %dma_wait3A_791 = tpu.memref_squeeze %dma_wait3A_790 : memref<1x256x32xf32, #tpu.memory_space<vmem>> -> memref<256x32xf32, #tpu.memory_space<vmem>>
      %dma_wait3A_792 = arith.constant 0 : i32
      %dma_wait3A_793 = tpu.memref_slice %arg6[%add3A_780, %dma_wait3A_792] : memref<40x256xi32, #tpu.memory_space<vmem>> -> memref<1x256xi32, #tpu.memory_space<vmem>>
      %dma_wait3A_794 = tpu.memref_squeeze %dma_wait3A_793 : memref<1x256xi32, #tpu.memory_space<vmem>> -> memref<256xi32, #tpu.memory_space<vmem>>
      %dma_wait3A_795 = arith.constant 0 : i32
      %dma_wait3A_796 = arith.constant 0 : i32
      %dma_wait3A_797 = tpu.memref_slice %arg10[%dma_wait3A_795, %dma_wait3A_796] : memref<10240x32xf32, #tpu.memory_space<vmem_shared>> -> memref<10240x32xf32, #tpu.memory_space<vmem_shared>>
      tpu.wait_indirect_dma semaphore(%arg11 : memref<!tpu.dma_semaphore, #tpu.memory_space<semaphore_mem>>) src(%dma_wait3A_797 : memref<10240x32xf32, #tpu.memory_space<vmem_shared>>) dst(%dma_wait3A_791 : memref<256x32xf32, #tpu.memory_space<vmem>>)
      %mul3A_798 = arith.constant 4 : i32
      %mul3A_799 = arith.muli %mul3A_648, %mul3A_798 : i32
      %add3A_800 = arith.constant 3 : i32
      %add3A_801 = arith.addi %mul3A_799, %add3A_800 : i32
      %dma_wait3A_802 = arith.constant 0 : i32
      %dma_wait3A_803 = arith.constant 3 : i32
      %dma_wait3A_804 = arith.constant 0 : i32
      %dma_wait3A_805 = arith.constant 0 : i32
      %dma_wait3A_806 = arith.constant 0 : i32
      %dma_wait3A_807 = tpu.memref_slice %arg8[%dma_wait3A_802, %dma_wait3A_804, %dma_wait3A_805, %dma_wait3A_806] : memref<2x4x256x32xf32, #tpu.memory_space<vmem>> -> memref<1x4x256x32xf32, #tpu.memory_space<vmem>>
      %dma_wait3A_808 = tpu.memref_squeeze %dma_wait3A_807 : memref<1x4x256x32xf32, #tpu.memory_space<vmem>> -> memref<4x256x32xf32, #tpu.memory_space<vmem>>
      %dma_wait3A_809 = arith.constant 0 : i32
      %dma_wait3A_810 = arith.constant 0 : i32
      %dma_wait3A_811 = tpu.memref_slice %dma_wait3A_808[%dma_wait3A_803, %dma_wait3A_809, %dma_wait3A_810] : memref<4x256x32xf32, #tpu.memory_space<vmem>> -> memref<1x256x32xf32, #tpu.memory_space<vmem>>
      %dma_wait3A_812 = tpu.memref_squeeze %dma_wait3A_811 : memref<1x256x32xf32, #tpu.memory_space<vmem>> -> memref<256x32xf32, #tpu.memory_space<vmem>>
      %dma_wait3A_813 = arith.constant 0 : i32
      %dma_wait3A_814 = tpu.memref_slice %arg6[%add3A_801, %dma_wait3A_813] : memref<40x256xi32, #tpu.memory_space<vmem>> -> memref<1x256xi32, #tpu.memory_space<vmem>>
      %dma_wait3A_815 = tpu.memref_squeeze %dma_wait3A_814 : memref<1x256xi32, #tpu.memory_space<vmem>> -> memref<256xi32, #tpu.memory_space<vmem>>
      %dma_wait3A_816 = arith.constant 0 : i32
      %dma_wait3A_817 = arith.constant 0 : i32
      %dma_wait3A_818 = tpu.memref_slice %arg10[%dma_wait3A_816, %dma_wait3A_817] : memref<10240x32xf32, #tpu.memory_space<vmem_shared>> -> memref<10240x32xf32, #tpu.memory_space<vmem_shared>>
      tpu.wait_indirect_dma semaphore(%arg11 : memref<!tpu.dma_semaphore, #tpu.memory_space<semaphore_mem>>) src(%dma_wait3A_818 : memref<10240x32xf32, #tpu.memory_space<vmem_shared>>) dst(%dma_wait3A_812 : memref<256x32xf32, #tpu.memory_space<vmem>>)
      %mul3A_819 = arith.constant 4 : i32
      %mul3A_820 = arith.muli %mul3A_648, %mul3A_819 : i32
      %add3A_821 = arith.constant 0 : i32
      %add3A_822 = arith.addi %mul3A_820, %add3A_821 : i32
      %dma_start3A_823 = arith.constant 0 : i32
      %dma_start3A_824 = arith.constant 0 : i32
      %dma_start3A_825 = arith.constant 0 : i32
      %dma_start3A_826 = arith.constant 0 : i32
      %dma_start3A_827 = arith.constant 0 : i32
      %dma_start3A_828 = tpu.memref_slice %arg8[%dma_start3A_823, %dma_start3A_825, %dma_start3A_826, %dma_start3A_827] : memref<2x4x256x32xf32, #tpu.memory_space<vmem>> -> memref<1x4x256x32xf32, #tpu.memory_space<vmem>>
      %dma_start3A_829 = tpu.memref_squeeze %dma_start3A_828 : memref<1x4x256x32xf32, #tpu.memory_space<vmem>> -> memref<4x256x32xf32, #tpu.memory_space<vmem>>
      %dma_start3A_830 = arith.constant 0 : i32
      %dma_start3A_831 = arith.constant 0 : i32
      %dma_start3A_832 = tpu.memref_slice %dma_start3A_829[%dma_start3A_824, %dma_start3A_830, %dma_start3A_831] : memref<4x256x32xf32, #tpu.memory_space<vmem>> -> memref<1x256x32xf32, #tpu.memory_space<vmem>>
      %dma_start3A_833 = tpu.memref_squeeze %dma_start3A_832 : memref<1x256x32xf32, #tpu.memory_space<vmem>> -> memref<256x32xf32, #tpu.memory_space<vmem>>
      %dma_start3A_834 = arith.constant 0 : i32
      %dma_start3A_835 = tpu.memref_slice %arg7[%add3A_822, %dma_start3A_834] : memref<40x256xi32, #tpu.memory_space<vmem>> -> memref<1x256xi32, #tpu.memory_space<vmem>>
      %dma_start3A_836 = tpu.memref_squeeze %dma_start3A_835 : memref<1x256xi32, #tpu.memory_space<vmem>> -> memref<256xi32, #tpu.memory_space<vmem>>
      %dma_start3A_837 = arith.constant 0 : i32
      %dma_start3A_838 = arith.constant 0 : i32
      %dma_start3A_839 = tpu.memref_slice %arg9[%dma_start3A_837, %dma_start3A_838] : memref<10240x32xf32, #tpu.memory_space<vmem_shared>> -> memref<10240x32xf32, #tpu.memory_space<vmem_shared>>
      tpu.enqueue_indirect_dma source(%dma_start3A_833 : memref<256x32xf32, #tpu.memory_space<vmem>>) target(%dma_start3A_839 : memref<10240x32xf32, #tpu.memory_space<vmem_shared>>) offsets(%dma_start3A_836 : memref<256xi32, #tpu.memory_space<vmem>>) semaphore(%arg13 : memref<!tpu.dma_semaphore, #tpu.memory_space<semaphore_mem>>) {add = true}
      %mul3A_840 = arith.constant 4 : i32
      %mul3A_841 = arith.muli %mul3A_648, %mul3A_840 : i32
      %add3A_842 = arith.constant 1 : i32
      %add3A_843 = arith.addi %mul3A_841, %add3A_842 : i32
      %dma_start3A_844 = arith.constant 0 : i32
      %dma_start3A_845 = arith.constant 1 : i32
      %dma_start3A_846 = arith.constant 0 : i32
      %dma_start3A_847 = arith.constant 0 : i32
      %dma_start3A_848 = arith.constant 0 : i32
      %dma_start3A_849 = tpu.memref_slice %arg8[%dma_start3A_844, %dma_start3A_846, %dma_start3A_847, %dma_start3A_848] : memref<2x4x256x32xf32, #tpu.memory_space<vmem>> -> memref<1x4x256x32xf32, #tpu.memory_space<vmem>>
      %dma_start3A_850 = tpu.memref_squeeze %dma_start3A_849 : memref<1x4x256x32xf32, #tpu.memory_space<vmem>> -> memref<4x256x32xf32, #tpu.memory_space<vmem>>
      %dma_start3A_851 = arith.constant 0 : i32
      %dma_start3A_852 = arith.constant 0 : i32
      %dma_start3A_853 = tpu.memref_slice %dma_start3A_850[%dma_start3A_845, %dma_start3A_851, %dma_start3A_852] : memref<4x256x32xf32, #tpu.memory_space<vmem>> -> memref<1x256x32xf32, #tpu.memory_space<vmem>>
      %dma_start3A_854 = tpu.memref_squeeze %dma_start3A_853 : memref<1x256x32xf32, #tpu.memory_space<vmem>> -> memref<256x32xf32, #tpu.memory_space<vmem>>
      %dma_start3A_855 = arith.constant 0 : i32
      %dma_start3A_856 = tpu.memref_slice %arg7[%add3A_843, %dma_start3A_855] : memref<40x256xi32, #tpu.memory_space<vmem>> -> memref<1x256xi32, #tpu.memory_space<vmem>>
      %dma_start3A_857 = tpu.memref_squeeze %dma_start3A_856 : memref<1x256xi32, #tpu.memory_space<vmem>> -> memref<256xi32, #tpu.memory_space<vmem>>
      %dma_start3A_858 = arith.constant 0 : i32
      %dma_start3A_859 = arith.constant 0 : i32
      %dma_start3A_860 = tpu.memref_slice %arg9[%dma_start3A_858, %dma_start3A_859] : memref<10240x32xf32, #tpu.memory_space<vmem_shared>> -> memref<10240x32xf32, #tpu.memory_space<vmem_shared>>
      tpu.enqueue_indirect_dma source(%dma_start3A_854 : memref<256x32xf32, #tpu.memory_space<vmem>>) target(%dma_start3A_860 : memref<10240x32xf32, #tpu.memory_space<vmem_shared>>) offsets(%dma_start3A_857 : memref<256xi32, #tpu.memory_space<vmem>>) semaphore(%arg13 : memref<!tpu.dma_semaphore, #tpu.memory_space<semaphore_mem>>) {add = true}
      %mul3A_861 = arith.constant 4 : i32
      %mul3A_862 = arith.muli %mul3A_648, %mul3A_861 : i32
      %add3A_863 = arith.constant 2 : i32
      %add3A_864 = arith.addi %mul3A_862, %add3A_863 : i32
      %dma_start3A_865 = arith.constant 0 : i32
      %dma_start3A_866 = arith.constant 2 : i32
      %dma_start3A_867 = arith.constant 0 : i32
      %dma_start3A_868 = arith.constant 0 : i32
      %dma_start3A_869 = arith.constant 0 : i32
      %dma_start3A_870 = tpu.memref_slice %arg8[%dma_start3A_865, %dma_start3A_867, %dma_start3A_868, %dma_start3A_869] : memref<2x4x256x32xf32, #tpu.memory_space<vmem>> -> memref<1x4x256x32xf32, #tpu.memory_space<vmem>>
      %dma_start3A_871 = tpu.memref_squeeze %dma_start3A_870 : memref<1x4x256x32xf32, #tpu.memory_space<vmem>> -> memref<4x256x32xf32, #tpu.memory_space<vmem>>
      %dma_start3A_872 = arith.constant 0 : i32
      %dma_start3A_873 = arith.constant 0 : i32
      %dma_start3A_874 = tpu.memref_slice %dma_start3A_871[%dma_start3A_866, %dma_start3A_872, %dma_start3A_873] : memref<4x256x32xf32, #tpu.memory_space<vmem>> -> memref<1x256x32xf32, #tpu.memory_space<vmem>>
      %dma_start3A_875 = tpu.memref_squeeze %dma_start3A_874 : memref<1x256x32xf32, #tpu.memory_space<vmem>> -> memref<256x32xf32, #tpu.memory_space<vmem>>
      %dma_start3A_876 = arith.constant 0 : i32
      %dma_start3A_877 = tpu.memref_slice %arg7[%add3A_864, %dma_start3A_876] : memref<40x256xi32, #tpu.memory_space<vmem>> -> memref<1x256xi32, #tpu.memory_space<vmem>>
      %dma_start3A_878 = tpu.memref_squeeze %dma_start3A_877 : memref<1x256xi32, #tpu.memory_space<vmem>> -> memref<256xi32, #tpu.memory_space<vmem>>
      %dma_start3A_879 = arith.constant 0 : i32
      %dma_start3A_880 = arith.constant 0 : i32
      %dma_start3A_881 = tpu.memref_slice %arg9[%dma_start3A_879, %dma_start3A_880] : memref<10240x32xf32, #tpu.memory_space<vmem_shared>> -> memref<10240x32xf32, #tpu.memory_space<vmem_shared>>
      tpu.enqueue_indirect_dma source(%dma_start3A_875 : memref<256x32xf32, #tpu.memory_space<vmem>>) target(%dma_start3A_881 : memref<10240x32xf32, #tpu.memory_space<vmem_shared>>) offsets(%dma_start3A_878 : memref<256xi32, #tpu.memory_space<vmem>>) semaphore(%arg13 : memref<!tpu.dma_semaphore, #tpu.memory_space<semaphore_mem>>) {add = true}
      %mul3A_882 = arith.constant 4 : i32
      %mul3A_883 = arith.muli %mul3A_648, %mul3A_882 : i32
      %add3A_884 = arith.constant 3 : i32
      %add3A_885 = arith.addi %mul3A_883, %add3A_884 : i32
      %dma_start3A_886 = arith.constant 0 : i32
      %dma_start3A_887 = arith.constant 3 : i32
      %dma_start3A_888 = arith.constant 0 : i32
      %dma_start3A_889 = arith.constant 0 : i32
      %dma_start3A_890 = arith.constant 0 : i32
      %dma_start3A_891 = tpu.memref_slice %arg8[%dma_start3A_886, %dma_start3A_888, %dma_start3A_889, %dma_start3A_890] : memref<2x4x256x32xf32, #tpu.memory_space<vmem>> -> memref<1x4x256x32xf32, #tpu.memory_space<vmem>>
      %dma_start3A_892 = tpu.memref_squeeze %dma_start3A_891 : memref<1x4x256x32xf32, #tpu.memory_space<vmem>> -> memref<4x256x32xf32, #tpu.memory_space<vmem>>
      %dma_start3A_893 = arith.constant 0 : i32
      %dma_start3A_894 = arith.constant 0 : i32
      %dma_start3A_895 = tpu.memref_slice %dma_start3A_892[%dma_start3A_887, %dma_start3A_893, %dma_start3A_894] : memref<4x256x32xf32, #tpu.memory_space<vmem>> -> memref<1x256x32xf32, #tpu.memory_space<vmem>>
      %dma_start3A_896 = tpu.memref_squeeze %dma_start3A_895 : memref<1x256x32xf32, #tpu.memory_space<vmem>> -> memref<256x32xf32, #tpu.memory_space<vmem>>
      %dma_start3A_897 = arith.constant 0 : i32
      %dma_start3A_898 = tpu.memref_slice %arg7[%add3A_885, %dma_start3A_897] : memref<40x256xi32, #tpu.memory_space<vmem>> -> memref<1x256xi32, #tpu.memory_space<vmem>>
      %dma_start3A_899 = tpu.memref_squeeze %dma_start3A_898 : memref<1x256xi32, #tpu.memory_space<vmem>> -> memref<256xi32, #tpu.memory_space<vmem>>
      %dma_start3A_900 = arith.constant 0 : i32
      %dma_start3A_901 = arith.constant 0 : i32
      %dma_start3A_902 = tpu.memref_slice %arg9[%dma_start3A_900, %dma_start3A_901] : memref<10240x32xf32, #tpu.memory_space<vmem_shared>> -> memref<10240x32xf32, #tpu.memory_space<vmem_shared>>
      tpu.enqueue_indirect_dma source(%dma_start3A_896 : memref<256x32xf32, #tpu.memory_space<vmem>>) target(%dma_start3A_902 : memref<10240x32xf32, #tpu.memory_space<vmem_shared>>) offsets(%dma_start3A_899 : memref<256xi32, #tpu.memory_space<vmem>>) semaphore(%arg13 : memref<!tpu.dma_semaphore, #tpu.memory_space<semaphore_mem>>) {add = true}
      %dma_wait3A_903 = arith.constant 0 : i32
      %dma_wait3A_904 = arith.constant 0 : i32
      %dma_wait3A_905 = arith.constant 0 : i32
      %dma_wait3A_906 = arith.constant 0 : i32
      %dma_wait3A_907 = arith.constant 0 : i32
      %dma_wait3A_908 = tpu.memref_slice %arg8[%dma_wait3A_903, %dma_wait3A_905, %dma_wait3A_906, %dma_wait3A_907] : memref<2x4x256x32xf32, #tpu.memory_space<vmem>> -> memref<1x4x256x32xf32, #tpu.memory_space<vmem>>
      %dma_wait3A_909 = tpu.memref_squeeze %dma_wait3A_908 : memref<1x4x256x32xf32, #tpu.memory_space<vmem>> -> memref<4x256x32xf32, #tpu.memory_space<vmem>>
      %dma_wait3A_910 = arith.constant 0 : i32
      %dma_wait3A_911 = arith.constant 0 : i32
      %dma_wait3A_912 = tpu.memref_slice %dma_wait3A_909[%dma_wait3A_904, %dma_wait3A_910, %dma_wait3A_911] : memref<4x256x32xf32, #tpu.memory_space<vmem>> -> memref<1x256x32xf32, #tpu.memory_space<vmem>>
      %dma_wait3A_913 = tpu.memref_squeeze %dma_wait3A_912 : memref<1x256x32xf32, #tpu.memory_space<vmem>> -> memref<256x32xf32, #tpu.memory_space<vmem>>
      %dma_wait3A_914 = arith.constant 0 : i32
      %dma_wait3A_915 = tpu.memref_slice %arg7[%add3A_822, %dma_wait3A_914] : memref<40x256xi32, #tpu.memory_space<vmem>> -> memref<1x256xi32, #tpu.memory_space<vmem>>
      %dma_wait3A_916 = tpu.memref_squeeze %dma_wait3A_915 : memref<1x256xi32, #tpu.memory_space<vmem>> -> memref<256xi32, #tpu.memory_space<vmem>>
      %dma_wait3A_917 = arith.constant 0 : i32
      %dma_wait3A_918 = arith.constant 0 : i32
      %dma_wait3A_919 = tpu.memref_slice %arg9[%dma_wait3A_917, %dma_wait3A_918] : memref<10240x32xf32, #tpu.memory_space<vmem_shared>> -> memref<10240x32xf32, #tpu.memory_space<vmem_shared>>
      tpu.wait_indirect_dma semaphore(%arg13 : memref<!tpu.dma_semaphore, #tpu.memory_space<semaphore_mem>>) src(%dma_wait3A_913 : memref<256x32xf32, #tpu.memory_space<vmem>>) dst(%dma_wait3A_919 : memref<10240x32xf32, #tpu.memory_space<vmem_shared>>)
      %dma_wait3A_920 = arith.constant 0 : i32
      %dma_wait3A_921 = arith.constant 1 : i32
      %dma_wait3A_922 = arith.constant 0 : i32
      %dma_wait3A_923 = arith.constant 0 : i32
      %dma_wait3A_924 = arith.constant 0 : i32
      %dma_wait3A_925 = tpu.memref_slice %arg8[%dma_wait3A_920, %dma_wait3A_922, %dma_wait3A_923, %dma_wait3A_924] : memref<2x4x256x32xf32, #tpu.memory_space<vmem>> -> memref<1x4x256x32xf32, #tpu.memory_space<vmem>>
      %dma_wait3A_926 = tpu.memref_squeeze %dma_wait3A_925 : memref<1x4x256x32xf32, #tpu.memory_space<vmem>> -> memref<4x256x32xf32, #tpu.memory_space<vmem>>
      %dma_wait3A_927 = arith.constant 0 : i32
      %dma_wait3A_928 = arith.constant 0 : i32
      %dma_wait3A_929 = tpu.memref_slice %dma_wait3A_926[%dma_wait3A_921, %dma_wait3A_927, %dma_wait3A_928] : memref<4x256x32xf32, #tpu.memory_space<vmem>> -> memref<1x256x32xf32, #tpu.memory_space<vmem>>
      %dma_wait3A_930 = tpu.memref_squeeze %dma_wait3A_929 : memref<1x256x32xf32, #tpu.memory_space<vmem>> -> memref<256x32xf32, #tpu.memory_space<vmem>>
      %dma_wait3A_931 = arith.constant 0 : i32
      %dma_wait3A_932 = tpu.memref_slice %arg7[%add3A_843, %dma_wait3A_931] : memref<40x256xi32, #tpu.memory_space<vmem>> -> memref<1x256xi32, #tpu.memory_space<vmem>>
      %dma_wait3A_933 = tpu.memref_squeeze %dma_wait3A_932 : memref<1x256xi32, #tpu.memory_space<vmem>> -> memref<256xi32, #tpu.memory_space<vmem>>
      %dma_wait3A_934 = arith.constant 0 : i32
      %dma_wait3A_935 = arith.constant 0 : i32
      %dma_wait3A_936 = tpu.memref_slice %arg9[%dma_wait3A_934, %dma_wait3A_935] : memref<10240x32xf32, #tpu.memory_space<vmem_shared>> -> memref<10240x32xf32, #tpu.memory_space<vmem_shared>>
      tpu.wait_indirect_dma semaphore(%arg13 : memref<!tpu.dma_semaphore, #tpu.memory_space<semaphore_mem>>) src(%dma_wait3A_930 : memref<256x32xf32, #tpu.memory_space<vmem>>) dst(%dma_wait3A_936 : memref<10240x32xf32, #tpu.memory_space<vmem_shared>>)
      %dma_wait3A_937 = arith.constant 0 : i32
      %dma_wait3A_938 = arith.constant 2 : i32
      %dma_wait3A_939 = arith.constant 0 : i32
      %dma_wait3A_940 = arith.constant 0 : i32
      %dma_wait3A_941 = arith.constant 0 : i32
      %dma_wait3A_942 = tpu.memref_slice %arg8[%dma_wait3A_937, %dma_wait3A_939, %dma_wait3A_940, %dma_wait3A_941] : memref<2x4x256x32xf32, #tpu.memory_space<vmem>> -> memref<1x4x256x32xf32, #tpu.memory_space<vmem>>
      %dma_wait3A_943 = tpu.memref_squeeze %dma_wait3A_942 : memref<1x4x256x32xf32, #tpu.memory_space<vmem>> -> memref<4x256x32xf32, #tpu.memory_space<vmem>>
      %dma_wait3A_944 = arith.constant 0 : i32
      %dma_wait3A_945 = arith.constant 0 : i32
      %dma_wait3A_946 = tpu.memref_slice %dma_wait3A_943[%dma_wait3A_938, %dma_wait3A_944, %dma_wait3A_945] : memref<4x256x32xf32, #tpu.memory_space<vmem>> -> memref<1x256x32xf32, #tpu.memory_space<vmem>>
      %dma_wait3A_947 = tpu.memref_squeeze %dma_wait3A_946 : memref<1x256x32xf32, #tpu.memory_space<vmem>> -> memref<256x32xf32, #tpu.memory_space<vmem>>
      %dma_wait3A_948 = arith.constant 0 : i32
      %dma_wait3A_949 = tpu.memref_slice %arg7[%add3A_864, %dma_wait3A_948] : memref<40x256xi32, #tpu.memory_space<vmem>> -> memref<1x256xi32, #tpu.memory_space<vmem>>
      %dma_wait3A_950 = tpu.memref_squeeze %dma_wait3A_949 : memref<1x256xi32, #tpu.memory_space<vmem>> -> memref<256xi32, #tpu.memory_space<vmem>>
      %dma_wait3A_951 = arith.constant 0 : i32
      %dma_wait3A_952 = arith.constant 0 : i32
      %dma_wait3A_953 = tpu.memref_slice %arg9[%dma_wait3A_951, %dma_wait3A_952] : memref<10240x32xf32, #tpu.memory_space<vmem_shared>> -> memref<10240x32xf32, #tpu.memory_space<vmem_shared>>
      tpu.wait_indirect_dma semaphore(%arg13 : memref<!tpu.dma_semaphore, #tpu.memory_space<semaphore_mem>>) src(%dma_wait3A_947 : memref<256x32xf32, #tpu.memory_space<vmem>>) dst(%dma_wait3A_953 : memref<10240x32xf32, #tpu.memory_space<vmem_shared>>)
      %dma_wait3A_954 = arith.constant 0 : i32
      %dma_wait3A_955 = arith.constant 3 : i32
      %dma_wait3A_956 = arith.constant 0 : i32
      %dma_wait3A_957 = arith.constant 0 : i32
      %dma_wait3A_958 = arith.constant 0 : i32
      %dma_wait3A_959 = tpu.memref_slice %arg8[%dma_wait3A_954, %dma_wait3A_956, %dma_wait3A_957, %dma_wait3A_958] : memref<2x4x256x32xf32, #tpu.memory_space<vmem>> -> memref<1x4x256x32xf32, #tpu.memory_space<vmem>>
      %dma_wait3A_960 = tpu.memref_squeeze %dma_wait3A_959 : memref<1x4x256x32xf32, #tpu.memory_space<vmem>> -> memref<4x256x32xf32, #tpu.memory_space<vmem>>
      %dma_wait3A_961 = arith.constant 0 : i32
      %dma_wait3A_962 = arith.constant 0 : i32
      %dma_wait3A_963 = tpu.memref_slice %dma_wait3A_960[%dma_wait3A_955, %dma_wait3A_961, %dma_wait3A_962] : memref<4x256x32xf32, #tpu.memory_space<vmem>> -> memref<1x256x32xf32, #tpu.memory_space<vmem>>
      %dma_wait3A_964 = tpu.memref_squeeze %dma_wait3A_963 : memref<1x256x32xf32, #tpu.memory_space<vmem>> -> memref<256x32xf32, #tpu.memory_space<vmem>>
      %dma_wait3A_965 = arith.constant 0 : i32
      %dma_wait3A_966 = tpu.memref_slice %arg7[%add3A_885, %dma_wait3A_965] : memref<40x256xi32, #tpu.memory_space<vmem>> -> memref<1x256xi32, #tpu.memory_space<vmem>>
      %dma_wait3A_967 = tpu.memref_squeeze %dma_wait3A_966 : memref<1x256xi32, #tpu.memory_space<vmem>> -> memref<256xi32, #tpu.memory_space<vmem>>
      %dma_wait3A_968 = arith.constant 0 : i32
      %dma_wait3A_969 = arith.constant 0 : i32
      %dma_wait3A_970 = tpu.memref_slice %arg9[%dma_wait3A_968, %dma_wait3A_969] : memref<10240x32xf32, #tpu.memory_space<vmem_shared>> -> memref<10240x32xf32, #tpu.memory_space<vmem_shared>>
      tpu.wait_indirect_dma semaphore(%arg13 : memref<!tpu.dma_semaphore, #tpu.memory_space<semaphore_mem>>) src(%dma_wait3A_964 : memref<256x32xf32, #tpu.memory_space<vmem>>) dst(%dma_wait3A_970 : memref<10240x32xf32, #tpu.memory_space<vmem_shared>>)
      %add3A_971 = arith.constant 2 : i32
      %add3A_972 = arith.addi %mul3A_648, %add3A_971 : i32
      %mul3A_973 = arith.constant 4 : i32
      %mul3A_974 = arith.muli %add3A_972, %mul3A_973 : i32
      %add3A_975 = arith.constant 0 : i32
      %add3A_976 = arith.addi %mul3A_974, %add3A_975 : i32
      %dma_start3A_977 = arith.constant 0 : i32
      %dma_start3A_978 = arith.constant 0 : i32
      %dma_start3A_979 = arith.constant 0 : i32
      %dma_start3A_980 = arith.constant 0 : i32
      %dma_start3A_981 = arith.constant 0 : i32
      %dma_start3A_982 = tpu.memref_slice %arg8[%dma_start3A_977, %dma_start3A_979, %dma_start3A_980, %dma_start3A_981] : memref<2x4x256x32xf32, #tpu.memory_space<vmem>> -> memref<1x4x256x32xf32, #tpu.memory_space<vmem>>
      %dma_start3A_983 = tpu.memref_squeeze %dma_start3A_982 : memref<1x4x256x32xf32, #tpu.memory_space<vmem>> -> memref<4x256x32xf32, #tpu.memory_space<vmem>>
      %dma_start3A_984 = arith.constant 0 : i32
      %dma_start3A_985 = arith.constant 0 : i32
      %dma_start3A_986 = tpu.memref_slice %dma_start3A_983[%dma_start3A_978, %dma_start3A_984, %dma_start3A_985] : memref<4x256x32xf32, #tpu.memory_space<vmem>> -> memref<1x256x32xf32, #tpu.memory_space<vmem>>
      %dma_start3A_987 = tpu.memref_squeeze %dma_start3A_986 : memref<1x256x32xf32, #tpu.memory_space<vmem>> -> memref<256x32xf32, #tpu.memory_space<vmem>>
      %dma_start3A_988 = arith.constant 0 : i32
      %dma_start3A_989 = tpu.memref_slice %arg6[%add3A_976, %dma_start3A_988] : memref<40x256xi32, #tpu.memory_space<vmem>> -> memref<1x256xi32, #tpu.memory_space<vmem>>
      %dma_start3A_990 = tpu.memref_squeeze %dma_start3A_989 : memref<1x256xi32, #tpu.memory_space<vmem>> -> memref<256xi32, #tpu.memory_space<vmem>>
      %dma_start3A_991 = arith.constant 0 : i32
      %dma_start3A_992 = arith.constant 0 : i32
      %dma_start3A_993 = tpu.memref_slice %arg10[%dma_start3A_991, %dma_start3A_992] : memref<10240x32xf32, #tpu.memory_space<vmem_shared>> -> memref<10240x32xf32, #tpu.memory_space<vmem_shared>>
      tpu.enqueue_indirect_dma source(%dma_start3A_993 : memref<10240x32xf32, #tpu.memory_space<vmem_shared>>) target(%dma_start3A_987 : memref<256x32xf32, #tpu.memory_space<vmem>>) offsets(%dma_start3A_990 : memref<256xi32, #tpu.memory_space<vmem>>) semaphore(%arg11 : memref<!tpu.dma_semaphore, #tpu.memory_space<semaphore_mem>>)
      %mul3A_994 = arith.constant 4 : i32
      %mul3A_995 = arith.muli %add3A_972, %mul3A_994 : i32
      %add3A_996 = arith.constant 1 : i32
      %add3A_997 = arith.addi %mul3A_995, %add3A_996 : i32
      %dma_start3A_998 = arith.constant 0 : i32
      %dma_start3A_999 = arith.constant 1 : i32
      %dma_start3A_1000 = arith.constant 0 : i32
      %dma_start3A_1001 = arith.constant 0 : i32
      %dma_start3A_1002 = arith.constant 0 : i32
      %dma_start3A_1003 = tpu.memref_slice %arg8[%dma_start3A_998, %dma_start3A_1000, %dma_start3A_1001, %dma_start3A_1002] : memref<2x4x256x32xf32, #tpu.memory_space<vmem>> -> memref<1x4x256x32xf32, #tpu.memory_space<vmem>>
      %dma_start3A_1004 = tpu.memref_squeeze %dma_start3A_1003 : memref<1x4x256x32xf32, #tpu.memory_space<vmem>> -> memref<4x256x32xf32, #tpu.memory_space<vmem>>
      %dma_start3A_1005 = arith.constant 0 : i32
      %dma_start3A_1006 = arith.constant 0 : i32
      %dma_start3A_1007 = tpu.memref_slice %dma_start3A_1004[%dma_start3A_999, %dma_start3A_1005, %dma_start3A_1006] : memref<4x256x32xf32, #tpu.memory_space<vmem>> -> memref<1x256x32xf32, #tpu.memory_space<vmem>>
      %dma_start3A_1008 = tpu.memref_squeeze %dma_start3A_1007 : memref<1x256x32xf32, #tpu.memory_space<vmem>> -> memref<256x32xf32, #tpu.memory_space<vmem>>
      %dma_start3A_1009 = arith.constant 0 : i32
      %dma_start3A_1010 = tpu.memref_slice %arg6[%add3A_997, %dma_start3A_1009] : memref<40x256xi32, #tpu.memory_space<vmem>> -> memref<1x256xi32, #tpu.memory_space<vmem>>
      %dma_start3A_1011 = tpu.memref_squeeze %dma_start3A_1010 : memref<1x256xi32, #tpu.memory_space<vmem>> -> memref<256xi32, #tpu.memory_space<vmem>>
      %dma_start3A_1012 = arith.constant 0 : i32
      %dma_start3A_1013 = arith.constant 0 : i32
      %dma_start3A_1014 = tpu.memref_slice %arg10[%dma_start3A_1012, %dma_start3A_1013] : memref<10240x32xf32, #tpu.memory_space<vmem_shared>> -> memref<10240x32xf32, #tpu.memory_space<vmem_shared>>
      tpu.enqueue_indirect_dma source(%dma_start3A_1014 : memref<10240x32xf32, #tpu.memory_space<vmem_shared>>) target(%dma_start3A_1008 : memref<256x32xf32, #tpu.memory_space<vmem>>) offsets(%dma_start3A_1011 : memref<256xi32, #tpu.memory_space<vmem>>) semaphore(%arg11 : memref<!tpu.dma_semaphore, #tpu.memory_space<semaphore_mem>>)
      %mul3A_1015 = arith.constant 4 : i32
      %mul3A_1016 = arith.muli %add3A_972, %mul3A_1015 : i32
      %add3A_1017 = arith.constant 2 : i32
      %add3A_1018 = arith.addi %mul3A_1016, %add3A_1017 : i32
      %dma_start3A_1019 = arith.constant 0 : i32
      %dma_start3A_1020 = arith.constant 2 : i32
      %dma_start3A_1021 = arith.constant 0 : i32
      %dma_start3A_1022 = arith.constant 0 : i32
      %dma_start3A_1023 = arith.constant 0 : i32
      %dma_start3A_1024 = tpu.memref_slice %arg8[%dma_start3A_1019, %dma_start3A_1021, %dma_start3A_1022, %dma_start3A_1023] : memref<2x4x256x32xf32, #tpu.memory_space<vmem>> -> memref<1x4x256x32xf32, #tpu.memory_space<vmem>>
      %dma_start3A_1025 = tpu.memref_squeeze %dma_start3A_1024 : memref<1x4x256x32xf32, #tpu.memory_space<vmem>> -> memref<4x256x32xf32, #tpu.memory_space<vmem>>
      %dma_start3A_1026 = arith.constant 0 : i32
      %dma_start3A_1027 = arith.constant 0 : i32
      %dma_start3A_1028 = tpu.memref_slice %dma_start3A_1025[%dma_start3A_1020, %dma_start3A_1026, %dma_start3A_1027] : memref<4x256x32xf32, #tpu.memory_space<vmem>> -> memref<1x256x32xf32, #tpu.memory_space<vmem>>
      %dma_start3A_1029 = tpu.memref_squeeze %dma_start3A_1028 : memref<1x256x32xf32, #tpu.memory_space<vmem>> -> memref<256x32xf32, #tpu.memory_space<vmem>>
      %dma_start3A_1030 = arith.constant 0 : i32
      %dma_start3A_1031 = tpu.memref_slice %arg6[%add3A_1018, %dma_start3A_1030] : memref<40x256xi32, #tpu.memory_space<vmem>> -> memref<1x256xi32, #tpu.memory_space<vmem>>
      %dma_start3A_1032 = tpu.memref_squeeze %dma_start3A_1031 : memref<1x256xi32, #tpu.memory_space<vmem>> -> memref<256xi32, #tpu.memory_space<vmem>>
      %dma_start3A_1033 = arith.constant 0 : i32
      %dma_start3A_1034 = arith.constant 0 : i32
      %dma_start3A_1035 = tpu.memref_slice %arg10[%dma_start3A_1033, %dma_start3A_1034] : memref<10240x32xf32, #tpu.memory_space<vmem_shared>> -> memref<10240x32xf32, #tpu.memory_space<vmem_shared>>
      tpu.enqueue_indirect_dma source(%dma_start3A_1035 : memref<10240x32xf32, #tpu.memory_space<vmem_shared>>) target(%dma_start3A_1029 : memref<256x32xf32, #tpu.memory_space<vmem>>) offsets(%dma_start3A_1032 : memref<256xi32, #tpu.memory_space<vmem>>) semaphore(%arg11 : memref<!tpu.dma_semaphore, #tpu.memory_space<semaphore_mem>>)
      %mul3A_1036 = arith.constant 4 : i32
      %mul3A_1037 = arith.muli %add3A_972, %mul3A_1036 : i32
      %add3A_1038 = arith.constant 3 : i32
      %add3A_1039 = arith.addi %mul3A_1037, %add3A_1038 : i32
      %dma_start3A_1040 = arith.constant 0 : i32
      %dma_start3A_1041 = arith.constant 3 : i32
      %dma_start3A_1042 = arith.constant 0 : i32
      %dma_start3A_1043 = arith.constant 0 : i32
      %dma_start3A_1044 = arith.constant 0 : i32
      %dma_start3A_1045 = tpu.memref_slice %arg8[%dma_start3A_1040, %dma_start3A_1042, %dma_start3A_1043, %dma_start3A_1044] : memref<2x4x256x32xf32, #tpu.memory_space<vmem>> -> memref<1x4x256x32xf32, #tpu.memory_space<vmem>>
      %dma_start3A_1046 = tpu.memref_squeeze %dma_start3A_1045 : memref<1x4x256x32xf32, #tpu.memory_space<vmem>> -> memref<4x256x32xf32, #tpu.memory_space<vmem>>
      %dma_start3A_1047 = arith.constant 0 : i32
      %dma_start3A_1048 = arith.constant 0 : i32
      %dma_start3A_1049 = tpu.memref_slice %dma_start3A_1046[%dma_start3A_1041, %dma_start3A_1047, %dma_start3A_1048] : memref<4x256x32xf32, #tpu.memory_space<vmem>> -> memref<1x256x32xf32, #tpu.memory_space<vmem>>
      %dma_start3A_1050 = tpu.memref_squeeze %dma_start3A_1049 : memref<1x256x32xf32, #tpu.memory_space<vmem>> -> memref<256x32xf32, #tpu.memory_space<vmem>>
      %dma_start3A_1051 = arith.constant 0 : i32
      %dma_start3A_1052 = tpu.memref_slice %arg6[%add3A_1039, %dma_start3A_1051] : memref<40x256xi32, #tpu.memory_space<vmem>> -> memref<1x256xi32, #tpu.memory_space<vmem>>
      %dma_start3A_1053 = tpu.memref_squeeze %dma_start3A_1052 : memref<1x256xi32, #tpu.memory_space<vmem>> -> memref<256xi32, #tpu.memory_space<vmem>>
      %dma_start3A_1054 = arith.constant 0 : i32
      %dma_start3A_1055 = arith.constant 0 : i32
      %dma_start3A_1056 = tpu.memref_slice %arg10[%dma_start3A_1054, %dma_start3A_1055] : memref<10240x32xf32, #tpu.memory_space<vmem_shared>> -> memref<10240x32xf32, #tpu.memory_space<vmem_shared>>
      tpu.enqueue_indirect_dma source(%dma_start3A_1056 : memref<10240x32xf32, #tpu.memory_space<vmem_shared>>) target(%dma_start3A_1050 : memref<256x32xf32, #tpu.memory_space<vmem>>) offsets(%dma_start3A_1053 : memref<256xi32, #tpu.memory_space<vmem>>) semaphore(%arg11 : memref<!tpu.dma_semaphore, #tpu.memory_space<semaphore_mem>>)
      %add3A_1057 = arith.constant 1 : i32
      %add3A_1058 = arith.addi %mul3A_648, %add3A_1057 : i32
      %mul3A_1059 = arith.constant 4 : i32
      %mul3A_1060 = arith.muli %add3A_1058, %mul3A_1059 : i32
      %add3A_1061 = arith.constant 0 : i32
      %add3A_1062 = arith.addi %mul3A_1060, %add3A_1061 : i32
      %dma_wait3A_1063 = arith.constant 1 : i32
      %dma_wait3A_1064 = arith.constant 0 : i32
      %dma_wait3A_1065 = arith.constant 0 : i32
      %dma_wait3A_1066 = arith.constant 0 : i32
      %dma_wait3A_1067 = arith.constant 0 : i32
      %dma_wait3A_1068 = tpu.memref_slice %arg8[%dma_wait3A_1063, %dma_wait3A_1065, %dma_wait3A_1066, %dma_wait3A_1067] : memref<2x4x256x32xf32, #tpu.memory_space<vmem>> -> memref<1x4x256x32xf32, #tpu.memory_space<vmem>>
      %dma_wait3A_1069 = tpu.memref_squeeze %dma_wait3A_1068 : memref<1x4x256x32xf32, #tpu.memory_space<vmem>> -> memref<4x256x32xf32, #tpu.memory_space<vmem>>
      %dma_wait3A_1070 = arith.constant 0 : i32
      %dma_wait3A_1071 = arith.constant 0 : i32
      %dma_wait3A_1072 = tpu.memref_slice %dma_wait3A_1069[%dma_wait3A_1064, %dma_wait3A_1070, %dma_wait3A_1071] : memref<4x256x32xf32, #tpu.memory_space<vmem>> -> memref<1x256x32xf32, #tpu.memory_space<vmem>>
      %dma_wait3A_1073 = tpu.memref_squeeze %dma_wait3A_1072 : memref<1x256x32xf32, #tpu.memory_space<vmem>> -> memref<256x32xf32, #tpu.memory_space<vmem>>
      %dma_wait3A_1074 = arith.constant 0 : i32
      %dma_wait3A_1075 = tpu.memref_slice %arg6[%add3A_1062, %dma_wait3A_1074] : memref<40x256xi32, #tpu.memory_space<vmem>> -> memref<1x256xi32, #tpu.memory_space<vmem>>
      %dma_wait3A_1076 = tpu.memref_squeeze %dma_wait3A_1075 : memref<1x256xi32, #tpu.memory_space<vmem>> -> memref<256xi32, #tpu.memory_space<vmem>>
      %dma_wait3A_1077 = arith.constant 0 : i32
      %dma_wait3A_1078 = arith.constant 0 : i32
      %dma_wait3A_1079 = tpu.memref_slice %arg10[%dma_wait3A_1077, %dma_wait3A_1078] : memref<10240x32xf32, #tpu.memory_space<vmem_shared>> -> memref<10240x32xf32, #tpu.memory_space<vmem_shared>>
      tpu.wait_indirect_dma semaphore(%arg12 : memref<!tpu.dma_semaphore, #tpu.memory_space<semaphore_mem>>) src(%dma_wait3A_1079 : memref<10240x32xf32, #tpu.memory_space<vmem_shared>>) dst(%dma_wait3A_1073 : memref<256x32xf32, #tpu.memory_space<vmem>>)
      %mul3A_1080 = arith.constant 4 : i32
      %mul3A_1081 = arith.muli %add3A_1058, %mul3A_1080 : i32
      %add3A_1082 = arith.constant 1 : i32
      %add3A_1083 = arith.addi %mul3A_1081, %add3A_1082 : i32
      %dma_wait3A_1084 = arith.constant 1 : i32
      %dma_wait3A_1085 = arith.constant 1 : i32
      %dma_wait3A_1086 = arith.constant 0 : i32
      %dma_wait3A_1087 = arith.constant 0 : i32
      %dma_wait3A_1088 = arith.constant 0 : i32
      %dma_wait3A_1089 = tpu.memref_slice %arg8[%dma_wait3A_1084, %dma_wait3A_1086, %dma_wait3A_1087, %dma_wait3A_1088] : memref<2x4x256x32xf32, #tpu.memory_space<vmem>> -> memref<1x4x256x32xf32, #tpu.memory_space<vmem>>
      %dma_wait3A_1090 = tpu.memref_squeeze %dma_wait3A_1089 : memref<1x4x256x32xf32, #tpu.memory_space<vmem>> -> memref<4x256x32xf32, #tpu.memory_space<vmem>>
      %dma_wait3A_1091 = arith.constant 0 : i32
      %dma_wait3A_1092 = arith.constant 0 : i32
      %dma_wait3A_1093 = tpu.memref_slice %dma_wait3A_1090[%dma_wait3A_1085, %dma_wait3A_1091, %dma_wait3A_1092] : memref<4x256x32xf32, #tpu.memory_space<vmem>> -> memref<1x256x32xf32, #tpu.memory_space<vmem>>
      %dma_wait3A_1094 = tpu.memref_squeeze %dma_wait3A_1093 : memref<1x256x32xf32, #tpu.memory_space<vmem>> -> memref<256x32xf32, #tpu.memory_space<vmem>>
      %dma_wait3A_1095 = arith.constant 0 : i32
      %dma_wait3A_1096 = tpu.memref_slice %arg6[%add3A_1083, %dma_wait3A_1095] : memref<40x256xi32, #tpu.memory_space<vmem>> -> memref<1x256xi32, #tpu.memory_space<vmem>>
      %dma_wait3A_1097 = tpu.memref_squeeze %dma_wait3A_1096 : memref<1x256xi32, #tpu.memory_space<vmem>> -> memref<256xi32, #tpu.memory_space<vmem>>
      %dma_wait3A_1098 = arith.constant 0 : i32
      %dma_wait3A_1099 = arith.constant 0 : i32
      %dma_wait3A_1100 = tpu.memref_slice %arg10[%dma_wait3A_1098, %dma_wait3A_1099] : memref<10240x32xf32, #tpu.memory_space<vmem_shared>> -> memref<10240x32xf32, #tpu.memory_space<vmem_shared>>
      tpu.wait_indirect_dma semaphore(%arg12 : memref<!tpu.dma_semaphore, #tpu.memory_space<semaphore_mem>>) src(%dma_wait3A_1100 : memref<10240x32xf32, #tpu.memory_space<vmem_shared>>) dst(%dma_wait3A_1094 : memref<256x32xf32, #tpu.memory_space<vmem>>)
      %mul3A_1101 = arith.constant 4 : i32
      %mul3A_1102 = arith.muli %add3A_1058, %mul3A_1101 : i32
      %add3A_1103 = arith.constant 2 : i32
      %add3A_1104 = arith.addi %mul3A_1102, %add3A_1103 : i32
      %dma_wait3A_1105 = arith.constant 1 : i32
      %dma_wait3A_1106 = arith.constant 2 : i32
      %dma_wait3A_1107 = arith.constant 0 : i32
      %dma_wait3A_1108 = arith.constant 0 : i32
      %dma_wait3A_1109 = arith.constant 0 : i32
      %dma_wait3A_1110 = tpu.memref_slice %arg8[%dma_wait3A_1105, %dma_wait3A_1107, %dma_wait3A_1108, %dma_wait3A_1109] : memref<2x4x256x32xf32, #tpu.memory_space<vmem>> -> memref<1x4x256x32xf32, #tpu.memory_space<vmem>>
      %dma_wait3A_1111 = tpu.memref_squeeze %dma_wait3A_1110 : memref<1x4x256x32xf32, #tpu.memory_space<vmem>> -> memref<4x256x32xf32, #tpu.memory_space<vmem>>
      %dma_wait3A_1112 = arith.constant 0 : i32
      %dma_wait3A_1113 = arith.constant 0 : i32
      %dma_wait3A_1114 = tpu.memref_slice %dma_wait3A_1111[%dma_wait3A_1106, %dma_wait3A_1112, %dma_wait3A_1113] : memref<4x256x32xf32, #tpu.memory_space<vmem>> -> memref<1x256x32xf32, #tpu.memory_space<vmem>>
      %dma_wait3A_1115 = tpu.memref_squeeze %dma_wait3A_1114 : memref<1x256x32xf32, #tpu.memory_space<vmem>> -> memref<256x32xf32, #tpu.memory_space<vmem>>
      %dma_wait3A_1116 = arith.constant 0 : i32
      %dma_wait3A_1117 = tpu.memref_slice %arg6[%add3A_1104, %dma_wait3A_1116] : memref<40x256xi32, #tpu.memory_space<vmem>> -> memref<1x256xi32, #tpu.memory_space<vmem>>
      %dma_wait3A_1118 = tpu.memref_squeeze %dma_wait3A_1117 : memref<1x256xi32, #tpu.memory_space<vmem>> -> memref<256xi32, #tpu.memory_space<vmem>>
      %dma_wait3A_1119 = arith.constant 0 : i32
      %dma_wait3A_1120 = arith.constant 0 : i32
      %dma_wait3A_1121 = tpu.memref_slice %arg10[%dma_wait3A_1119, %dma_wait3A_1120] : memref<10240x32xf32, #tpu.memory_space<vmem_shared>> -> memref<10240x32xf32, #tpu.memory_space<vmem_shared>>
      tpu.wait_indirect_dma semaphore(%arg12 : memref<!tpu.dma_semaphore, #tpu.memory_space<semaphore_mem>>) src(%dma_wait3A_1121 : memref<10240x32xf32, #tpu.memory_space<vmem_shared>>) dst(%dma_wait3A_1115 : memref<256x32xf32, #tpu.memory_space<vmem>>)
      %mul3A_1122 = arith.constant 4 : i32
      %mul3A_1123 = arith.muli %add3A_1058, %mul3A_1122 : i32
      %add3A_1124 = arith.constant 3 : i32
      %add3A_1125 = arith.addi %mul3A_1123, %add3A_1124 : i32
      %dma_wait3A_1126 = arith.constant 1 : i32
      %dma_wait3A_1127 = arith.constant 3 : i32
      %dma_wait3A_1128 = arith.constant 0 : i32
      %dma_wait3A_1129 = arith.constant 0 : i32
      %dma_wait3A_1130 = arith.constant 0 : i32
      %dma_wait3A_1131 = tpu.memref_slice %arg8[%dma_wait3A_1126, %dma_wait3A_1128, %dma_wait3A_1129, %dma_wait3A_1130] : memref<2x4x256x32xf32, #tpu.memory_space<vmem>> -> memref<1x4x256x32xf32, #tpu.memory_space<vmem>>
      %dma_wait3A_1132 = tpu.memref_squeeze %dma_wait3A_1131 : memref<1x4x256x32xf32, #tpu.memory_space<vmem>> -> memref<4x256x32xf32, #tpu.memory_space<vmem>>
      %dma_wait3A_1133 = arith.constant 0 : i32
      %dma_wait3A_1134 = arith.constant 0 : i32
      %dma_wait3A_1135 = tpu.memref_slice %dma_wait3A_1132[%dma_wait3A_1127, %dma_wait3A_1133, %dma_wait3A_1134] : memref<4x256x32xf32, #tpu.memory_space<vmem>> -> memref<1x256x32xf32, #tpu.memory_space<vmem>>
      %dma_wait3A_1136 = tpu.memref_squeeze %dma_wait3A_1135 : memref<1x256x32xf32, #tpu.memory_space<vmem>> -> memref<256x32xf32, #tpu.memory_space<vmem>>
      %dma_wait3A_1137 = arith.constant 0 : i32
      %dma_wait3A_1138 = tpu.memref_slice %arg6[%add3A_1125, %dma_wait3A_1137] : memref<40x256xi32, #tpu.memory_space<vmem>> -> memref<1x256xi32, #tpu.memory_space<vmem>>
      %dma_wait3A_1139 = tpu.memref_squeeze %dma_wait3A_1138 : memref<1x256xi32, #tpu.memory_space<vmem>> -> memref<256xi32, #tpu.memory_space<vmem>>
      %dma_wait3A_1140 = arith.constant 0 : i32
      %dma_wait3A_1141 = arith.constant 0 : i32
      %dma_wait3A_1142 = tpu.memref_slice %arg10[%dma_wait3A_1140, %dma_wait3A_1141] : memref<10240x32xf32, #tpu.memory_space<vmem_shared>> -> memref<10240x32xf32, #tpu.memory_space<vmem_shared>>
      tpu.wait_indirect_dma semaphore(%arg12 : memref<!tpu.dma_semaphore, #tpu.memory_space<semaphore_mem>>) src(%dma_wait3A_1142 : memref<10240x32xf32, #tpu.memory_space<vmem_shared>>) dst(%dma_wait3A_1136 : memref<256x32xf32, #tpu.memory_space<vmem>>)
      %add3A_1143 = arith.constant 1 : i32
      %add3A_1144 = arith.addi %mul3A_648, %add3A_1143 : i32
      %mul3A_1145 = arith.constant 4 : i32
      %mul3A_1146 = arith.muli %add3A_1144, %mul3A_1145 : i32
      %add3A_1147 = arith.constant 0 : i32
      %add3A_1148 = arith.addi %mul3A_1146, %add3A_1147 : i32
      %dma_start3A_1149 = arith.constant 1 : i32
      %dma_start3A_1150 = arith.constant 0 : i32
      %dma_start3A_1151 = arith.constant 0 : i32
      %dma_start3A_1152 = arith.constant 0 : i32
      %dma_start3A_1153 = arith.constant 0 : i32
      %dma_start3A_1154 = tpu.memref_slice %arg8[%dma_start3A_1149, %dma_start3A_1151, %dma_start3A_1152, %dma_start3A_1153] : memref<2x4x256x32xf32, #tpu.memory_space<vmem>> -> memref<1x4x256x32xf32, #tpu.memory_space<vmem>>
      %dma_start3A_1155 = tpu.memref_squeeze %dma_start3A_1154 : memref<1x4x256x32xf32, #tpu.memory_space<vmem>> -> memref<4x256x32xf32, #tpu.memory_space<vmem>>
      %dma_start3A_1156 = arith.constant 0 : i32
      %dma_start3A_1157 = arith.constant 0 : i32
      %dma_start3A_1158 = tpu.memref_slice %dma_start3A_1155[%dma_start3A_1150, %dma_start3A_1156, %dma_start3A_1157] : memref<4x256x32xf32, #tpu.memory_space<vmem>> -> memref<1x256x32xf32, #tpu.memory_space<vmem>>
      %dma_start3A_1159 = tpu.memref_squeeze %dma_start3A_1158 : memref<1x256x32xf32, #tpu.memory_space<vmem>> -> memref<256x32xf32, #tpu.memory_space<vmem>>
      %dma_start3A_1160 = arith.constant 0 : i32
      %dma_start3A_1161 = tpu.memref_slice %arg7[%add3A_1148, %dma_start3A_1160] : memref<40x256xi32, #tpu.memory_space<vmem>> -> memref<1x256xi32, #tpu.memory_space<vmem>>
      %dma_start3A_1162 = tpu.memref_squeeze %dma_start3A_1161 : memref<1x256xi32, #tpu.memory_space<vmem>> -> memref<256xi32, #tpu.memory_space<vmem>>
      %dma_start3A_1163 = arith.constant 0 : i32
      %dma_start3A_1164 = arith.constant 0 : i32
      %dma_start3A_1165 = tpu.memref_slice %arg9[%dma_start3A_1163, %dma_start3A_1164] : memref<10240x32xf32, #tpu.memory_space<vmem_shared>> -> memref<10240x32xf32, #tpu.memory_space<vmem_shared>>
      tpu.enqueue_indirect_dma source(%dma_start3A_1159 : memref<256x32xf32, #tpu.memory_space<vmem>>) target(%dma_start3A_1165 : memref<10240x32xf32, #tpu.memory_space<vmem_shared>>) offsets(%dma_start3A_1162 : memref<256xi32, #tpu.memory_space<vmem>>) semaphore(%arg14 : memref<!tpu.dma_semaphore, #tpu.memory_space<semaphore_mem>>) {add = true}
      %mul3A_1166 = arith.constant 4 : i32
      %mul3A_1167 = arith.muli %add3A_1144, %mul3A_1166 : i32
      %add3A_1168 = arith.constant 1 : i32
      %add3A_1169 = arith.addi %mul3A_1167, %add3A_1168 : i32
      %dma_start3A_1170 = arith.constant 1 : i32
      %dma_start3A_1171 = arith.constant 1 : i32
      %dma_start3A_1172 = arith.constant 0 : i32
      %dma_start3A_1173 = arith.constant 0 : i32
      %dma_start3A_1174 = arith.constant 0 : i32
      %dma_start3A_1175 = tpu.memref_slice %arg8[%dma_start3A_1170, %dma_start3A_1172, %dma_start3A_1173, %dma_start3A_1174] : memref<2x4x256x32xf32, #tpu.memory_space<vmem>> -> memref<1x4x256x32xf32, #tpu.memory_space<vmem>>
      %dma_start3A_1176 = tpu.memref_squeeze %dma_start3A_1175 : memref<1x4x256x32xf32, #tpu.memory_space<vmem>> -> memref<4x256x32xf32, #tpu.memory_space<vmem>>
      %dma_start3A_1177 = arith.constant 0 : i32
      %dma_start3A_1178 = arith.constant 0 : i32
      %dma_start3A_1179 = tpu.memref_slice %dma_start3A_1176[%dma_start3A_1171, %dma_start3A_1177, %dma_start3A_1178] : memref<4x256x32xf32, #tpu.memory_space<vmem>> -> memref<1x256x32xf32, #tpu.memory_space<vmem>>
      %dma_start3A_1180 = tpu.memref_squeeze %dma_start3A_1179 : memref<1x256x32xf32, #tpu.memory_space<vmem>> -> memref<256x32xf32, #tpu.memory_space<vmem>>
      %dma_start3A_1181 = arith.constant 0 : i32
      %dma_start3A_1182 = tpu.memref_slice %arg7[%add3A_1169, %dma_start3A_1181] : memref<40x256xi32, #tpu.memory_space<vmem>> -> memref<1x256xi32, #tpu.memory_space<vmem>>
      %dma_start3A_1183 = tpu.memref_squeeze %dma_start3A_1182 : memref<1x256xi32, #tpu.memory_space<vmem>> -> memref<256xi32, #tpu.memory_space<vmem>>
      %dma_start3A_1184 = arith.constant 0 : i32
      %dma_start3A_1185 = arith.constant 0 : i32
      %dma_start3A_1186 = tpu.memref_slice %arg9[%dma_start3A_1184, %dma_start3A_1185] : memref<10240x32xf32, #tpu.memory_space<vmem_shared>> -> memref<10240x32xf32, #tpu.memory_space<vmem_shared>>
      tpu.enqueue_indirect_dma source(%dma_start3A_1180 : memref<256x32xf32, #tpu.memory_space<vmem>>) target(%dma_start3A_1186 : memref<10240x32xf32, #tpu.memory_space<vmem_shared>>) offsets(%dma_start3A_1183 : memref<256xi32, #tpu.memory_space<vmem>>) semaphore(%arg14 : memref<!tpu.dma_semaphore, #tpu.memory_space<semaphore_mem>>) {add = true}
      %mul3A_1187 = arith.constant 4 : i32
      %mul3A_1188 = arith.muli %add3A_1144, %mul3A_1187 : i32
      %add3A_1189 = arith.constant 2 : i32
      %add3A_1190 = arith.addi %mul3A_1188, %add3A_1189 : i32
      %dma_start3A_1191 = arith.constant 1 : i32
      %dma_start3A_1192 = arith.constant 2 : i32
      %dma_start3A_1193 = arith.constant 0 : i32
      %dma_start3A_1194 = arith.constant 0 : i32
      %dma_start3A_1195 = arith.constant 0 : i32
      %dma_start3A_1196 = tpu.memref_slice %arg8[%dma_start3A_1191, %dma_start3A_1193, %dma_start3A_1194, %dma_start3A_1195] : memref<2x4x256x32xf32, #tpu.memory_space<vmem>> -> memref<1x4x256x32xf32, #tpu.memory_space<vmem>>
      %dma_start3A_1197 = tpu.memref_squeeze %dma_start3A_1196 : memref<1x4x256x32xf32, #tpu.memory_space<vmem>> -> memref<4x256x32xf32, #tpu.memory_space<vmem>>
      %dma_start3A_1198 = arith.constant 0 : i32
      %dma_start3A_1199 = arith.constant 0 : i32
      %dma_start3A_1200 = tpu.memref_slice %dma_start3A_1197[%dma_start3A_1192, %dma_start3A_1198, %dma_start3A_1199] : memref<4x256x32xf32, #tpu.memory_space<vmem>> -> memref<1x256x32xf32, #tpu.memory_space<vmem>>
      %dma_start3A_1201 = tpu.memref_squeeze %dma_start3A_1200 : memref<1x256x32xf32, #tpu.memory_space<vmem>> -> memref<256x32xf32, #tpu.memory_space<vmem>>
      %dma_start3A_1202 = arith.constant 0 : i32
      %dma_start3A_1203 = tpu.memref_slice %arg7[%add3A_1190, %dma_start3A_1202] : memref<40x256xi32, #tpu.memory_space<vmem>> -> memref<1x256xi32, #tpu.memory_space<vmem>>
      %dma_start3A_1204 = tpu.memref_squeeze %dma_start3A_1203 : memref<1x256xi32, #tpu.memory_space<vmem>> -> memref<256xi32, #tpu.memory_space<vmem>>
      %dma_start3A_1205 = arith.constant 0 : i32
      %dma_start3A_1206 = arith.constant 0 : i32
      %dma_start3A_1207 = tpu.memref_slice %arg9[%dma_start3A_1205, %dma_start3A_1206] : memref<10240x32xf32, #tpu.memory_space<vmem_shared>> -> memref<10240x32xf32, #tpu.memory_space<vmem_shared>>
      tpu.enqueue_indirect_dma source(%dma_start3A_1201 : memref<256x32xf32, #tpu.memory_space<vmem>>) target(%dma_start3A_1207 : memref<10240x32xf32, #tpu.memory_space<vmem_shared>>) offsets(%dma_start3A_1204 : memref<256xi32, #tpu.memory_space<vmem>>) semaphore(%arg14 : memref<!tpu.dma_semaphore, #tpu.memory_space<semaphore_mem>>) {add = true}
      %mul3A_1208 = arith.constant 4 : i32
      %mul3A_1209 = arith.muli %add3A_1144, %mul3A_1208 : i32
      %add3A_1210 = arith.constant 3 : i32
      %add3A_1211 = arith.addi %mul3A_1209, %add3A_1210 : i32
      %dma_start3A_1212 = arith.constant 1 : i32
      %dma_start3A_1213 = arith.constant 3 : i32
      %dma_start3A_1214 = arith.constant 0 : i32
      %dma_start3A_1215 = arith.constant 0 : i32
      %dma_start3A_1216 = arith.constant 0 : i32
      %dma_start3A_1217 = tpu.memref_slice %arg8[%dma_start3A_1212, %dma_start3A_1214, %dma_start3A_1215, %dma_start3A_1216] : memref<2x4x256x32xf32, #tpu.memory_space<vmem>> -> memref<1x4x256x32xf32, #tpu.memory_space<vmem>>
      %dma_start3A_1218 = tpu.memref_squeeze %dma_start3A_1217 : memref<1x4x256x32xf32, #tpu.memory_space<vmem>> -> memref<4x256x32xf32, #tpu.memory_space<vmem>>
      %dma_start3A_1219 = arith.constant 0 : i32
      %dma_start3A_1220 = arith.constant 0 : i32
      %dma_start3A_1221 = tpu.memref_slice %dma_start3A_1218[%dma_start3A_1213, %dma_start3A_1219, %dma_start3A_1220] : memref<4x256x32xf32, #tpu.memory_space<vmem>> -> memref<1x256x32xf32, #tpu.memory_space<vmem>>
      %dma_start3A_1222 = tpu.memref_squeeze %dma_start3A_1221 : memref<1x256x32xf32, #tpu.memory_space<vmem>> -> memref<256x32xf32, #tpu.memory_space<vmem>>
      %dma_start3A_1223 = arith.constant 0 : i32
      %dma_start3A_1224 = tpu.memref_slice %arg7[%add3A_1211, %dma_start3A_1223] : memref<40x256xi32, #tpu.memory_space<vmem>> -> memref<1x256xi32, #tpu.memory_space<vmem>>
      %dma_start3A_1225 = tpu.memref_squeeze %dma_start3A_1224 : memref<1x256xi32, #tpu.memory_space<vmem>> -> memref<256xi32, #tpu.memory_space<vmem>>
      %dma_start3A_1226 = arith.constant 0 : i32
      %dma_start3A_1227 = arith.constant 0 : i32
      %dma_start3A_1228 = tpu.memref_slice %arg9[%dma_start3A_1226, %dma_start3A_1227] : memref<10240x32xf32, #tpu.memory_space<vmem_shared>> -> memref<10240x32xf32, #tpu.memory_space<vmem_shared>>
      tpu.enqueue_indirect_dma source(%dma_start3A_1222 : memref<256x32xf32, #tpu.memory_space<vmem>>) target(%dma_start3A_1228 : memref<10240x32xf32, #tpu.memory_space<vmem_shared>>) offsets(%dma_start3A_1225 : memref<256xi32, #tpu.memory_space<vmem>>) semaphore(%arg14 : memref<!tpu.dma_semaphore, #tpu.memory_space<semaphore_mem>>) {add = true}
      %dma_wait3A_1229 = arith.constant 1 : i32
      %dma_wait3A_1230 = arith.constant 0 : i32
      %dma_wait3A_1231 = arith.constant 0 : i32
      %dma_wait3A_1232 = arith.constant 0 : i32
      %dma_wait3A_1233 = arith.constant 0 : i32
      %dma_wait3A_1234 = tpu.memref_slice %arg8[%dma_wait3A_1229, %dma_wait3A_1231, %dma_wait3A_1232, %dma_wait3A_1233] : memref<2x4x256x32xf32, #tpu.memory_space<vmem>> -> memref<1x4x256x32xf32, #tpu.memory_space<vmem>>
      %dma_wait3A_1235 = tpu.memref_squeeze %dma_wait3A_1234 : memref<1x4x256x32xf32, #tpu.memory_space<vmem>> -> memref<4x256x32xf32, #tpu.memory_space<vmem>>
      %dma_wait3A_1236 = arith.constant 0 : i32
      %dma_wait3A_1237 = arith.constant 0 : i32
      %dma_wait3A_1238 = tpu.memref_slice %dma_wait3A_1235[%dma_wait3A_1230, %dma_wait3A_1236, %dma_wait3A_1237] : memref<4x256x32xf32, #tpu.memory_space<vmem>> -> memref<1x256x32xf32, #tpu.memory_space<vmem>>
      %dma_wait3A_1239 = tpu.memref_squeeze %dma_wait3A_1238 : memref<1x256x32xf32, #tpu.memory_space<vmem>> -> memref<256x32xf32, #tpu.memory_space<vmem>>
      %dma_wait3A_1240 = arith.constant 0 : i32
      %dma_wait3A_1241 = tpu.memref_slice %arg7[%add3A_1148, %dma_wait3A_1240] : memref<40x256xi32, #tpu.memory_space<vmem>> -> memref<1x256xi32, #tpu.memory_space<vmem>>
      %dma_wait3A_1242 = tpu.memref_squeeze %dma_wait3A_1241 : memref<1x256xi32, #tpu.memory_space<vmem>> -> memref<256xi32, #tpu.memory_space<vmem>>
      %dma_wait3A_1243 = arith.constant 0 : i32
      %dma_wait3A_1244 = arith.constant 0 : i32
      %dma_wait3A_1245 = tpu.memref_slice %arg9[%dma_wait3A_1243, %dma_wait3A_1244] : memref<10240x32xf32, #tpu.memory_space<vmem_shared>> -> memref<10240x32xf32, #tpu.memory_space<vmem_shared>>
      tpu.wait_indirect_dma semaphore(%arg14 : memref<!tpu.dma_semaphore, #tpu.memory_space<semaphore_mem>>) src(%dma_wait3A_1239 : memref<256x32xf32, #tpu.memory_space<vmem>>) dst(%dma_wait3A_1245 : memref<10240x32xf32, #tpu.memory_space<vmem_shared>>)
      %dma_wait3A_1246 = arith.constant 1 : i32
      %dma_wait3A_1247 = arith.constant 1 : i32
      %dma_wait3A_1248 = arith.constant 0 : i32
      %dma_wait3A_1249 = arith.constant 0 : i32
      %dma_wait3A_1250 = arith.constant 0 : i32
      %dma_wait3A_1251 = tpu.memref_slice %arg8[%dma_wait3A_1246, %dma_wait3A_1248, %dma_wait3A_1249, %dma_wait3A_1250] : memref<2x4x256x32xf32, #tpu.memory_space<vmem>> -> memref<1x4x256x32xf32, #tpu.memory_space<vmem>>
      %dma_wait3A_1252 = tpu.memref_squeeze %dma_wait3A_1251 : memref<1x4x256x32xf32, #tpu.memory_space<vmem>> -> memref<4x256x32xf32, #tpu.memory_space<vmem>>
      %dma_wait3A_1253 = arith.constant 0 : i32
      %dma_wait3A_1254 = arith.constant 0 : i32
      %dma_wait3A_1255 = tpu.memref_slice %dma_wait3A_1252[%dma_wait3A_1247, %dma_wait3A_1253, %dma_wait3A_1254] : memref<4x256x32xf32, #tpu.memory_space<vmem>> -> memref<1x256x32xf32, #tpu.memory_space<vmem>>
      %dma_wait3A_1256 = tpu.memref_squeeze %dma_wait3A_1255 : memref<1x256x32xf32, #tpu.memory_space<vmem>> -> memref<256x32xf32, #tpu.memory_space<vmem>>
      %dma_wait3A_1257 = arith.constant 0 : i32
      %dma_wait3A_1258 = tpu.memref_slice %arg7[%add3A_1169, %dma_wait3A_1257] : memref<40x256xi32, #tpu.memory_space<vmem>> -> memref<1x256xi32, #tpu.memory_space<vmem>>
      %dma_wait3A_1259 = tpu.memref_squeeze %dma_wait3A_1258 : memref<1x256xi32, #tpu.memory_space<vmem>> -> memref<256xi32, #tpu.memory_space<vmem>>
      %dma_wait3A_1260 = arith.constant 0 : i32
      %dma_wait3A_1261 = arith.constant 0 : i32
      %dma_wait3A_1262 = tpu.memref_slice %arg9[%dma_wait3A_1260, %dma_wait3A_1261] : memref<10240x32xf32, #tpu.memory_space<vmem_shared>> -> memref<10240x32xf32, #tpu.memory_space<vmem_shared>>
      tpu.wait_indirect_dma semaphore(%arg14 : memref<!tpu.dma_semaphore, #tpu.memory_space<semaphore_mem>>) src(%dma_wait3A_1256 : memref<256x32xf32, #tpu.memory_space<vmem>>) dst(%dma_wait3A_1262 : memref<10240x32xf32, #tpu.memory_space<vmem_shared>>)
      %dma_wait3A_1263 = arith.constant 1 : i32
      %dma_wait3A_1264 = arith.constant 2 : i32
      %dma_wait3A_1265 = arith.constant 0 : i32
      %dma_wait3A_1266 = arith.constant 0 : i32
      %dma_wait3A_1267 = arith.constant 0 : i32
      %dma_wait3A_1268 = tpu.memref_slice %arg8[%dma_wait3A_1263, %dma_wait3A_1265, %dma_wait3A_1266, %dma_wait3A_1267] : memref<2x4x256x32xf32, #tpu.memory_space<vmem>> -> memref<1x4x256x32xf32, #tpu.memory_space<vmem>>
      %dma_wait3A_1269 = tpu.memref_squeeze %dma_wait3A_1268 : memref<1x4x256x32xf32, #tpu.memory_space<vmem>> -> memref<4x256x32xf32, #tpu.memory_space<vmem>>
      %dma_wait3A_1270 = arith.constant 0 : i32
      %dma_wait3A_1271 = arith.constant 0 : i32
      %dma_wait3A_1272 = tpu.memref_slice %dma_wait3A_1269[%dma_wait3A_1264, %dma_wait3A_1270, %dma_wait3A_1271] : memref<4x256x32xf32, #tpu.memory_space<vmem>> -> memref<1x256x32xf32, #tpu.memory_space<vmem>>
      %dma_wait3A_1273 = tpu.memref_squeeze %dma_wait3A_1272 : memref<1x256x32xf32, #tpu.memory_space<vmem>> -> memref<256x32xf32, #tpu.memory_space<vmem>>
      %dma_wait3A_1274 = arith.constant 0 : i32
      %dma_wait3A_1275 = tpu.memref_slice %arg7[%add3A_1190, %dma_wait3A_1274] : memref<40x256xi32, #tpu.memory_space<vmem>> -> memref<1x256xi32, #tpu.memory_space<vmem>>
      %dma_wait3A_1276 = tpu.memref_squeeze %dma_wait3A_1275 : memref<1x256xi32, #tpu.memory_space<vmem>> -> memref<256xi32, #tpu.memory_space<vmem>>
      %dma_wait3A_1277 = arith.constant 0 : i32
      %dma_wait3A_1278 = arith.constant 0 : i32
      %dma_wait3A_1279 = tpu.memref_slice %arg9[%dma_wait3A_1277, %dma_wait3A_1278] : memref<10240x32xf32, #tpu.memory_space<vmem_shared>> -> memref<10240x32xf32, #tpu.memory_space<vmem_shared>>
      tpu.wait_indirect_dma semaphore(%arg14 : memref<!tpu.dma_semaphore, #tpu.memory_space<semaphore_mem>>) src(%dma_wait3A_1273 : memref<256x32xf32, #tpu.memory_space<vmem>>) dst(%dma_wait3A_1279 : memref<10240x32xf32, #tpu.memory_space<vmem_shared>>)
      %dma_wait3A_1280 = arith.constant 1 : i32
      %dma_wait3A_1281 = arith.constant 3 : i32
      %dma_wait3A_1282 = arith.constant 0 : i32
      %dma_wait3A_1283 = arith.constant 0 : i32
      %dma_wait3A_1284 = arith.constant 0 : i32
      %dma_wait3A_1285 = tpu.memref_slice %arg8[%dma_wait3A_1280, %dma_wait3A_1282, %dma_wait3A_1283, %dma_wait3A_1284] : memref<2x4x256x32xf32, #tpu.memory_space<vmem>> -> memref<1x4x256x32xf32, #tpu.memory_space<vmem>>
      %dma_wait3A_1286 = tpu.memref_squeeze %dma_wait3A_1285 : memref<1x4x256x32xf32, #tpu.memory_space<vmem>> -> memref<4x256x32xf32, #tpu.memory_space<vmem>>
      %dma_wait3A_1287 = arith.constant 0 : i32
      %dma_wait3A_1288 = arith.constant 0 : i32
      %dma_wait3A_1289 = tpu.memref_slice %dma_wait3A_1286[%dma_wait3A_1281, %dma_wait3A_1287, %dma_wait3A_1288] : memref<4x256x32xf32, #tpu.memory_space<vmem>> -> memref<1x256x32xf32, #tpu.memory_space<vmem>>
      %dma_wait3A_1290 = tpu.memref_squeeze %dma_wait3A_1289 : memref<1x256x32xf32, #tpu.memory_space<vmem>> -> memref<256x32xf32, #tpu.memory_space<vmem>>
      %dma_wait3A_1291 = arith.constant 0 : i32
      %dma_wait3A_1292 = tpu.memref_slice %arg7[%add3A_1211, %dma_wait3A_1291] : memref<40x256xi32, #tpu.memory_space<vmem>> -> memref<1x256xi32, #tpu.memory_space<vmem>>
      %dma_wait3A_1293 = tpu.memref_squeeze %dma_wait3A_1292 : memref<1x256xi32, #tpu.memory_space<vmem>> -> memref<256xi32, #tpu.memory_space<vmem>>
      %dma_wait3A_1294 = arith.constant 0 : i32
      %dma_wait3A_1295 = arith.constant 0 : i32
      %dma_wait3A_1296 = tpu.memref_slice %arg9[%dma_wait3A_1294, %dma_wait3A_1295] : memref<10240x32xf32, #tpu.memory_space<vmem_shared>> -> memref<10240x32xf32, #tpu.memory_space<vmem_shared>>
      tpu.wait_indirect_dma semaphore(%arg14 : memref<!tpu.dma_semaphore, #tpu.memory_space<semaphore_mem>>) src(%dma_wait3A_1290 : memref<256x32xf32, #tpu.memory_space<vmem>>) dst(%dma_wait3A_1296 : memref<10240x32xf32, #tpu.memory_space<vmem_shared>>)
      %scan3A_1297 = arith.constant 0 : i32
      scf.yield %scan3A_1297 : i32
    }
    %scan3A_135 = arith.constant 4 : i32
    %dma_start3A_136 = arith.constant 36 : i32
    %dma_start3A_137 = arith.constant 1 : i32
    %dma_start3A_138 = arith.constant 0 : i32
    %dma_start3A_139 = arith.constant 0 : i32
    %dma_start3A_140 = arith.constant 0 : i32
    %dma_start3A_141 = arith.constant 0 : i32
    %dma_start3A_142 = tpu.memref_slice %arg8[%dma_start3A_137, %dma_start3A_139, %dma_start3A_140, %dma_start3A_141] : memref<2x4x256x32xf32, #tpu.memory_space<vmem>> -> memref<1x4x256x32xf32, #tpu.memory_space<vmem>>
    %dma_start3A_143 = tpu.memref_squeeze %dma_start3A_142 : memref<1x4x256x32xf32, #tpu.memory_space<vmem>> -> memref<4x256x32xf32, #tpu.memory_space<vmem>>
    %dma_start3A_144 = arith.constant 0 : i32
    %dma_start3A_145 = arith.constant 0 : i32
    %dma_start3A_146 = tpu.memref_slice %dma_start3A_143[%dma_start3A_138, %dma_start3A_144, %dma_start3A_145] : memref<4x256x32xf32, #tpu.memory_space<vmem>> -> memref<1x256x32xf32, #tpu.memory_space<vmem>>
    %dma_start3A_147 = tpu.memref_squeeze %dma_start3A_146 : memref<1x256x32xf32, #tpu.memory_space<vmem>> -> memref<256x32xf32, #tpu.memory_space<vmem>>
    %dma_start3A_148 = arith.constant 0 : i32
    %dma_start3A_149 = tpu.memref_slice %arg6[%dma_start3A_136, %dma_start3A_148] : memref<40x256xi32, #tpu.memory_space<vmem>> -> memref<1x256xi32, #tpu.memory_space<vmem>>
    %dma_start3A_150 = tpu.memref_squeeze %dma_start3A_149 : memref<1x256xi32, #tpu.memory_space<vmem>> -> memref<256xi32, #tpu.memory_space<vmem>>
    %dma_start3A_151 = arith.constant 0 : i32
    %dma_start3A_152 = arith.constant 0 : i32
    %dma_start3A_153 = tpu.memref_slice %arg10[%dma_start3A_151, %dma_start3A_152] : memref<10240x32xf32, #tpu.memory_space<vmem_shared>> -> memref<10240x32xf32, #tpu.memory_space<vmem_shared>>
    tpu.enqueue_indirect_dma source(%dma_start3A_153 : memref<10240x32xf32, #tpu.memory_space<vmem_shared>>) target(%dma_start3A_147 : memref<256x32xf32, #tpu.memory_space<vmem>>) offsets(%dma_start3A_150 : memref<256xi32, #tpu.memory_space<vmem>>) semaphore(%arg12 : memref<!tpu.dma_semaphore, #tpu.memory_space<semaphore_mem>>)
    %dma_start3A_154 = arith.constant 37 : i32
    %dma_start3A_155 = arith.constant 1 : i32
    %dma_start3A_156 = arith.constant 1 : i32
    %dma_start3A_157 = arith.constant 0 : i32
    %dma_start3A_158 = arith.constant 0 : i32
    %dma_start3A_159 = arith.constant 0 : i32
    %dma_start3A_160 = tpu.memref_slice %arg8[%dma_start3A_155, %dma_start3A_157, %dma_start3A_158, %dma_start3A_159] : memref<2x4x256x32xf32, #tpu.memory_space<vmem>> -> memref<1x4x256x32xf32, #tpu.memory_space<vmem>>
    %dma_start3A_161 = tpu.memref_squeeze %dma_start3A_160 : memref<1x4x256x32xf32, #tpu.memory_space<vmem>> -> memref<4x256x32xf32, #tpu.memory_space<vmem>>
    %dma_start3A_162 = arith.constant 0 : i32
    %dma_start3A_163 = arith.constant 0 : i32
    %dma_start3A_164 = tpu.memref_slice %dma_start3A_161[%dma_start3A_156, %dma_start3A_162, %dma_start3A_163] : memref<4x256x32xf32, #tpu.memory_space<vmem>> -> memref<1x256x32xf32, #tpu.memory_space<vmem>>
    %dma_start3A_165 = tpu.memref_squeeze %dma_start3A_164 : memref<1x256x32xf32, #tpu.memory_space<vmem>> -> memref<256x32xf32, #tpu.memory_space<vmem>>
    %dma_start3A_166 = arith.constant 0 : i32
    %dma_start3A_167 = tpu.memref_slice %arg6[%dma_start3A_154, %dma_start3A_166] : memref<40x256xi32, #tpu.memory_space<vmem>> -> memref<1x256xi32, #tpu.memory_space<vmem>>
    %dma_start3A_168 = tpu.memref_squeeze %dma_start3A_167 : memref<1x256xi32, #tpu.memory_space<vmem>> -> memref<256xi32, #tpu.memory_space<vmem>>
    %dma_start3A_169 = arith.constant 0 : i32
    %dma_start3A_170 = arith.constant 0 : i32
    %dma_start3A_171 = tpu.memref_slice %arg10[%dma_start3A_169, %dma_start3A_170] : memref<10240x32xf32, #tpu.memory_space<vmem_shared>> -> memref<10240x32xf32, #tpu.memory_space<vmem_shared>>
    tpu.enqueue_indirect_dma source(%dma_start3A_171 : memref<10240x32xf32, #tpu.memory_space<vmem_shared>>) target(%dma_start3A_165 : memref<256x32xf32, #tpu.memory_space<vmem>>) offsets(%dma_start3A_168 : memref<256xi32, #tpu.memory_space<vmem>>) semaphore(%arg12 : memref<!tpu.dma_semaphore, #tpu.memory_space<semaphore_mem>>)
    %dma_start3A_172 = arith.constant 38 : i32
    %dma_start3A_173 = arith.constant 1 : i32
    %dma_start3A_174 = arith.constant 2 : i32
    %dma_start3A_175 = arith.constant 0 : i32
    %dma_start3A_176 = arith.constant 0 : i32
    %dma_start3A_177 = arith.constant 0 : i32
    %dma_start3A_178 = tpu.memref_slice %arg8[%dma_start3A_173, %dma_start3A_175, %dma_start3A_176, %dma_start3A_177] : memref<2x4x256x32xf32, #tpu.memory_space<vmem>> -> memref<1x4x256x32xf32, #tpu.memory_space<vmem>>
    %dma_start3A_179 = tpu.memref_squeeze %dma_start3A_178 : memref<1x4x256x32xf32, #tpu.memory_space<vmem>> -> memref<4x256x32xf32, #tpu.memory_space<vmem>>
    %dma_start3A_180 = arith.constant 0 : i32
    %dma_start3A_181 = arith.constant 0 : i32
    %dma_start3A_182 = tpu.memref_slice %dma_start3A_179[%dma_start3A_174, %dma_start3A_180, %dma_start3A_181] : memref<4x256x32xf32, #tpu.memory_space<vmem>> -> memref<1x256x32xf32, #tpu.memory_space<vmem>>
    %dma_start3A_183 = tpu.memref_squeeze %dma_start3A_182 : memref<1x256x32xf32, #tpu.memory_space<vmem>> -> memref<256x32xf32, #tpu.memory_space<vmem>>
    %dma_start3A_184 = arith.constant 0 : i32
    %dma_start3A_185 = tpu.memref_slice %arg6[%dma_start3A_172, %dma_start3A_184] : memref<40x256xi32, #tpu.memory_space<vmem>> -> memref<1x256xi32, #tpu.memory_space<vmem>>
    %dma_start3A_186 = tpu.memref_squeeze %dma_start3A_185 : memref<1x256xi32, #tpu.memory_space<vmem>> -> memref<256xi32, #tpu.memory_space<vmem>>
    %dma_start3A_187 = arith.constant 0 : i32
    %dma_start3A_188 = arith.constant 0 : i32
    %dma_start3A_189 = tpu.memref_slice %arg10[%dma_start3A_187, %dma_start3A_188] : memref<10240x32xf32, #tpu.memory_space<vmem_shared>> -> memref<10240x32xf32, #tpu.memory_space<vmem_shared>>
    tpu.enqueue_indirect_dma source(%dma_start3A_189 : memref<10240x32xf32, #tpu.memory_space<vmem_shared>>) target(%dma_start3A_183 : memref<256x32xf32, #tpu.memory_space<vmem>>) offsets(%dma_start3A_186 : memref<256xi32, #tpu.memory_space<vmem>>) semaphore(%arg12 : memref<!tpu.dma_semaphore, #tpu.memory_space<semaphore_mem>>)
    %dma_start3A_190 = arith.constant 39 : i32
    %dma_start3A_191 = arith.constant 1 : i32
    %dma_start3A_192 = arith.constant 3 : i32
    %dma_start3A_193 = arith.constant 0 : i32
    %dma_start3A_194 = arith.constant 0 : i32
    %dma_start3A_195 = arith.constant 0 : i32
    %dma_start3A_196 = tpu.memref_slice %arg8[%dma_start3A_191, %dma_start3A_193, %dma_start3A_194, %dma_start3A_195] : memref<2x4x256x32xf32, #tpu.memory_space<vmem>> -> memref<1x4x256x32xf32, #tpu.memory_space<vmem>>
    %dma_start3A_197 = tpu.memref_squeeze %dma_start3A_196 : memref<1x4x256x32xf32, #tpu.memory_space<vmem>> -> memref<4x256x32xf32, #tpu.memory_space<vmem>>
    %dma_start3A_198 = arith.constant 0 : i32
    %dma_start3A_199 = arith.constant 0 : i32
    %dma_start3A_200 = tpu.memref_slice %dma_start3A_197[%dma_start3A_192, %dma_start3A_198, %dma_start3A_199] : memref<4x256x32xf32, #tpu.memory_space<vmem>> -> memref<1x256x32xf32, #tpu.memory_space<vmem>>
    %dma_start3A_201 = tpu.memref_squeeze %dma_start3A_200 : memref<1x256x32xf32, #tpu.memory_space<vmem>> -> memref<256x32xf32, #tpu.memory_space<vmem>>
    %dma_start3A_202 = arith.constant 0 : i32
    %dma_start3A_203 = tpu.memref_slice %arg6[%dma_start3A_190, %dma_start3A_202] : memref<40x256xi32, #tpu.memory_space<vmem>> -> memref<1x256xi32, #tpu.memory_space<vmem>>
    %dma_start3A_204 = tpu.memref_squeeze %dma_start3A_203 : memref<1x256xi32, #tpu.memory_space<vmem>> -> memref<256xi32, #tpu.memory_space<vmem>>
    %dma_start3A_205 = arith.constant 0 : i32
    %dma_start3A_206 = arith.constant 0 : i32
    %dma_start3A_207 = tpu.memref_slice %arg10[%dma_start3A_205, %dma_start3A_206] : memref<10240x32xf32, #tpu.memory_space<vmem_shared>> -> memref<10240x32xf32, #tpu.memory_space<vmem_shared>>
    tpu.enqueue_indirect_dma source(%dma_start3A_207 : memref<10240x32xf32, #tpu.memory_space<vmem_shared>>) target(%dma_start3A_201 : memref<256x32xf32, #tpu.memory_space<vmem>>) offsets(%dma_start3A_204 : memref<256xi32, #tpu.memory_space<vmem>>) semaphore(%arg12 : memref<!tpu.dma_semaphore, #tpu.memory_space<semaphore_mem>>)
    %dma_wait3A_208 = arith.constant 32 : i32
    %dma_wait3A_209 = arith.constant 0 : i32
    %dma_wait3A_210 = arith.constant 0 : i32
    %dma_wait3A_211 = arith.constant 0 : i32
    %dma_wait3A_212 = arith.constant 0 : i32
    %dma_wait3A_213 = arith.constant 0 : i32
    %dma_wait3A_214 = tpu.memref_slice %arg8[%dma_wait3A_209, %dma_wait3A_211, %dma_wait3A_212, %dma_wait3A_213] : memref<2x4x256x32xf32, #tpu.memory_space<vmem>> -> memref<1x4x256x32xf32, #tpu.memory_space<vmem>>
    %dma_wait3A_215 = tpu.memref_squeeze %dma_wait3A_214 : memref<1x4x256x32xf32, #tpu.memory_space<vmem>> -> memref<4x256x32xf32, #tpu.memory_space<vmem>>
    %dma_wait3A_216 = arith.constant 0 : i32
    %dma_wait3A_217 = arith.constant 0 : i32
    %dma_wait3A_218 = tpu.memref_slice %dma_wait3A_215[%dma_wait3A_210, %dma_wait3A_216, %dma_wait3A_217] : memref<4x256x32xf32, #tpu.memory_space<vmem>> -> memref<1x256x32xf32, #tpu.memory_space<vmem>>
    %dma_wait3A_219 = tpu.memref_squeeze %dma_wait3A_218 : memref<1x256x32xf32, #tpu.memory_space<vmem>> -> memref<256x32xf32, #tpu.memory_space<vmem>>
    %dma_wait3A_220 = arith.constant 0 : i32
    %dma_wait3A_221 = tpu.memref_slice %arg6[%dma_wait3A_208, %dma_wait3A_220] : memref<40x256xi32, #tpu.memory_space<vmem>> -> memref<1x256xi32, #tpu.memory_space<vmem>>
    %dma_wait3A_222 = tpu.memref_squeeze %dma_wait3A_221 : memref<1x256xi32, #tpu.memory_space<vmem>> -> memref<256xi32, #tpu.memory_space<vmem>>
    %dma_wait3A_223 = arith.constant 0 : i32
    %dma_wait3A_224 = arith.constant 0 : i32
    %dma_wait3A_225 = tpu.memref_slice %arg10[%dma_wait3A_223, %dma_wait3A_224] : memref<10240x32xf32, #tpu.memory_space<vmem_shared>> -> memref<10240x32xf32, #tpu.memory_space<vmem_shared>>
    tpu.wait_indirect_dma semaphore(%arg11 : memref<!tpu.dma_semaphore, #tpu.memory_space<semaphore_mem>>) src(%dma_wait3A_225 : memref<10240x32xf32, #tpu.memory_space<vmem_shared>>) dst(%dma_wait3A_219 : memref<256x32xf32, #tpu.memory_space<vmem>>)
    %dma_wait3A_226 = arith.constant 33 : i32
    %dma_wait3A_227 = arith.constant 0 : i32
    %dma_wait3A_228 = arith.constant 1 : i32
    %dma_wait3A_229 = arith.constant 0 : i32
    %dma_wait3A_230 = arith.constant 0 : i32
    %dma_wait3A_231 = arith.constant 0 : i32
    %dma_wait3A_232 = tpu.memref_slice %arg8[%dma_wait3A_227, %dma_wait3A_229, %dma_wait3A_230, %dma_wait3A_231] : memref<2x4x256x32xf32, #tpu.memory_space<vmem>> -> memref<1x4x256x32xf32, #tpu.memory_space<vmem>>
    %dma_wait3A_233 = tpu.memref_squeeze %dma_wait3A_232 : memref<1x4x256x32xf32, #tpu.memory_space<vmem>> -> memref<4x256x32xf32, #tpu.memory_space<vmem>>
    %dma_wait3A_234 = arith.constant 0 : i32
    %dma_wait3A_235 = arith.constant 0 : i32
    %dma_wait3A_236 = tpu.memref_slice %dma_wait3A_233[%dma_wait3A_228, %dma_wait3A_234, %dma_wait3A_235] : memref<4x256x32xf32, #tpu.memory_space<vmem>> -> memref<1x256x32xf32, #tpu.memory_space<vmem>>
    %dma_wait3A_237 = tpu.memref_squeeze %dma_wait3A_236 : memref<1x256x32xf32, #tpu.memory_space<vmem>> -> memref<256x32xf32, #tpu.memory_space<vmem>>
    %dma_wait3A_238 = arith.constant 0 : i32
    %dma_wait3A_239 = tpu.memref_slice %arg6[%dma_wait3A_226, %dma_wait3A_238] : memref<40x256xi32, #tpu.memory_space<vmem>> -> memref<1x256xi32, #tpu.memory_space<vmem>>
    %dma_wait3A_240 = tpu.memref_squeeze %dma_wait3A_239 : memref<1x256xi32, #tpu.memory_space<vmem>> -> memref<256xi32, #tpu.memory_space<vmem>>
    %dma_wait3A_241 = arith.constant 0 : i32
    %dma_wait3A_242 = arith.constant 0 : i32
    %dma_wait3A_243 = tpu.memref_slice %arg10[%dma_wait3A_241, %dma_wait3A_242] : memref<10240x32xf32, #tpu.memory_space<vmem_shared>> -> memref<10240x32xf32, #tpu.memory_space<vmem_shared>>
    tpu.wait_indirect_dma semaphore(%arg11 : memref<!tpu.dma_semaphore, #tpu.memory_space<semaphore_mem>>) src(%dma_wait3A_243 : memref<10240x32xf32, #tpu.memory_space<vmem_shared>>) dst(%dma_wait3A_237 : memref<256x32xf32, #tpu.memory_space<vmem>>)
    %dma_wait3A_244 = arith.constant 34 : i32
    %dma_wait3A_245 = arith.constant 0 : i32
    %dma_wait3A_246 = arith.constant 2 : i32
    %dma_wait3A_247 = arith.constant 0 : i32
    %dma_wait3A_248 = arith.constant 0 : i32
    %dma_wait3A_249 = arith.constant 0 : i32
    %dma_wait3A_250 = tpu.memref_slice %arg8[%dma_wait3A_245, %dma_wait3A_247, %dma_wait3A_248, %dma_wait3A_249] : memref<2x4x256x32xf32, #tpu.memory_space<vmem>> -> memref<1x4x256x32xf32, #tpu.memory_space<vmem>>
    %dma_wait3A_251 = tpu.memref_squeeze %dma_wait3A_250 : memref<1x4x256x32xf32, #tpu.memory_space<vmem>> -> memref<4x256x32xf32, #tpu.memory_space<vmem>>
    %dma_wait3A_252 = arith.constant 0 : i32
    %dma_wait3A_253 = arith.constant 0 : i32
    %dma_wait3A_254 = tpu.memref_slice %dma_wait3A_251[%dma_wait3A_246, %dma_wait3A_252, %dma_wait3A_253] : memref<4x256x32xf32, #tpu.memory_space<vmem>> -> memref<1x256x32xf32, #tpu.memory_space<vmem>>
    %dma_wait3A_255 = tpu.memref_squeeze %dma_wait3A_254 : memref<1x256x32xf32, #tpu.memory_space<vmem>> -> memref<256x32xf32, #tpu.memory_space<vmem>>
    %dma_wait3A_256 = arith.constant 0 : i32
    %dma_wait3A_257 = tpu.memref_slice %arg6[%dma_wait3A_244, %dma_wait3A_256] : memref<40x256xi32, #tpu.memory_space<vmem>> -> memref<1x256xi32, #tpu.memory_space<vmem>>
    %dma_wait3A_258 = tpu.memref_squeeze %dma_wait3A_257 : memref<1x256xi32, #tpu.memory_space<vmem>> -> memref<256xi32, #tpu.memory_space<vmem>>
    %dma_wait3A_259 = arith.constant 0 : i32
    %dma_wait3A_260 = arith.constant 0 : i32
    %dma_wait3A_261 = tpu.memref_slice %arg10[%dma_wait3A_259, %dma_wait3A_260] : memref<10240x32xf32, #tpu.memory_space<vmem_shared>> -> memref<10240x32xf32, #tpu.memory_space<vmem_shared>>
    tpu.wait_indirect_dma semaphore(%arg11 : memref<!tpu.dma_semaphore, #tpu.memory_space<semaphore_mem>>) src(%dma_wait3A_261 : memref<10240x32xf32, #tpu.memory_space<vmem_shared>>) dst(%dma_wait3A_255 : memref<256x32xf32, #tpu.memory_space<vmem>>)
    %dma_wait3A_262 = arith.constant 35 : i32
    %dma_wait3A_263 = arith.constant 0 : i32
    %dma_wait3A_264 = arith.constant 3 : i32
    %dma_wait3A_265 = arith.constant 0 : i32
    %dma_wait3A_266 = arith.constant 0 : i32
    %dma_wait3A_267 = arith.constant 0 : i32
    %dma_wait3A_268 = tpu.memref_slice %arg8[%dma_wait3A_263, %dma_wait3A_265, %dma_wait3A_266, %dma_wait3A_267] : memref<2x4x256x32xf32, #tpu.memory_space<vmem>> -> memref<1x4x256x32xf32, #tpu.memory_space<vmem>>
    %dma_wait3A_269 = tpu.memref_squeeze %dma_wait3A_268 : memref<1x4x256x32xf32, #tpu.memory_space<vmem>> -> memref<4x256x32xf32, #tpu.memory_space<vmem>>
    %dma_wait3A_270 = arith.constant 0 : i32
    %dma_wait3A_271 = arith.constant 0 : i32
    %dma_wait3A_272 = tpu.memref_slice %dma_wait3A_269[%dma_wait3A_264, %dma_wait3A_270, %dma_wait3A_271] : memref<4x256x32xf32, #tpu.memory_space<vmem>> -> memref<1x256x32xf32, #tpu.memory_space<vmem>>
    %dma_wait3A_273 = tpu.memref_squeeze %dma_wait3A_272 : memref<1x256x32xf32, #tpu.memory_space<vmem>> -> memref<256x32xf32, #tpu.memory_space<vmem>>
    %dma_wait3A_274 = arith.constant 0 : i32
    %dma_wait3A_275 = tpu.memref_slice %arg6[%dma_wait3A_262, %dma_wait3A_274] : memref<40x256xi32, #tpu.memory_space<vmem>> -> memref<1x256xi32, #tpu.memory_space<vmem>>
    %dma_wait3A_276 = tpu.memref_squeeze %dma_wait3A_275 : memref<1x256xi32, #tpu.memory_space<vmem>> -> memref<256xi32, #tpu.memory_space<vmem>>
    %dma_wait3A_277 = arith.constant 0 : i32
    %dma_wait3A_278 = arith.constant 0 : i32
    %dma_wait3A_279 = tpu.memref_slice %arg10[%dma_wait3A_277, %dma_wait3A_278] : memref<10240x32xf32, #tpu.memory_space<vmem_shared>> -> memref<10240x32xf32, #tpu.memory_space<vmem_shared>>
    tpu.wait_indirect_dma semaphore(%arg11 : memref<!tpu.dma_semaphore, #tpu.memory_space<semaphore_mem>>) src(%dma_wait3A_279 : memref<10240x32xf32, #tpu.memory_space<vmem_shared>>) dst(%dma_wait3A_273 : memref<256x32xf32, #tpu.memory_space<vmem>>)
    %dma_start3A_280 = arith.constant 0 : i32
    %dma_start3A_281 = arith.constant 0 : i32
    %dma_start3A_282 = arith.constant 32 : i32
    %dma_start3A_283 = arith.constant 0 : i32
    %dma_start3A_284 = arith.constant 0 : i32
    %dma_start3A_285 = arith.constant 0 : i32
    %dma_start3A_286 = tpu.memref_slice %arg8[%dma_start3A_280, %dma_start3A_283, %dma_start3A_284, %dma_start3A_285] : memref<2x4x256x32xf32, #tpu.memory_space<vmem>> -> memref<1x4x256x32xf32, #tpu.memory_space<vmem>>
    %dma_start3A_287 = tpu.memref_squeeze %dma_start3A_286 : memref<1x4x256x32xf32, #tpu.memory_space<vmem>> -> memref<4x256x32xf32, #tpu.memory_space<vmem>>
    %dma_start3A_288 = arith.constant 0 : i32
    %dma_start3A_289 = arith.constant 0 : i32
    %dma_start3A_290 = tpu.memref_slice %dma_start3A_287[%dma_start3A_281, %dma_start3A_288, %dma_start3A_289] : memref<4x256x32xf32, #tpu.memory_space<vmem>> -> memref<1x256x32xf32, #tpu.memory_space<vmem>>
    %dma_start3A_291 = tpu.memref_squeeze %dma_start3A_290 : memref<1x256x32xf32, #tpu.memory_space<vmem>> -> memref<256x32xf32, #tpu.memory_space<vmem>>
    %dma_start3A_292 = arith.constant 0 : i32
    %dma_start3A_293 = tpu.memref_slice %arg7[%dma_start3A_282, %dma_start3A_292] : memref<40x256xi32, #tpu.memory_space<vmem>> -> memref<1x256xi32, #tpu.memory_space<vmem>>
    %dma_start3A_294 = tpu.memref_squeeze %dma_start3A_293 : memref<1x256xi32, #tpu.memory_space<vmem>> -> memref<256xi32, #tpu.memory_space<vmem>>
    %dma_start3A_295 = arith.constant 0 : i32
    %dma_start3A_296 = arith.constant 0 : i32
    %dma_start3A_297 = tpu.memref_slice %arg9[%dma_start3A_295, %dma_start3A_296] : memref<10240x32xf32, #tpu.memory_space<vmem_shared>> -> memref<10240x32xf32, #tpu.memory_space<vmem_shared>>
    tpu.enqueue_indirect_dma source(%dma_start3A_291 : memref<256x32xf32, #tpu.memory_space<vmem>>) target(%dma_start3A_297 : memref<10240x32xf32, #tpu.memory_space<vmem_shared>>) offsets(%dma_start3A_294 : memref<256xi32, #tpu.memory_space<vmem>>) semaphore(%arg13 : memref<!tpu.dma_semaphore, #tpu.memory_space<semaphore_mem>>) {add = true}
    %dma_start3A_298 = arith.constant 0 : i32
    %dma_start3A_299 = arith.constant 1 : i32
    %dma_start3A_300 = arith.constant 33 : i32
    %dma_start3A_301 = arith.constant 0 : i32
    %dma_start3A_302 = arith.constant 0 : i32
    %dma_start3A_303 = arith.constant 0 : i32
    %dma_start3A_304 = tpu.memref_slice %arg8[%dma_start3A_298, %dma_start3A_301, %dma_start3A_302, %dma_start3A_303] : memref<2x4x256x32xf32, #tpu.memory_space<vmem>> -> memref<1x4x256x32xf32, #tpu.memory_space<vmem>>
    %dma_start3A_305 = tpu.memref_squeeze %dma_start3A_304 : memref<1x4x256x32xf32, #tpu.memory_space<vmem>> -> memref<4x256x32xf32, #tpu.memory_space<vmem>>
    %dma_start3A_306 = arith.constant 0 : i32
    %dma_start3A_307 = arith.constant 0 : i32
    %dma_start3A_308 = tpu.memref_slice %dma_start3A_305[%dma_start3A_299, %dma_start3A_306, %dma_start3A_307] : memref<4x256x32xf32, #tpu.memory_space<vmem>> -> memref<1x256x32xf32, #tpu.memory_space<vmem>>
    %dma_start3A_309 = tpu.memref_squeeze %dma_start3A_308 : memref<1x256x32xf32, #tpu.memory_space<vmem>> -> memref<256x32xf32, #tpu.memory_space<vmem>>
    %dma_start3A_310 = arith.constant 0 : i32
    %dma_start3A_311 = tpu.memref_slice %arg7[%dma_start3A_300, %dma_start3A_310] : memref<40x256xi32, #tpu.memory_space<vmem>> -> memref<1x256xi32, #tpu.memory_space<vmem>>
    %dma_start3A_312 = tpu.memref_squeeze %dma_start3A_311 : memref<1x256xi32, #tpu.memory_space<vmem>> -> memref<256xi32, #tpu.memory_space<vmem>>
    %dma_start3A_313 = arith.constant 0 : i32
    %dma_start3A_314 = arith.constant 0 : i32
    %dma_start3A_315 = tpu.memref_slice %arg9[%dma_start3A_313, %dma_start3A_314] : memref<10240x32xf32, #tpu.memory_space<vmem_shared>> -> memref<10240x32xf32, #tpu.memory_space<vmem_shared>>
    tpu.enqueue_indirect_dma source(%dma_start3A_309 : memref<256x32xf32, #tpu.memory_space<vmem>>) target(%dma_start3A_315 : memref<10240x32xf32, #tpu.memory_space<vmem_shared>>) offsets(%dma_start3A_312 : memref<256xi32, #tpu.memory_space<vmem>>) semaphore(%arg13 : memref<!tpu.dma_semaphore, #tpu.memory_space<semaphore_mem>>) {add = true}
    %dma_start3A_316 = arith.constant 0 : i32
    %dma_start3A_317 = arith.constant 2 : i32
    %dma_start3A_318 = arith.constant 34 : i32
    %dma_start3A_319 = arith.constant 0 : i32
    %dma_start3A_320 = arith.constant 0 : i32
    %dma_start3A_321 = arith.constant 0 : i32
    %dma_start3A_322 = tpu.memref_slice %arg8[%dma_start3A_316, %dma_start3A_319, %dma_start3A_320, %dma_start3A_321] : memref<2x4x256x32xf32, #tpu.memory_space<vmem>> -> memref<1x4x256x32xf32, #tpu.memory_space<vmem>>
    %dma_start3A_323 = tpu.memref_squeeze %dma_start3A_322 : memref<1x4x256x32xf32, #tpu.memory_space<vmem>> -> memref<4x256x32xf32, #tpu.memory_space<vmem>>
    %dma_start3A_324 = arith.constant 0 : i32
    %dma_start3A_325 = arith.constant 0 : i32
    %dma_start3A_326 = tpu.memref_slice %dma_start3A_323[%dma_start3A_317, %dma_start3A_324, %dma_start3A_325] : memref<4x256x32xf32, #tpu.memory_space<vmem>> -> memref<1x256x32xf32, #tpu.memory_space<vmem>>
    %dma_start3A_327 = tpu.memref_squeeze %dma_start3A_326 : memref<1x256x32xf32, #tpu.memory_space<vmem>> -> memref<256x32xf32, #tpu.memory_space<vmem>>
    %dma_start3A_328 = arith.constant 0 : i32
    %dma_start3A_329 = tpu.memref_slice %arg7[%dma_start3A_318, %dma_start3A_328] : memref<40x256xi32, #tpu.memory_space<vmem>> -> memref<1x256xi32, #tpu.memory_space<vmem>>
    %dma_start3A_330 = tpu.memref_squeeze %dma_start3A_329 : memref<1x256xi32, #tpu.memory_space<vmem>> -> memref<256xi32, #tpu.memory_space<vmem>>
    %dma_start3A_331 = arith.constant 0 : i32
    %dma_start3A_332 = arith.constant 0 : i32
    %dma_start3A_333 = tpu.memref_slice %arg9[%dma_start3A_331, %dma_start3A_332] : memref<10240x32xf32, #tpu.memory_space<vmem_shared>> -> memref<10240x32xf32, #tpu.memory_space<vmem_shared>>
    tpu.enqueue_indirect_dma source(%dma_start3A_327 : memref<256x32xf32, #tpu.memory_space<vmem>>) target(%dma_start3A_333 : memref<10240x32xf32, #tpu.memory_space<vmem_shared>>) offsets(%dma_start3A_330 : memref<256xi32, #tpu.memory_space<vmem>>) semaphore(%arg13 : memref<!tpu.dma_semaphore, #tpu.memory_space<semaphore_mem>>) {add = true}
    %dma_start3A_334 = arith.constant 0 : i32
    %dma_start3A_335 = arith.constant 3 : i32
    %dma_start3A_336 = arith.constant 35 : i32
    %dma_start3A_337 = arith.constant 0 : i32
    %dma_start3A_338 = arith.constant 0 : i32
    %dma_start3A_339 = arith.constant 0 : i32
    %dma_start3A_340 = tpu.memref_slice %arg8[%dma_start3A_334, %dma_start3A_337, %dma_start3A_338, %dma_start3A_339] : memref<2x4x256x32xf32, #tpu.memory_space<vmem>> -> memref<1x4x256x32xf32, #tpu.memory_space<vmem>>
    %dma_start3A_341 = tpu.memref_squeeze %dma_start3A_340 : memref<1x4x256x32xf32, #tpu.memory_space<vmem>> -> memref<4x256x32xf32, #tpu.memory_space<vmem>>
    %dma_start3A_342 = arith.constant 0 : i32
    %dma_start3A_343 = arith.constant 0 : i32
    %dma_start3A_344 = tpu.memref_slice %dma_start3A_341[%dma_start3A_335, %dma_start3A_342, %dma_start3A_343] : memref<4x256x32xf32, #tpu.memory_space<vmem>> -> memref<1x256x32xf32, #tpu.memory_space<vmem>>
    %dma_start3A_345 = tpu.memref_squeeze %dma_start3A_344 : memref<1x256x32xf32, #tpu.memory_space<vmem>> -> memref<256x32xf32, #tpu.memory_space<vmem>>
    %dma_start3A_346 = arith.constant 0 : i32
    %dma_start3A_347 = tpu.memref_slice %arg7[%dma_start3A_336, %dma_start3A_346] : memref<40x256xi32, #tpu.memory_space<vmem>> -> memref<1x256xi32, #tpu.memory_space<vmem>>
    %dma_start3A_348 = tpu.memref_squeeze %dma_start3A_347 : memref<1x256xi32, #tpu.memory_space<vmem>> -> memref<256xi32, #tpu.memory_space<vmem>>
    %dma_start3A_349 = arith.constant 0 : i32
    %dma_start3A_350 = arith.constant 0 : i32
    %dma_start3A_351 = tpu.memref_slice %arg9[%dma_start3A_349, %dma_start3A_350] : memref<10240x32xf32, #tpu.memory_space<vmem_shared>> -> memref<10240x32xf32, #tpu.memory_space<vmem_shared>>
    tpu.enqueue_indirect_dma source(%dma_start3A_345 : memref<256x32xf32, #tpu.memory_space<vmem>>) target(%dma_start3A_351 : memref<10240x32xf32, #tpu.memory_space<vmem_shared>>) offsets(%dma_start3A_348 : memref<256xi32, #tpu.memory_space<vmem>>) semaphore(%arg13 : memref<!tpu.dma_semaphore, #tpu.memory_space<semaphore_mem>>) {add = true}
    %dma_wait3A_352 = arith.constant 0 : i32
    %dma_wait3A_353 = arith.constant 0 : i32
    %dma_wait3A_354 = arith.constant 32 : i32
    %dma_wait3A_355 = arith.constant 0 : i32
    %dma_wait3A_356 = arith.constant 0 : i32
    %dma_wait3A_357 = arith.constant 0 : i32
    %dma_wait3A_358 = tpu.memref_slice %arg8[%dma_wait3A_352, %dma_wait3A_355, %dma_wait3A_356, %dma_wait3A_357] : memref<2x4x256x32xf32, #tpu.memory_space<vmem>> -> memref<1x4x256x32xf32, #tpu.memory_space<vmem>>
    %dma_wait3A_359 = tpu.memref_squeeze %dma_wait3A_358 : memref<1x4x256x32xf32, #tpu.memory_space<vmem>> -> memref<4x256x32xf32, #tpu.memory_space<vmem>>
    %dma_wait3A_360 = arith.constant 0 : i32
    %dma_wait3A_361 = arith.constant 0 : i32
    %dma_wait3A_362 = tpu.memref_slice %dma_wait3A_359[%dma_wait3A_353, %dma_wait3A_360, %dma_wait3A_361] : memref<4x256x32xf32, #tpu.memory_space<vmem>> -> memref<1x256x32xf32, #tpu.memory_space<vmem>>
    %dma_wait3A_363 = tpu.memref_squeeze %dma_wait3A_362 : memref<1x256x32xf32, #tpu.memory_space<vmem>> -> memref<256x32xf32, #tpu.memory_space<vmem>>
    %dma_wait3A_364 = arith.constant 0 : i32
    %dma_wait3A_365 = tpu.memref_slice %arg7[%dma_wait3A_354, %dma_wait3A_364] : memref<40x256xi32, #tpu.memory_space<vmem>> -> memref<1x256xi32, #tpu.memory_space<vmem>>
    %dma_wait3A_366 = tpu.memref_squeeze %dma_wait3A_365 : memref<1x256xi32, #tpu.memory_space<vmem>> -> memref<256xi32, #tpu.memory_space<vmem>>
    %dma_wait3A_367 = arith.constant 0 : i32
    %dma_wait3A_368 = arith.constant 0 : i32
    %dma_wait3A_369 = tpu.memref_slice %arg9[%dma_wait3A_367, %dma_wait3A_368] : memref<10240x32xf32, #tpu.memory_space<vmem_shared>> -> memref<10240x32xf32, #tpu.memory_space<vmem_shared>>
    tpu.wait_indirect_dma semaphore(%arg13 : memref<!tpu.dma_semaphore, #tpu.memory_space<semaphore_mem>>) src(%dma_wait3A_363 : memref<256x32xf32, #tpu.memory_space<vmem>>) dst(%dma_wait3A_369 : memref<10240x32xf32, #tpu.memory_space<vmem_shared>>)
    %dma_wait3A_370 = arith.constant 0 : i32
    %dma_wait3A_371 = arith.constant 1 : i32
    %dma_wait3A_372 = arith.constant 33 : i32
    %dma_wait3A_373 = arith.constant 0 : i32
    %dma_wait3A_374 = arith.constant 0 : i32
    %dma_wait3A_375 = arith.constant 0 : i32
    %dma_wait3A_376 = tpu.memref_slice %arg8[%dma_wait3A_370, %dma_wait3A_373, %dma_wait3A_374, %dma_wait3A_375] : memref<2x4x256x32xf32, #tpu.memory_space<vmem>> -> memref<1x4x256x32xf32, #tpu.memory_space<vmem>>
    %dma_wait3A_377 = tpu.memref_squeeze %dma_wait3A_376 : memref<1x4x256x32xf32, #tpu.memory_space<vmem>> -> memref<4x256x32xf32, #tpu.memory_space<vmem>>
    %dma_wait3A_378 = arith.constant 0 : i32
    %dma_wait3A_379 = arith.constant 0 : i32
    %dma_wait3A_380 = tpu.memref_slice %dma_wait3A_377[%dma_wait3A_371, %dma_wait3A_378, %dma_wait3A_379] : memref<4x256x32xf32, #tpu.memory_space<vmem>> -> memref<1x256x32xf32, #tpu.memory_space<vmem>>
    %dma_wait3A_381 = tpu.memref_squeeze %dma_wait3A_380 : memref<1x256x32xf32, #tpu.memory_space<vmem>> -> memref<256x32xf32, #tpu.memory_space<vmem>>
    %dma_wait3A_382 = arith.constant 0 : i32
    %dma_wait3A_383 = tpu.memref_slice %arg7[%dma_wait3A_372, %dma_wait3A_382] : memref<40x256xi32, #tpu.memory_space<vmem>> -> memref<1x256xi32, #tpu.memory_space<vmem>>
    %dma_wait3A_384 = tpu.memref_squeeze %dma_wait3A_383 : memref<1x256xi32, #tpu.memory_space<vmem>> -> memref<256xi32, #tpu.memory_space<vmem>>
    %dma_wait3A_385 = arith.constant 0 : i32
    %dma_wait3A_386 = arith.constant 0 : i32
    %dma_wait3A_387 = tpu.memref_slice %arg9[%dma_wait3A_385, %dma_wait3A_386] : memref<10240x32xf32, #tpu.memory_space<vmem_shared>> -> memref<10240x32xf32, #tpu.memory_space<vmem_shared>>
    tpu.wait_indirect_dma semaphore(%arg13 : memref<!tpu.dma_semaphore, #tpu.memory_space<semaphore_mem>>) src(%dma_wait3A_381 : memref<256x32xf32, #tpu.memory_space<vmem>>) dst(%dma_wait3A_387 : memref<10240x32xf32, #tpu.memory_space<vmem_shared>>)
    %dma_wait3A_388 = arith.constant 0 : i32
    %dma_wait3A_389 = arith.constant 2 : i32
    %dma_wait3A_390 = arith.constant 34 : i32
    %dma_wait3A_391 = arith.constant 0 : i32
    %dma_wait3A_392 = arith.constant 0 : i32
    %dma_wait3A_393 = arith.constant 0 : i32
    %dma_wait3A_394 = tpu.memref_slice %arg8[%dma_wait3A_388, %dma_wait3A_391, %dma_wait3A_392, %dma_wait3A_393] : memref<2x4x256x32xf32, #tpu.memory_space<vmem>> -> memref<1x4x256x32xf32, #tpu.memory_space<vmem>>
    %dma_wait3A_395 = tpu.memref_squeeze %dma_wait3A_394 : memref<1x4x256x32xf32, #tpu.memory_space<vmem>> -> memref<4x256x32xf32, #tpu.memory_space<vmem>>
    %dma_wait3A_396 = arith.constant 0 : i32
    %dma_wait3A_397 = arith.constant 0 : i32
    %dma_wait3A_398 = tpu.memref_slice %dma_wait3A_395[%dma_wait3A_389, %dma_wait3A_396, %dma_wait3A_397] : memref<4x256x32xf32, #tpu.memory_space<vmem>> -> memref<1x256x32xf32, #tpu.memory_space<vmem>>
    %dma_wait3A_399 = tpu.memref_squeeze %dma_wait3A_398 : memref<1x256x32xf32, #tpu.memory_space<vmem>> -> memref<256x32xf32, #tpu.memory_space<vmem>>
    %dma_wait3A_400 = arith.constant 0 : i32
    %dma_wait3A_401 = tpu.memref_slice %arg7[%dma_wait3A_390, %dma_wait3A_400] : memref<40x256xi32, #tpu.memory_space<vmem>> -> memref<1x256xi32, #tpu.memory_space<vmem>>
    %dma_wait3A_402 = tpu.memref_squeeze %dma_wait3A_401 : memref<1x256xi32, #tpu.memory_space<vmem>> -> memref<256xi32, #tpu.memory_space<vmem>>
    %dma_wait3A_403 = arith.constant 0 : i32
    %dma_wait3A_404 = arith.constant 0 : i32
    %dma_wait3A_405 = tpu.memref_slice %arg9[%dma_wait3A_403, %dma_wait3A_404] : memref<10240x32xf32, #tpu.memory_space<vmem_shared>> -> memref<10240x32xf32, #tpu.memory_space<vmem_shared>>
    tpu.wait_indirect_dma semaphore(%arg13 : memref<!tpu.dma_semaphore, #tpu.memory_space<semaphore_mem>>) src(%dma_wait3A_399 : memref<256x32xf32, #tpu.memory_space<vmem>>) dst(%dma_wait3A_405 : memref<10240x32xf32, #tpu.memory_space<vmem_shared>>)
    %dma_wait3A_406 = arith.constant 0 : i32
    %dma_wait3A_407 = arith.constant 3 : i32
    %dma_wait3A_408 = arith.constant 35 : i32
    %dma_wait3A_409 = arith.constant 0 : i32
    %dma_wait3A_410 = arith.constant 0 : i32
    %dma_wait3A_411 = arith.constant 0 : i32
    %dma_wait3A_412 = tpu.memref_slice %arg8[%dma_wait3A_406, %dma_wait3A_409, %dma_wait3A_410, %dma_wait3A_411] : memref<2x4x256x32xf32, #tpu.memory_space<vmem>> -> memref<1x4x256x32xf32, #tpu.memory_space<vmem>>
    %dma_wait3A_413 = tpu.memref_squeeze %dma_wait3A_412 : memref<1x4x256x32xf32, #tpu.memory_space<vmem>> -> memref<4x256x32xf32, #tpu.memory_space<vmem>>
    %dma_wait3A_414 = arith.constant 0 : i32
    %dma_wait3A_415 = arith.constant 0 : i32
    %dma_wait3A_416 = tpu.memref_slice %dma_wait3A_413[%dma_wait3A_407, %dma_wait3A_414, %dma_wait3A_415] : memref<4x256x32xf32, #tpu.memory_space<vmem>> -> memref<1x256x32xf32, #tpu.memory_space<vmem>>
    %dma_wait3A_417 = tpu.memref_squeeze %dma_wait3A_416 : memref<1x256x32xf32, #tpu.memory_space<vmem>> -> memref<256x32xf32, #tpu.memory_space<vmem>>
    %dma_wait3A_418 = arith.constant 0 : i32
    %dma_wait3A_419 = tpu.memref_slice %arg7[%dma_wait3A_408, %dma_wait3A_418] : memref<40x256xi32, #tpu.memory_space<vmem>> -> memref<1x256xi32, #tpu.memory_space<vmem>>
    %dma_wait3A_420 = tpu.memref_squeeze %dma_wait3A_419 : memref<1x256xi32, #tpu.memory_space<vmem>> -> memref<256xi32, #tpu.memory_space<vmem>>
    %dma_wait3A_421 = arith.constant 0 : i32
    %dma_wait3A_422 = arith.constant 0 : i32
    %dma_wait3A_423 = tpu.memref_slice %arg9[%dma_wait3A_421, %dma_wait3A_422] : memref<10240x32xf32, #tpu.memory_space<vmem_shared>> -> memref<10240x32xf32, #tpu.memory_space<vmem_shared>>
    tpu.wait_indirect_dma semaphore(%arg13 : memref<!tpu.dma_semaphore, #tpu.memory_space<semaphore_mem>>) src(%dma_wait3A_417 : memref<256x32xf32, #tpu.memory_space<vmem>>) dst(%dma_wait3A_423 : memref<10240x32xf32, #tpu.memory_space<vmem_shared>>)
    %dma_wait3A_424 = arith.constant 36 : i32
    %dma_wait3A_425 = arith.constant 1 : i32
    %dma_wait3A_426 = arith.constant 0 : i32
    %dma_wait3A_427 = arith.constant 0 : i32
    %dma_wait3A_428 = arith.constant 0 : i32
    %dma_wait3A_429 = arith.constant 0 : i32
    %dma_wait3A_430 = tpu.memref_slice %arg8[%dma_wait3A_425, %dma_wait3A_427, %dma_wait3A_428, %dma_wait3A_429] : memref<2x4x256x32xf32, #tpu.memory_space<vmem>> -> memref<1x4x256x32xf32, #tpu.memory_space<vmem>>
    %dma_wait3A_431 = tpu.memref_squeeze %dma_wait3A_430 : memref<1x4x256x32xf32, #tpu.memory_space<vmem>> -> memref<4x256x32xf32, #tpu.memory_space<vmem>>
    %dma_wait3A_432 = arith.constant 0 : i32
    %dma_wait3A_433 = arith.constant 0 : i32
    %dma_wait3A_434 = tpu.memref_slice %dma_wait3A_431[%dma_wait3A_426, %dma_wait3A_432, %dma_wait3A_433] : memref<4x256x32xf32, #tpu.memory_space<vmem>> -> memref<1x256x32xf32, #tpu.memory_space<vmem>>
    %dma_wait3A_435 = tpu.memref_squeeze %dma_wait3A_434 : memref<1x256x32xf32, #tpu.memory_space<vmem>> -> memref<256x32xf32, #tpu.memory_space<vmem>>
    %dma_wait3A_436 = arith.constant 0 : i32
    %dma_wait3A_437 = tpu.memref_slice %arg6[%dma_wait3A_424, %dma_wait3A_436] : memref<40x256xi32, #tpu.memory_space<vmem>> -> memref<1x256xi32, #tpu.memory_space<vmem>>
    %dma_wait3A_438 = tpu.memref_squeeze %dma_wait3A_437 : memref<1x256xi32, #tpu.memory_space<vmem>> -> memref<256xi32, #tpu.memory_space<vmem>>
    %dma_wait3A_439 = arith.constant 0 : i32
    %dma_wait3A_440 = arith.constant 0 : i32
    %dma_wait3A_441 = tpu.memref_slice %arg10[%dma_wait3A_439, %dma_wait3A_440] : memref<10240x32xf32, #tpu.memory_space<vmem_shared>> -> memref<10240x32xf32, #tpu.memory_space<vmem_shared>>
    tpu.wait_indirect_dma semaphore(%arg12 : memref<!tpu.dma_semaphore, #tpu.memory_space<semaphore_mem>>) src(%dma_wait3A_441 : memref<10240x32xf32, #tpu.memory_space<vmem_shared>>) dst(%dma_wait3A_435 : memref<256x32xf32, #tpu.memory_space<vmem>>)
    %dma_wait3A_442 = arith.constant 37 : i32
    %dma_wait3A_443 = arith.constant 1 : i32
    %dma_wait3A_444 = arith.constant 1 : i32
    %dma_wait3A_445 = arith.constant 0 : i32
    %dma_wait3A_446 = arith.constant 0 : i32
    %dma_wait3A_447 = arith.constant 0 : i32
    %dma_wait3A_448 = tpu.memref_slice %arg8[%dma_wait3A_443, %dma_wait3A_445, %dma_wait3A_446, %dma_wait3A_447] : memref<2x4x256x32xf32, #tpu.memory_space<vmem>> -> memref<1x4x256x32xf32, #tpu.memory_space<vmem>>
    %dma_wait3A_449 = tpu.memref_squeeze %dma_wait3A_448 : memref<1x4x256x32xf32, #tpu.memory_space<vmem>> -> memref<4x256x32xf32, #tpu.memory_space<vmem>>
    %dma_wait3A_450 = arith.constant 0 : i32
    %dma_wait3A_451 = arith.constant 0 : i32
    %dma_wait3A_452 = tpu.memref_slice %dma_wait3A_449[%dma_wait3A_444, %dma_wait3A_450, %dma_wait3A_451] : memref<4x256x32xf32, #tpu.memory_space<vmem>> -> memref<1x256x32xf32, #tpu.memory_space<vmem>>
    %dma_wait3A_453 = tpu.memref_squeeze %dma_wait3A_452 : memref<1x256x32xf32, #tpu.memory_space<vmem>> -> memref<256x32xf32, #tpu.memory_space<vmem>>
    %dma_wait3A_454 = arith.constant 0 : i32
    %dma_wait3A_455 = tpu.memref_slice %arg6[%dma_wait3A_442, %dma_wait3A_454] : memref<40x256xi32, #tpu.memory_space<vmem>> -> memref<1x256xi32, #tpu.memory_space<vmem>>
    %dma_wait3A_456 = tpu.memref_squeeze %dma_wait3A_455 : memref<1x256xi32, #tpu.memory_space<vmem>> -> memref<256xi32, #tpu.memory_space<vmem>>
    %dma_wait3A_457 = arith.constant 0 : i32
    %dma_wait3A_458 = arith.constant 0 : i32
    %dma_wait3A_459 = tpu.memref_slice %arg10[%dma_wait3A_457, %dma_wait3A_458] : memref<10240x32xf32, #tpu.memory_space<vmem_shared>> -> memref<10240x32xf32, #tpu.memory_space<vmem_shared>>
    tpu.wait_indirect_dma semaphore(%arg12 : memref<!tpu.dma_semaphore, #tpu.memory_space<semaphore_mem>>) src(%dma_wait3A_459 : memref<10240x32xf32, #tpu.memory_space<vmem_shared>>) dst(%dma_wait3A_453 : memref<256x32xf32, #tpu.memory_space<vmem>>)
    %dma_wait3A_460 = arith.constant 38 : i32
    %dma_wait3A_461 = arith.constant 1 : i32
    %dma_wait3A_462 = arith.constant 2 : i32
    %dma_wait3A_463 = arith.constant 0 : i32
    %dma_wait3A_464 = arith.constant 0 : i32
    %dma_wait3A_465 = arith.constant 0 : i32
    %dma_wait3A_466 = tpu.memref_slice %arg8[%dma_wait3A_461, %dma_wait3A_463, %dma_wait3A_464, %dma_wait3A_465] : memref<2x4x256x32xf32, #tpu.memory_space<vmem>> -> memref<1x4x256x32xf32, #tpu.memory_space<vmem>>
    %dma_wait3A_467 = tpu.memref_squeeze %dma_wait3A_466 : memref<1x4x256x32xf32, #tpu.memory_space<vmem>> -> memref<4x256x32xf32, #tpu.memory_space<vmem>>
    %dma_wait3A_468 = arith.constant 0 : i32
    %dma_wait3A_469 = arith.constant 0 : i32
    %dma_wait3A_470 = tpu.memref_slice %dma_wait3A_467[%dma_wait3A_462, %dma_wait3A_468, %dma_wait3A_469] : memref<4x256x32xf32, #tpu.memory_space<vmem>> -> memref<1x256x32xf32, #tpu.memory_space<vmem>>
    %dma_wait3A_471 = tpu.memref_squeeze %dma_wait3A_470 : memref<1x256x32xf32, #tpu.memory_space<vmem>> -> memref<256x32xf32, #tpu.memory_space<vmem>>
    %dma_wait3A_472 = arith.constant 0 : i32
    %dma_wait3A_473 = tpu.memref_slice %arg6[%dma_wait3A_460, %dma_wait3A_472] : memref<40x256xi32, #tpu.memory_space<vmem>> -> memref<1x256xi32, #tpu.memory_space<vmem>>
    %dma_wait3A_474 = tpu.memref_squeeze %dma_wait3A_473 : memref<1x256xi32, #tpu.memory_space<vmem>> -> memref<256xi32, #tpu.memory_space<vmem>>
    %dma_wait3A_475 = arith.constant 0 : i32
    %dma_wait3A_476 = arith.constant 0 : i32
    %dma_wait3A_477 = tpu.memref_slice %arg10[%dma_wait3A_475, %dma_wait3A_476] : memref<10240x32xf32, #tpu.memory_space<vmem_shared>> -> memref<10240x32xf32, #tpu.memory_space<vmem_shared>>
    tpu.wait_indirect_dma semaphore(%arg12 : memref<!tpu.dma_semaphore, #tpu.memory_space<semaphore_mem>>) src(%dma_wait3A_477 : memref<10240x32xf32, #tpu.memory_space<vmem_shared>>) dst(%dma_wait3A_471 : memref<256x32xf32, #tpu.memory_space<vmem>>)
    %dma_wait3A_478 = arith.constant 39 : i32
    %dma_wait3A_479 = arith.constant 1 : i32
    %dma_wait3A_480 = arith.constant 3 : i32
    %dma_wait3A_481 = arith.constant 0 : i32
    %dma_wait3A_482 = arith.constant 0 : i32
    %dma_wait3A_483 = arith.constant 0 : i32
    %dma_wait3A_484 = tpu.memref_slice %arg8[%dma_wait3A_479, %dma_wait3A_481, %dma_wait3A_482, %dma_wait3A_483] : memref<2x4x256x32xf32, #tpu.memory_space<vmem>> -> memref<1x4x256x32xf32, #tpu.memory_space<vmem>>
    %dma_wait3A_485 = tpu.memref_squeeze %dma_wait3A_484 : memref<1x4x256x32xf32, #tpu.memory_space<vmem>> -> memref<4x256x32xf32, #tpu.memory_space<vmem>>
    %dma_wait3A_486 = arith.constant 0 : i32
    %dma_wait3A_487 = arith.constant 0 : i32
    %dma_wait3A_488 = tpu.memref_slice %dma_wait3A_485[%dma_wait3A_480, %dma_wait3A_486, %dma_wait3A_487] : memref<4x256x32xf32, #tpu.memory_space<vmem>> -> memref<1x256x32xf32, #tpu.memory_space<vmem>>
    %dma_wait3A_489 = tpu.memref_squeeze %dma_wait3A_488 : memref<1x256x32xf32, #tpu.memory_space<vmem>> -> memref<256x32xf32, #tpu.memory_space<vmem>>
    %dma_wait3A_490 = arith.constant 0 : i32
    %dma_wait3A_491 = tpu.memref_slice %arg6[%dma_wait3A_478, %dma_wait3A_490] : memref<40x256xi32, #tpu.memory_space<vmem>> -> memref<1x256xi32, #tpu.memory_space<vmem>>
    %dma_wait3A_492 = tpu.memref_squeeze %dma_wait3A_491 : memref<1x256xi32, #tpu.memory_space<vmem>> -> memref<256xi32, #tpu.memory_space<vmem>>
    %dma_wait3A_493 = arith.constant 0 : i32
    %dma_wait3A_494 = arith.constant 0 : i32
    %dma_wait3A_495 = tpu.memref_slice %arg10[%dma_wait3A_493, %dma_wait3A_494] : memref<10240x32xf32, #tpu.memory_space<vmem_shared>> -> memref<10240x32xf32, #tpu.memory_space<vmem_shared>>
    tpu.wait_indirect_dma semaphore(%arg12 : memref<!tpu.dma_semaphore, #tpu.memory_space<semaphore_mem>>) src(%dma_wait3A_495 : memref<10240x32xf32, #tpu.memory_space<vmem_shared>>) dst(%dma_wait3A_489 : memref<256x32xf32, #tpu.memory_space<vmem>>)
    %dma_start3A_496 = arith.constant 1 : i32
    %dma_start3A_497 = arith.constant 0 : i32
    %dma_start3A_498 = arith.constant 36 : i32
    %dma_start3A_499 = arith.constant 0 : i32
    %dma_start3A_500 = arith.constant 0 : i32
    %dma_start3A_501 = arith.constant 0 : i32
    %dma_start3A_502 = tpu.memref_slice %arg8[%dma_start3A_496, %dma_start3A_499, %dma_start3A_500, %dma_start3A_501] : memref<2x4x256x32xf32, #tpu.memory_space<vmem>> -> memref<1x4x256x32xf32, #tpu.memory_space<vmem>>
    %dma_start3A_503 = tpu.memref_squeeze %dma_start3A_502 : memref<1x4x256x32xf32, #tpu.memory_space<vmem>> -> memref<4x256x32xf32, #tpu.memory_space<vmem>>
    %dma_start3A_504 = arith.constant 0 : i32
    %dma_start3A_505 = arith.constant 0 : i32
    %dma_start3A_506 = tpu.memref_slice %dma_start3A_503[%dma_start3A_497, %dma_start3A_504, %dma_start3A_505] : memref<4x256x32xf32, #tpu.memory_space<vmem>> -> memref<1x256x32xf32, #tpu.memory_space<vmem>>
    %dma_start3A_507 = tpu.memref_squeeze %dma_start3A_506 : memref<1x256x32xf32, #tpu.memory_space<vmem>> -> memref<256x32xf32, #tpu.memory_space<vmem>>
    %dma_start3A_508 = arith.constant 0 : i32
    %dma_start3A_509 = tpu.memref_slice %arg7[%dma_start3A_498, %dma_start3A_508] : memref<40x256xi32, #tpu.memory_space<vmem>> -> memref<1x256xi32, #tpu.memory_space<vmem>>
    %dma_start3A_510 = tpu.memref_squeeze %dma_start3A_509 : memref<1x256xi32, #tpu.memory_space<vmem>> -> memref<256xi32, #tpu.memory_space<vmem>>
    %dma_start3A_511 = arith.constant 0 : i32
    %dma_start3A_512 = arith.constant 0 : i32
    %dma_start3A_513 = tpu.memref_slice %arg9[%dma_start3A_511, %dma_start3A_512] : memref<10240x32xf32, #tpu.memory_space<vmem_shared>> -> memref<10240x32xf32, #tpu.memory_space<vmem_shared>>
    tpu.enqueue_indirect_dma source(%dma_start3A_507 : memref<256x32xf32, #tpu.memory_space<vmem>>) target(%dma_start3A_513 : memref<10240x32xf32, #tpu.memory_space<vmem_shared>>) offsets(%dma_start3A_510 : memref<256xi32, #tpu.memory_space<vmem>>) semaphore(%arg14 : memref<!tpu.dma_semaphore, #tpu.memory_space<semaphore_mem>>) {add = true}
    %dma_start3A_514 = arith.constant 1 : i32
    %dma_start3A_515 = arith.constant 1 : i32
    %dma_start3A_516 = arith.constant 37 : i32
    %dma_start3A_517 = arith.constant 0 : i32
    %dma_start3A_518 = arith.constant 0 : i32
    %dma_start3A_519 = arith.constant 0 : i32
    %dma_start3A_520 = tpu.memref_slice %arg8[%dma_start3A_514, %dma_start3A_517, %dma_start3A_518, %dma_start3A_519] : memref<2x4x256x32xf32, #tpu.memory_space<vmem>> -> memref<1x4x256x32xf32, #tpu.memory_space<vmem>>
    %dma_start3A_521 = tpu.memref_squeeze %dma_start3A_520 : memref<1x4x256x32xf32, #tpu.memory_space<vmem>> -> memref<4x256x32xf32, #tpu.memory_space<vmem>>
    %dma_start3A_522 = arith.constant 0 : i32
    %dma_start3A_523 = arith.constant 0 : i32
    %dma_start3A_524 = tpu.memref_slice %dma_start3A_521[%dma_start3A_515, %dma_start3A_522, %dma_start3A_523] : memref<4x256x32xf32, #tpu.memory_space<vmem>> -> memref<1x256x32xf32, #tpu.memory_space<vmem>>
    %dma_start3A_525 = tpu.memref_squeeze %dma_start3A_524 : memref<1x256x32xf32, #tpu.memory_space<vmem>> -> memref<256x32xf32, #tpu.memory_space<vmem>>
    %dma_start3A_526 = arith.constant 0 : i32
    %dma_start3A_527 = tpu.memref_slice %arg7[%dma_start3A_516, %dma_start3A_526] : memref<40x256xi32, #tpu.memory_space<vmem>> -> memref<1x256xi32, #tpu.memory_space<vmem>>
    %dma_start3A_528 = tpu.memref_squeeze %dma_start3A_527 : memref<1x256xi32, #tpu.memory_space<vmem>> -> memref<256xi32, #tpu.memory_space<vmem>>
    %dma_start3A_529 = arith.constant 0 : i32
    %dma_start3A_530 = arith.constant 0 : i32
    %dma_start3A_531 = tpu.memref_slice %arg9[%dma_start3A_529, %dma_start3A_530] : memref<10240x32xf32, #tpu.memory_space<vmem_shared>> -> memref<10240x32xf32, #tpu.memory_space<vmem_shared>>
    tpu.enqueue_indirect_dma source(%dma_start3A_525 : memref<256x32xf32, #tpu.memory_space<vmem>>) target(%dma_start3A_531 : memref<10240x32xf32, #tpu.memory_space<vmem_shared>>) offsets(%dma_start3A_528 : memref<256xi32, #tpu.memory_space<vmem>>) semaphore(%arg14 : memref<!tpu.dma_semaphore, #tpu.memory_space<semaphore_mem>>) {add = true}
    %dma_start3A_532 = arith.constant 1 : i32
    %dma_start3A_533 = arith.constant 2 : i32
    %dma_start3A_534 = arith.constant 38 : i32
    %dma_start3A_535 = arith.constant 0 : i32
    %dma_start3A_536 = arith.constant 0 : i32
    %dma_start3A_537 = arith.constant 0 : i32
    %dma_start3A_538 = tpu.memref_slice %arg8[%dma_start3A_532, %dma_start3A_535, %dma_start3A_536, %dma_start3A_537] : memref<2x4x256x32xf32, #tpu.memory_space<vmem>> -> memref<1x4x256x32xf32, #tpu.memory_space<vmem>>
    %dma_start3A_539 = tpu.memref_squeeze %dma_start3A_538 : memref<1x4x256x32xf32, #tpu.memory_space<vmem>> -> memref<4x256x32xf32, #tpu.memory_space<vmem>>
    %dma_start3A_540 = arith.constant 0 : i32
    %dma_start3A_541 = arith.constant 0 : i32
    %dma_start3A_542 = tpu.memref_slice %dma_start3A_539[%dma_start3A_533, %dma_start3A_540, %dma_start3A_541] : memref<4x256x32xf32, #tpu.memory_space<vmem>> -> memref<1x256x32xf32, #tpu.memory_space<vmem>>
    %dma_start3A_543 = tpu.memref_squeeze %dma_start3A_542 : memref<1x256x32xf32, #tpu.memory_space<vmem>> -> memref<256x32xf32, #tpu.memory_space<vmem>>
    %dma_start3A_544 = arith.constant 0 : i32
    %dma_start3A_545 = tpu.memref_slice %arg7[%dma_start3A_534, %dma_start3A_544] : memref<40x256xi32, #tpu.memory_space<vmem>> -> memref<1x256xi32, #tpu.memory_space<vmem>>
    %dma_start3A_546 = tpu.memref_squeeze %dma_start3A_545 : memref<1x256xi32, #tpu.memory_space<vmem>> -> memref<256xi32, #tpu.memory_space<vmem>>
    %dma_start3A_547 = arith.constant 0 : i32
    %dma_start3A_548 = arith.constant 0 : i32
    %dma_start3A_549 = tpu.memref_slice %arg9[%dma_start3A_547, %dma_start3A_548] : memref<10240x32xf32, #tpu.memory_space<vmem_shared>> -> memref<10240x32xf32, #tpu.memory_space<vmem_shared>>
    tpu.enqueue_indirect_dma source(%dma_start3A_543 : memref<256x32xf32, #tpu.memory_space<vmem>>) target(%dma_start3A_549 : memref<10240x32xf32, #tpu.memory_space<vmem_shared>>) offsets(%dma_start3A_546 : memref<256xi32, #tpu.memory_space<vmem>>) semaphore(%arg14 : memref<!tpu.dma_semaphore, #tpu.memory_space<semaphore_mem>>) {add = true}
    %dma_start3A_550 = arith.constant 1 : i32
    %dma_start3A_551 = arith.constant 3 : i32
    %dma_start3A_552 = arith.constant 39 : i32
    %dma_start3A_553 = arith.constant 0 : i32
    %dma_start3A_554 = arith.constant 0 : i32
    %dma_start3A_555 = arith.constant 0 : i32
    %dma_start3A_556 = tpu.memref_slice %arg8[%dma_start3A_550, %dma_start3A_553, %dma_start3A_554, %dma_start3A_555] : memref<2x4x256x32xf32, #tpu.memory_space<vmem>> -> memref<1x4x256x32xf32, #tpu.memory_space<vmem>>
    %dma_start3A_557 = tpu.memref_squeeze %dma_start3A_556 : memref<1x4x256x32xf32, #tpu.memory_space<vmem>> -> memref<4x256x32xf32, #tpu.memory_space<vmem>>
    %dma_start3A_558 = arith.constant 0 : i32
    %dma_start3A_559 = arith.constant 0 : i32
    %dma_start3A_560 = tpu.memref_slice %dma_start3A_557[%dma_start3A_551, %dma_start3A_558, %dma_start3A_559] : memref<4x256x32xf32, #tpu.memory_space<vmem>> -> memref<1x256x32xf32, #tpu.memory_space<vmem>>
    %dma_start3A_561 = tpu.memref_squeeze %dma_start3A_560 : memref<1x256x32xf32, #tpu.memory_space<vmem>> -> memref<256x32xf32, #tpu.memory_space<vmem>>
    %dma_start3A_562 = arith.constant 0 : i32
    %dma_start3A_563 = tpu.memref_slice %arg7[%dma_start3A_552, %dma_start3A_562] : memref<40x256xi32, #tpu.memory_space<vmem>> -> memref<1x256xi32, #tpu.memory_space<vmem>>
    %dma_start3A_564 = tpu.memref_squeeze %dma_start3A_563 : memref<1x256xi32, #tpu.memory_space<vmem>> -> memref<256xi32, #tpu.memory_space<vmem>>
    %dma_start3A_565 = arith.constant 0 : i32
    %dma_start3A_566 = arith.constant 0 : i32
    %dma_start3A_567 = tpu.memref_slice %arg9[%dma_start3A_565, %dma_start3A_566] : memref<10240x32xf32, #tpu.memory_space<vmem_shared>> -> memref<10240x32xf32, #tpu.memory_space<vmem_shared>>
    tpu.enqueue_indirect_dma source(%dma_start3A_561 : memref<256x32xf32, #tpu.memory_space<vmem>>) target(%dma_start3A_567 : memref<10240x32xf32, #tpu.memory_space<vmem_shared>>) offsets(%dma_start3A_564 : memref<256xi32, #tpu.memory_space<vmem>>) semaphore(%arg14 : memref<!tpu.dma_semaphore, #tpu.memory_space<semaphore_mem>>) {add = true}
    %dma_wait3A_568 = arith.constant 1 : i32
    %dma_wait3A_569 = arith.constant 0 : i32
    %dma_wait3A_570 = arith.constant 36 : i32
    %dma_wait3A_571 = arith.constant 0 : i32
    %dma_wait3A_572 = arith.constant 0 : i32
    %dma_wait3A_573 = arith.constant 0 : i32
    %dma_wait3A_574 = tpu.memref_slice %arg8[%dma_wait3A_568, %dma_wait3A_571, %dma_wait3A_572, %dma_wait3A_573] : memref<2x4x256x32xf32, #tpu.memory_space<vmem>> -> memref<1x4x256x32xf32, #tpu.memory_space<vmem>>
    %dma_wait3A_575 = tpu.memref_squeeze %dma_wait3A_574 : memref<1x4x256x32xf32, #tpu.memory_space<vmem>> -> memref<4x256x32xf32, #tpu.memory_space<vmem>>
    %dma_wait3A_576 = arith.constant 0 : i32
    %dma_wait3A_577 = arith.constant 0 : i32
    %dma_wait3A_578 = tpu.memref_slice %dma_wait3A_575[%dma_wait3A_569, %dma_wait3A_576, %dma_wait3A_577] : memref<4x256x32xf32, #tpu.memory_space<vmem>> -> memref<1x256x32xf32, #tpu.memory_space<vmem>>
    %dma_wait3A_579 = tpu.memref_squeeze %dma_wait3A_578 : memref<1x256x32xf32, #tpu.memory_space<vmem>> -> memref<256x32xf32, #tpu.memory_space<vmem>>
    %dma_wait3A_580 = arith.constant 0 : i32
    %dma_wait3A_581 = tpu.memref_slice %arg7[%dma_wait3A_570, %dma_wait3A_580] : memref<40x256xi32, #tpu.memory_space<vmem>> -> memref<1x256xi32, #tpu.memory_space<vmem>>
    %dma_wait3A_582 = tpu.memref_squeeze %dma_wait3A_581 : memref<1x256xi32, #tpu.memory_space<vmem>> -> memref<256xi32, #tpu.memory_space<vmem>>
    %dma_wait3A_583 = arith.constant 0 : i32
    %dma_wait3A_584 = arith.constant 0 : i32
    %dma_wait3A_585 = tpu.memref_slice %arg9[%dma_wait3A_583, %dma_wait3A_584] : memref<10240x32xf32, #tpu.memory_space<vmem_shared>> -> memref<10240x32xf32, #tpu.memory_space<vmem_shared>>
    tpu.wait_indirect_dma semaphore(%arg14 : memref<!tpu.dma_semaphore, #tpu.memory_space<semaphore_mem>>) src(%dma_wait3A_579 : memref<256x32xf32, #tpu.memory_space<vmem>>) dst(%dma_wait3A_585 : memref<10240x32xf32, #tpu.memory_space<vmem_shared>>)
    %dma_wait3A_586 = arith.constant 1 : i32
    %dma_wait3A_587 = arith.constant 1 : i32
    %dma_wait3A_588 = arith.constant 37 : i32
    %dma_wait3A_589 = arith.constant 0 : i32
    %dma_wait3A_590 = arith.constant 0 : i32
    %dma_wait3A_591 = arith.constant 0 : i32
    %dma_wait3A_592 = tpu.memref_slice %arg8[%dma_wait3A_586, %dma_wait3A_589, %dma_wait3A_590, %dma_wait3A_591] : memref<2x4x256x32xf32, #tpu.memory_space<vmem>> -> memref<1x4x256x32xf32, #tpu.memory_space<vmem>>
    %dma_wait3A_593 = tpu.memref_squeeze %dma_wait3A_592 : memref<1x4x256x32xf32, #tpu.memory_space<vmem>> -> memref<4x256x32xf32, #tpu.memory_space<vmem>>
    %dma_wait3A_594 = arith.constant 0 : i32
    %dma_wait3A_595 = arith.constant 0 : i32
    %dma_wait3A_596 = tpu.memref_slice %dma_wait3A_593[%dma_wait3A_587, %dma_wait3A_594, %dma_wait3A_595] : memref<4x256x32xf32, #tpu.memory_space<vmem>> -> memref<1x256x32xf32, #tpu.memory_space<vmem>>
    %dma_wait3A_597 = tpu.memref_squeeze %dma_wait3A_596 : memref<1x256x32xf32, #tpu.memory_space<vmem>> -> memref<256x32xf32, #tpu.memory_space<vmem>>
    %dma_wait3A_598 = arith.constant 0 : i32
    %dma_wait3A_599 = tpu.memref_slice %arg7[%dma_wait3A_588, %dma_wait3A_598] : memref<40x256xi32, #tpu.memory_space<vmem>> -> memref<1x256xi32, #tpu.memory_space<vmem>>
    %dma_wait3A_600 = tpu.memref_squeeze %dma_wait3A_599 : memref<1x256xi32, #tpu.memory_space<vmem>> -> memref<256xi32, #tpu.memory_space<vmem>>
    %dma_wait3A_601 = arith.constant 0 : i32
    %dma_wait3A_602 = arith.constant 0 : i32
    %dma_wait3A_603 = tpu.memref_slice %arg9[%dma_wait3A_601, %dma_wait3A_602] : memref<10240x32xf32, #tpu.memory_space<vmem_shared>> -> memref<10240x32xf32, #tpu.memory_space<vmem_shared>>
    tpu.wait_indirect_dma semaphore(%arg14 : memref<!tpu.dma_semaphore, #tpu.memory_space<semaphore_mem>>) src(%dma_wait3A_597 : memref<256x32xf32, #tpu.memory_space<vmem>>) dst(%dma_wait3A_603 : memref<10240x32xf32, #tpu.memory_space<vmem_shared>>)
    %dma_wait3A_604 = arith.constant 1 : i32
    %dma_wait3A_605 = arith.constant 2 : i32
    %dma_wait3A_606 = arith.constant 38 : i32
    %dma_wait3A_607 = arith.constant 0 : i32
    %dma_wait3A_608 = arith.constant 0 : i32
    %dma_wait3A_609 = arith.constant 0 : i32
    %dma_wait3A_610 = tpu.memref_slice %arg8[%dma_wait3A_604, %dma_wait3A_607, %dma_wait3A_608, %dma_wait3A_609] : memref<2x4x256x32xf32, #tpu.memory_space<vmem>> -> memref<1x4x256x32xf32, #tpu.memory_space<vmem>>
    %dma_wait3A_611 = tpu.memref_squeeze %dma_wait3A_610 : memref<1x4x256x32xf32, #tpu.memory_space<vmem>> -> memref<4x256x32xf32, #tpu.memory_space<vmem>>
    %dma_wait3A_612 = arith.constant 0 : i32
    %dma_wait3A_613 = arith.constant 0 : i32
    %dma_wait3A_614 = tpu.memref_slice %dma_wait3A_611[%dma_wait3A_605, %dma_wait3A_612, %dma_wait3A_613] : memref<4x256x32xf32, #tpu.memory_space<vmem>> -> memref<1x256x32xf32, #tpu.memory_space<vmem>>
    %dma_wait3A_615 = tpu.memref_squeeze %dma_wait3A_614 : memref<1x256x32xf32, #tpu.memory_space<vmem>> -> memref<256x32xf32, #tpu.memory_space<vmem>>
    %dma_wait3A_616 = arith.constant 0 : i32
    %dma_wait3A_617 = tpu.memref_slice %arg7[%dma_wait3A_606, %dma_wait3A_616] : memref<40x256xi32, #tpu.memory_space<vmem>> -> memref<1x256xi32, #tpu.memory_space<vmem>>
    %dma_wait3A_618 = tpu.memref_squeeze %dma_wait3A_617 : memref<1x256xi32, #tpu.memory_space<vmem>> -> memref<256xi32, #tpu.memory_space<vmem>>
    %dma_wait3A_619 = arith.constant 0 : i32
    %dma_wait3A_620 = arith.constant 0 : i32
    %dma_wait3A_621 = tpu.memref_slice %arg9[%dma_wait3A_619, %dma_wait3A_620] : memref<10240x32xf32, #tpu.memory_space<vmem_shared>> -> memref<10240x32xf32, #tpu.memory_space<vmem_shared>>
    tpu.wait_indirect_dma semaphore(%arg14 : memref<!tpu.dma_semaphore, #tpu.memory_space<semaphore_mem>>) src(%dma_wait3A_615 : memref<256x32xf32, #tpu.memory_space<vmem>>) dst(%dma_wait3A_621 : memref<10240x32xf32, #tpu.memory_space<vmem_shared>>)
    %dma_wait3A_622 = arith.constant 1 : i32
    %dma_wait3A_623 = arith.constant 3 : i32
    %dma_wait3A_624 = arith.constant 39 : i32
    %dma_wait3A_625 = arith.constant 0 : i32
    %dma_wait3A_626 = arith.constant 0 : i32
    %dma_wait3A_627 = arith.constant 0 : i32
    %dma_wait3A_628 = tpu.memref_slice %arg8[%dma_wait3A_622, %dma_wait3A_625, %dma_wait3A_626, %dma_wait3A_627] : memref<2x4x256x32xf32, #tpu.memory_space<vmem>> -> memref<1x4x256x32xf32, #tpu.memory_space<vmem>>
    %dma_wait3A_629 = tpu.memref_squeeze %dma_wait3A_628 : memref<1x4x256x32xf32, #tpu.memory_space<vmem>> -> memref<4x256x32xf32, #tpu.memory_space<vmem>>
    %dma_wait3A_630 = arith.constant 0 : i32
    %dma_wait3A_631 = arith.constant 0 : i32
    %dma_wait3A_632 = tpu.memref_slice %dma_wait3A_629[%dma_wait3A_623, %dma_wait3A_630, %dma_wait3A_631] : memref<4x256x32xf32, #tpu.memory_space<vmem>> -> memref<1x256x32xf32, #tpu.memory_space<vmem>>
    %dma_wait3A_633 = tpu.memref_squeeze %dma_wait3A_632 : memref<1x256x32xf32, #tpu.memory_space<vmem>> -> memref<256x32xf32, #tpu.memory_space<vmem>>
    %dma_wait3A_634 = arith.constant 0 : i32
    %dma_wait3A_635 = tpu.memref_slice %arg7[%dma_wait3A_624, %dma_wait3A_634] : memref<40x256xi32, #tpu.memory_space<vmem>> -> memref<1x256xi32, #tpu.memory_space<vmem>>
    %dma_wait3A_636 = tpu.memref_squeeze %dma_wait3A_635 : memref<1x256xi32, #tpu.memory_space<vmem>> -> memref<256xi32, #tpu.memory_space<vmem>>
    %dma_wait3A_637 = arith.constant 0 : i32
    %dma_wait3A_638 = arith.constant 0 : i32
    %dma_wait3A_639 = tpu.memref_slice %arg9[%dma_wait3A_637, %dma_wait3A_638] : memref<10240x32xf32, #tpu.memory_space<vmem_shared>> -> memref<10240x32xf32, #tpu.memory_space<vmem_shared>>
    tpu.wait_indirect_dma semaphore(%arg14 : memref<!tpu.dma_semaphore, #tpu.memory_space<semaphore_mem>>) src(%dma_wait3A_633 : memref<256x32xf32, #tpu.memory_space<vmem>>) dst(%dma_wait3A_639 : memref<10240x32xf32, #tpu.memory_space<vmem_shared>>)
    %barrier3A_640 = arith.constant 0 : index
    tpu.barrier barrier_id(%barrier3A_640)
    %mul3A_641 = arith.constant 640 : i32
    %mul3A_642 = arith.muli %arg1, %mul3A_641 : i32
    %mul3A_643 = arith.constant 640 : i32
    %mul3A_644 = arith.muli %arg1, %mul3A_643 : i32
    "tpu.region"() ({
      %run_scoped3A_645 = tpu.sem_alloc : memref<!tpu.dma_semaphore, #tpu.memory_space<semaphore_mem>>
      %dma_start3A_646 = arith.constant 0 : i32
      %dma_start3A_647 = arith.constant 0 : i32
      %dma_start3A_648 = tpu.memref_slice %arg5[%arg0, %dma_start3A_646, %dma_start3A_647] : memref<2x10240x32xf32, #tpu.memory_space<hbm>> -> memref<1x10240x32xf32, #tpu.memory_space<hbm>>
      %dma_start3A_649 = tpu.memref_squeeze %dma_start3A_648 : memref<1x10240x32xf32, #tpu.memory_space<hbm>> -> memref<10240x32xf32, #tpu.memory_space<hbm>>
      %dma_start3A_650 = arith.constant 0 : i32
      %dma_start3A_651 = tpu.memref_slice %dma_start3A_649[%mul3A_644, %dma_start3A_650] : memref<10240x32xf32, #tpu.memory_space<hbm>> -> memref<640x32xf32, #tpu.memory_space<hbm>>
      %dma_start3A_652 = arith.constant 0 : i32
      %dma_start3A_653 = tpu.memref_slice %arg9[%mul3A_642, %dma_start3A_652] : memref<10240x32xf32, #tpu.memory_space<vmem_shared>> -> memref<640x32xf32, #tpu.memory_space<vmem_shared>>
      tpu.enqueue_dma source(%dma_start3A_653 : memref<640x32xf32, #tpu.memory_space<vmem_shared>>) target(%dma_start3A_651 : memref<640x32xf32, #tpu.memory_space<hbm>>) target_semaphore(%run_scoped3A_645 : memref<!tpu.dma_semaphore, #tpu.memory_space<semaphore_mem>>)
      %dma_wait3A_654 = arith.constant 0 : i32
      %dma_wait3A_655 = arith.constant 0 : i32
      %dma_wait3A_656 = tpu.memref_slice %arg5[%arg0, %dma_wait3A_654, %dma_wait3A_655] : memref<2x10240x32xf32, #tpu.memory_space<hbm>> -> memref<1x10240x32xf32, #tpu.memory_space<hbm>>
      %dma_wait3A_657 = tpu.memref_squeeze %dma_wait3A_656 : memref<1x10240x32xf32, #tpu.memory_space<hbm>> -> memref<10240x32xf32, #tpu.memory_space<hbm>>
      %dma_wait3A_658 = arith.constant 0 : i32
      %dma_wait3A_659 = tpu.memref_slice %dma_wait3A_657[%mul3A_644, %dma_wait3A_658] : memref<10240x32xf32, #tpu.memory_space<hbm>> -> memref<640x32xf32, #tpu.memory_space<hbm>>
      %dma_wait3A_660 = arith.constant 0 : i32
      %dma_wait3A_661 = tpu.memref_slice %arg9[%mul3A_642, %dma_wait3A_660] : memref<10240x32xf32, #tpu.memory_space<vmem_shared>> -> memref<640x32xf32, #tpu.memory_space<vmem_shared>>
      tpu.wait_dma2 semaphore(%run_scoped3A_645 : memref<!tpu.dma_semaphore, #tpu.memory_space<semaphore_mem>>) src(%dma_wait3A_661 : memref<640x32xf32, #tpu.memory_space<vmem_shared>>) dst(%dma_wait3A_659 : memref<640x32xf32, #tpu.memory_space<hbm>>)
      tpu.yield
    }) : () -> ()
    return
  }
}

module attributes {stable_mosaic.version = 14 : i64} {
  func.func @_tc_prescale_body(%arg0: memref<10000x128xf32, #tpu.memory_space<vmem>>, %arg1: memref<128x32xf32, #tpu.memory_space<vmem>>, %arg2: memref<2x10240xf32, #tpu.memory_space<vmem>>, %arg3: memref<10240x32xf32, #tpu.memory_space<vmem>>, %arg4: memref<10000x1xf32, #tpu.memory_space<vmem>>) attributes {dimension_semantics = [], scalar_prefetch = 0 : i64, scratch_operands = 0 : i64, tpu.core_type = #tpu.core_type<tc>} {
    %get3A = arith.constant 0 : index
    %get3A_0 = arith.constant 0 : index
    %get3A_1 = vector.load %arg0[%get3A, %get3A_0] : memref<10000x128xf32, #tpu.memory_space<vmem>>, vector<10000x128xf32>
    %get3A_2 = arith.constant 0 : index
    %get3A_3 = arith.constant 0 : index
    %get3A_4 = vector.load %arg1[%get3A_2, %get3A_3] : memref<128x32xf32, #tpu.memory_space<vmem>>, vector<128x32xf32>
    %dot_general3A = arith.constant dense<0.000000e+00> : vector<10000x32xf32>
    %dot_general3A_5 = tpu.matmul %get3A_1, %get3A_4, %dot_general3A {dimension_numbers = #tpu.dot_dimension_numbers<[1], [0], [0], [1], [0, 0, 1, 1], [], []>, transpose_lhs_hint = false} : vector<10000x128xf32>, vector<128x32xf32>, vector<10000x32xf32> -> vector<10000x32xf32>
    %get3A_6 = arith.constant 0 : index
    %get3A_7 = arith.constant 0 : index
    %get3A_8 = vector.load %arg2[%get3A_6, %get3A_7] : memref<2x10240xf32, #tpu.memory_space<vmem>>, vector<1x10240xf32>
    %get3A_9 = vector.shape_cast %get3A_8 : vector<1x10240xf32> to vector<10240xf32>
    %get3A_10 = arith.constant 1 : index
    %get3A_11 = arith.constant 0 : index
    %get3A_12 = vector.load %arg2[%get3A_10, %get3A_11] : memref<2x10240xf32, #tpu.memory_space<vmem>>, vector<1x10240xf32>
    %get3A_13 = vector.shape_cast %get3A_12 : vector<1x10240xf32> to vector<10240xf32>
    %add3A = arith.addf %get3A_9, %get3A_13 : vector<10240xf32>
    %slice3A = vector.extract_strided_slice %add3A {offsets = [0], sizes = [10000], strides = [1]} : vector<10240xf32> to vector<10000xf32>
    %add3A_14 = arith.constant 1.000000e+00 : f32
    %add3A_15 = vector.broadcast %add3A_14 : f32 to vector<10000xf32>
    %add3A_16 = arith.addf %slice3A, %add3A_15 : vector<10000xf32>
    %rsqrt3A = math.rsqrt %add3A_16 : vector<10000xf32>
    %broadcast_in_dim3A = vector.shape_cast %rsqrt3A : vector<10000xf32> to vector<10000x1xf32>
    %mul3A = vector.broadcast %broadcast_in_dim3A : vector<10000x1xf32> to vector<10000x32xf32>
    %mul3A_17 = arith.mulf %dot_general3A_5, %mul3A : vector<10000x32xf32>
    %swap3A = arith.constant 0 : index
    %swap3A_18 = arith.constant 0 : index
    %swap3A_19 = vector.load %arg3[%swap3A, %swap3A_18] : memref<10240x32xf32, #tpu.memory_space<vmem>>, vector<10000x32xf32>
    tpu.vector_store %arg3[%swap3A, %swap3A_18], %mul3A_17 {strides = array<i32>} : memref<10240x32xf32, #tpu.memory_space<vmem>>, vector<10000x32xf32>,
    %swap3A_20 = arith.constant 0 : index
    %swap3A_21 = arith.constant 0 : index
    %swap3A_22 = vector.load %arg4[%swap3A_20, %swap3A_21] : memref<10000x1xf32, #tpu.memory_space<vmem>>, vector<10000x1xf32>
    tpu.vector_store %arg4[%swap3A_20, %swap3A_21], %broadcast_in_dim3A {strides = array<i32>} : memref<10000x1xf32, #tpu.memory_space<vmem>>, vector<10000x1xf32>,
    return
  }
}

module attributes {stable_mosaic.version = 14 : i64} {
  func.func @_tc_layer2_body(%arg0: memref<2x10240x32xf32, #tpu.memory_space<vmem>>, %arg1: memref<10240x32xf32, #tpu.memory_space<vmem>>, %arg2: memref<10000x1xf32, #tpu.memory_space<vmem>>, %arg3: memref<1x32xf32, #tpu.memory_space<vmem>>, %arg4: memref<32x32xf32, #tpu.memory_space<vmem>>, %arg5: memref<10240x32xf32, #tpu.memory_space<vmem>>) attributes {dimension_semantics = [], scalar_prefetch = 0 : i64, scratch_operands = 0 : i64, tpu.core_type = #tpu.core_type<tc>} {
    %get3A = arith.constant 0 : index
    %get3A_0 = arith.constant 0 : index
    %get3A_1 = arith.constant 0 : index
    %get3A_2 = vector.load %arg0[%get3A, %get3A_0, %get3A_1] : memref<2x10240x32xf32, #tpu.memory_space<vmem>>, vector<1x10000x32xf32>
    %get3A_3 = vector.shape_cast %get3A_2 : vector<1x10000x32xf32> to vector<10000x32xf32>
    %get3A_4 = arith.constant 1 : index
    %get3A_5 = arith.constant 0 : index
    %get3A_6 = arith.constant 0 : index
    %get3A_7 = vector.load %arg0[%get3A_4, %get3A_5, %get3A_6] : memref<2x10240x32xf32, #tpu.memory_space<vmem>>, vector<1x10000x32xf32>
    %get3A_8 = vector.shape_cast %get3A_7 : vector<1x10000x32xf32> to vector<10000x32xf32>
    %add3A = arith.addf %get3A_3, %get3A_8 : vector<10000x32xf32>
    %get3A_9 = arith.constant 0 : index
    %get3A_10 = arith.constant 0 : index
    %get3A_11 = vector.load %arg2[%get3A_9, %get3A_10] : memref<10000x1xf32, #tpu.memory_space<vmem>>, vector<10000x1xf32>
    %get3A_12 = arith.constant 0 : index
    %get3A_13 = arith.constant 0 : index
    %get3A_14 = vector.load %arg1[%get3A_12, %get3A_13] : memref<10240x32xf32, #tpu.memory_space<vmem>>, vector<10000x32xf32>
    %add3A_15 = arith.addf %add3A, %get3A_14 : vector<10000x32xf32>
    %mul3A = vector.broadcast %get3A_11 : vector<10000x1xf32> to vector<10000x32xf32>
    %mul3A_16 = arith.mulf %mul3A, %add3A_15 : vector<10000x32xf32>
    %get3A_17 = arith.constant 0 : index
    %get3A_18 = arith.constant 0 : index
    %get3A_19 = vector.load %arg3[%get3A_17, %get3A_18] : memref<1x32xf32, #tpu.memory_space<vmem>>, vector<1x32xf32>
    %add3A_20 = vector.broadcast %get3A_19 : vector<1x32xf32> to vector<10000x32xf32>
    %add3A_21 = arith.addf %mul3A_16, %add3A_20 : vector<10000x32xf32>
    %max3A = arith.constant 0.000000e+00 : f32
    %max3A_22 = vector.broadcast %max3A : f32 to vector<10000x32xf32>
    %max3A_23 = arith.maximumf %add3A_21, %max3A_22 : vector<10000x32xf32>
    %get3A_24 = arith.constant 0 : index
    %get3A_25 = arith.constant 0 : index
    %get3A_26 = vector.load %arg4[%get3A_24, %get3A_25] : memref<32x32xf32, #tpu.memory_space<vmem>>, vector<32x32xf32>
    %dot_general3A = arith.constant dense<0.000000e+00> : vector<10000x32xf32>
    %dot_general3A_27 = tpu.matmul %max3A_23, %get3A_26, %dot_general3A {dimension_numbers = #tpu.dot_dimension_numbers<[1], [0], [0], [1], [0, 0, 1, 1], [], []>, transpose_lhs_hint = false} : vector<10000x32xf32>, vector<32x32xf32>, vector<10000x32xf32> -> vector<10000x32xf32>
    %get3A_28 = arith.constant 0 : index
    %get3A_29 = arith.constant 0 : index
    %get3A_30 = vector.load %arg2[%get3A_28, %get3A_29] : memref<10000x1xf32, #tpu.memory_space<vmem>>, vector<10000x1xf32>
    %mul3A_31 = vector.broadcast %get3A_30 : vector<10000x1xf32> to vector<10000x32xf32>
    %mul3A_32 = arith.mulf %dot_general3A_27, %mul3A_31 : vector<10000x32xf32>
    %swap3A = arith.constant 0 : index
    %swap3A_33 = arith.constant 0 : index
    %swap3A_34 = vector.load %arg5[%swap3A, %swap3A_33] : memref<10240x32xf32, #tpu.memory_space<vmem>>, vector<10000x32xf32>
    tpu.vector_store %arg5[%swap3A, %swap3A_33], %mul3A_32 {strides = array<i32>} : memref<10240x32xf32, #tpu.memory_space<vmem>>, vector<10000x32xf32>,
    return
  }
}

module attributes {stable_mosaic.version = 14 : i64} {
  func.func @_tc_head_body(%arg0: memref<2x10240x32xf32, #tpu.memory_space<vmem>>, %arg1: memref<10240x32xf32, #tpu.memory_space<vmem>>, %arg2: memref<10000x1xf32, #tpu.memory_space<vmem>>, %arg3: memref<1x32xf32, #tpu.memory_space<vmem>>, %arg4: memref<1x10000xi32, #tpu.memory_space<vmem>>, %arg5: memref<32x2xf32, #tpu.memory_space<vmem>>, %arg6: memref<1x2xf32, #tpu.memory_space<vmem>>, %arg7: memref<64x2xf32, #tpu.memory_space<vmem>>) attributes {dimension_semantics = [], scalar_prefetch = 0 : i64, scratch_operands = 0 : i64, tpu.core_type = #tpu.core_type<tc>} {
    %get3A = arith.constant 0 : index
    %get3A_0 = arith.constant 0 : index
    %get3A_1 = arith.constant 0 : index
    %get3A_2 = vector.load %arg0[%get3A, %get3A_0, %get3A_1] : memref<2x10240x32xf32, #tpu.memory_space<vmem>>, vector<1x10000x32xf32>
    %get3A_3 = vector.shape_cast %get3A_2 : vector<1x10000x32xf32> to vector<10000x32xf32>
    %get3A_4 = arith.constant 1 : index
    %get3A_5 = arith.constant 0 : index
    %get3A_6 = arith.constant 0 : index
    %get3A_7 = vector.load %arg0[%get3A_4, %get3A_5, %get3A_6] : memref<2x10240x32xf32, #tpu.memory_space<vmem>>, vector<1x10000x32xf32>
    %get3A_8 = vector.shape_cast %get3A_7 : vector<1x10000x32xf32> to vector<10000x32xf32>
    %add3A = arith.addf %get3A_3, %get3A_8 : vector<10000x32xf32>
    %get3A_9 = arith.constant 0 : index
    %get3A_10 = arith.constant 0 : index
    %get3A_11 = vector.load %arg2[%get3A_9, %get3A_10] : memref<10000x1xf32, #tpu.memory_space<vmem>>, vector<10000x1xf32>
    %get3A_12 = arith.constant 0 : index
    %get3A_13 = arith.constant 0 : index
    %get3A_14 = vector.load %arg1[%get3A_12, %get3A_13] : memref<10240x32xf32, #tpu.memory_space<vmem>>, vector<10000x32xf32>
    %add3A_15 = arith.addf %add3A, %get3A_14 : vector<10000x32xf32>
    %mul3A = vector.broadcast %get3A_11 : vector<10000x1xf32> to vector<10000x32xf32>
    %mul3A_16 = arith.mulf %mul3A, %add3A_15 : vector<10000x32xf32>
    %get3A_17 = arith.constant 0 : index
    %get3A_18 = arith.constant 0 : index
    %get3A_19 = vector.load %arg3[%get3A_17, %get3A_18] : memref<1x32xf32, #tpu.memory_space<vmem>>, vector<1x32xf32>
    %add3A_20 = vector.broadcast %get3A_19 : vector<1x32xf32> to vector<10000x32xf32>
    %add3A_21 = arith.addf %mul3A_16, %add3A_20 : vector<10000x32xf32>
    %iota3A = tpu.iota {dimensions = array<i32: 0>} : vector<64x10000xi32>
    %get3A_22 = arith.constant 0 : index
    %get3A_23 = arith.constant 0 : index
    %get3A_24 = vector.load %arg4[%get3A_22, %get3A_23] : memref<1x10000xi32, #tpu.memory_space<vmem>>, vector<1x10000xi32>
    %eq3A = vector.broadcast %get3A_24 : vector<1x10000xi32> to vector<64x10000xi32>
    %eq3A_25 = arith.cmpi eq, %eq3A, %iota3A : vector<64x10000xi32>
    %convert_element_type3A = arith.extui %eq3A_25 : vector<64x10000xi1> to vector<64x10000xi32>
    %convert_element_type3A_26 = arith.sitofp %convert_element_type3A : vector<64x10000xi32> to vector<64x10000xf32>
    %dot_general3A = arith.constant dense<0.000000e+00> : vector<64x32xf32>
    %dot_general3A_27 = tpu.matmul %convert_element_type3A_26, %add3A_21, %dot_general3A {dimension_numbers = #tpu.dot_dimension_numbers<[1], [0], [0], [1], [0, 0, 1, 1], [], []>, transpose_lhs_hint = false} : vector<64x10000xf32>, vector<10000x32xf32>, vector<64x32xf32> -> vector<64x32xf32>
    %reduce_sum3A = arith.constant dense<0.000000e+00> : vector<64xf32>
    %reduce_sum3A_28 = vector.multi_reduction <add>, %convert_element_type3A_26, %reduce_sum3A [1] : vector<64x10000xf32> to vector<64xf32>
    %broadcast_in_dim3A = vector.shape_cast %reduce_sum3A_28 : vector<64xf32> to vector<64x1xf32>
    %max3A = arith.constant 1.000000e+00 : f32
    %max3A_29 = vector.broadcast %max3A : f32 to vector<64x1xf32>
    %max3A_30 = arith.maximumf %broadcast_in_dim3A, %max3A_29 : vector<64x1xf32>
    %div3A = vector.broadcast %max3A_30 : vector<64x1xf32> to vector<64x32xf32>
    %div3A_31 = arith.divf %dot_general3A_27, %div3A : vector<64x32xf32>
    %get3A_32 = arith.constant 0 : index
    %get3A_33 = arith.constant 0 : index
    %get3A_34 = vector.load %arg5[%get3A_32, %get3A_33] : memref<32x2xf32, #tpu.memory_space<vmem>>, vector<32x2xf32>
    %dot_general3A_35 = arith.constant dense<0.000000e+00> : vector<64x2xf32>
    %dot_general3A_36 = tpu.matmul %div3A_31, %get3A_34, %dot_general3A_35 {dimension_numbers = #tpu.dot_dimension_numbers<[1], [0], [0], [1], [0, 0, 1, 1], [], []>, transpose_lhs_hint = false} : vector<64x32xf32>, vector<32x2xf32>, vector<64x2xf32> -> vector<64x2xf32>
    %get3A_37 = arith.constant 0 : index
    %get3A_38 = arith.constant 0 : index
    %get3A_39 = vector.load %arg6[%get3A_37, %get3A_38] : memref<1x2xf32, #tpu.memory_space<vmem>>, vector<1x2xf32>
    %add3A_40 = vector.broadcast %get3A_39 : vector<1x2xf32> to vector<64x2xf32>
    %add3A_41 = arith.addf %dot_general3A_36, %add3A_40 : vector<64x2xf32>
    %swap3A = arith.constant 0 : index
    %swap3A_42 = arith.constant 0 : index
    %swap3A_43 = vector.load %arg7[%swap3A, %swap3A_42] : memref<64x2xf32, #tpu.memory_space<vmem>>, vector<64x2xf32>
    tpu.vector_store %arg7[%swap3A, %swap3A_42], %add3A_41 {strides = array<i32>} : memref<64x2xf32, #tpu.memory_space<vmem>>, vector<64x2xf32>,
    return
  }
}

</mosaic_0001>

<sc_bundles>
// kernel: kernel.11.cloned.1.call-start
scs
__scs_entry_jumppad:
0x0: {  	(pc) =	sbr.rel $0x88, $3  }
0x1: {  	(tag) =	ssettag $0x0;
	lr =	simm.s32 $0x1  }
0x2: {  	[smem:$0x3F98] =	sst lr;
	_ =	strace $0xD0000000  }
0x3: {  	_ = 	snop  }
0x4: {  	_ = 	snop  }
0x5: {  	_ = 	snop  }
0x6: {  	_ = 	snop  }
0x7: {  	_ = 	snop  }
__scs_overlays_trampoline_lowered:
0x8: {  	[smem:$0x3FA7] =	sst s0  }
0x9: {  	[smem:$0x3FA8] =	sst s1  }
0xa: {  	[smem:$0x3FA9] =	sst s2  }
0xb: {  	[smem:$0x3FAA] =	sst s3  }
0xc: {  	[smem:$0x3FAB] =	sst s4  }
0xd: {  	[smem:$0x3FAC] =	sst s5  }
0xe: {  	[smem:$0x3FAD] =	sst s6  }
0xf: {  	[smem:$0x3FAE] =	sst s7  }
0x10: {  	[smem:$0x3FAF] =	sst s8  }
0x11: {  	[smem:$0x3FB0] =	sst s9;
	s0 =	simm.s32 @!p0 $0x0  }
0x12: {  	s1 =	sld [smem:$0x3F96];
	s0 =	simm.s32 @p0 $0x1  }
0x13: {  	[smem:$0x3FB1] =	sst s0;
	s0 =	simm.s32 @!p1 $0x0  }
0x14: {  	s2 =	sld [smem:$0x3F95];
	s0 =	simm.s32 @p1 $0x1  }
0x15: {  	[smem:$0x3FB2] =	sst s0;
	s0 =	simm.s32 @!p2 $0x0  }
0x16: {  	s3 =	sld [smem:$0x3FDB];
	s0 =	simm.s32 @p2 $0x1  }
0x17: {  	s4 =	simm.s32 $0x1BF5;
	[smem:$0x3FB4] =	sst s0  }
0x18: {  	s0 =	sld [smem:$0x3F97];
	_ =	swait.ge [sflag:s4], $0x0  }
0x19: {  	s7 =	sld [smem:$0x3F98]  }
0x1a: {  	s8 =	sadd.s32 $0xFFFFE003, lr  }
0x1b: {  	s9 =	sadd.s32 $0xFFFFFEF7, lr;
	s5 =	simm.s32 $0xFFFFFFFF;
	p2 =	slt.u32 s8, $0xFFFFF086  }
0x1c: {  	p1 =	slt.u32 s9, $0xF7A;
	s5 =	simm.s32 @!p2 $0x0  }
0x1d: {  	s5 =	simm.s32 @p1 $0x1;
	p0 =	seq.s32 s7, s2  }
0x1e: {  	s7 =	smul.u32 @!p0 $0xF7A, s2;
	p2 =	seq.s32 @!p0 s5, $0x0  }
0x1f: {  	s9 =	smul.u32 $0xF7A, s1;
	s8 =	simm.s32 @!p0 $0x1BF5;
	p2 =	por !p2, p0  }
0x20: {  	[sflag:s8] =	ssyncset.s32 @!p0 $0xFFFFF086;
	s6 =	sadd.s32 @!p0 s3, s7;
	s7 =	simm.s32 @!p0 $0x108  }
0x21: {  	s3 =	sadd.s32 s3, s9;
	s6 =	sadd.s32 @!p0 $0x88, s6;
	s7 =	simm.s32 @p2 $0x1082  }
0x22: {  	[simem:s7], [sflag:s8] =	dma.local @!p0 [hbm:s6], $0xF7A  }
0x23: {  	s9 =	sor.u32 $0xD0000000, s2;
	s6 =	simm.s32 $0x108;
	_ =	swait.ge @!p0 [sflag:s8], $0x0  }
0x24: {  	s3 =	sadd.s32 $0x88, s3;
	s6 =	simm.s32 @!p1 $0x1082;
	[sflag:s4] =	ssyncset.s32 $0xFFFFF086  }
0x25: {  	[simem:s6], [sflag:s4] =	dma.local [hbm:s3], $0xF7A  }
0x26: {  	[smem:$0x3F98] =	sst s1;
	(tag) =	ssettag s2;
	_ =	strace s9  }
0x27: {  	s1 =	sld [smem:$0x3FA8]  }
0x28: {  	s2 =	sld [smem:$0x3FA9]  }
0x29: {  	s4 =	sld [smem:$0x3FAB]  }
0x2a: {  	p0 =	seq.s32 s5, $0x0;
	s5 =	sld [smem:$0x3FAC]  }
0x2b: {  	s6 =	sld [smem:$0x3FAD]  }
0x2c: {  	s7 =	sld [smem:$0x3FAE]  }
0x2d: {  	s3 =	simm.s32 $0x108;
	s8 =	sld [smem:$0x3FAF]  }
0x2e: {  	s3 =	simm.s32 @!p0 $0x1082;
	s9 =	sld [smem:$0x3FB0]  }
0x2f: {  	lr =	sadd.s32 s0, s3;
	s0 =	sld [smem:$0x3FA7]  }
0x30: {  	s3 =	sld [smem:$0x3FAA]  }
0x31: {  	[smem:$0x3FB3] =	sst s10  }
0x32: {  	s10 =	sld [smem:$0x3FB1];
	_ =	sdelay $0x3  }
0x33: {  	p0 =	seq.s32 s10, $0x1;
	s10 =	sld [smem:$0x3FB3];
	_ =	sdelay $0x3  }
0x34: {  	[smem:$0x3FB3] =	sst s10  }
0x35: {  	s10 =	sld [smem:$0x3FB2];
	_ =	sdelay $0x3  }
0x36: {  	p1 =	seq.s32 s10, $0x1;
	s10 =	sld [smem:$0x3FB3];
	_ =	sdelay $0x3  }
0x37: {  	[smem:$0x3FB3] =	sst s10  }
0x38: {  	s10 =	sld [smem:$0x3FB4]  }
0x39: {  	_ = 	snop;
	(pc) =	sbr.ind lr, $3  }
0x3a: {  	_ = 	snop  }
0x3b: {  	_ = 	snop  }
0x3c: {  	p2 =	seq.s32 s10, $0x1;
	s10 =	sld [smem:$0x3FB3]  }
0x3d: {  	_ =	shalt  }
0x3e: {  	_ =	shalt  }
0x3f: {  	_ =	shalt  }
0x40: {  	_ =	shalt  }
0x41: {  	_ =	shalt  }
0x42: {  	_ =	shalt  }
0x43: {  	_ =	shalt  }
0x44: {  	_ =	shalt  }
0x45: {  	_ =	shalt  }
0x46: {  	_ =	shalt  }
0x47: {  	_ =	shalt  }
0x48: {  	_ =	shalt  }
0x49: {  	_ =	shalt  }
0x4a: {  	_ =	shalt  }
0x4b: {  	_ =	shalt  }
0x4c: {  	_ =	shalt  }
0x4d: {  	_ =	shalt  }
0x4e: {  	_ =	shalt  }
0x4f: {  	_ =	shalt  }
0x50: {  	_ =	shalt  }
0x51: {  	_ =	shalt  }
0x52: {  	_ =	shalt  }
0x53: {  	_ =	shalt  }
0x54: {  	_ =	shalt  }
0x55: {  	_ =	shalt  }
0x56: {  	_ =	shalt  }
0x57: {  	_ =	shalt  }
0x58: {  	_ =	shalt  }
0x59: {  	_ =	shalt  }
0x5a: {  	_ =	shalt  }
0x5b: {  	_ =	shalt  }
0x5c: {  	_ =	shalt  }
0x5d: {  	_ =	shalt  }
0x5e: {  	_ =	shalt  }
0x5f: {  	_ =	shalt  }
0x60: {  	_ =	shalt  }
0x61: {  	_ =	shalt  }
0x62: {  	_ =	shalt  }
0x63: {  	_ =	shalt  }
0x64: {  	_ =	shalt  }
0x65: {  	_ =	shalt  }
0x66: {  	_ =	shalt  }
0x67: {  	_ =	shalt  }
0x68: {  	_ =	shalt  }
0x69: {  	_ =	shalt  }
0x6a: {  	_ =	shalt  }
0x6b: {  	_ =	shalt  }
0x6c: {  	_ =	shalt  }
0x6d: {  	_ =	shalt  }
0x6e: {  	_ =	shalt  }
0x6f: {  	_ =	shalt  }
0x70: {  	_ =	shalt  }
0x71: {  	_ =	shalt  }
0x72: {  	_ =	shalt  }
0x73: {  	_ =	shalt  }
0x74: {  	_ =	shalt  }
0x75: {  	_ =	shalt  }
0x76: {  	_ =	shalt  }
0x77: {  	_ =	shalt  }
0x78: {  	_ =	shalt  }
0x79: {  	_ =	shalt  }
0x7a: {  	_ =	shalt  }
0x7b: {  	_ =	shalt  }
0x7c: {  	_ =	shalt  }
0x7d: {  	_ =	shalt  }
0x7e: {  	_ =	shalt  }
0x7f: {  	_ =	shalt  }
0x80: {  	_ =	shalt  }
0x81: {  	_ =	shalt  }
0x82: {  	_ =	shalt  }
0x83: {  	_ =	shalt  }
0x84: {  	_ =	shalt  }
0x85: {  	_ =	shalt  }
0x86: {  	_ =	shalt  }
0x87: {  	_ =	shalt  }
.Lfunc_end0:
.L_simem_size_0:
called_computation.1_lowered:
.L_overlay_start_0:
0x88: {  	s2 =	sld [smem:$0x3FD9]  }
0x89: {  	s3 =	sld [smem:$0x3FFE];
	_ =	sdelay $0x1  }
0x8a: {  	s1 =	srdreg.scid  }
0x8b: {  	s0 =	sand.u32 $0x1, s1  }
0x8c: {  	s16 =	sshll.u32 s0, $0xA;
	s2 =	sadd.s32 s3, s2  }
0x8d: {  	s2 =	sadd.s32 s2, s16  }
0x8e: {  	[smem:$0x3FBF] =	sst s2  }
0x8f: {  	_ = 	snop  }
0x90: {  	(tm) =	ssettm $0x1  }
0x91: {  	s17 =	sld [smem:$0x3FFB];
	_ =	sdelay $0x3  }
0x92: {  	_ =	strace s17  }
0x93: {  	s2 =	sld [smem:$0x3FFC];
	_ =	sdelay $0x3  }
0x94: {  	_ =	strace s2  }
0x95: {  	s2 =	sld [smem:$0x3FFD];
	_ =	sdelay $0x3  }
0x96: {  	_ =	strace s2  }
0x97: {  	_ =	strace $0x8FFFFFFF  }
0x98: {  	s18 =	sld [smem:$0x3FDB];
	_ =	sdelay $0x1  }
0x99: {  	s19 =	simm.s32 $_scs_section_size  }
0x9a: {  	s4 =	simm.s32 $_size__tile_overlayer_lowered;
	s5 =	simm.s32 $_tile_overlayer_lowered  }
0x9b: {  	s22 =	simm.s32 $0x1BFF;
	s21 =	sshll.u32 s5, $0x1;
	s2 =	sadd.s32 s19, s18  }
0x9c: {  	s6 =	simm.s32 $0x0;
	s20 =	sshll.u32 s4, $0x1;
	s4 =	sadd.s32 s21, s2  }
0x9d: {  	[timem:s6], [sflag:s22] =	dma.local [hbm:s4], s20  }
0x9e: {  	_ =	swait.ge [sflag:s22], s20  }
0x9f: {  	s3 =	ssub.s32 $0x0, s20;
	[sflag:s22] =	ssyncset.done $0x0  }
0xa0: {  	[sflag:s22] =	ssyncadd.s32 s3;
	_ =	sdelay $0x1  }
0xa1: {  	s23 =	simm.s32 $0x1B8B  }
0xa2: {  	_ =	swait.ge [sflag:s23], $0x1  }
0xa3: {  	[sflag:s23] =	ssyncset.done $0x0  }
0xa4: {  	s25 =	simm.s32 $0x1B8E;
	s24 =	sld [smem:$0x3FFE];
	[sflag:s23] =	ssyncadd.s32 $0xFFFFFFFF  }
0xa5: {  	s26 =	simm.s32 $execute0_lowered;
	[smem:$0x3FD2] =	sst s25  }
0xa6: {  	s4 =	sshll.u32 s26, $0x1;
	_ =	strace $0x80000049;
	[dreg:$0x1] =	wrdreg $0xFFFFFFFF  }
0xa7: {  	s28 =	simm.s32 $_size_execute0_lowered;
	s2 =	sadd.s32 s2, s4;
	[dreg:$0x0] =	wrdreg $0x0  }
0xa8: {  	s4 =	sshll.u32 s28, $0x1;
	[dreg:$0x2] =	wrdreg s2  }
0xa9: {  	[dreg:$0x3] =	wrdreg s4  }
0xaa: {  	[dreg:$0x4] =	wrdreg $0xC0  }
0xab: {  	_ =	task [dreg:s6], $0x5FFFF  }
0xac: {  	[dreg:$0x1] =	wrdreg $0xFFFFFFFF  }
0xad: {  	[dreg:$0x0] =	wrdreg $0x60  }
0xae: {  	[dreg:$0x2] =	wrdreg s24  }
0xaf: {  	[dreg:$0x3] =	wrdreg $0x1A0000  }
0xb0: {  	[dreg:$0x4] =	wrdreg $0x150000  }
0xb1: {  	[dreg:$0x5] =	wrdreg $0x9  }
0xb2: {  	_ =	task.clear_ibuf [dreg:s6], $0x6FFFF;
	_ =	strace $0x90000049  }
0xb3: {  	s29 =	simm.s32 $0x9;
	_ =	strace $0x8000004B  }
0xb4: {  	_ =	swait.ge [sflag:s29], $0x1  }
0xb5: {  	[sflag:s29] =	ssyncadd.s32 $0xFFFFFFFF  }
0xb6: {  	_ =	strace $0x9000004B  }
0xb7: {  	_ =	sfence  }
0xb8: {  	s30 =	sld [smem:$0x0];
	_ =	sdelay $0x2  }
0xb9: {  	s31 =	sshll.u32 s1, $0xD;
	s1 =	sshrl.u32 s1, $0x2  }
0xba: {  	s3 =	sand.u32 $0x4000, s31;
	s1 =	sadd.s32 s1, s30  }
0xbb: {  	s0 =	sor.u32 s3, s0;
	s1 =	sshll.u32 s1, $0x11  }
0xbc: {  	s0 =	sor.u32 s1, s0  }
0xbd: {  	s0 =	sadd.s32 $0x8F2B, s0  }
0xbe: {  	[sflag:s0] =	ssyncadd.remote.s32 $0x1  }
0xbf: {  	_ =	sfence.sel $0xFFFF  }
0xc0: {  	[dreg:$0x0] =	wrdreg $0xFFFFFFFF;
	(pc) =	sbr.abs _section_cstart, $3  }
0xc1: {  	[dreg:$0x1] =	wrdreg $0xFFFFFFFF  }
0xc2: {  	_ =	task.clear_ibuf [dreg:s6], $0x2FFFF;
	_ =	strace $0x9FFFFFFF  }
0xc3: {  	(tm) =	ssettm $0x7FFFFFFF  }
tec
execute0_lowered:
.L_overlay_start_1:
0x0: {  	(tag) =	ssettag $0x1  }
0x1: {  	s0 =	rddreg [dreg:$0x0]  }
0x2: {  	s2 =	rddreg [dreg:$0x1]  }
0x3: {  	s3 =	rddreg [dreg:$0x2]  }
0x4: {  	s10 =	stileid.u32;
	s1 =	srdreg.scid;
	s5 =	simm.s32 $0x0  }
0x5: {  	s16 =	simm.s32 $0x5000;
	s17 =	simm.s32 $0x5;
	s18 =	simm.s32 $0x1  }
0x6: {  	s19 =	simm.s32 $0x3;
	s20 =	simm.s32 $0x4;
	s21 =	simm.s32 $0x100  }
0x7: {  	s22 =	simm.s32 $0x7000;
	s28 =	simm.s32 $0xB000;
	s29 =	simm.s32 $0xD000  }
0x8: {  	s30 =	simm.s32 $0xF000;
	s31 =	simm.s32 $0x11000;
	s23 =	smul.u32 $0x5000, s10  }
0x9: {  	s1 =	sand.u32 $0x1, s1;
	s4 =	sshll.u32 s10, $0x1;
	s9 =	smul.u32 $0x14000, s10  }
0xa: {  	[smem:$0x7FF] =	sst s5;
	s4 =	sor.u32 s1, s4;
	s6 =	smul.u32 $0xA000, s1  }
0xb: {  	_ =	strace $0x8000004A;
	s1 =	ssub.s32 $0x2, s1;
	s4 =	smul.u32 $0x500, s4  }
0xc: {  	s15 =	sshrl.u32 s23, $0x3;
	s8 =	sshrl.u32 s1, $0x1;
	s14 =	sadd.s32 s23, s2  }
0xd: {  	s11 =	sshrl.u32 s9, $0x2;
	s7 =	sadd.s32 s15, s0;
	s1 =	ssub.s32 s1, s8  }
0xe: {  	s26 =	sadd.s32 s11, s3;
	s14 =	sshrl.u32 s14, $0x3;
	s4 =	sadd.s32 s4, s0  }
0xf: {  	s0 =	sadd.s32 s6, s0;
	s24 =	sadd.s32 $0x16600, s7;
	s6 =	sshll.u32 s10, $0x6  }
0x10: {  	s10 =	sadd.s32 s23, s3;
	s11 =	sadd.s32 $0x2000, s26;
	s12 =	sadd.s32 $0x4000, s26  }
0x11: {  	s13 =	smax.u32 s1, $0x1;
	s1 =	simm.s32 $0x2;
	[dreg:$0x4] =	wrdreg s24  }
0x12: {  	s25 =	sor.u32 $0x1C01, s6;
	s8 =	sadd.s32 $0xC600, s4;
	s0 =	sadd.s32 $0x20600, s0  }
0x13: {  	s9 =	sadd.s32 $0x1C00, s4;
	[dreg:$0x5] =	wrdreg s25;
	s24 =	sadd.s32 s15, s0  }
0x14: {  	v0 =	vimm.f32 $0.0e+00;
	s25 =	simm.s32 $0x9000;
	s0 =	simm.s32 $0x13000;
	s15 =	simm.s32 $0x0  }
.LBB2_1:
0x15: {  	s4 =	rddreg [dreg:$0x4]  }
0x16: {  	s5 =	rddreg [dreg:$0x5];
	s23 =	simm.s32 $0x0  }
0x17: {  	[spmem:s14], [sflag:s5] =	dma.local [hbm:s4], $0xA00  }
0x18: {  	[tilespmem:s23], [sflag:$0x3] =	stream.linear.gather [hbm4b:s8+s23], $0x2800, $0x38;
	[tilespmem:$0x1F000] =	vst v63  }
0x19: {  	s26 =	simm.s32 $0x2800;
	s4 =	simm.s32 $0x80;
	s5 =	simm.s32 $0x0  }
0x1a: {  	[tilespmem:s26], [sflag:$0x4] =	stream.linear.gather [hbm4b:s9+s23], $0x2800, $0x38;
	[tilespmem:$0x1F000] =	vst v63  }
.LBB2_2:
0x1b: {  	p0 =	sne.s32 s4, $0x7F80;
	[tilespmem:s5+$0x5000] =	vst v0;
	s23 =	smov.u32 s4;
	s4 =	sadd.s32 $0x80, s4  }
.Ltmp0:
0x1c: {  	[tilespmem:s5+$0x5010] =	vst v0;
	(pc) =	sbr.rel @p0 .LBB2_2-.Ltmp0, $2  }
0x1d: {  	_ =	sdelay $0x2  }
0x1e: {  	s5 =	sshra.s32 s23, $0x2  }
0x1f: {  	[tilespmem:s5+$0x5000] =	vst v0  }
0x20: {  	[tilespmem:s5+$0x5010] =	vst v0  }
0x21: {  	[spmem:s10] =	stream.linear.scatter [tilespmem:s16], [sflag:$0x5], $0x2000, $0x38;
	[tilespmem:$0x1F000] =	vst v63  }
0x22: {  	_ =	swait.ge [sflag:s17], $0x2000  }
0x23: {  	[sflag:s17] =	ssyncset.done $0x0  }
0x24: {  	[sflag:s17] =	ssyncadd.s32 $0xFFFFE000  }
0x25: {  	[spmem:s11] =	stream.linear.scatter [tilespmem:s16], [sflag:$0x5], $0x2000, $0x38;
	[tilespmem:$0x1F000] =	vst v63  }
0x26: {  	_ =	swait.ge [sflag:s17], $0x2000  }
0x27: {  	[sflag:s17] =	ssyncset.done $0x0  }
0x28: {  	[sflag:s17] =	ssyncadd.s32 $0xFFFFE000  }
0x29: {  	[spmem:s12] =	stream.linear.scatter [tilespmem:s16], [sflag:$0x5], $0x1000, $0x38;
	[tilespmem:$0x1F000] =	vst v63  }
0x2a: {  	_ =	swait.ge [sflag:s17], $0x1000  }
0x2b: {  	[sflag:s17] =	ssyncset.done $0x0  }
0x2c: {  	[sflag:s17] =	ssyncadd.s32 $0xFFFFF000  }
0x2d: {  	_ =	swait.ge [sflag:s18], $0xA00  }
0x2e: {  	[sflag:s18] =	ssyncset.done $0x0  }
0x2f: {  	[sflag:s18] =	ssyncadd.s32 $0xFFFFF600  }
0x30: {  	_ =	swait.ge [sflag:s19], $0x2800  }
0x31: {  	[sflag:s19] =	ssyncset.done $0x0  }
0x32: {  	[sflag:s19] =	ssyncadd.s32 $0xFFFFD800  }
0x33: {  	_ =	swait.ge [sflag:s20], $0x2800  }
0x34: {  	[sflag:s20] =	ssyncset.done $0x0  }
0x35: {  	[sflag:s20] =	ssyncadd.s32 $0xFFFFD800  }
0x36: {  	s4 =	simm.s32 $0x0;
	[bflag:$0x0] =	sbarrier.arrive $0xFFFF  }
0x37: {  	[tilespmem:s16], [sflag:$0x1] =	stream.indirect.gather [spmem:s2], $0x20, s4, s21, $0xb8;
	[tilespmem:$0x1F000] =	vst v63  }
0x38: {  	_ = 	snop  }
0x39: {  	[tilespmem:s22], [sflag:$0x1] =	stream.indirect.gather [spmem:s2], $0x20, s21, s21, $0xb8;
	[tilespmem:$0x1F000] =	vst v63  }
0x3a: {  	s23 =	simm.s32 $0x200  }
0x3b: {  	[tilespmem:s25], [sflag:$0x1] =	stream.indirect.gather [spmem:s2], $0x20, s23, s21, $0xb8;
	[tilespmem:$0x1F000] =	vst v63  }
0x3c: {  	s26 =	simm.s32 $0x300  }
0x3d: {  	[tilespmem:s28], [sflag:$0x1] =	stream.indirect.gather [spmem:s2], $0x20, s26, s21, $0xb8;
	[tilespmem:$0x1F000] =	vst v63  }
0x3e: {  	s5 =	simm.s32 $0x400  }
0x3f: {  	[tilespmem:s29], [sflag:$0x2] =	stream.indirect.gather [spmem:s2], $0x20, s5, s21, $0xb8;
	[tilespmem:$0x1F000] =	vst v63  }
0x40: {  	s7 =	simm.s32 $0x500  }
0x41: {  	[tilespmem:s30], [sflag:$0x2] =	stream.indirect.gather [spmem:s2], $0x20, s7, s21, $0xb8;
	[tilespmem:$0x1F000] =	vst v63  }
0x42: {  	s23 =	simm.s32 $0x600  }
0x43: {  	[tilespmem:s31], [sflag:$0x2] =	stream.indirect.gather [spmem:s2], $0x20, s23, s21, $0xb8;
	[tilespmem:$0x1F000] =	vst v63  }
0x44: {  	s26 =	simm.s32 $0x700  }
0x45: {  	[tilespmem:s0], [sflag:$0x2] =	stream.indirect.gather [spmem:s2], $0x20, s26, s21, $0xb8;
	[tilespmem:$0x1F000] =	vst v63  }
0x46: {  	_ =	swait.ge [sflag:s18], $0x2000  }
0x47: {  	[sflag:s18] =	ssyncset.done $0x0  }
0x48: {  	[sflag:s18] =	ssyncadd.s32 $0xFFFFE000  }
0x49: {  	_ =	swait.ge [sflag:s18], $0x2000  }
0x4a: {  	[sflag:s18] =	ssyncset.done $0x0  }
0x4b: {  	[sflag:s18] =	ssyncadd.s32 $0xFFFFE000  }
0x4c: {  	_ =	swait.ge [sflag:s18], $0x2000  }
0x4d: {  	[sflag:s18] =	ssyncset.done $0x0  }
0x4e: {  	[sflag:s18] =	ssyncadd.s32 $0xFFFFE000  }
0x4f: {  	_ =	swait.ge [sflag:s18], $0x2000  }
0x50: {  	[sflag:s18] =	ssyncset.done $0x0  }
0x51: {  	s5 =	simm.s32 $0x2800;
	[sflag:s18] =	ssyncadd.s32 $0xFFFFE000  }
0x52: {  	[spmem:s3] =	stream.indirect.scatter.add.f32 [tilespmem:s16], [sflag:$0x3], $0x20, s5, s21, $0xb8;
	[tilespmem:$0x1F000] =	vst v63  }
0x53: {  	s7 =	simm.s32 $0x2900  }
0x54: {  	[spmem:s3] =	stream.indirect.scatter.add.f32 [tilespmem:s22], [sflag:$0x3], $0x20, s7, s21, $0xb8;
	[tilespmem:$0x1F000] =	vst v63  }
0x55: {  	s23 =	simm.s32 $0x2A00  }
0x56: {  	[spmem:s3] =	stream.indirect.scatter.add.f32 [tilespmem:s25], [sflag:$0x3], $0x20, s23, s21, $0xb8;
	[tilespmem:$0x1F000] =	vst v63  }
0x57: {  	s26 =	simm.s32 $0x2B00  }
0x58: {  	[spmem:s3] =	stream.indirect.scatter.add.f32 [tilespmem:s28], [sflag:$0x3], $0x20, s26, s21, $0xb8;
	[tilespmem:$0x1F000] =	vst v63  }
0x59: {  	_ =	swait.ge [sflag:s19], $0x2000  }
0x5a: {  	[sflag:s19] =	ssyncset.done $0x0  }
0x5b: {  	[sflag:s19] =	ssyncadd.s32 $0xFFFFE000  }
0x5c: {  	_ =	swait.ge [sflag:s19], $0x2000  }
0x5d: {  	[sflag:s19] =	ssyncset.done $0x0  }
0x5e: {  	[sflag:s19] =	ssyncadd.s32 $0xFFFFE000  }
0x5f: {  	_ =	swait.ge [sflag:s19], $0x2000  }
0x60: {  	[sflag:s19] =	ssyncset.done $0x0  }
0x61: {  	[sflag:s19] =	ssyncadd.s32 $0xFFFFE000  }
0x62: {  	_ =	swait.ge [sflag:s19], $0x2000  }
0x63: {  	[sflag:s19] =	ssyncset.done $0x0  }
0x64: {  	s5 =	simm.s32 $0x800;
	[sflag:s19] =	ssyncadd.s32 $0xFFFFE000  }
0x65: {  	[tilespmem:s16], [sflag:$0x1] =	stream.indirect.gather [spmem:s2], $0x20, s5, s21, $0xb8;
	[tilespmem:$0x1F000] =	vst v63  }
0x66: {  	s7 =	simm.s32 $0x900  }
0x67: {  	[tilespmem:s22], [sflag:$0x1] =	stream.indirect.gather [spmem:s2], $0x20, s7, s21, $0xb8;
	[tilespmem:$0x1F000] =	vst v63  }
0x68: {  	s23 =	simm.s32 $0xA00  }
0x69: {  	[tilespmem:s25], [sflag:$0x1] =	stream.indirect.gather [spmem:s2], $0x20, s23, s21, $0xb8;
	[tilespmem:$0x1F000] =	vst v63  }
0x6a: {  	s26 =	simm.s32 $0xB00  }
0x6b: {  	[tilespmem:s28], [sflag:$0x1] =	stream.indirect.gather [spmem:s2], $0x20, s26, s21, $0xb8;
	[tilespmem:$0x1F000] =	vst v63  }
0x6c: {  	_ =	swait.ge [sflag:s1], $0x2000  }
0x6d: {  	[sflag:s1] =	ssyncset.done $0x0  }
0x6e: {  	[sflag:s1] =	ssyncadd.s32 $0xFFFFE000  }
0x6f: {  	_ =	swait.ge [sflag:s1], $0x2000  }
0x70: {  	[sflag:s1] =	ssyncset.done $0x0  }
0x71: {  	[sflag:s1] =	ssyncadd.s32 $0xFFFFE000  }
0x72: {  	_ =	swait.ge [sflag:s1], $0x2000  }
0x73: {  	[sflag:s1] =	ssyncset.done $0x0  }
0x74: {  	[sflag:s1] =	ssyncadd.s32 $0xFFFFE000  }
0x75: {  	_ =	swait.ge [sflag:s1], $0x2000  }
0x76: {  	[sflag:s1] =	ssyncset.done $0x0  }
0x77: {  	s5 =	simm.s32 $0x2C00;
	[sflag:s1] =	ssyncadd.s32 $0xFFFFE000  }
0x78: {  	[spmem:s3] =	stream.indirect.scatter.add.f32 [tilespmem:s29], [sflag:$0x4], $0x20, s5, s21, $0xb8;
	[tilespmem:$0x1F000] =	vst v63  }
0x79: {  	s7 =	simm.s32 $0x2D00  }
0x7a: {  	[spmem:s3] =	stream.indirect.scatter.add.f32 [tilespmem:s30], [sflag:$0x4], $0x20, s7, s21, $0xb8;
	[tilespmem:$0x1F000] =	vst v63  }
0x7b: {  	s23 =	simm.s32 $0x2E00  }
0x7c: {  	[spmem:s3] =	stream.indirect.scatter.add.f32 [tilespmem:s31], [sflag:$0x4], $0x20, s23, s21, $0xb8;
	[tilespmem:$0x1F000] =	vst v63  }
0x7d: {  	s26 =	simm.s32 $0x2F00  }
0x7e: {  	[spmem:s3] =	stream.indirect.scatter.add.f32 [tilespmem:s0], [sflag:$0x4], $0x20, s26, s21, $0xb8;
	[tilespmem:$0x1F000] =	vst v63  }
0x7f: {  	_ =	swait.ge [sflag:s20], $0x2000  }
0x80: {  	[sflag:s20] =	ssyncset.done $0x0  }
0x81: {  	[sflag:s20] =	ssyncadd.s32 $0xFFFFE000  }
0x82: {  	_ =	swait.ge [sflag:s20], $0x2000  }
0x83: {  	[sflag:s20] =	ssyncset.done $0x0  }
0x84: {  	[sflag:s20] =	ssyncadd.s32 $0xFFFFE000  }
0x85: {  	_ =	swait.ge [sflag:s20], $0x2000  }
0x86: {  	[sflag:s20] =	ssyncset.done $0x0  }
0x87: {  	[sflag:s20] =	ssyncadd.s32 $0xFFFFE000  }
0x88: {  	_ =	swait.ge [sflag:s20], $0x2000  }
0x89: {  	s23 =	simm.s32 $0x800;
	s26 =	simm.s32 $0x4000;
	[sflag:s20] =	ssyncset.done $0x0  }
.LBB2_4:
0x8a: {  	s7 =	sadd.s32 $0x400, s23  }
0x8b: {  	[sflag:s20] =	ssyncadd.s32 $0xFFFFE000;
	s4 =	smov.u32 s26;
	s5 =	sadd.s32 $0x2000, s26  }
0x8c: {  	[tilespmem:s29], [sflag:$0x2] =	stream.indirect.gather [spmem:s2], $0x20, s7, s21, $0xb8;
	[tilespmem:$0x1F000] =	vst v63  }
0x8d: {  	p0 =	sne.s32 s26, $0x6000;
	s7 =	sadd.s32 $0x500, s23  }
0x8e: {  	[tilespmem:s30], [sflag:$0x2] =	stream.indirect.gather [spmem:s2], $0x20, s7, s21, $0xb8;
	[tilespmem:$0x1F000] =	vst v63  }
0x8f: {  	s7 =	sadd.s32 $0x600, s23  }
0x90: {  	[tilespmem:s31], [sflag:$0x2] =	stream.indirect.gather [spmem:s2], $0x20, s7, s21, $0xb8;
	[tilespmem:$0x1F000] =	vst v63  }
0x91: {  	s7 =	sadd.s32 $0x700, s23  }
0x92: {  	[tilespmem:s0], [sflag:$0x2] =	stream.indirect.gather [spmem:s2], $0x20, s7, s21, $0xb8;
	[tilespmem:$0x1F000] =	vst v63  }
0x93: {  	_ =	swait.ge [sflag:s18], $0x2000  }
0x94: {  	[sflag:s18] =	ssyncset.done $0x0  }
0x95: {  	[sflag:s18] =	ssyncadd.s32 $0xFFFFE000  }
0x96: {  	_ =	swait.ge [sflag:s18], $0x2000  }
0x97: {  	[sflag:s18] =	ssyncset.done $0x0  }
0x98: {  	[sflag:s18] =	ssyncadd.s32 $0xFFFFE000  }
0x99: {  	_ =	swait.ge [sflag:s18], $0x2000  }
0x9a: {  	[sflag:s18] =	ssyncset.done $0x0  }
0x9b: {  	[sflag:s18] =	ssyncadd.s32 $0xFFFFE000  }
0x9c: {  	_ =	swait.ge [sflag:s18], $0x2000  }
0x9d: {  	[sflag:s18] =	ssyncset.done $0x0  }
0x9e: {  	s7 =	sadd.s32 $0x2800, s23;
	[sflag:s18] =	ssyncadd.s32 $0xFFFFE000  }
0x9f: {  	[spmem:s3] =	stream.indirect.scatter.add.f32 [tilespmem:s16], [sflag:$0x3], $0x20, s7, s21, $0xb8;
	[tilespmem:$0x1F000] =	vst v63  }
0xa0: {  	s7 =	sadd.s32 $0x2900, s23  }
0xa1: {  	[spmem:s3] =	stream.indirect.scatter.add.f32 [tilespmem:s22], [sflag:$0x3], $0x20, s7, s21, $0xb8;
	[tilespmem:$0x1F000] =	vst v63  }
0xa2: {  	s7 =	sadd.s32 $0x2A00, s23  }
0xa3: {  	[spmem:s3] =	stream.indirect.scatter.add.f32 [tilespmem:s25], [sflag:$0x3], $0x20, s7, s21, $0xb8;
	[tilespmem:$0x1F000] =	vst v63  }
0xa4: {  	s7 =	sadd.s32 $0x2B00, s23  }
0xa5: {  	[spmem:s3] =	stream.indirect.scatter.add.f32 [tilespmem:s28], [sflag:$0x3], $0x20, s7, s21, $0xb8;
	[tilespmem:$0x1F000] =	vst v63  }
0xa6: {  	_ =	swait.ge [sflag:s19], $0x2000  }
0xa7: {  	[sflag:s19] =	ssyncset.done $0x0  }
0xa8: {  	[sflag:s19] =	ssyncadd.s32 $0xFFFFE000  }
0xa9: {  	_ =	swait.ge [sflag:s19], $0x2000  }
0xaa: {  	[sflag:s19] =	ssyncset.done $0x0  }
0xab: {  	[sflag:s19] =	ssyncadd.s32 $0xFFFFE000  }
0xac: {  	_ =	swait.ge [sflag:s19], $0x2000  }
0xad: {  	[sflag:s19] =	ssyncset.done $0x0  }
0xae: {  	[sflag:s19] =	ssyncadd.s32 $0xFFFFE000  }
0xaf: {  	_ =	swait.ge [sflag:s19], $0x2000  }
0xb0: {  	[sflag:s19] =	ssyncset.done $0x0  }
0xb1: {  	s7 =	sadd.s32 $0x800, s23;
	[sflag:s19] =	ssyncadd.s32 $0xFFFFE000  }
0xb2: {  	[tilespmem:s16], [sflag:$0x1] =	stream.indirect.gather [spmem:s2], $0x20, s7, s21, $0xb8;
	[tilespmem:$0x1F000] =	vst v63  }
0xb3: {  	s7 =	sadd.s32 $0x900, s23  }
0xb4: {  	[tilespmem:s22], [sflag:$0x1] =	stream.indirect.gather [spmem:s2], $0x20, s7, s21, $0xb8;
	[tilespmem:$0x1F000] =	vst v63  }
0xb5: {  	s7 =	sadd.s32 $0xA00, s23  }
0xb6: {  	[tilespmem:s25], [sflag:$0x1] =	stream.indirect.gather [spmem:s2], $0x20, s7, s21, $0xb8;
	[tilespmem:$0x1F000] =	vst v63  }
0xb7: {  	s7 =	sadd.s32 $0xB00, s23  }
0xb8: {  	[tilespmem:s28], [sflag:$0x1] =	stream.indirect.gather [spmem:s2], $0x20, s7, s21, $0xb8;
	[tilespmem:$0x1F000] =	vst v63  }
0xb9: {  	_ =	swait.ge [sflag:s1], $0x2000  }
0xba: {  	[sflag:s1] =	ssyncset.done $0x0  }
0xbb: {  	[sflag:s1] =	ssyncadd.s32 $0xFFFFE000  }
0xbc: {  	_ =	swait.ge [sflag:s1], $0x2000  }
0xbd: {  	[sflag:s1] =	ssyncset.done $0x0  }
0xbe: {  	[sflag:s1] =	ssyncadd.s32 $0xFFFFE000  }
0xbf: {  	_ =	swait.ge [sflag:s1], $0x2000  }
0xc0: {  	[sflag:s1] =	ssyncset.done $0x0  }
0xc1: {  	[sflag:s1] =	ssyncadd.s32 $0xFFFFE000  }
0xc2: {  	_ =	swait.ge [sflag:s1], $0x2000  }
0xc3: {  	[sflag:s1] =	ssyncset.done $0x0  }
0xc4: {  	s7 =	sadd.s32 $0x2C00, s23;
	[sflag:s1] =	ssyncadd.s32 $0xFFFFE000  }
0xc5: {  	[spmem:s3] =	stream.indirect.scatter.add.f32 [tilespmem:s29], [sflag:$0x4], $0x20, s7, s21, $0xb8;
	[tilespmem:$0x1F000] =	vst v63  }
0xc6: {  	s7 =	sadd.s32 $0x2D00, s23  }
0xc7: {  	[spmem:s3] =	stream.indirect.scatter.add.f32 [tilespmem:s30], [sflag:$0x4], $0x20, s7, s21, $0xb8;
	[tilespmem:$0x1F000] =	vst v63  }
0xc8: {  	s7 =	sadd.s32 $0x2E00, s23  }
0xc9: {  	[spmem:s3] =	stream.indirect.scatter.add.f32 [tilespmem:s31], [sflag:$0x4], $0x20, s7, s21, $0xb8;
	[tilespmem:$0x1F000] =	vst v63  }
0xca: {  	s7 =	sadd.s32 $0x2F00, s23  }
0xcb: {  	[spmem:s3] =	stream.indirect.scatter.add.f32 [tilespmem:s0], [sflag:$0x4], $0x20, s7, s21, $0xb8;
	[tilespmem:$0x1F000] =	vst v63  }
0xcc: {  	_ =	swait.ge [sflag:s20], $0x2000  }
0xcd: {  	[sflag:s20] =	ssyncset.done $0x0  }
0xce: {  	[sflag:s20] =	ssyncadd.s32 $0xFFFFE000  }
0xcf: {  	_ =	swait.ge [sflag:s20], $0x2000  }
0xd0: {  	[sflag:s20] =	ssyncset.done $0x0  }
0xd1: {  	[sflag:s20] =	ssyncadd.s32 $0xFFFFE000  }
.Ltmp1:
0xd2: {  	_ =	swait.ge [sflag:s20], $0x2000;
	(pc) =	sbr.rel @p0 .LBB2_4-.Ltmp1, $4  }
0xd3: {  	[sflag:s20] =	ssyncset.done $0x0  }
0xd4: {  	[sflag:s20] =	ssyncadd.s32 $0xFFFFE000  }
0xd5: {  	_ =	swait.ge [sflag:s20], $0x2000  }
0xd6: {  	s26 =	smov.u32 s5;
	s23 =	sshra.s32 s4, $0x2;
	[sflag:s20] =	ssyncset.done $0x0  }
0xd7: {  	s4 =	sadd.s32 $0x400, s23;
	[sflag:s20] =	ssyncadd.s32 $0xFFFFE000  }
0xd8: {  	[tilespmem:s29], [sflag:$0x2] =	stream.indirect.gather [spmem:s2], $0x20, s4, s21, $0xb8;
	[tilespmem:$0x1F000] =	vst v63  }
0xd9: {  	s5 =	sadd.s32 $0x500, s23  }
0xda: {  	[tilespmem:s30], [sflag:$0x2] =	stream.indirect.gather [spmem:s2], $0x20, s5, s21, $0xb8;
	[tilespmem:$0x1F000] =	vst v63  }
0xdb: {  	s7 =	sadd.s32 $0x600, s23  }
0xdc: {  	[tilespmem:s31], [sflag:$0x2] =	stream.indirect.gather [spmem:s2], $0x20, s7, s21, $0xb8;
	[tilespmem:$0x1F000] =	vst v63  }
0xdd: {  	s26 =	sadd.s32 $0x700, s23  }
0xde: {  	[tilespmem:s0], [sflag:$0x2] =	stream.indirect.gather [spmem:s2], $0x20, s26, s21, $0xb8;
	[tilespmem:$0x1F000] =	vst v63  }
0xdf: {  	_ =	swait.ge [sflag:s18], $0x2000  }
0xe0: {  	[sflag:s18] =	ssyncset.done $0x0  }
0xe1: {  	[sflag:s18] =	ssyncadd.s32 $0xFFFFE000  }
0xe2: {  	_ =	swait.ge [sflag:s18], $0x2000  }
0xe3: {  	[sflag:s18] =	ssyncset.done $0x0  }
0xe4: {  	[sflag:s18] =	ssyncadd.s32 $0xFFFFE000  }
0xe5: {  	_ =	swait.ge [sflag:s18], $0x2000  }
0xe6: {  	[sflag:s18] =	ssyncset.done $0x0  }
0xe7: {  	[sflag:s18] =	ssyncadd.s32 $0xFFFFE000  }
0xe8: {  	_ =	swait.ge [sflag:s18], $0x2000  }
0xe9: {  	[sflag:s18] =	ssyncset.done $0x0  }
0xea: {  	s5 =	sadd.s32 $0x2800, s23;
	[sflag:s18] =	ssyncadd.s32 $0xFFFFE000  }
0xeb: {  	[spmem:s3] =	stream.indirect.scatter.add.f32 [tilespmem:s16], [sflag:$0x3], $0x20, s5, s21, $0xb8;
	[tilespmem:$0x1F000] =	vst v63  }
0xec: {  	s7 =	sadd.s32 $0x2900, s23  }
0xed: {  	[spmem:s3] =	stream.indirect.scatter.add.f32 [tilespmem:s22], [sflag:$0x3], $0x20, s7, s21, $0xb8;
	[tilespmem:$0x1F000] =	vst v63  }
0xee: {  	s26 =	sadd.s32 $0x2A00, s23  }
0xef: {  	[spmem:s3] =	stream.indirect.scatter.add.f32 [tilespmem:s25], [sflag:$0x3], $0x20, s26, s21, $0xb8;
	[tilespmem:$0x1F000] =	vst v63  }
0xf0: {  	s5 =	sadd.s32 $0x2B00, s23  }
0xf1: {  	[spmem:s3] =	stream.indirect.scatter.add.f32 [tilespmem:s28], [sflag:$0x3], $0x20, s5, s21, $0xb8;
	[tilespmem:$0x1F000] =	vst v63  }
0xf2: {  	_ =	swait.ge [sflag:s19], $0x2000  }
0xf3: {  	[sflag:s19] =	ssyncset.done $0x0  }
0xf4: {  	[sflag:s19] =	ssyncadd.s32 $0xFFFFE000  }
0xf5: {  	_ =	swait.ge [sflag:s19], $0x2000  }
0xf6: {  	[sflag:s19] =	ssyncset.done $0x0  }
0xf7: {  	[sflag:s19] =	ssyncadd.s32 $0xFFFFE000  }
0xf8: {  	_ =	swait.ge [sflag:s19], $0x2000  }
0xf9: {  	[sflag:s19] =	ssyncset.done $0x0  }
0xfa: {  	[sflag:s19] =	ssyncadd.s32 $0xFFFFE000  }
0xfb: {  	_ =	swait.ge [sflag:s19], $0x2000  }
0xfc: {  	[sflag:s19] =	ssyncset.done $0x0  }
0xfd: {  	s7 =	sadd.s32 $0x800, s23;
	[sflag:s19] =	ssyncadd.s32 $0xFFFFE000  }
0xfe: {  	[tilespmem:s16], [sflag:$0x1] =	stream.indirect.gather [spmem:s2], $0x20, s7, s21, $0xb8;
	[tilespmem:$0x1F000] =	vst v63  }
0xff: {  	s26 =	sadd.s32 $0x900, s23  }
0x100: {  	[tilespmem:s22], [sflag:$0x1] =	stream.indirect.gather [spmem:s2], $0x20, s26, s21, $0xb8;
	[tilespmem:$0x1F000] =	vst v63  }
0x101: {  	s5 =	sadd.s32 $0xA00, s23  }
0x102: {  	[tilespmem:s25], [sflag:$0x1] =	stream.indirect.gather [spmem:s2], $0x20, s5, s21, $0xb8;
	[tilespmem:$0x1F000] =	vst v63  }
0x103: {  	s7 =	sadd.s32 $0xB00, s23  }
0x104: {  	[tilespmem:s28], [sflag:$0x1] =	stream.indirect.gather [spmem:s2], $0x20, s7, s21, $0xb8;
	[tilespmem:$0x1F000] =	vst v63  }
0x105: {  	_ =	swait.ge [sflag:s1], $0x2000  }
0x106: {  	[sflag:s1] =	ssyncset.done $0x0  }
0x107: {  	[sflag:s1] =	ssyncadd.s32 $0xFFFFE000  }
0x108: {  	_ =	swait.ge [sflag:s1], $0x2000  }
0x109: {  	[sflag:s1] =	ssyncset.done $0x0  }
0x10a: {  	[sflag:s1] =	ssyncadd.s32 $0xFFFFE000  }
0x10b: {  	_ =	swait.ge [sflag:s1], $0x2000  }
0x10c: {  	[sflag:s1] =	ssyncset.done $0x0  }
0x10d: {  	[sflag:s1] =	ssyncadd.s32 $0xFFFFE000  }
0x10e: {  	_ =	swait.ge [sflag:s1], $0x2000  }
0x10f: {  	[sflag:s1] =	ssyncset.done $0x0  }
0x110: {  	s26 =	sadd.s32 $0x2C00, s23;
	[sflag:s1] =	ssyncadd.s32 $0xFFFFE000  }
0x111: {  	[spmem:s3] =	stream.indirect.scatter.add.f32 [tilespmem:s29], [sflag:$0x4], $0x20, s26, s21, $0xb8;
	[tilespmem:$0x1F000] =	vst v63  }
0x112: {  	s5 =	sadd.s32 $0x2D00, s23  }
0x113: {  	[spmem:s3] =	stream.indirect.scatter.add.f32 [tilespmem:s30], [sflag:$0x4], $0x20, s5, s21, $0xb8;
	[tilespmem:$0x1F000] =	vst v63  }
0x114: {  	s7 =	sadd.s32 $0x2E00, s23  }
0x115: {  	[spmem:s3] =	stream.indirect.scatter.add.f32 [tilespmem:s31], [sflag:$0x4], $0x20, s7, s21, $0xb8;
	[tilespmem:$0x1F000] =	vst v63  }
0x116: {  	s23 =	sadd.s32 $0x2F00, s23  }
0x117: {  	[spmem:s3] =	stream.indirect.scatter.add.f32 [tilespmem:s0], [sflag:$0x4], $0x20, s23, s21, $0xb8;
	[tilespmem:$0x1F000] =	vst v63  }
0x118: {  	_ =	swait.ge [sflag:s20], $0x2000  }
0x119: {  	[sflag:s20] =	ssyncset.done $0x0  }
0x11a: {  	[sflag:s20] =	ssyncadd.s32 $0xFFFFE000  }
0x11b: {  	_ =	swait.ge [sflag:s20], $0x2000  }
0x11c: {  	[sflag:s20] =	ssyncset.done $0x0  }
0x11d: {  	[sflag:s20] =	ssyncadd.s32 $0xFFFFE000  }
0x11e: {  	_ =	swait.ge [sflag:s20], $0x2000  }
0x11f: {  	[sflag:s20] =	ssyncset.done $0x0  }
0x120: {  	[sflag:s20] =	ssyncadd.s32 $0xFFFFE000  }
0x121: {  	_ =	swait.ge [sflag:s20], $0x2000  }
0x122: {  	[sflag:s20] =	ssyncset.done $0x0  }
0x123: {  	s26 =	simm.s32 $0x2400;
	[sflag:s20] =	ssyncadd.s32 $0xFFFFE000  }
0x124: {  	[tilespmem:s29], [sflag:$0x2] =	stream.indirect.gather [spmem:s2], $0x20, s26, s21, $0xb8;
	[tilespmem:$0x1F000] =	vst v63  }
0x125: {  	s5 =	simm.s32 $0x2500  }
0x126: {  	[tilespmem:s30], [sflag:$0x2] =	stream.indirect.gather [spmem:s2], $0x20, s5, s21, $0xb8;
	[tilespmem:$0x1F000] =	vst v63  }
0x127: {  	s7 =	simm.s32 $0x2600  }
0x128: {  	[tilespmem:s31], [sflag:$0x2] =	stream.indirect.gather [spmem:s2], $0x20, s7, s21, $0xb8;
	[tilespmem:$0x1F000] =	vst v63  }
0x129: {  	s23 =	simm.s32 $0x2700  }
0x12a: {  	[tilespmem:s0], [sflag:$0x2] =	stream.indirect.gather [spmem:s2], $0x20, s23, s21, $0xb8;
	[tilespmem:$0x1F000] =	vst v63  }
0x12b: {  	_ =	swait.ge [sflag:s18], $0x2000  }
0x12c: {  	[sflag:s18] =	ssyncset.done $0x0  }
0x12d: {  	[sflag:s18] =	ssyncadd.s32 $0xFFFFE000  }
0x12e: {  	_ =	swait.ge [sflag:s18], $0x2000  }
0x12f: {  	[sflag:s18] =	ssyncset.done $0x0  }
0x130: {  	[sflag:s18] =	ssyncadd.s32 $0xFFFFE000  }
0x131: {  	_ =	swait.ge [sflag:s18], $0x2000  }
0x132: {  	[sflag:s18] =	ssyncset.done $0x0  }
0x133: {  	[sflag:s18] =	ssyncadd.s32 $0xFFFFE000  }
0x134: {  	_ =	swait.ge [sflag:s18], $0x2000  }
0x135: {  	[sflag:s18] =	ssyncset.done $0x0  }
0x136: {  	s26 =	simm.s32 $0x4800;
	[sflag:s18] =	ssyncadd.s32 $0xFFFFE000  }
0x137: {  	[spmem:s3] =	stream.indirect.scatter.add.f32 [tilespmem:s16], [sflag:$0x3], $0x20, s26, s21, $0xb8;
	[tilespmem:$0x1F000] =	vst v63  }
0x138: {  	s5 =	simm.s32 $0x4900  }
0x139: {  	[spmem:s3] =	stream.indirect.scatter.add.f32 [tilespmem:s22], [sflag:$0x3], $0x20, s5, s21, $0xb8;
	[tilespmem:$0x1F000] =	vst v63  }
0x13a: {  	s7 =	simm.s32 $0x4A00  }
0x13b: {  	[spmem:s3] =	stream.indirect.scatter.add.f32 [tilespmem:s25], [sflag:$0x3], $0x20, s7, s21, $0xb8;
	[tilespmem:$0x1F000] =	vst v63  }
0x13c: {  	s23 =	simm.s32 $0x4B00  }
0x13d: {  	[spmem:s3] =	stream.indirect.scatter.add.f32 [tilespmem:s28], [sflag:$0x3], $0x20, s23, s21, $0xb8;
	[tilespmem:$0x1F000] =	vst v63  }
0x13e: {  	_ =	swait.ge [sflag:s19], $0x2000  }
0x13f: {  	[sflag:s19] =	ssyncset.done $0x0  }
0x140: {  	[sflag:s19] =	ssyncadd.s32 $0xFFFFE000  }
0x141: {  	_ =	swait.ge [sflag:s19], $0x2000  }
0x142: {  	[sflag:s19] =	ssyncset.done $0x0  }
0x143: {  	[sflag:s19] =	ssyncadd.s32 $0xFFFFE000  }
0x144: {  	_ =	swait.ge [sflag:s19], $0x2000  }
0x145: {  	[sflag:s19] =	ssyncset.done $0x0  }
0x146: {  	[sflag:s19] =	ssyncadd.s32 $0xFFFFE000  }
0x147: {  	_ =	swait.ge [sflag:s19], $0x2000  }
0x148: {  	[sflag:s19] =	ssyncset.done $0x0  }
0x149: {  	[sflag:s19] =	ssyncadd.s32 $0xFFFFE000  }
0x14a: {  	_ =	swait.ge [sflag:s1], $0x2000  }
0x14b: {  	[sflag:s1] =	ssyncset.done $0x0  }
0x14c: {  	[sflag:s1] =	ssyncadd.s32 $0xFFFFE000  }
0x14d: {  	_ =	swait.ge [sflag:s1], $0x2000  }
0x14e: {  	[sflag:s1] =	ssyncset.done $0x0  }
0x14f: {  	[sflag:s1] =	ssyncadd.s32 $0xFFFFE000  }
0x150: {  	_ =	swait.ge [sflag:s1], $0x2000  }
0x151: {  	[sflag:s1] =	ssyncset.done $0x0  }
0x152: {  	[sflag:s1] =	ssyncadd.s32 $0xFFFFE000  }
0x153: {  	_ =	swait.ge [sflag:s1], $0x2000  }
0x154: {  	[sflag:s1] =	ssyncset.done $0x0  }
0x155: {  	s26 =	simm.s32 $0x4C00;
	[sflag:s1] =	ssyncadd.s32 $0xFFFFE000  }
0x156: {  	[spmem:s3] =	stream.indirect.scatter.add.f32 [tilespmem:s29], [sflag:$0x4], $0x20, s26, s21, $0xb8;
	[tilespmem:$0x1F000] =	vst v63  }
0x157: {  	s5 =	simm.s32 $0x4D00  }
0x158: {  	[spmem:s3] =	stream.indirect.scatter.add.f32 [tilespmem:s30], [sflag:$0x4], $0x20, s5, s21, $0xb8;
	[tilespmem:$0x1F000] =	vst v63  }
0x159: {  	s7 =	simm.s32 $0x4E00  }
0x15a: {  	[spmem:s3] =	stream.indirect.scatter.add.f32 [tilespmem:s31], [sflag:$0x4], $0x20, s7, s21, $0xb8;
	[tilespmem:$0x1F000] =	vst v63  }
0x15b: {  	s23 =	simm.s32 $0x4F00  }
0x15c: {  	[spmem:s3] =	stream.indirect.scatter.add.f32 [tilespmem:s0], [sflag:$0x4], $0x20, s23, s21, $0xb8;
	[tilespmem:$0x1F000] =	vst v63  }
0x15d: {  	_ =	swait.ge [sflag:s20], $0x2000  }
0x15e: {  	[sflag:s20] =	ssyncset.done $0x0  }
0x15f: {  	[sflag:s20] =	ssyncadd.s32 $0xFFFFE000  }
0x160: {  	_ =	swait.ge [sflag:s20], $0x2000  }
0x161: {  	[sflag:s20] =	ssyncset.done $0x0  }
0x162: {  	[sflag:s20] =	ssyncadd.s32 $0xFFFFE000  }
0x163: {  	_ =	swait.ge [sflag:s20], $0x2000  }
0x164: {  	[sflag:s20] =	ssyncset.done $0x0  }
0x165: {  	[sflag:s20] =	ssyncadd.s32 $0xFFFFE000  }
0x166: {  	_ =	swait.ge [sflag:s20], $0x2000  }
0x167: {  	s15 =	sadd.s32 $0x1, s15;
	[sflag:s20] =	ssyncset.done $0x0  }
0x168: {  	p0 =	sne.s32 s15, s13;
	s26 =	sor.u32 $0x1C05, s6;
	[sflag:s20] =	ssyncadd.s32 $0xFFFFE000  }
.Ltmp2:
0x169: {  	s5 =	sshrl.u32 s10, $0x3;
	[bflag:$0x0] =	sbarrier.arrive $0xFFFF;
	(pc) =	sbr.rel @p0 .LBB2_1-.Ltmp2, $4  }
0x16a: {  	[hbm:s24], [sflag:s26] =	dma.local [spmem:s5], $0xA00  }
0x16b: {  	_ =	swait.ge [sflag:s17], $0xA00  }
0x16c: {  	[sflag:s17] =	ssyncset.done $0x0  }
0x16d: {  	[sflag:s17] =	ssyncadd.s32 $0xFFFFF600  }
0x16e: {  	_ =	sfence.sel $0x180000  }
0x16f: {  	[bflag:$0x0] =	sbarrier.arrive $0xFFFF  }
0x170: {  	_ =	strace $0x9000004A  }
0x171: {  	s0 =	stileid.u32;
	[bflag:$0x2] =	sbarrier.arrive $0xFFFF  }
0x172: {  	p0 =	sne.s32 s0, $0x0;
	s0 =	rddreg [dreg:$0x3]  }
0x173: {  	s0 =	sadd.s32 @!p0 $0x100000, s0  }
0x174: {  	[sflag:s0] =	ssyncadd.tile.s32 @!p0 $0x1;
	_ =	shalt  }
.Lfunc_end2:
_tile_overlayer_lowered:
.L_overlay_start_2:
0x175: {  	(tag) =	ssettag $0x2  }
0x176: {  	s0 =	rddreg [dreg:$0x0];
	s2 =	stileid.u32  }
0x177: {  	s1 =	rddreg [dreg:$0x1];
	p0 =	sne.s32 s2, $0x0  }
0x178: {  	s3 =	rddreg [dreg:$0x2];
	[bflag:$0x3] =	sbarrier.arrive $0xFFFF;
	s2 =	simm.s32 @!p0 $0x1C05  }
0x179: {  	[timem:s3], [sflag:s2] =	dma.local @!p0 [hbm:s0], s1  }
0x17a: {  	s0 =	simm.s32 @!p0 $0x5  }
0x17b: {  	_ =	swait.ge @!p0 [sflag:s0], s1  }
0x17c: {  	s1 =	ssub.s32 @!p0 $0x0, s1;
	[sflag:s0] =	ssyncset.done @!p0 $0x0  }
0x17d: {  	[sflag:s0] =	ssyncadd.s32 @!p0 s1  }
0x17e: {  	[bflag:$0x3] =	sbarrier.arrive $0xFFFF  }
0x17f: {  	_ =	shalt  }

// kernel: kernel.14.cloned.1.call-start
scs
__scs_entry_jumppad:
0x0: {  	(pc) =	sbr.rel $0x88, $3  }
0x1: {  	(tag) =	ssettag $0x0;
	lr =	simm.s32 $0x1  }
0x2: {  	[smem:$0x3F98] =	sst lr;
	_ =	strace $0xD0000000  }
0x3: {  	_ = 	snop  }
0x4: {  	_ = 	snop  }
0x5: {  	_ = 	snop  }
0x6: {  	_ = 	snop  }
0x7: {  	_ = 	snop  }
__scs_overlays_trampoline_lowered:
0x8: {  	[smem:$0x3FA7] =	sst s0  }
0x9: {  	[smem:$0x3FA8] =	sst s1  }
0xa: {  	[smem:$0x3FA9] =	sst s2  }
0xb: {  	[smem:$0x3FAA] =	sst s3  }
0xc: {  	[smem:$0x3FAB] =	sst s4  }
0xd: {  	[smem:$0x3FAC] =	sst s5  }
0xe: {  	[smem:$0x3FAD] =	sst s6  }
0xf: {  	[smem:$0x3FAE] =	sst s7  }
0x10: {  	[smem:$0x3FAF] =	sst s8  }
0x11: {  	[smem:$0x3FB0] =	sst s9;
	s0 =	simm.s32 @!p0 $0x0  }
0x12: {  	s1 =	sld [smem:$0x3F96];
	s0 =	simm.s32 @p0 $0x1  }
0x13: {  	[smem:$0x3FB1] =	sst s0;
	s0 =	simm.s32 @!p1 $0x0  }
0x14: {  	s2 =	sld [smem:$0x3F95];
	s0 =	simm.s32 @p1 $0x1  }
0x15: {  	[smem:$0x3FB2] =	sst s0;
	s0 =	simm.s32 @!p2 $0x0  }
0x16: {  	s3 =	sld [smem:$0x3FDB];
	s0 =	simm.s32 @p2 $0x1  }
0x17: {  	s4 =	simm.s32 $0x1BF5;
	[smem:$0x3FB4] =	sst s0  }
0x18: {  	s0 =	sld [smem:$0x3F97];
	_ =	swait.ge [sflag:s4], $0x0  }
0x19: {  	s7 =	sld [smem:$0x3F98]  }
0x1a: {  	s8 =	sadd.s32 $0xFFFFE003, lr  }
0x1b: {  	s9 =	sadd.s32 $0xFFFFFEF7, lr;
	s5 =	simm.s32 $0xFFFFFFFF;
	p2 =	slt.u32 s8, $0xFFFFF086  }
0x1c: {  	p1 =	slt.u32 s9, $0xF7A;
	s5 =	simm.s32 @!p2 $0x0  }
0x1d: {  	s5 =	simm.s32 @p1 $0x1;
	p0 =	seq.s32 s7, s2  }
0x1e: {  	s7 =	smul.u32 @!p0 $0xF7A, s2;
	p2 =	seq.s32 @!p0 s5, $0x0  }
0x1f: {  	s9 =	smul.u32 $0xF7A, s1;
	s8 =	simm.s32 @!p0 $0x1BF5;
	p2 =	por !p2, p0  }
0x20: {  	[sflag:s8] =	ssyncset.s32 @!p0 $0xFFFFF086;
	s6 =	sadd.s32 @!p0 s3, s7;
	s7 =	simm.s32 @!p0 $0x108  }
0x21: {  	s3 =	sadd.s32 s3, s9;
	s6 =	sadd.s32 @!p0 $0x88, s6;
	s7 =	simm.s32 @p2 $0x1082  }
0x22: {  	[simem:s7], [sflag:s8] =	dma.local @!p0 [hbm:s6], $0xF7A  }
0x23: {  	s9 =	sor.u32 $0xD0000000, s2;
	s6 =	simm.s32 $0x108;
	_ =	swait.ge @!p0 [sflag:s8], $0x0  }
0x24: {  	s3 =	sadd.s32 $0x88, s3;
	s6 =	simm.s32 @!p1 $0x1082;
	[sflag:s4] =	ssyncset.s32 $0xFFFFF086  }
0x25: {  	[simem:s6], [sflag:s4] =	dma.local [hbm:s3], $0xF7A  }
0x26: {  	[smem:$0x3F98] =	sst s1;
	(tag) =	ssettag s2;
	_ =	strace s9  }
0x27: {  	s1 =	sld [smem:$0x3FA8]  }
0x28: {  	s2 =	sld [smem:$0x3FA9]  }
0x29: {  	s4 =	sld [smem:$0x3FAB]  }
0x2a: {  	p0 =	seq.s32 s5, $0x0;
	s5 =	sld [smem:$0x3FAC]  }
0x2b: {  	s6 =	sld [smem:$0x3FAD]  }
0x2c: {  	s7 =	sld [smem:$0x3FAE]  }
0x2d: {  	s3 =	simm.s32 $0x108;
	s8 =	sld [smem:$0x3FAF]  }
0x2e: {  	s3 =	simm.s32 @!p0 $0x1082;
	s9 =	sld [smem:$0x3FB0]  }
0x2f: {  	lr =	sadd.s32 s0, s3;
	s0 =	sld [smem:$0x3FA7]  }
0x30: {  	s3 =	sld [smem:$0x3FAA]  }
0x31: {  	[smem:$0x3FB3] =	sst s10  }
0x32: {  	s10 =	sld [smem:$0x3FB1];
	_ =	sdelay $0x3  }
0x33: {  	p0 =	seq.s32 s10, $0x1;
	s10 =	sld [smem:$0x3FB3];
	_ =	sdelay $0x3  }
0x34: {  	[smem:$0x3FB3] =	sst s10  }
0x35: {  	s10 =	sld [smem:$0x3FB2];
	_ =	sdelay $0x3  }
0x36: {  	p1 =	seq.s32 s10, $0x1;
	s10 =	sld [smem:$0x3FB3];
	_ =	sdelay $0x3  }
0x37: {  	[smem:$0x3FB3] =	sst s10  }
0x38: {  	s10 =	sld [smem:$0x3FB4]  }
0x39: {  	_ = 	snop;
	(pc) =	sbr.ind lr, $3  }
0x3a: {  	_ = 	snop  }
0x3b: {  	_ = 	snop  }
0x3c: {  	p2 =	seq.s32 s10, $0x1;
	s10 =	sld [smem:$0x3FB3]  }
0x3d: {  	_ =	shalt  }
0x3e: {  	_ =	shalt  }
0x3f: {  	_ =	shalt  }
0x40: {  	_ =	shalt  }
0x41: {  	_ =	shalt  }
0x42: {  	_ =	shalt  }
0x43: {  	_ =	shalt  }
0x44: {  	_ =	shalt  }
0x45: {  	_ =	shalt  }
0x46: {  	_ =	shalt  }
0x47: {  	_ =	shalt  }
0x48: {  	_ =	shalt  }
0x49: {  	_ =	shalt  }
0x4a: {  	_ =	shalt  }
0x4b: {  	_ =	shalt  }
0x4c: {  	_ =	shalt  }
0x4d: {  	_ =	shalt  }
0x4e: {  	_ =	shalt  }
0x4f: {  	_ =	shalt  }
0x50: {  	_ =	shalt  }
0x51: {  	_ =	shalt  }
0x52: {  	_ =	shalt  }
0x53: {  	_ =	shalt  }
0x54: {  	_ =	shalt  }
0x55: {  	_ =	shalt  }
0x56: {  	_ =	shalt  }
0x57: {  	_ =	shalt  }
0x58: {  	_ =	shalt  }
0x59: {  	_ =	shalt  }
0x5a: {  	_ =	shalt  }
0x5b: {  	_ =	shalt  }
0x5c: {  	_ =	shalt  }
0x5d: {  	_ =	shalt  }
0x5e: {  	_ =	shalt  }
0x5f: {  	_ =	shalt  }
0x60: {  	_ =	shalt  }
0x61: {  	_ =	shalt  }
0x62: {  	_ =	shalt  }
0x63: {  	_ =	shalt  }
0x64: {  	_ =	shalt  }
0x65: {  	_ =	shalt  }
0x66: {  	_ =	shalt  }
0x67: {  	_ =	shalt  }
0x68: {  	_ =	shalt  }
0x69: {  	_ =	shalt  }
0x6a: {  	_ =	shalt  }
0x6b: {  	_ =	shalt  }
0x6c: {  	_ =	shalt  }
0x6d: {  	_ =	shalt  }
0x6e: {  	_ =	shalt  }
0x6f: {  	_ =	shalt  }
0x70: {  	_ =	shalt  }
0x71: {  	_ =	shalt  }
0x72: {  	_ =	shalt  }
0x73: {  	_ =	shalt  }
0x74: {  	_ =	shalt  }
0x75: {  	_ =	shalt  }
0x76: {  	_ =	shalt  }
0x77: {  	_ =	shalt  }
0x78: {  	_ =	shalt  }
0x79: {  	_ =	shalt  }
0x7a: {  	_ =	shalt  }
0x7b: {  	_ =	shalt  }
0x7c: {  	_ =	shalt  }
0x7d: {  	_ =	shalt  }
0x7e: {  	_ =	shalt  }
0x7f: {  	_ =	shalt  }
0x80: {  	_ =	shalt  }
0x81: {  	_ =	shalt  }
0x82: {  	_ =	shalt  }
0x83: {  	_ =	shalt  }
0x84: {  	_ =	shalt  }
0x85: {  	_ =	shalt  }
0x86: {  	_ =	shalt  }
0x87: {  	_ =	shalt  }
.Lfunc_end0:
.L_simem_size_0:
called_computation.2_lowered:
.L_overlay_start_0:
0x88: {  	s2 =	sld [smem:$0x3FD9]  }
0x89: {  	s3 =	sld [smem:$0x3FFE];
	_ =	sdelay $0x1  }
0x8a: {  	s1 =	srdreg.scid  }
0x8b: {  	s0 =	sand.u32 $0x1, s1  }
0x8c: {  	s16 =	sshll.u32 s0, $0xA;
	s2 =	sadd.s32 s3, s2  }
0x8d: {  	s2 =	sadd.s32 s2, s16  }
0x8e: {  	[smem:$0x3FBF] =	sst s2  }
0x8f: {  	_ = 	snop  }
0x90: {  	(tm) =	ssettm $0x1  }
0x91: {  	s17 =	sld [smem:$0x3FFB];
	_ =	sdelay $0x3  }
0x92: {  	_ =	strace s17  }
0x93: {  	s2 =	sld [smem:$0x3FFC];
	_ =	sdelay $0x3  }
0x94: {  	_ =	strace s2  }
0x95: {  	s2 =	sld [smem:$0x3FFD];
	_ =	sdelay $0x3  }
0x96: {  	_ =	strace s2  }
0x97: {  	_ =	strace $0x8FFFFFFF  }
0x98: {  	s18 =	sld [smem:$0x3FDB];
	_ =	sdelay $0x1  }
0x99: {  	s19 =	simm.s32 $_scs_section_size  }
0x9a: {  	s4 =	simm.s32 $_size__tile_overlayer_lowered;
	s5 =	simm.s32 $_tile_overlayer_lowered  }
0x9b: {  	s22 =	simm.s32 $0x1BFF;
	s21 =	sshll.u32 s5, $0x1;
	s2 =	sadd.s32 s19, s18  }
0x9c: {  	s6 =	simm.s32 $0x0;
	s20 =	sshll.u32 s4, $0x1;
	s4 =	sadd.s32 s21, s2  }
0x9d: {  	[timem:s6], [sflag:s22] =	dma.local [hbm:s4], s20  }
0x9e: {  	_ =	swait.ge [sflag:s22], s20  }
0x9f: {  	s3 =	ssub.s32 $0x0, s20;
	[sflag:s22] =	ssyncset.done $0x0  }
0xa0: {  	[sflag:s22] =	ssyncadd.s32 s3;
	_ =	sdelay $0x1  }
0xa1: {  	s23 =	simm.s32 $0x1B8B  }
0xa2: {  	_ =	swait.ge [sflag:s23], $0x1  }
0xa3: {  	[sflag:s23] =	ssyncset.done $0x0  }
0xa4: {  	s25 =	simm.s32 $0x1B8E;
	s24 =	sld [smem:$0x3FFE];
	[sflag:s23] =	ssyncadd.s32 $0xFFFFFFFF  }
0xa5: {  	s26 =	simm.s32 $execute0_lowered;
	[smem:$0x3FD2] =	sst s25  }
0xa6: {  	s4 =	sshll.u32 s26, $0x1;
	_ =	strace $0x8000004C;
	[dreg:$0x1] =	wrdreg $0xFFFFFFFF  }
0xa7: {  	s28 =	simm.s32 $_size_execute0_lowered;
	s2 =	sadd.s32 s2, s4;
	[dreg:$0x0] =	wrdreg $0x0  }
0xa8: {  	s4 =	sshll.u32 s28, $0x1;
	[dreg:$0x2] =	wrdreg s2  }
0xa9: {  	[dreg:$0x3] =	wrdreg s4  }
0xaa: {  	[dreg:$0x4] =	wrdreg $0xC0  }
0xab: {  	_ =	task [dreg:s6], $0x5FFFF  }
0xac: {  	[dreg:$0x1] =	wrdreg $0xFFFFFFFF  }
0xad: {  	[dreg:$0x0] =	wrdreg $0x60  }
0xae: {  	[dreg:$0x2] =	wrdreg s24  }
0xaf: {  	[dreg:$0x3] =	wrdreg $0x1A0000  }
0xb0: {  	[dreg:$0x4] =	wrdreg $0x150000  }
0xb1: {  	[dreg:$0x5] =	wrdreg $0x9  }
0xb2: {  	_ =	task.clear_ibuf [dreg:s6], $0x6FFFF;
	_ =	strace $0x9000004C  }
0xb3: {  	s29 =	simm.s32 $0x9;
	_ =	strace $0x8000004E  }
0xb4: {  	_ =	swait.ge [sflag:s29], $0x1  }
0xb5: {  	[sflag:s29] =	ssyncadd.s32 $0xFFFFFFFF  }
0xb6: {  	_ =	strace $0x9000004E  }
0xb7: {  	_ =	sfence  }
0xb8: {  	s30 =	sld [smem:$0x0];
	_ =	sdelay $0x2  }
0xb9: {  	s31 =	sshll.u32 s1, $0xD;
	s1 =	sshrl.u32 s1, $0x2  }
0xba: {  	s3 =	sand.u32 $0x4000, s31;
	s1 =	sadd.s32 s1, s30  }
0xbb: {  	s0 =	sor.u32 s3, s0;
	s1 =	sshll.u32 s1, $0x11  }
0xbc: {  	s0 =	sor.u32 s1, s0  }
0xbd: {  	s0 =	sadd.s32 $0x8F2B, s0  }
0xbe: {  	[sflag:s0] =	ssyncadd.remote.s32 $0x1  }
0xbf: {  	_ =	sfence.sel $0xFFFF  }
0xc0: {  	[dreg:$0x0] =	wrdreg $0xFFFFFFFF;
	(pc) =	sbr.abs _section_cstart, $3  }
0xc1: {  	[dreg:$0x1] =	wrdreg $0xFFFFFFFF  }
0xc2: {  	_ =	task.clear_ibuf [dreg:s6], $0x2FFFF;
	_ =	strace $0x9FFFFFFF  }
0xc3: {  	(tm) =	ssettm $0x7FFFFFFF  }
tec
execute0_lowered:
.L_overlay_start_1:
0x0: {  	(tag) =	ssettag $0x1  }
0x1: {  	s0 =	rddreg [dreg:$0x0]  }
0x2: {  	s2 =	rddreg [dreg:$0x1]  }
0x3: {  	s3 =	rddreg [dreg:$0x2]  }
0x4: {  	s10 =	stileid.u32;
	s1 =	srdreg.scid;
	s5 =	simm.s32 $0x0  }
0x5: {  	s16 =	simm.s32 $0x5000;
	s17 =	simm.s32 $0x5;
	s18 =	simm.s32 $0x1  }
0x6: {  	s19 =	simm.s32 $0x3;
	s20 =	simm.s32 $0x4;
	s21 =	simm.s32 $0x100  }
0x7: {  	s22 =	simm.s32 $0x7000;
	s28 =	simm.s32 $0xB000;
	s29 =	simm.s32 $0xD000  }
0x8: {  	s30 =	simm.s32 $0xF000;
	s31 =	simm.s32 $0x11000;
	s23 =	smul.u32 $0x5000, s10  }
0x9: {  	s1 =	sand.u32 $0x1, s1;
	s4 =	sshll.u32 s10, $0x1;
	s9 =	smul.u32 $0x14000, s10  }
0xa: {  	[smem:$0x7FF] =	sst s5;
	s4 =	sor.u32 s1, s4;
	s6 =	smul.u32 $0xA000, s1  }
0xb: {  	_ =	strace $0x8000004D;
	s1 =	ssub.s32 $0x2, s1;
	s4 =	smul.u32 $0x500, s4  }
0xc: {  	s15 =	sshrl.u32 s23, $0x3;
	s8 =	sshrl.u32 s1, $0x1;
	s14 =	sadd.s32 s23, s2  }
0xd: {  	s11 =	sshrl.u32 s9, $0x2;
	s7 =	sadd.s32 s15, s0;
	s1 =	ssub.s32 s1, s8  }
0xe: {  	s26 =	sadd.s32 s11, s3;
	s14 =	sshrl.u32 s14, $0x3;
	s4 =	sadd.s32 s4, s0  }
0xf: {  	s0 =	sadd.s32 s6, s0;
	s24 =	sadd.s32 $0x16600, s7;
	s6 =	sshll.u32 s10, $0x6  }
0x10: {  	s10 =	sadd.s32 s23, s3;
	s11 =	sadd.s32 $0x2000, s26;
	s12 =	sadd.s32 $0x4000, s26  }
0x11: {  	s13 =	smax.u32 s1, $0x1;
	s1 =	simm.s32 $0x2;
	[dreg:$0x4] =	wrdreg s24  }
0x12: {  	s25 =	sor.u32 $0x1C01, s6;
	s8 =	sadd.s32 $0xC600, s4;
	s0 =	sadd.s32 $0x20600, s0  }
0x13: {  	s9 =	sadd.s32 $0x1C00, s4;
	[dreg:$0x5] =	wrdreg s25;
	s24 =	sadd.s32 s15, s0  }
0x14: {  	v0 =	vimm.f32 $0.0e+00;
	s25 =	simm.s32 $0x9000;
	s0 =	simm.s32 $0x13000;
	s15 =	simm.s32 $0x0  }
.LBB2_1:
0x15: {  	s4 =	rddreg [dreg:$0x4]  }
0x16: {  	s5 =	rddreg [dreg:$0x5];
	s23 =	simm.s32 $0x0  }
0x17: {  	[spmem:s14], [sflag:s5] =	dma.local [hbm:s4], $0xA00  }
0x18: {  	[tilespmem:s23], [sflag:$0x3] =	stream.linear.gather [hbm4b:s8+s23], $0x2800, $0x38;
	[tilespmem:$0x1F000] =	vst v63  }
0x19: {  	s26 =	simm.s32 $0x2800;
	s4 =	simm.s32 $0x80;
	s5 =	simm.s32 $0x0  }
0x1a: {  	[tilespmem:s26], [sflag:$0x4] =	stream.linear.gather [hbm4b:s9+s23], $0x2800, $0x38;
	[tilespmem:$0x1F000] =	vst v63  }
.LBB2_2:
0x1b: {  	p0 =	sne.s32 s4, $0x7F80;
	[tilespmem:s5+$0x5000] =	vst v0;
	s23 =	smov.u32 s4;
	s4 =	sadd.s32 $0x80, s4  }
.Ltmp0:
0x1c: {  	[tilespmem:s5+$0x5010] =	vst v0;
	(pc) =	sbr.rel @p0 .LBB2_2-.Ltmp0, $2  }
0x1d: {  	_ =	sdelay $0x2  }
0x1e: {  	s5 =	sshra.s32 s23, $0x2  }
0x1f: {  	[tilespmem:s5+$0x5000] =	vst v0  }
0x20: {  	[tilespmem:s5+$0x5010] =	vst v0  }
0x21: {  	[spmem:s10] =	stream.linear.scatter [tilespmem:s16], [sflag:$0x5], $0x2000, $0x38;
	[tilespmem:$0x1F000] =	vst v63  }
0x22: {  	_ =	swait.ge [sflag:s17], $0x2000  }
0x23: {  	[sflag:s17] =	ssyncset.done $0x0  }
0x24: {  	[sflag:s17] =	ssyncadd.s32 $0xFFFFE000  }
0x25: {  	[spmem:s11] =	stream.linear.scatter [tilespmem:s16], [sflag:$0x5], $0x2000, $0x38;
	[tilespmem:$0x1F000] =	vst v63  }
0x26: {  	_ =	swait.ge [sflag:s17], $0x2000  }
0x27: {  	[sflag:s17] =	ssyncset.done $0x0  }
0x28: {  	[sflag:s17] =	ssyncadd.s32 $0xFFFFE000  }
0x29: {  	[spmem:s12] =	stream.linear.scatter [tilespmem:s16], [sflag:$0x5], $0x1000, $0x38;
	[tilespmem:$0x1F000] =	vst v63  }
0x2a: {  	_ =	swait.ge [sflag:s17], $0x1000  }
0x2b: {  	[sflag:s17] =	ssyncset.done $0x0  }
0x2c: {  	[sflag:s17] =	ssyncadd.s32 $0xFFFFF000  }
0x2d: {  	_ =	swait.ge [sflag:s18], $0xA00  }
0x2e: {  	[sflag:s18] =	ssyncset.done $0x0  }
0x2f: {  	[sflag:s18] =	ssyncadd.s32 $0xFFFFF600  }
0x30: {  	_ =	swait.ge [sflag:s19], $0x2800  }
0x31: {  	[sflag:s19] =	ssyncset.done $0x0  }
0x32: {  	[sflag:s19] =	ssyncadd.s32 $0xFFFFD800  }
0x33: {  	_ =	swait.ge [sflag:s20], $0x2800  }
0x34: {  	[sflag:s20] =	ssyncset.done $0x0  }
0x35: {  	[sflag:s20] =	ssyncadd.s32 $0xFFFFD800  }
0x36: {  	s4 =	simm.s32 $0x0;
	[bflag:$0x0] =	sbarrier.arrive $0xFFFF  }
0x37: {  	[tilespmem:s16], [sflag:$0x1] =	stream.indirect.gather [spmem:s2], $0x20, s4, s21, $0xb8;
	[tilespmem:$0x1F000] =	vst v63  }
0x38: {  	_ = 	snop  }
0x39: {  	[tilespmem:s22], [sflag:$0x1] =	stream.indirect.gather [spmem:s2], $0x20, s21, s21, $0xb8;
	[tilespmem:$0x1F000] =	vst v63  }
0x3a: {  	s23 =	simm.s32 $0x200  }
0x3b: {  	[tilespmem:s25], [sflag:$0x1] =	stream.indirect.gather [spmem:s2], $0x20, s23, s21, $0xb8;
	[tilespmem:$0x1F000] =	vst v63  }
0x3c: {  	s26 =	simm.s32 $0x300  }
0x3d: {  	[tilespmem:s28], [sflag:$0x1] =	stream.indirect.gather [spmem:s2], $0x20, s26, s21, $0xb8;
	[tilespmem:$0x1F000] =	vst v63  }
0x3e: {  	s5 =	simm.s32 $0x400  }
0x3f: {  	[tilespmem:s29], [sflag:$0x2] =	stream.indirect.gather [spmem:s2], $0x20, s5, s21, $0xb8;
	[tilespmem:$0x1F000] =	vst v63  }
0x40: {  	s7 =	simm.s32 $0x500  }
0x41: {  	[tilespmem:s30], [sflag:$0x2] =	stream.indirect.gather [spmem:s2], $0x20, s7, s21, $0xb8;
	[tilespmem:$0x1F000] =	vst v63  }
0x42: {  	s23 =	simm.s32 $0x600  }
0x43: {  	[tilespmem:s31], [sflag:$0x2] =	stream.indirect.gather [spmem:s2], $0x20, s23, s21, $0xb8;
	[tilespmem:$0x1F000] =	vst v63  }
0x44: {  	s26 =	simm.s32 $0x700  }
0x45: {  	[tilespmem:s0], [sflag:$0x2] =	stream.indirect.gather [spmem:s2], $0x20, s26, s21, $0xb8;
	[tilespmem:$0x1F000] =	vst v63  }
0x46: {  	_ =	swait.ge [sflag:s18], $0x2000  }
0x47: {  	[sflag:s18] =	ssyncset.done $0x0  }
0x48: {  	[sflag:s18] =	ssyncadd.s32 $0xFFFFE000  }
0x49: {  	_ =	swait.ge [sflag:s18], $0x2000  }
0x4a: {  	[sflag:s18] =	ssyncset.done $0x0  }
0x4b: {  	[sflag:s18] =	ssyncadd.s32 $0xFFFFE000  }
0x4c: {  	_ =	swait.ge [sflag:s18], $0x2000  }
0x4d: {  	[sflag:s18] =	ssyncset.done $0x0  }
0x4e: {  	[sflag:s18] =	ssyncadd.s32 $0xFFFFE000  }
0x4f: {  	_ =	swait.ge [sflag:s18], $0x2000  }
0x50: {  	[sflag:s18] =	ssyncset.done $0x0  }
0x51: {  	s5 =	simm.s32 $0x2800;
	[sflag:s18] =	ssyncadd.s32 $0xFFFFE000  }
0x52: {  	[spmem:s3] =	stream.indirect.scatter.add.f32 [tilespmem:s16], [sflag:$0x3], $0x20, s5, s21, $0xb8;
	[tilespmem:$0x1F000] =	vst v63  }
0x53: {  	s7 =	simm.s32 $0x2900  }
0x54: {  	[spmem:s3] =	stream.indirect.scatter.add.f32 [tilespmem:s22], [sflag:$0x3], $0x20, s7, s21, $0xb8;
	[tilespmem:$0x1F000] =	vst v63  }
0x55: {  	s23 =	simm.s32 $0x2A00  }
0x56: {  	[spmem:s3] =	stream.indirect.scatter.add.f32 [tilespmem:s25], [sflag:$0x3], $0x20, s23, s21, $0xb8;
	[tilespmem:$0x1F000] =	vst v63  }
0x57: {  	s26 =	simm.s32 $0x2B00  }
0x58: {  	[spmem:s3] =	stream.indirect.scatter.add.f32 [tilespmem:s28], [sflag:$0x3], $0x20, s26, s21, $0xb8;
	[tilespmem:$0x1F000] =	vst v63  }
0x59: {  	_ =	swait.ge [sflag:s19], $0x2000  }
0x5a: {  	[sflag:s19] =	ssyncset.done $0x0  }
0x5b: {  	[sflag:s19] =	ssyncadd.s32 $0xFFFFE000  }
0x5c: {  	_ =	swait.ge [sflag:s19], $0x2000  }
0x5d: {  	[sflag:s19] =	ssyncset.done $0x0  }
0x5e: {  	[sflag:s19] =	ssyncadd.s32 $0xFFFFE000  }
0x5f: {  	_ =	swait.ge [sflag:s19], $0x2000  }
0x60: {  	[sflag:s19] =	ssyncset.done $0x0  }
0x61: {  	[sflag:s19] =	ssyncadd.s32 $0xFFFFE000  }
0x62: {  	_ =	swait.ge [sflag:s19], $0x2000  }
0x63: {  	[sflag:s19] =	ssyncset.done $0x0  }
0x64: {  	s5 =	simm.s32 $0x800;
	[sflag:s19] =	ssyncadd.s32 $0xFFFFE000  }
0x65: {  	[tilespmem:s16], [sflag:$0x1] =	stream.indirect.gather [spmem:s2], $0x20, s5, s21, $0xb8;
	[tilespmem:$0x1F000] =	vst v63  }
0x66: {  	s7 =	simm.s32 $0x900  }
0x67: {  	[tilespmem:s22], [sflag:$0x1] =	stream.indirect.gather [spmem:s2], $0x20, s7, s21, $0xb8;
	[tilespmem:$0x1F000] =	vst v63  }
0x68: {  	s23 =	simm.s32 $0xA00  }
0x69: {  	[tilespmem:s25], [sflag:$0x1] =	stream.indirect.gather [spmem:s2], $0x20, s23, s21, $0xb8;
	[tilespmem:$0x1F000] =	vst v63  }
0x6a: {  	s26 =	simm.s32 $0xB00  }
0x6b: {  	[tilespmem:s28], [sflag:$0x1] =	stream.indirect.gather [spmem:s2], $0x20, s26, s21, $0xb8;
	[tilespmem:$0x1F000] =	vst v63  }
0x6c: {  	_ =	swait.ge [sflag:s1], $0x2000  }
0x6d: {  	[sflag:s1] =	ssyncset.done $0x0  }
0x6e: {  	[sflag:s1] =	ssyncadd.s32 $0xFFFFE000  }
0x6f: {  	_ =	swait.ge [sflag:s1], $0x2000  }
0x70: {  	[sflag:s1] =	ssyncset.done $0x0  }
0x71: {  	[sflag:s1] =	ssyncadd.s32 $0xFFFFE000  }
0x72: {  	_ =	swait.ge [sflag:s1], $0x2000  }
0x73: {  	[sflag:s1] =	ssyncset.done $0x0  }
0x74: {  	[sflag:s1] =	ssyncadd.s32 $0xFFFFE000  }
0x75: {  	_ =	swait.ge [sflag:s1], $0x2000  }
0x76: {  	[sflag:s1] =	ssyncset.done $0x0  }
0x77: {  	s5 =	simm.s32 $0x2C00;
	[sflag:s1] =	ssyncadd.s32 $0xFFFFE000  }
0x78: {  	[spmem:s3] =	stream.indirect.scatter.add.f32 [tilespmem:s29], [sflag:$0x4], $0x20, s5, s21, $0xb8;
	[tilespmem:$0x1F000] =	vst v63  }
0x79: {  	s7 =	simm.s32 $0x2D00  }
0x7a: {  	[spmem:s3] =	stream.indirect.scatter.add.f32 [tilespmem:s30], [sflag:$0x4], $0x20, s7, s21, $0xb8;
	[tilespmem:$0x1F000] =	vst v63  }
0x7b: {  	s23 =	simm.s32 $0x2E00  }
0x7c: {  	[spmem:s3] =	stream.indirect.scatter.add.f32 [tilespmem:s31], [sflag:$0x4], $0x20, s23, s21, $0xb8;
	[tilespmem:$0x1F000] =	vst v63  }
0x7d: {  	s26 =	simm.s32 $0x2F00  }
0x7e: {  	[spmem:s3] =	stream.indirect.scatter.add.f32 [tilespmem:s0], [sflag:$0x4], $0x20, s26, s21, $0xb8;
	[tilespmem:$0x1F000] =	vst v63  }
0x7f: {  	_ =	swait.ge [sflag:s20], $0x2000  }
0x80: {  	[sflag:s20] =	ssyncset.done $0x0  }
0x81: {  	[sflag:s20] =	ssyncadd.s32 $0xFFFFE000  }
0x82: {  	_ =	swait.ge [sflag:s20], $0x2000  }
0x83: {  	[sflag:s20] =	ssyncset.done $0x0  }
0x84: {  	[sflag:s20] =	ssyncadd.s32 $0xFFFFE000  }
0x85: {  	_ =	swait.ge [sflag:s20], $0x2000  }
0x86: {  	[sflag:s20] =	ssyncset.done $0x0  }
0x87: {  	[sflag:s20] =	ssyncadd.s32 $0xFFFFE000  }
0x88: {  	_ =	swait.ge [sflag:s20], $0x2000  }
0x89: {  	s23 =	simm.s32 $0x800;
	s26 =	simm.s32 $0x4000;
	[sflag:s20] =	ssyncset.done $0x0  }
.LBB2_4:
0x8a: {  	s7 =	sadd.s32 $0x400, s23  }
0x8b: {  	[sflag:s20] =	ssyncadd.s32 $0xFFFFE000;
	s4 =	smov.u32 s26;
	s5 =	sadd.s32 $0x2000, s26  }
0x8c: {  	[tilespmem:s29], [sflag:$0x2] =	stream.indirect.gather [spmem:s2], $0x20, s7, s21, $0xb8;
	[tilespmem:$0x1F000] =	vst v63  }
0x8d: {  	p0 =	sne.s32 s26, $0x6000;
	s7 =	sadd.s32 $0x500, s23  }
0x8e: {  	[tilespmem:s30], [sflag:$0x2] =	stream.indirect.gather [spmem:s2], $0x20, s7, s21, $0xb8;
	[tilespmem:$0x1F000] =	vst v63  }
0x8f: {  	s7 =	sadd.s32 $0x600, s23  }
0x90: {  	[tilespmem:s31], [sflag:$0x2] =	stream.indirect.gather [spmem:s2], $0x20, s7, s21, $0xb8;
	[tilespmem:$0x1F000] =	vst v63  }
0x91: {  	s7 =	sadd.s32 $0x700, s23  }
0x92: {  	[tilespmem:s0], [sflag:$0x2] =	stream.indirect.gather [spmem:s2], $0x20, s7, s21, $0xb8;
	[tilespmem:$0x1F000] =	vst v63  }
0x93: {  	_ =	swait.ge [sflag:s18], $0x2000  }
0x94: {  	[sflag:s18] =	ssyncset.done $0x0  }
0x95: {  	[sflag:s18] =	ssyncadd.s32 $0xFFFFE000  }
0x96: {  	_ =	swait.ge [sflag:s18], $0x2000  }
0x97: {  	[sflag:s18] =	ssyncset.done $0x0  }
0x98: {  	[sflag:s18] =	ssyncadd.s32 $0xFFFFE000  }
0x99: {  	_ =	swait.ge [sflag:s18], $0x2000  }
0x9a: {  	[sflag:s18] =	ssyncset.done $0x0  }
0x9b: {  	[sflag:s18] =	ssyncadd.s32 $0xFFFFE000  }
0x9c: {  	_ =	swait.ge [sflag:s18], $0x2000  }
0x9d: {  	[sflag:s18] =	ssyncset.done $0x0  }
0x9e: {  	s7 =	sadd.s32 $0x2800, s23;
	[sflag:s18] =	ssyncadd.s32 $0xFFFFE000  }
0x9f: {  	[spmem:s3] =	stream.indirect.scatter.add.f32 [tilespmem:s16], [sflag:$0x3], $0x20, s7, s21, $0xb8;
	[tilespmem:$0x1F000] =	vst v63  }
0xa0: {  	s7 =	sadd.s32 $0x2900, s23  }
0xa1: {  	[spmem:s3] =	stream.indirect.scatter.add.f32 [tilespmem:s22], [sflag:$0x3], $0x20, s7, s21, $0xb8;
	[tilespmem:$0x1F000] =	vst v63  }
0xa2: {  	s7 =	sadd.s32 $0x2A00, s23  }
0xa3: {  	[spmem:s3] =	stream.indirect.scatter.add.f32 [tilespmem:s25], [sflag:$0x3], $0x20, s7, s21, $0xb8;
	[tilespmem:$0x1F000] =	vst v63  }
0xa4: {  	s7 =	sadd.s32 $0x2B00, s23  }
0xa5: {  	[spmem:s3] =	stream.indirect.scatter.add.f32 [tilespmem:s28], [sflag:$0x3], $0x20, s7, s21, $0xb8;
	[tilespmem:$0x1F000] =	vst v63  }
0xa6: {  	_ =	swait.ge [sflag:s19], $0x2000  }
0xa7: {  	[sflag:s19] =	ssyncset.done $0x0  }
0xa8: {  	[sflag:s19] =	ssyncadd.s32 $0xFFFFE000  }
0xa9: {  	_ =	swait.ge [sflag:s19], $0x2000  }
0xaa: {  	[sflag:s19] =	ssyncset.done $0x0  }
0xab: {  	[sflag:s19] =	ssyncadd.s32 $0xFFFFE000  }
0xac: {  	_ =	swait.ge [sflag:s19], $0x2000  }
0xad: {  	[sflag:s19] =	ssyncset.done $0x0  }
0xae: {  	[sflag:s19] =	ssyncadd.s32 $0xFFFFE000  }
0xaf: {  	_ =	swait.ge [sflag:s19], $0x2000  }
0xb0: {  	[sflag:s19] =	ssyncset.done $0x0  }
0xb1: {  	s7 =	sadd.s32 $0x800, s23;
	[sflag:s19] =	ssyncadd.s32 $0xFFFFE000  }
0xb2: {  	[tilespmem:s16], [sflag:$0x1] =	stream.indirect.gather [spmem:s2], $0x20, s7, s21, $0xb8;
	[tilespmem:$0x1F000] =	vst v63  }
0xb3: {  	s7 =	sadd.s32 $0x900, s23  }
0xb4: {  	[tilespmem:s22], [sflag:$0x1] =	stream.indirect.gather [spmem:s2], $0x20, s7, s21, $0xb8;
	[tilespmem:$0x1F000] =	vst v63  }
0xb5: {  	s7 =	sadd.s32 $0xA00, s23  }
0xb6: {  	[tilespmem:s25], [sflag:$0x1] =	stream.indirect.gather [spmem:s2], $0x20, s7, s21, $0xb8;
	[tilespmem:$0x1F000] =	vst v63  }
0xb7: {  	s7 =	sadd.s32 $0xB00, s23  }
0xb8: {  	[tilespmem:s28], [sflag:$0x1] =	stream.indirect.gather [spmem:s2], $0x20, s7, s21, $0xb8;
	[tilespmem:$0x1F000] =	vst v63  }
0xb9: {  	_ =	swait.ge [sflag:s1], $0x2000  }
0xba: {  	[sflag:s1] =	ssyncset.done $0x0  }
0xbb: {  	[sflag:s1] =	ssyncadd.s32 $0xFFFFE000  }
0xbc: {  	_ =	swait.ge [sflag:s1], $0x2000  }
0xbd: {  	[sflag:s1] =	ssyncset.done $0x0  }
0xbe: {  	[sflag:s1] =	ssyncadd.s32 $0xFFFFE000  }
0xbf: {  	_ =	swait.ge [sflag:s1], $0x2000  }
0xc0: {  	[sflag:s1] =	ssyncset.done $0x0  }
0xc1: {  	[sflag:s1] =	ssyncadd.s32 $0xFFFFE000  }
0xc2: {  	_ =	swait.ge [sflag:s1], $0x2000  }
0xc3: {  	[sflag:s1] =	ssyncset.done $0x0  }
0xc4: {  	s7 =	sadd.s32 $0x2C00, s23;
	[sflag:s1] =	ssyncadd.s32 $0xFFFFE000  }
0xc5: {  	[spmem:s3] =	stream.indirect.scatter.add.f32 [tilespmem:s29], [sflag:$0x4], $0x20, s7, s21, $0xb8;
	[tilespmem:$0x1F000] =	vst v63  }
0xc6: {  	s7 =	sadd.s32 $0x2D00, s23  }
0xc7: {  	[spmem:s3] =	stream.indirect.scatter.add.f32 [tilespmem:s30], [sflag:$0x4], $0x20, s7, s21, $0xb8;
	[tilespmem:$0x1F000] =	vst v63  }
0xc8: {  	s7 =	sadd.s32 $0x2E00, s23  }
0xc9: {  	[spmem:s3] =	stream.indirect.scatter.add.f32 [tilespmem:s31], [sflag:$0x4], $0x20, s7, s21, $0xb8;
	[tilespmem:$0x1F000] =	vst v63  }
0xca: {  	s7 =	sadd.s32 $0x2F00, s23  }
0xcb: {  	[spmem:s3] =	stream.indirect.scatter.add.f32 [tilespmem:s0], [sflag:$0x4], $0x20, s7, s21, $0xb8;
	[tilespmem:$0x1F000] =	vst v63  }
0xcc: {  	_ =	swait.ge [sflag:s20], $0x2000  }
0xcd: {  	[sflag:s20] =	ssyncset.done $0x0  }
0xce: {  	[sflag:s20] =	ssyncadd.s32 $0xFFFFE000  }
0xcf: {  	_ =	swait.ge [sflag:s20], $0x2000  }
0xd0: {  	[sflag:s20] =	ssyncset.done $0x0  }
0xd1: {  	[sflag:s20] =	ssyncadd.s32 $0xFFFFE000  }
.Ltmp1:
0xd2: {  	_ =	swait.ge [sflag:s20], $0x2000;
	(pc) =	sbr.rel @p0 .LBB2_4-.Ltmp1, $4  }
0xd3: {  	[sflag:s20] =	ssyncset.done $0x0  }
0xd4: {  	[sflag:s20] =	ssyncadd.s32 $0xFFFFE000  }
0xd5: {  	_ =	swait.ge [sflag:s20], $0x2000  }
0xd6: {  	s26 =	smov.u32 s5;
	s23 =	sshra.s32 s4, $0x2;
	[sflag:s20] =	ssyncset.done $0x0  }
0xd7: {  	s4 =	sadd.s32 $0x400, s23;
	[sflag:s20] =	ssyncadd.s32 $0xFFFFE000  }
0xd8: {  	[tilespmem:s29], [sflag:$0x2] =	stream.indirect.gather [spmem:s2], $0x20, s4, s21, $0xb8;
	[tilespmem:$0x1F000] =	vst v63  }
0xd9: {  	s5 =	sadd.s32 $0x500, s23  }
0xda: {  	[tilespmem:s30], [sflag:$0x2] =	stream.indirect.gather [spmem:s2], $0x20, s5, s21, $0xb8;
	[tilespmem:$0x1F000] =	vst v63  }
0xdb: {  	s7 =	sadd.s32 $0x600, s23  }
0xdc: {  	[tilespmem:s31], [sflag:$0x2] =	stream.indirect.gather [spmem:s2], $0x20, s7, s21, $0xb8;
	[tilespmem:$0x1F000] =	vst v63  }
0xdd: {  	s26 =	sadd.s32 $0x700, s23  }
0xde: {  	[tilespmem:s0], [sflag:$0x2] =	stream.indirect.gather [spmem:s2], $0x20, s26, s21, $0xb8;
	[tilespmem:$0x1F000] =	vst v63  }
0xdf: {  	_ =	swait.ge [sflag:s18], $0x2000  }
0xe0: {  	[sflag:s18] =	ssyncset.done $0x0  }
0xe1: {  	[sflag:s18] =	ssyncadd.s32 $0xFFFFE000  }
0xe2: {  	_ =	swait.ge [sflag:s18], $0x2000  }
0xe3: {  	[sflag:s18] =	ssyncset.done $0x0  }
0xe4: {  	[sflag:s18] =	ssyncadd.s32 $0xFFFFE000  }
0xe5: {  	_ =	swait.ge [sflag:s18], $0x2000  }
0xe6: {  	[sflag:s18] =	ssyncset.done $0x0  }
0xe7: {  	[sflag:s18] =	ssyncadd.s32 $0xFFFFE000  }
0xe8: {  	_ =	swait.ge [sflag:s18], $0x2000  }
0xe9: {  	[sflag:s18] =	ssyncset.done $0x0  }
0xea: {  	s5 =	sadd.s32 $0x2800, s23;
	[sflag:s18] =	ssyncadd.s32 $0xFFFFE000  }
0xeb: {  	[spmem:s3] =	stream.indirect.scatter.add.f32 [tilespmem:s16], [sflag:$0x3], $0x20, s5, s21, $0xb8;
	[tilespmem:$0x1F000] =	vst v63  }
0xec: {  	s7 =	sadd.s32 $0x2900, s23  }
0xed: {  	[spmem:s3] =	stream.indirect.scatter.add.f32 [tilespmem:s22], [sflag:$0x3], $0x20, s7, s21, $0xb8;
	[tilespmem:$0x1F000] =	vst v63  }
0xee: {  	s26 =	sadd.s32 $0x2A00, s23  }
0xef: {  	[spmem:s3] =	stream.indirect.scatter.add.f32 [tilespmem:s25], [sflag:$0x3], $0x20, s26, s21, $0xb8;
	[tilespmem:$0x1F000] =	vst v63  }
0xf0: {  	s5 =	sadd.s32 $0x2B00, s23  }
0xf1: {  	[spmem:s3] =	stream.indirect.scatter.add.f32 [tilespmem:s28], [sflag:$0x3], $0x20, s5, s21, $0xb8;
	[tilespmem:$0x1F000] =	vst v63  }
0xf2: {  	_ =	swait.ge [sflag:s19], $0x2000  }
0xf3: {  	[sflag:s19] =	ssyncset.done $0x0  }
0xf4: {  	[sflag:s19] =	ssyncadd.s32 $0xFFFFE000  }
0xf5: {  	_ =	swait.ge [sflag:s19], $0x2000  }
0xf6: {  	[sflag:s19] =	ssyncset.done $0x0  }
0xf7: {  	[sflag:s19] =	ssyncadd.s32 $0xFFFFE000  }
0xf8: {  	_ =	swait.ge [sflag:s19], $0x2000  }
0xf9: {  	[sflag:s19] =	ssyncset.done $0x0  }
0xfa: {  	[sflag:s19] =	ssyncadd.s32 $0xFFFFE000  }
0xfb: {  	_ =	swait.ge [sflag:s19], $0x2000  }
0xfc: {  	[sflag:s19] =	ssyncset.done $0x0  }
0xfd: {  	s7 =	sadd.s32 $0x800, s23;
	[sflag:s19] =	ssyncadd.s32 $0xFFFFE000  }
0xfe: {  	[tilespmem:s16], [sflag:$0x1] =	stream.indirect.gather [spmem:s2], $0x20, s7, s21, $0xb8;
	[tilespmem:$0x1F000] =	vst v63  }
0xff: {  	s26 =	sadd.s32 $0x900, s23  }
0x100: {  	[tilespmem:s22], [sflag:$0x1] =	stream.indirect.gather [spmem:s2], $0x20, s26, s21, $0xb8;
	[tilespmem:$0x1F000] =	vst v63  }
0x101: {  	s5 =	sadd.s32 $0xA00, s23  }
0x102: {  	[tilespmem:s25], [sflag:$0x1] =	stream.indirect.gather [spmem:s2], $0x20, s5, s21, $0xb8;
	[tilespmem:$0x1F000] =	vst v63  }
0x103: {  	s7 =	sadd.s32 $0xB00, s23  }
0x104: {  	[tilespmem:s28], [sflag:$0x1] =	stream.indirect.gather [spmem:s2], $0x20, s7, s21, $0xb8;
	[tilespmem:$0x1F000] =	vst v63  }
0x105: {  	_ =	swait.ge [sflag:s1], $0x2000  }
0x106: {  	[sflag:s1] =	ssyncset.done $0x0  }
0x107: {  	[sflag:s1] =	ssyncadd.s32 $0xFFFFE000  }
0x108: {  	_ =	swait.ge [sflag:s1], $0x2000  }
0x109: {  	[sflag:s1] =	ssyncset.done $0x0  }
0x10a: {  	[sflag:s1] =	ssyncadd.s32 $0xFFFFE000  }
0x10b: {  	_ =	swait.ge [sflag:s1], $0x2000  }
0x10c: {  	[sflag:s1] =	ssyncset.done $0x0  }
0x10d: {  	[sflag:s1] =	ssyncadd.s32 $0xFFFFE000  }
0x10e: {  	_ =	swait.ge [sflag:s1], $0x2000  }
0x10f: {  	[sflag:s1] =	ssyncset.done $0x0  }
0x110: {  	s26 =	sadd.s32 $0x2C00, s23;
	[sflag:s1] =	ssyncadd.s32 $0xFFFFE000  }
0x111: {  	[spmem:s3] =	stream.indirect.scatter.add.f32 [tilespmem:s29], [sflag:$0x4], $0x20, s26, s21, $0xb8;
	[tilespmem:$0x1F000] =	vst v63  }
0x112: {  	s5 =	sadd.s32 $0x2D00, s23  }
0x113: {  	[spmem:s3] =	stream.indirect.scatter.add.f32 [tilespmem:s30], [sflag:$0x4], $0x20, s5, s21, $0xb8;
	[tilespmem:$0x1F000] =	vst v63  }
0x114: {  	s7 =	sadd.s32 $0x2E00, s23  }
0x115: {  	[spmem:s3] =	stream.indirect.scatter.add.f32 [tilespmem:s31], [sflag:$0x4], $0x20, s7, s21, $0xb8;
	[tilespmem:$0x1F000] =	vst v63  }
0x116: {  	s23 =	sadd.s32 $0x2F00, s23  }
0x117: {  	[spmem:s3] =	stream.indirect.scatter.add.f32 [tilespmem:s0], [sflag:$0x4], $0x20, s23, s21, $0xb8;
	[tilespmem:$0x1F000] =	vst v63  }
0x118: {  	_ =	swait.ge [sflag:s20], $0x2000  }
0x119: {  	[sflag:s20] =	ssyncset.done $0x0  }
0x11a: {  	[sflag:s20] =	ssyncadd.s32 $0xFFFFE000  }
0x11b: {  	_ =	swait.ge [sflag:s20], $0x2000  }
0x11c: {  	[sflag:s20] =	ssyncset.done $0x0  }
0x11d: {  	[sflag:s20] =	ssyncadd.s32 $0xFFFFE000  }
0x11e: {  	_ =	swait.ge [sflag:s20], $0x2000  }
0x11f: {  	[sflag:s20] =	ssyncset.done $0x0  }
0x120: {  	[sflag:s20] =	ssyncadd.s32 $0xFFFFE000  }
0x121: {  	_ =	swait.ge [sflag:s20], $0x2000  }
0x122: {  	[sflag:s20] =	ssyncset.done $0x0  }
0x123: {  	s26 =	simm.s32 $0x2400;
	[sflag:s20] =	ssyncadd.s32 $0xFFFFE000  }
0x124: {  	[tilespmem:s29], [sflag:$0x2] =	stream.indirect.gather [spmem:s2], $0x20, s26, s21, $0xb8;
	[tilespmem:$0x1F000] =	vst v63  }
0x125: {  	s5 =	simm.s32 $0x2500  }
0x126: {  	[tilespmem:s30], [sflag:$0x2] =	stream.indirect.gather [spmem:s2], $0x20, s5, s21, $0xb8;
	[tilespmem:$0x1F000] =	vst v63  }
0x127: {  	s7 =	simm.s32 $0x2600  }
0x128: {  	[tilespmem:s31], [sflag:$0x2] =	stream.indirect.gather [spmem:s2], $0x20, s7, s21, $0xb8;
	[tilespmem:$0x1F000] =	vst v63  }
0x129: {  	s23 =	simm.s32 $0x2700  }
0x12a: {  	[tilespmem:s0], [sflag:$0x2] =	stream.indirect.gather [spmem:s2], $0x20, s23, s21, $0xb8;
	[tilespmem:$0x1F000] =	vst v63  }
0x12b: {  	_ =	swait.ge [sflag:s18], $0x2000  }
0x12c: {  	[sflag:s18] =	ssyncset.done $0x0  }
0x12d: {  	[sflag:s18] =	ssyncadd.s32 $0xFFFFE000  }
0x12e: {  	_ =	swait.ge [sflag:s18], $0x2000  }
0x12f: {  	[sflag:s18] =	ssyncset.done $0x0  }
0x130: {  	[sflag:s18] =	ssyncadd.s32 $0xFFFFE000  }
0x131: {  	_ =	swait.ge [sflag:s18], $0x2000  }
0x132: {  	[sflag:s18] =	ssyncset.done $0x0  }
0x133: {  	[sflag:s18] =	ssyncadd.s32 $0xFFFFE000  }
0x134: {  	_ =	swait.ge [sflag:s18], $0x2000  }
0x135: {  	[sflag:s18] =	ssyncset.done $0x0  }
0x136: {  	s26 =	simm.s32 $0x4800;
	[sflag:s18] =	ssyncadd.s32 $0xFFFFE000  }
0x137: {  	[spmem:s3] =	stream.indirect.scatter.add.f32 [tilespmem:s16], [sflag:$0x3], $0x20, s26, s21, $0xb8;
	[tilespmem:$0x1F000] =	vst v63  }
0x138: {  	s5 =	simm.s32 $0x4900  }
0x139: {  	[spmem:s3] =	stream.indirect.scatter.add.f32 [tilespmem:s22], [sflag:$0x3], $0x20, s5, s21, $0xb8;
	[tilespmem:$0x1F000] =	vst v63  }
0x13a: {  	s7 =	simm.s32 $0x4A00  }
0x13b: {  	[spmem:s3] =	stream.indirect.scatter.add.f32 [tilespmem:s25], [sflag:$0x3], $0x20, s7, s21, $0xb8;
	[tilespmem:$0x1F000] =	vst v63  }
0x13c: {  	s23 =	simm.s32 $0x4B00  }
0x13d: {  	[spmem:s3] =	stream.indirect.scatter.add.f32 [tilespmem:s28], [sflag:$0x3], $0x20, s23, s21, $0xb8;
	[tilespmem:$0x1F000] =	vst v63  }
0x13e: {  	_ =	swait.ge [sflag:s19], $0x2000  }
0x13f: {  	[sflag:s19] =	ssyncset.done $0x0  }
0x140: {  	[sflag:s19] =	ssyncadd.s32 $0xFFFFE000  }
0x141: {  	_ =	swait.ge [sflag:s19], $0x2000  }
0x142: {  	[sflag:s19] =	ssyncset.done $0x0  }
0x143: {  	[sflag:s19] =	ssyncadd.s32 $0xFFFFE000  }
0x144: {  	_ =	swait.ge [sflag:s19], $0x2000  }
0x145: {  	[sflag:s19] =	ssyncset.done $0x0  }
0x146: {  	[sflag:s19] =	ssyncadd.s32 $0xFFFFE000  }
0x147: {  	_ =	swait.ge [sflag:s19], $0x2000  }
0x148: {  	[sflag:s19] =	ssyncset.done $0x0  }
0x149: {  	[sflag:s19] =	ssyncadd.s32 $0xFFFFE000  }
0x14a: {  	_ =	swait.ge [sflag:s1], $0x2000  }
0x14b: {  	[sflag:s1] =	ssyncset.done $0x0  }
0x14c: {  	[sflag:s1] =	ssyncadd.s32 $0xFFFFE000  }
0x14d: {  	_ =	swait.ge [sflag:s1], $0x2000  }
0x14e: {  	[sflag:s1] =	ssyncset.done $0x0  }
0x14f: {  	[sflag:s1] =	ssyncadd.s32 $0xFFFFE000  }
0x150: {  	_ =	swait.ge [sflag:s1], $0x2000  }
0x151: {  	[sflag:s1] =	ssyncset.done $0x0  }
0x152: {  	[sflag:s1] =	ssyncadd.s32 $0xFFFFE000  }
0x153: {  	_ =	swait.ge [sflag:s1], $0x2000  }
0x154: {  	[sflag:s1] =	ssyncset.done $0x0  }
0x155: {  	s26 =	simm.s32 $0x4C00;
	[sflag:s1] =	ssyncadd.s32 $0xFFFFE000  }
0x156: {  	[spmem:s3] =	stream.indirect.scatter.add.f32 [tilespmem:s29], [sflag:$0x4], $0x20, s26, s21, $0xb8;
	[tilespmem:$0x1F000] =	vst v63  }
0x157: {  	s5 =	simm.s32 $0x4D00  }
0x158: {  	[spmem:s3] =	stream.indirect.scatter.add.f32 [tilespmem:s30], [sflag:$0x4], $0x20, s5, s21, $0xb8;
	[tilespmem:$0x1F000] =	vst v63  }
0x159: {  	s7 =	simm.s32 $0x4E00  }
0x15a: {  	[spmem:s3] =	stream.indirect.scatter.add.f32 [tilespmem:s31], [sflag:$0x4], $0x20, s7, s21, $0xb8;
	[tilespmem:$0x1F000] =	vst v63  }
0x15b: {  	s23 =	simm.s32 $0x4F00  }
0x15c: {  	[spmem:s3] =	stream.indirect.scatter.add.f32 [tilespmem:s0], [sflag:$0x4], $0x20, s23, s21, $0xb8;
	[tilespmem:$0x1F000] =	vst v63  }
0x15d: {  	_ =	swait.ge [sflag:s20], $0x2000  }
0x15e: {  	[sflag:s20] =	ssyncset.done $0x0  }
0x15f: {  	[sflag:s20] =	ssyncadd.s32 $0xFFFFE000  }
0x160: {  	_ =	swait.ge [sflag:s20], $0x2000  }
0x161: {  	[sflag:s20] =	ssyncset.done $0x0  }
0x162: {  	[sflag:s20] =	ssyncadd.s32 $0xFFFFE000  }
0x163: {  	_ =	swait.ge [sflag:s20], $0x2000  }
0x164: {  	[sflag:s20] =	ssyncset.done $0x0  }
0x165: {  	[sflag:s20] =	ssyncadd.s32 $0xFFFFE000  }
0x166: {  	_ =	swait.ge [sflag:s20], $0x2000  }
0x167: {  	s15 =	sadd.s32 $0x1, s15;
	[sflag:s20] =	ssyncset.done $0x0  }
0x168: {  	p0 =	sne.s32 s15, s13;
	s26 =	sor.u32 $0x1C05, s6;
	[sflag:s20] =	ssyncadd.s32 $0xFFFFE000  }
.Ltmp2:
0x169: {  	s5 =	sshrl.u32 s10, $0x3;
	[bflag:$0x0] =	sbarrier.arrive $0xFFFF;
	(pc) =	sbr.rel @p0 .LBB2_1-.Ltmp2, $4  }
0x16a: {  	[hbm:s24], [sflag:s26] =	dma.local [spmem:s5], $0xA00  }
0x16b: {  	_ =	swait.ge [sflag:s17], $0xA00  }
0x16c: {  	[sflag:s17] =	ssyncset.done $0x0  }
0x16d: {  	[sflag:s17] =	ssyncadd.s32 $0xFFFFF600  }
0x16e: {  	_ =	sfence.sel $0x180000  }
0x16f: {  	[bflag:$0x0] =	sbarrier.arrive $0xFFFF  }
0x170: {  	_ =	strace $0x9000004D  }
0x171: {  	s0 =	stileid.u32;
	[bflag:$0x2] =	sbarrier.arrive $0xFFFF  }
0x172: {  	p0 =	sne.s32 s0, $0x0;
	s0 =	rddreg [dreg:$0x3]  }
0x173: {  	s0 =	sadd.s32 @!p0 $0x100000, s0  }
0x174: {  	[sflag:s0] =	ssyncadd.tile.s32 @!p0 $0x1;
	_ =	shalt  }
.Lfunc_end2:
_tile_overlayer_lowered:
.L_overlay_start_2:
0x175: {  	(tag) =	ssettag $0x2  }
0x176: {  	s0 =	rddreg [dreg:$0x0];
	s2 =	stileid.u32  }
0x177: {  	s1 =	rddreg [dreg:$0x1];
	p0 =	sne.s32 s2, $0x0  }
0x178: {  	s3 =	rddreg [dreg:$0x2];
	[bflag:$0x3] =	sbarrier.arrive $0xFFFF;
	s2 =	simm.s32 @!p0 $0x1C05  }
0x179: {  	[timem:s3], [sflag:s2] =	dma.local @!p0 [hbm:s0], s1  }
0x17a: {  	s0 =	simm.s32 @!p0 $0x5  }
0x17b: {  	_ =	swait.ge @!p0 [sflag:s0], s1  }
0x17c: {  	s1 =	ssub.s32 @!p0 $0x0, s1;
	[sflag:s0] =	ssyncset.done @!p0 $0x0  }
0x17d: {  	[sflag:s0] =	ssyncadd.s32 @!p0 s1  }
0x17e: {  	[bflag:$0x3] =	sbarrier.arrive $0xFFFF  }
0x17f: {  	_ =	shalt  }

// kernel: kernel.8.cloned.1.call-start
scs
__scs_entry_jumppad:
0x0: {  	(pc) =	sbr.rel $0x88, $3  }
0x1: {  	(tag) =	ssettag $0x0;
	lr =	simm.s32 $0x1  }
0x2: {  	[smem:$0x3F98] =	sst lr;
	_ =	strace $0xD0000000  }
0x3: {  	_ = 	snop  }
0x4: {  	_ = 	snop  }
0x5: {  	_ = 	snop  }
0x6: {  	_ = 	snop  }
0x7: {  	_ = 	snop  }
__scs_overlays_trampoline_lowered:
0x8: {  	[smem:$0x3FA7] =	sst s0  }
0x9: {  	[smem:$0x3FA8] =	sst s1  }
0xa: {  	[smem:$0x3FA9] =	sst s2  }
0xb: {  	[smem:$0x3FAA] =	sst s3  }
0xc: {  	[smem:$0x3FAB] =	sst s4  }
0xd: {  	[smem:$0x3FAC] =	sst s5  }
0xe: {  	[smem:$0x3FAD] =	sst s6  }
0xf: {  	[smem:$0x3FAE] =	sst s7  }
0x10: {  	[smem:$0x3FAF] =	sst s8  }
0x11: {  	[smem:$0x3FB0] =	sst s9;
	s0 =	simm.s32 @!p0 $0x0  }
0x12: {  	s1 =	sld [smem:$0x3F96];
	s0 =	simm.s32 @p0 $0x1  }
0x13: {  	[smem:$0x3FB1] =	sst s0;
	s0 =	simm.s32 @!p1 $0x0  }
0x14: {  	s2 =	sld [smem:$0x3F95];
	s0 =	simm.s32 @p1 $0x1  }
0x15: {  	[smem:$0x3FB2] =	sst s0;
	s0 =	simm.s32 @!p2 $0x0  }
0x16: {  	s3 =	sld [smem:$0x3FDB];
	s0 =	simm.s32 @p2 $0x1  }
0x17: {  	s4 =	simm.s32 $0x1BF5;
	[smem:$0x3FB4] =	sst s0  }
0x18: {  	s0 =	sld [smem:$0x3F97];
	_ =	swait.ge [sflag:s4], $0x0  }
0x19: {  	s7 =	sld [smem:$0x3F98]  }
0x1a: {  	s8 =	sadd.s32 $0xFFFFE003, lr  }
0x1b: {  	s9 =	sadd.s32 $0xFFFFFEF7, lr;
	s5 =	simm.s32 $0xFFFFFFFF;
	p2 =	slt.u32 s8, $0xFFFFF086  }
0x1c: {  	p1 =	slt.u32 s9, $0xF7A;
	s5 =	simm.s32 @!p2 $0x0  }
0x1d: {  	s5 =	simm.s32 @p1 $0x1;
	p0 =	seq.s32 s7, s2  }
0x1e: {  	s7 =	smul.u32 @!p0 $0xF7A, s2;
	p2 =	seq.s32 @!p0 s5, $0x0  }
0x1f: {  	s9 =	smul.u32 $0xF7A, s1;
	s8 =	simm.s32 @!p0 $0x1BF5;
	p2 =	por !p2, p0  }
0x20: {  	[sflag:s8] =	ssyncset.s32 @!p0 $0xFFFFF086;
	s6 =	sadd.s32 @!p0 s3, s7;
	s7 =	simm.s32 @!p0 $0x108  }
0x21: {  	s3 =	sadd.s32 s3, s9;
	s6 =	sadd.s32 @!p0 $0x88, s6;
	s7 =	simm.s32 @p2 $0x1082  }
0x22: {  	[simem:s7], [sflag:s8] =	dma.local @!p0 [hbm:s6], $0xF7A  }
0x23: {  	s9 =	sor.u32 $0xD0000000, s2;
	s6 =	simm.s32 $0x108;
	_ =	swait.ge @!p0 [sflag:s8], $0x0  }
0x24: {  	s3 =	sadd.s32 $0x88, s3;
	s6 =	simm.s32 @!p1 $0x1082;
	[sflag:s4] =	ssyncset.s32 $0xFFFFF086  }
0x25: {  	[simem:s6], [sflag:s4] =	dma.local [hbm:s3], $0xF7A  }
0x26: {  	[smem:$0x3F98] =	sst s1;
	(tag) =	ssettag s2;
	_ =	strace s9  }
0x27: {  	s1 =	sld [smem:$0x3FA8]  }
0x28: {  	s2 =	sld [smem:$0x3FA9]  }
0x29: {  	s4 =	sld [smem:$0x3FAB]  }
0x2a: {  	p0 =	seq.s32 s5, $0x0;
	s5 =	sld [smem:$0x3FAC]  }
0x2b: {  	s6 =	sld [smem:$0x3FAD]  }
0x2c: {  	s7 =	sld [smem:$0x3FAE]  }
0x2d: {  	s3 =	simm.s32 $0x108;
	s8 =	sld [smem:$0x3FAF]  }
0x2e: {  	s3 =	simm.s32 @!p0 $0x1082;
	s9 =	sld [smem:$0x3FB0]  }
0x2f: {  	lr =	sadd.s32 s0, s3;
	s0 =	sld [smem:$0x3FA7]  }
0x30: {  	s3 =	sld [smem:$0x3FAA]  }
0x31: {  	[smem:$0x3FB3] =	sst s10  }
0x32: {  	s10 =	sld [smem:$0x3FB1];
	_ =	sdelay $0x3  }
0x33: {  	p0 =	seq.s32 s10, $0x1;
	s10 =	sld [smem:$0x3FB3];
	_ =	sdelay $0x3  }
0x34: {  	[smem:$0x3FB3] =	sst s10  }
0x35: {  	s10 =	sld [smem:$0x3FB2];
	_ =	sdelay $0x3  }
0x36: {  	p1 =	seq.s32 s10, $0x1;
	s10 =	sld [smem:$0x3FB3];
	_ =	sdelay $0x3  }
0x37: {  	[smem:$0x3FB3] =	sst s10  }
0x38: {  	s10 =	sld [smem:$0x3FB4]  }
0x39: {  	_ = 	snop;
	(pc) =	sbr.ind lr, $3  }
0x3a: {  	_ = 	snop  }
0x3b: {  	_ = 	snop  }
0x3c: {  	p2 =	seq.s32 s10, $0x1;
	s10 =	sld [smem:$0x3FB3]  }
0x3d: {  	_ =	shalt  }
0x3e: {  	_ =	shalt  }
0x3f: {  	_ =	shalt  }
0x40: {  	_ =	shalt  }
0x41: {  	_ =	shalt  }
0x42: {  	_ =	shalt  }
0x43: {  	_ =	shalt  }
0x44: {  	_ =	shalt  }
0x45: {  	_ =	shalt  }
0x46: {  	_ =	shalt  }
0x47: {  	_ =	shalt  }
0x48: {  	_ =	shalt  }
0x49: {  	_ =	shalt  }
0x4a: {  	_ =	shalt  }
0x4b: {  	_ =	shalt  }
0x4c: {  	_ =	shalt  }
0x4d: {  	_ =	shalt  }
0x4e: {  	_ =	shalt  }
0x4f: {  	_ =	shalt  }
0x50: {  	_ =	shalt  }
0x51: {  	_ =	shalt  }
0x52: {  	_ =	shalt  }
0x53: {  	_ =	shalt  }
0x54: {  	_ =	shalt  }
0x55: {  	_ =	shalt  }
0x56: {  	_ =	shalt  }
0x57: {  	_ =	shalt  }
0x58: {  	_ =	shalt  }
0x59: {  	_ =	shalt  }
0x5a: {  	_ =	shalt  }
0x5b: {  	_ =	shalt  }
0x5c: {  	_ =	shalt  }
0x5d: {  	_ =	shalt  }
0x5e: {  	_ =	shalt  }
0x5f: {  	_ =	shalt  }
0x60: {  	_ =	shalt  }
0x61: {  	_ =	shalt  }
0x62: {  	_ =	shalt  }
0x63: {  	_ =	shalt  }
0x64: {  	_ =	shalt  }
0x65: {  	_ =	shalt  }
0x66: {  	_ =	shalt  }
0x67: {  	_ =	shalt  }
0x68: {  	_ =	shalt  }
0x69: {  	_ =	shalt  }
0x6a: {  	_ =	shalt  }
0x6b: {  	_ =	shalt  }
0x6c: {  	_ =	shalt  }
0x6d: {  	_ =	shalt  }
0x6e: {  	_ =	shalt  }
0x6f: {  	_ =	shalt  }
0x70: {  	_ =	shalt  }
0x71: {  	_ =	shalt  }
0x72: {  	_ =	shalt  }
0x73: {  	_ =	shalt  }
0x74: {  	_ =	shalt  }
0x75: {  	_ =	shalt  }
0x76: {  	_ =	shalt  }
0x77: {  	_ =	shalt  }
0x78: {  	_ =	shalt  }
0x79: {  	_ =	shalt  }
0x7a: {  	_ =	shalt  }
0x7b: {  	_ =	shalt  }
0x7c: {  	_ =	shalt  }
0x7d: {  	_ =	shalt  }
0x7e: {  	_ =	shalt  }
0x7f: {  	_ =	shalt  }
0x80: {  	_ =	shalt  }
0x81: {  	_ =	shalt  }
0x82: {  	_ =	shalt  }
0x83: {  	_ =	shalt  }
0x84: {  	_ =	shalt  }
0x85: {  	_ =	shalt  }
0x86: {  	_ =	shalt  }
0x87: {  	_ =	shalt  }
.Lfunc_end0:
.L_simem_size_0:
called_computation_lowered:
.L_overlay_start_0:
0x88: {  	s2 =	sld [smem:$0x3FD9]  }
0x89: {  	s3 =	sld [smem:$0x3FFE];
	_ =	sdelay $0x1  }
0x8a: {  	s1 =	srdreg.scid  }
0x8b: {  	s0 =	sand.u32 $0x1, s1  }
0x8c: {  	s16 =	sshll.u32 s0, $0xA;
	s2 =	sadd.s32 s3, s2  }
0x8d: {  	s2 =	sadd.s32 s2, s16  }
0x8e: {  	[smem:$0x3FBF] =	sst s2  }
0x8f: {  	_ = 	snop  }
0x90: {  	(tm) =	ssettm $0x1  }
0x91: {  	s17 =	sld [smem:$0x3FFB];
	_ =	sdelay $0x3  }
0x92: {  	_ =	strace s17  }
0x93: {  	s2 =	sld [smem:$0x3FFC];
	_ =	sdelay $0x3  }
0x94: {  	_ =	strace s2  }
0x95: {  	s2 =	sld [smem:$0x3FFD];
	_ =	sdelay $0x3  }
0x96: {  	_ =	strace s2  }
0x97: {  	_ =	strace $0x8FFFFFFF  }
0x98: {  	s18 =	sld [smem:$0x3FDB];
	_ =	sdelay $0x1  }
0x99: {  	s19 =	simm.s32 $_scs_section_size  }
0x9a: {  	s4 =	simm.s32 $_size__tile_overlayer_lowered;
	s5 =	simm.s32 $_tile_overlayer_lowered  }
0x9b: {  	s22 =	simm.s32 $0x1BFF;
	s21 =	sshll.u32 s5, $0x1;
	s2 =	sadd.s32 s19, s18  }
0x9c: {  	s6 =	simm.s32 $0x0;
	s20 =	sshll.u32 s4, $0x1;
	s4 =	sadd.s32 s21, s2  }
0x9d: {  	[timem:s6], [sflag:s22] =	dma.local [hbm:s4], s20  }
0x9e: {  	_ =	swait.ge [sflag:s22], s20  }
0x9f: {  	s3 =	ssub.s32 $0x0, s20;
	[sflag:s22] =	ssyncset.done $0x0  }
0xa0: {  	[sflag:s22] =	ssyncadd.s32 s3;
	_ =	sdelay $0x1  }
0xa1: {  	s23 =	simm.s32 $0x1B8B  }
0xa2: {  	_ =	swait.ge [sflag:s23], $0x1  }
0xa3: {  	[sflag:s23] =	ssyncset.done $0x0  }
0xa4: {  	s25 =	simm.s32 $0x1B8E;
	s24 =	sld [smem:$0x3FFE];
	[sflag:s23] =	ssyncadd.s32 $0xFFFFFFFF  }
0xa5: {  	s26 =	simm.s32 $execute0_lowered;
	[smem:$0x3FD2] =	sst s25  }
0xa6: {  	s4 =	sshll.u32 s26, $0x1;
	_ =	strace $0x80000046;
	[dreg:$0x1] =	wrdreg $0xFFFFFFFF  }
0xa7: {  	s28 =	simm.s32 $_size_execute0_lowered;
	s2 =	sadd.s32 s2, s4;
	[dreg:$0x0] =	wrdreg $0x0  }
0xa8: {  	s4 =	sshll.u32 s28, $0x1;
	[dreg:$0x2] =	wrdreg s2  }
0xa9: {  	[dreg:$0x3] =	wrdreg s4  }
0xaa: {  	[dreg:$0x4] =	wrdreg $0xC0  }
0xab: {  	_ =	task [dreg:s6], $0x5FFFF  }
0xac: {  	[dreg:$0x1] =	wrdreg $0xFFFFFFFF  }
0xad: {  	[dreg:$0x0] =	wrdreg $0x60  }
0xae: {  	[dreg:$0x2] =	wrdreg s24  }
0xaf: {  	[dreg:$0x3] =	wrdreg $0x2B800  }
0xb0: {  	[dreg:$0x4] =	wrdreg $0x9  }
0xb1: {  	_ =	task.clear_ibuf [dreg:s6], $0x5FFFF;
	_ =	strace $0x90000046  }
0xb2: {  	s29 =	simm.s32 $0x9;
	_ =	strace $0x80000048  }
0xb3: {  	_ =	swait.ge [sflag:s29], $0x1  }
0xb4: {  	[sflag:s29] =	ssyncadd.s32 $0xFFFFFFFF  }
0xb5: {  	_ =	strace $0x90000048  }
0xb6: {  	_ =	sfence  }
0xb7: {  	s30 =	sld [smem:$0x0];
	_ =	sdelay $0x2  }
0xb8: {  	s31 =	sshll.u32 s1, $0xD;
	s1 =	sshrl.u32 s1, $0x2  }
0xb9: {  	s3 =	sand.u32 $0x4000, s31;
	s1 =	sadd.s32 s1, s30  }
0xba: {  	s0 =	sor.u32 s3, s0;
	s1 =	sshll.u32 s1, $0x11  }
0xbb: {  	s0 =	sor.u32 s1, s0  }
0xbc: {  	s0 =	sadd.s32 $0x8F2B, s0  }
0xbd: {  	[sflag:s0] =	ssyncadd.remote.s32 $0x1  }
0xbe: {  	_ =	sfence.sel $0xFFFF  }
0xbf: {  	[dreg:$0x0] =	wrdreg $0xFFFFFFFF;
	(pc) =	sbr.abs _section_cstart, $3  }
0xc0: {  	[dreg:$0x1] =	wrdreg $0xFFFFFFFF  }
0xc1: {  	_ =	task.clear_ibuf [dreg:s6], $0x2FFFF;
	_ =	strace $0x9FFFFFFF  }
0xc2: {  	(tm) =	ssettm $0x7FFFFFFF  }
0xc3: {  	_ =	shalt  }
tec
execute0_lowered:
.L_overlay_start_1:
0x0: {  	(tag) =	ssettag $0x1  }
0x1: {  	s1 =	srdreg.scid;
	s5 =	rddreg [dreg:$0x0]  }
0x2: {  	s0 =	stileid.u32;
	s2 =	rddreg [dreg:$0x1]  }
0x3: {  	s3 =	simm.s32 $0x0;
	s4 =	sand.u32 $0x1, s1;
	s7 =	sshll.u32 s0, $0x1  }
0x4: {  	[smem:$0x7FF] =	sst s3;
	s1 =	sor.u32 s4, s7  }
0x5: {  	s8 =	simm.s32 $0x2900;
	s6 =	smul.u32 $0x500, s1;
	s1 =	rddreg [dreg:$0x2]  }
0x6: {  	s9 =	simm.s32 $0x200;
	_ =	strace $0x80000047;
	[dreg:$0x4] =	wrdreg s8  }
0x7: {  	s10 =	simm.s32 $0x300;
	[dreg:$0x5] =	wrdreg s9  }
0x8: {  	s11 =	simm.s32 $0x400;
	[dreg:$0x6] =	wrdreg s10  }
0x9: {  	s12 =	simm.s32 $0x500;
	[dreg:$0x7] =	wrdreg s11  }
0xa: {  	s13 =	simm.s32 $0x600;
	[dreg:$0x8] =	wrdreg s12  }
0xb: {  	s14 =	simm.s32 $0x700;
	[dreg:$0x9] =	wrdreg s13  }
0xc: {  	s15 =	simm.s32 $0x800;
	[dreg:$0xa] =	wrdreg s14  }
0xd: {  	s16 =	simm.s32 $0x900;
	[dreg:$0xb] =	wrdreg s15  }
0xe: {  	s17 =	simm.s32 $0xA00;
	[dreg:$0xc] =	wrdreg s16  }
0xf: {  	s18 =	simm.s32 $0xB00;
	[dreg:$0xd] =	wrdreg s17  }
0x10: {  	s19 =	simm.s32 $0xC00;
	[dreg:$0xe] =	wrdreg s18  }
0x11: {  	s20 =	simm.s32 $0xD00;
	[dreg:$0xf] =	wrdreg s19  }
0x12: {  	s22 =	simm.s32 $0xE00;
	[dreg:$0x10] =	wrdreg s20  }
0x13: {  	s23 =	simm.s32 $0xF00;
	[dreg:$0x11] =	wrdreg s22  }
0x14: {  	s24 =	simm.s32 $0x1000;
	[dreg:$0x12] =	wrdreg s23  }
0x15: {  	s25 =	simm.s32 $0x1100;
	s26 =	simm.s32 $0x1200;
	[dreg:$0x13] =	wrdreg s24  }
0x16: {  	s29 =	simm.s32 $0x1300;
	s30 =	simm.s32 $0x1400;
	[dreg:$0x14] =	wrdreg s25  }
0x17: {  	s31 =	simm.s32 $0x1500;
	s28 =	simm.s32 $0x2700;
	[dreg:$0x15] =	wrdreg s26  }
0x18: {  	s7 =	smul.u32 $0x500, s4;
	s4 =	ssub.s32 $0x2, s4;
	[dreg:$0x16] =	wrdreg s29  }
0x19: {  	s21 =	sshrl.u32 s4, $0x1;
	s8 =	smul.u32 $0x280, s0;
	[dreg:$0x17] =	wrdreg s30  }
0x1a: {  	[dreg:$0x18] =	wrdreg s31;
	s10 =	simm.s32 $0x1600;
	s9 =	simm.s32 $0x2800  }
0x1b: {  	s11 =	simm.s32 $0x1800;
	s12 =	simm.s32 $0x1900;
	s13 =	simm.s32 $0x1A00  }
0x1c: {  	s14 =	simm.s32 $0x1B00;
	s15 =	simm.s32 $0x1C00;
	s16 =	simm.s32 $0x1D00  }
0x1d: {  	s17 =	simm.s32 $0x1E00;
	s18 =	simm.s32 $0x1F00;
	s19 =	simm.s32 $0x2000  }
0x1e: {  	s20 =	simm.s32 $0x2100;
	s22 =	simm.s32 $0x2300;
	s23 =	simm.s32 $0x2400  }
0x1f: {  	s26 =	simm.s32 $0x2600;
	[dreg:$0x19] =	wrdreg s10;
	s10 =	simm.s32 $0x1700  }
0x20: {  	s6 =	sadd.s32 s6, s5;
	s5 =	sadd.s32 s7, s5;
	s7 =	ssub.s32 s4, s21  }
0x21: {  	s4 =	sadd.s32 s8, s2;
	s25 =	sshrl.u32 s8, $0x3;
	s8 =	simm.s32 $0x100  }
0x22: {  	s21 =	simm.s32 $0x2200;
	s6 =	sadd.s32 $0x1C00, s6;
	s24 =	sadd.s32 $0xBC00, s5  }
0x23: {  	s5 =	smax.u32 s7, $0x1;
	s7 =	simm.s32 $0x1;
	[dreg:$0x3] =	wrdreg s6  }
0x24: {  	v0 =	vimm.f32 $0.0e+00;
	v1 =	vimm.f32 $1.000000000e+00;
	s6 =	simm.s32 $0x2;
	s24 =	sadd.s32 s25, s24;
	s25 =	simm.s32 $0x2500  }
.LBB2_1:
0x25: {  	s29 =	rddreg [dreg:$0x3]  }
0x26: {  	[tilespmem:s3], [sflag:$0x1] =	stream.linear.gather [hbm4b:s29+s3], $0x2800, $0x38;
	[tilespmem:$0x2E00] =	vst v63  }
0x27: {  	[tilespmem:$0x2900] =	vst v0  }
0x28: {  	[tilespmem:$0x2910] =	vst v0  }
0x29: {  	[tilespmem:$0x2920] =	vst v0  }
0x2a: {  	[tilespmem:$0x2930] =	vst v0  }
0x2b: {  	[tilespmem:$0x2940] =	vst v0  }
0x2c: {  	[tilespmem:$0x2950] =	vst v0  }
0x2d: {  	[tilespmem:$0x2960] =	vst v0  }
0x2e: {  	[tilespmem:$0x2970] =	vst v0  }
0x2f: {  	[tilespmem:$0x2980] =	vst v0  }
0x30: {  	[tilespmem:$0x2990] =	vst v0  }
0x31: {  	[tilespmem:$0x29A0] =	vst v0  }
0x32: {  	[tilespmem:$0x29B0] =	vst v0  }
0x33: {  	[tilespmem:$0x29C0] =	vst v0  }
0x34: {  	[tilespmem:$0x29D0] =	vst v0  }
0x35: {  	[tilespmem:$0x29E0] =	vst v0  }
0x36: {  	[tilespmem:$0x29F0] =	vst v0  }
0x37: {  	[tilespmem:$0x2A00] =	vst v0  }
0x38: {  	[tilespmem:$0x2A10] =	vst v0  }
0x39: {  	[tilespmem:$0x2A20] =	vst v0  }
0x3a: {  	[tilespmem:$0x2A30] =	vst v0  }
0x3b: {  	[tilespmem:$0x2A40] =	vst v0  }
0x3c: {  	[tilespmem:$0x2A50] =	vst v0  }
0x3d: {  	[tilespmem:$0x2A60] =	vst v0  }
0x3e: {  	[tilespmem:$0x2A70] =	vst v0  }
0x3f: {  	[tilespmem:$0x2A80] =	vst v0  }
0x40: {  	[tilespmem:$0x2A90] =	vst v0  }
0x41: {  	[tilespmem:$0x2AA0] =	vst v0  }
0x42: {  	[tilespmem:$0x2AB0] =	vst v0  }
0x43: {  	[tilespmem:$0x2AC0] =	vst v0  }
0x44: {  	[tilespmem:$0x2AD0] =	vst v0  }
0x45: {  	[tilespmem:$0x2AE0] =	vst v0  }
0x46: {  	[tilespmem:$0x2AF0] =	vst v0  }
0x47: {  	[tilespmem:$0x2B00] =	vst v0  }
0x48: {  	[tilespmem:$0x2B10] =	vst v0  }
0x49: {  	[tilespmem:$0x2B20] =	vst v0  }
0x4a: {  	[tilespmem:$0x2B30] =	vst v0  }
0x4b: {  	[tilespmem:$0x2B40] =	vst v0  }
0x4c: {  	[tilespmem:$0x2B50] =	vst v0  }
0x4d: {  	[tilespmem:$0x2B60] =	vst v0  }
0x4e: {  	[tilespmem:$0x2B70] =	vst v0  }
0x4f: {  	[tilespmem:$0x2800] =	vst v1  }
0x50: {  	[tilespmem:$0x2810] =	vst v1  }
0x51: {  	[tilespmem:$0x2820] =	vst v1  }
0x52: {  	[tilespmem:$0x2830] =	vst v1  }
0x53: {  	[tilespmem:$0x2840] =	vst v1  }
0x54: {  	[tilespmem:$0x2850] =	vst v1  }
0x55: {  	[tilespmem:$0x2860] =	vst v1  }
0x56: {  	[tilespmem:$0x2870] =	vst v1  }
0x57: {  	[tilespmem:$0x2880] =	vst v1  }
0x58: {  	[tilespmem:$0x2890] =	vst v1  }
0x59: {  	[tilespmem:$0x28A0] =	vst v1  }
0x5a: {  	[tilespmem:$0x28B0] =	vst v1  }
0x5b: {  	[tilespmem:$0x28C0] =	vst v1  }
0x5c: {  	[tilespmem:$0x28D0] =	vst v1  }
0x5d: {  	[tilespmem:$0x28E0] =	vst v1  }
0x5e: {  	s30 =	rddreg [dreg:$0x4];
	[tilespmem:$0x28F0] =	vst v1  }
0x5f: {  	[spmem:s4] =	stream.linear.scatter [tilespmem:s30], [sflag:$0x2], $0x280, $0x38;
	[tilespmem:$0x2E00] =	vst v63  }
0x60: {  	_ =	swait.ge [sflag:s6], $0x280  }
0x61: {  	[sflag:s6] =	ssyncset.done $0x0  }
0x62: {  	[sflag:s6] =	ssyncadd.s32 $0xFFFFFD80  }
0x63: {  	_ =	swait.ge [sflag:s7], $0x2800  }
0x64: {  	[sflag:s7] =	ssyncset.done $0x0  }
0x65: {  	[sflag:s7] =	ssyncadd.s32 $0xFFFFD800  }
0x66: {  	[bflag:$0x0] =	sbarrier.arrive $0xFFFF  }
0x67: {  	[spmem:s2] =	stream.indirect.scatter.add.f32 [tilespmem:s9], [sflag:$0x1], $0x1, s3, s8, $0xb8;
	[tilespmem:$0x2E00] =	vst v63  }
0x68: {  	_ = 	snop  }
0x69: {  	[spmem:s2] =	stream.indirect.scatter.add.f32 [tilespmem:s9], [sflag:$0x1], $0x1, s8, s8, $0xb8;
	[tilespmem:$0x2E00] =	vst v63  }
0x6a: {  	s31 =	rddreg [dreg:$0x5]  }
0x6b: {  	[spmem:s2] =	stream.indirect.scatter.add.f32 [tilespmem:s9], [sflag:$0x1], $0x1, s31, s8, $0xb8;
	[tilespmem:$0x2E00] =	vst v63  }
0x6c: {  	s30 =	rddreg [dreg:$0x6]  }
0x6d: {  	[spmem:s2] =	stream.indirect.scatter.add.f32 [tilespmem:s9], [sflag:$0x1], $0x1, s30, s8, $0xb8;
	[tilespmem:$0x2E00] =	vst v63  }
0x6e: {  	s29 =	rddreg [dreg:$0x7]  }
0x6f: {  	[spmem:s2] =	stream.indirect.scatter.add.f32 [tilespmem:s9], [sflag:$0x1], $0x1, s29, s8, $0xb8;
	[tilespmem:$0x2E00] =	vst v63  }
0x70: {  	s31 =	rddreg [dreg:$0x8]  }
0x71: {  	[spmem:s2] =	stream.indirect.scatter.add.f32 [tilespmem:s9], [sflag:$0x1], $0x1, s31, s8, $0xb8;
	[tilespmem:$0x2E00] =	vst v63  }
0x72: {  	s29 =	rddreg [dreg:$0x9]  }
0x73: {  	[spmem:s2] =	stream.indirect.scatter.add.f32 [tilespmem:s9], [sflag:$0x1], $0x1, s29, s8, $0xb8;
	[tilespmem:$0x2E00] =	vst v63  }
0x74: {  	s31 =	rddreg [dreg:$0xa]  }
0x75: {  	[spmem:s2] =	stream.indirect.scatter.add.f32 [tilespmem:s9], [sflag:$0x1], $0x1, s31, s8, $0xb8;
	[tilespmem:$0x2E00] =	vst v63  }
0x76: {  	_ =	swait.ge [sflag:s7], $0x100  }
0x77: {  	[sflag:s7] =	ssyncset.done $0x0  }
0x78: {  	[sflag:s7] =	ssyncadd.s32 $0xFFFFFF00  }
0x79: {  	_ =	swait.ge [sflag:s7], $0x100  }
0x7a: {  	[sflag:s7] =	ssyncset.done $0x0  }
0x7b: {  	[sflag:s7] =	ssyncadd.s32 $0xFFFFFF00  }
0x7c: {  	_ =	swait.ge [sflag:s7], $0x100  }
0x7d: {  	[sflag:s7] =	ssyncset.done $0x0  }
0x7e: {  	[sflag:s7] =	ssyncadd.s32 $0xFFFFFF00  }
0x7f: {  	_ =	swait.ge [sflag:s7], $0x100  }
0x80: {  	[sflag:s7] =	ssyncset.done $0x0  }
0x81: {  	[sflag:s7] =	ssyncadd.s32 $0xFFFFFF00  }
0x82: {  	_ =	swait.ge [sflag:s7], $0x100  }
0x83: {  	[sflag:s7] =	ssyncset.done $0x0  }
0x84: {  	[sflag:s7] =	ssyncadd.s32 $0xFFFFFF00  }
0x85: {  	_ =	swait.ge [sflag:s7], $0x100  }
0x86: {  	[sflag:s7] =	ssyncset.done $0x0  }
0x87: {  	[sflag:s7] =	ssyncadd.s32 $0xFFFFFF00  }
0x88: {  	_ =	swait.ge [sflag:s7], $0x100  }
0x89: {  	[sflag:s7] =	ssyncset.done $0x0  }
0x8a: {  	[sflag:s7] =	ssyncadd.s32 $0xFFFFFF00  }
0x8b: {  	_ =	swait.ge [sflag:s7], $0x100  }
0x8c: {  	[sflag:s7] =	ssyncset.done $0x0  }
0x8d: {  	s29 =	rddreg [dreg:$0xb];
	[sflag:s7] =	ssyncadd.s32 $0xFFFFFF00  }
0x8e: {  	[spmem:s2] =	stream.indirect.scatter.add.f32 [tilespmem:s9], [sflag:$0x1], $0x1, s29, s8, $0xb8;
	[tilespmem:$0x2E00] =	vst v63  }
0x8f: {  	s31 =	rddreg [dreg:$0xc]  }
0x90: {  	[spmem:s2] =	stream.indirect.scatter.add.f32 [tilespmem:s9], [sflag:$0x1], $0x1, s31, s8, $0xb8;
	[tilespmem:$0x2E00] =	vst v63  }
0x91: {  	s29 =	rddreg [dreg:$0xd]  }
0x92: {  	[spmem:s2] =	stream.indirect.scatter.add.f32 [tilespmem:s9], [sflag:$0x1], $0x1, s29, s8, $0xb8;
	[tilespmem:$0x2E00] =	vst v63  }
0x93: {  	s31 =	rddreg [dreg:$0xe]  }
0x94: {  	[spmem:s2] =	stream.indirect.scatter.add.f32 [tilespmem:s9], [sflag:$0x1], $0x1, s31, s8, $0xb8;
	[tilespmem:$0x2E00] =	vst v63  }
0x95: {  	s29 =	rddreg [dreg:$0xf]  }
0x96: {  	[spmem:s2] =	stream.indirect.scatter.add.f32 [tilespmem:s9], [sflag:$0x1], $0x1, s29, s8, $0xb8;
	[tilespmem:$0x2E00] =	vst v63  }
0x97: {  	s31 =	rddreg [dreg:$0x10]  }
0x98: {  	[spmem:s2] =	stream.indirect.scatter.add.f32 [tilespmem:s9], [sflag:$0x1], $0x1, s31, s8, $0xb8;
	[tilespmem:$0x2E00] =	vst v63  }
0x99: {  	s29 =	rddreg [dreg:$0x11]  }
0x9a: {  	[spmem:s2] =	stream.indirect.scatter.add.f32 [tilespmem:s9], [sflag:$0x1], $0x1, s29, s8, $0xb8;
	[tilespmem:$0x2E00] =	vst v63  }
0x9b: {  	s31 =	rddreg [dreg:$0x12]  }
0x9c: {  	[spmem:s2] =	stream.indirect.scatter.add.f32 [tilespmem:s9], [sflag:$0x1], $0x1, s31, s8, $0xb8;
	[tilespmem:$0x2E00] =	vst v63  }
0x9d: {  	_ =	swait.ge [sflag:s7], $0x100  }
0x9e: {  	[sflag:s7] =	ssyncset.done $0x0  }
0x9f: {  	[sflag:s7] =	ssyncadd.s32 $0xFFFFFF00  }
0xa0: {  	_ =	swait.ge [sflag:s7], $0x100  }
0xa1: {  	[sflag:s7] =	ssyncset.done $0x0  }
0xa2: {  	[sflag:s7] =	ssyncadd.s32 $0xFFFFFF00  }
0xa3: {  	_ =	swait.ge [sflag:s7], $0x100  }
0xa4: {  	[sflag:s7] =	ssyncset.done $0x0  }
0xa5: {  	[sflag:s7] =	ssyncadd.s32 $0xFFFFFF00  }
0xa6: {  	_ =	swait.ge [sflag:s7], $0x100  }
0xa7: {  	[sflag:s7] =	ssyncset.done $0x0  }
0xa8: {  	[sflag:s7] =	ssyncadd.s32 $0xFFFFFF00  }
0xa9: {  	_ =	swait.ge [sflag:s7], $0x100  }
0xaa: {  	[sflag:s7] =	ssyncset.done $0x0  }
0xab: {  	[sflag:s7] =	ssyncadd.s32 $0xFFFFFF00  }
0xac: {  	_ =	swait.ge [sflag:s7], $0x100  }
0xad: {  	[sflag:s7] =	ssyncset.done $0x0  }
0xae: {  	[sflag:s7] =	ssyncadd.s32 $0xFFFFFF00  }
0xaf: {  	_ =	swait.ge [sflag:s7], $0x100  }
0xb0: {  	[sflag:s7] =	ssyncset.done $0x0  }
0xb1: {  	[sflag:s7] =	ssyncadd.s32 $0xFFFFFF00  }
0xb2: {  	_ =	swait.ge [sflag:s7], $0x100  }
0xb3: {  	[sflag:s7] =	ssyncset.done $0x0  }
0xb4: {  	s31 =	rddreg [dreg:$0x13];
	[sflag:s7] =	ssyncadd.s32 $0xFFFFFF00  }
0xb5: {  	[spmem:s2] =	stream.indirect.scatter.add.f32 [tilespmem:s9], [sflag:$0x1], $0x1, s31, s8, $0xb8;
	[tilespmem:$0x2E00] =	vst v63  }
0xb6: {  	s30 =	rddreg [dreg:$0x14]  }
0xb7: {  	[spmem:s2] =	stream.indirect.scatter.add.f32 [tilespmem:s9], [sflag:$0x1], $0x1, s30, s8, $0xb8;
	[tilespmem:$0x2E00] =	vst v63  }
0xb8: {  	s31 =	rddreg [dreg:$0x15]  }
0xb9: {  	[spmem:s2] =	stream.indirect.scatter.add.f32 [tilespmem:s9], [sflag:$0x1], $0x1, s31, s8, $0xb8;
	[tilespmem:$0x2E00] =	vst v63  }
0xba: {  	s30 =	rddreg [dreg:$0x16]  }
0xbb: {  	[spmem:s2] =	stream.indirect.scatter.add.f32 [tilespmem:s9], [sflag:$0x1], $0x1, s30, s8, $0xb8;
	[tilespmem:$0x2E00] =	vst v63  }
0xbc: {  	s31 =	rddreg [dreg:$0x17]  }
0xbd: {  	[spmem:s2] =	stream.indirect.scatter.add.f32 [tilespmem:s9], [sflag:$0x1], $0x1, s31, s8, $0xb8;
	[tilespmem:$0x2E00] =	vst v63  }
0xbe: {  	s30 =	rddreg [dreg:$0x18]  }
0xbf: {  	[spmem:s2] =	stream.indirect.scatter.add.f32 [tilespmem:s9], [sflag:$0x1], $0x1, s30, s8, $0xb8;
	[tilespmem:$0x2E00] =	vst v63  }
0xc0: {  	s31 =	rddreg [dreg:$0x19]  }
0xc1: {  	[spmem:s2] =	stream.indirect.scatter.add.f32 [tilespmem:s9], [sflag:$0x1], $0x1, s31, s8, $0xb8;
	[tilespmem:$0x2E00] =	vst v63  }
0xc2: {  	_ = 	snop  }
0xc3: {  	[spmem:s2] =	stream.indirect.scatter.add.f32 [tilespmem:s9], [sflag:$0x1], $0x1, s10, s8, $0xb8;
	[tilespmem:$0x2E00] =	vst v63  }
0xc4: {  	_ =	swait.ge [sflag:s7], $0x100  }
0xc5: {  	[sflag:s7] =	ssyncset.done $0x0  }
0xc6: {  	[sflag:s7] =	ssyncadd.s32 $0xFFFFFF00  }
0xc7: {  	_ =	swait.ge [sflag:s7], $0x100  }
0xc8: {  	[sflag:s7] =	ssyncset.done $0x0  }
0xc9: {  	[sflag:s7] =	ssyncadd.s32 $0xFFFFFF00  }
0xca: {  	_ =	swait.ge [sflag:s7], $0x100  }
0xcb: {  	[sflag:s7] =	ssyncset.done $0x0  }
0xcc: {  	[sflag:s7] =	ssyncadd.s32 $0xFFFFFF00  }
0xcd: {  	_ =	swait.ge [sflag:s7], $0x100  }
0xce: {  	[sflag:s7] =	ssyncset.done $0x0  }
0xcf: {  	[sflag:s7] =	ssyncadd.s32 $0xFFFFFF00  }
0xd0: {  	_ =	swait.ge [sflag:s7], $0x100  }
0xd1: {  	[sflag:s7] =	ssyncset.done $0x0  }
0xd2: {  	[sflag:s7] =	ssyncadd.s32 $0xFFFFFF00  }
0xd3: {  	_ =	swait.ge [sflag:s7], $0x100  }
0xd4: {  	[sflag:s7] =	ssyncset.done $0x0  }
0xd5: {  	[sflag:s7] =	ssyncadd.s32 $0xFFFFFF00  }
0xd6: {  	_ =	swait.ge [sflag:s7], $0x100  }
0xd7: {  	[sflag:s7] =	ssyncset.done $0x0  }
0xd8: {  	[sflag:s7] =	ssyncadd.s32 $0xFFFFFF00  }
0xd9: {  	_ =	swait.ge [sflag:s7], $0x100  }
0xda: {  	[sflag:s7] =	ssyncset.done $0x0  }
0xdb: {  	[sflag:s7] =	ssyncadd.s32 $0xFFFFFF00  }
0xdc: {  	[spmem:s2] =	stream.indirect.scatter.add.f32 [tilespmem:s9], [sflag:$0x1], $0x1, s11, s8, $0xb8;
	[tilespmem:$0x2E00] =	vst v63  }
0xdd: {  	_ = 	snop  }
0xde: {  	[spmem:s2] =	stream.indirect.scatter.add.f32 [tilespmem:s9], [sflag:$0x1], $0x1, s12, s8, $0xb8;
	[tilespmem:$0x2E00] =	vst v63  }
0xdf: {  	_ = 	snop  }
0xe0: {  	[spmem:s2] =	stream.indirect.scatter.add.f32 [tilespmem:s9], [sflag:$0x1], $0x1, s13, s8, $0xb8;
	[tilespmem:$0x2E00] =	vst v63  }
0xe1: {  	_ = 	snop  }
0xe2: {  	[spmem:s2] =	stream.indirect.scatter.add.f32 [tilespmem:s9], [sflag:$0x1], $0x1, s14, s8, $0xb8;
	[tilespmem:$0x2E00] =	vst v63  }
0xe3: {  	_ = 	snop  }
0xe4: {  	[spmem:s2] =	stream.indirect.scatter.add.f32 [tilespmem:s9], [sflag:$0x1], $0x1, s15, s8, $0xb8;
	[tilespmem:$0x2E00] =	vst v63  }
0xe5: {  	_ = 	snop  }
0xe6: {  	[spmem:s2] =	stream.indirect.scatter.add.f32 [tilespmem:s9], [sflag:$0x1], $0x1, s16, s8, $0xb8;
	[tilespmem:$0x2E00] =	vst v63  }
0xe7: {  	_ = 	snop  }
0xe8: {  	[spmem:s2] =	stream.indirect.scatter.add.f32 [tilespmem:s9], [sflag:$0x1], $0x1, s17, s8, $0xb8;
	[tilespmem:$0x2E00] =	vst v63  }
0xe9: {  	_ = 	snop  }
0xea: {  	[spmem:s2] =	stream.indirect.scatter.add.f32 [tilespmem:s9], [sflag:$0x1], $0x1, s18, s8, $0xb8;
	[tilespmem:$0x2E00] =	vst v63  }
0xeb: {  	_ =	swait.ge [sflag:s7], $0x100  }
0xec: {  	[sflag:s7] =	ssyncset.done $0x0  }
0xed: {  	[sflag:s7] =	ssyncadd.s32 $0xFFFFFF00  }
0xee: {  	_ =	swait.ge [sflag:s7], $0x100  }
0xef: {  	[sflag:s7] =	ssyncset.done $0x0  }
0xf0: {  	[sflag:s7] =	ssyncadd.s32 $0xFFFFFF00  }
0xf1: {  	_ =	swait.ge [sflag:s7], $0x100  }
0xf2: {  	[sflag:s7] =	ssyncset.done $0x0  }
0xf3: {  	[sflag:s7] =	ssyncadd.s32 $0xFFFFFF00  }
0xf4: {  	_ =	swait.ge [sflag:s7], $0x100  }
0xf5: {  	[sflag:s7] =	ssyncset.done $0x0  }
0xf6: {  	[sflag:s7] =	ssyncadd.s32 $0xFFFFFF00  }
0xf7: {  	_ =	swait.ge [sflag:s7], $0x100  }
0xf8: {  	[sflag:s7] =	ssyncset.done $0x0  }
0xf9: {  	[sflag:s7] =	ssyncadd.s32 $0xFFFFFF00  }
0xfa: {  	_ =	swait.ge [sflag:s7], $0x100  }
0xfb: {  	[sflag:s7] =	ssyncset.done $0x0  }
0xfc: {  	[sflag:s7] =	ssyncadd.s32 $0xFFFFFF00  }
0xfd: {  	_ =	swait.ge [sflag:s7], $0x100  }
0xfe: {  	[sflag:s7] =	ssyncset.done $0x0  }
0xff: {  	[sflag:s7] =	ssyncadd.s32 $0xFFFFFF00  }
0x100: {  	_ =	swait.ge [sflag:s7], $0x100  }
0x101: {  	[sflag:s7] =	ssyncset.done $0x0  }
0x102: {  	[sflag:s7] =	ssyncadd.s32 $0xFFFFFF00  }
0x103: {  	[spmem:s2] =	stream.indirect.scatter.add.f32 [tilespmem:s9], [sflag:$0x1], $0x1, s19, s8, $0xb8;
	[tilespmem:$0x2E00] =	vst v63  }
0x104: {  	_ = 	snop  }
0x105: {  	[spmem:s2] =	stream.indirect.scatter.add.f32 [tilespmem:s9], [sflag:$0x1], $0x1, s20, s8, $0xb8;
	[tilespmem:$0x2E00] =	vst v63  }
0x106: {  	_ = 	snop  }
0x107: {  	[spmem:s2] =	stream.indirect.scatter.add.f32 [tilespmem:s9], [sflag:$0x1], $0x1, s21, s8, $0xb8;
	[tilespmem:$0x2E00] =	vst v63  }
0x108: {  	_ = 	snop  }
0x109: {  	[spmem:s2] =	stream.indirect.scatter.add.f32 [tilespmem:s9], [sflag:$0x1], $0x1, s22, s8, $0xb8;
	[tilespmem:$0x2E00] =	vst v63  }
0x10a: {  	_ = 	snop  }
0x10b: {  	[spmem:s2] =	stream.indirect.scatter.add.f32 [tilespmem:s9], [sflag:$0x1], $0x1, s23, s8, $0xb8;
	[tilespmem:$0x2E00] =	vst v63  }
0x10c: {  	_ = 	snop  }
0x10d: {  	[spmem:s2] =	stream.indirect.scatter.add.f32 [tilespmem:s9], [sflag:$0x1], $0x1, s25, s8, $0xb8;
	[tilespmem:$0x2E00] =	vst v63  }
0x10e: {  	_ = 	snop  }
0x10f: {  	[spmem:s2] =	stream.indirect.scatter.add.f32 [tilespmem:s9], [sflag:$0x1], $0x1, s26, s8, $0xb8;
	[tilespmem:$0x2E00] =	vst v63  }
0x110: {  	_ = 	snop  }
0x111: {  	[spmem:s2] =	stream.indirect.scatter.add.f32 [tilespmem:s9], [sflag:$0x1], $0x1, s28, s8, $0xb8;
	[tilespmem:$0x2E00] =	vst v63  }
0x112: {  	_ =	swait.ge [sflag:s7], $0x100  }
0x113: {  	[sflag:s7] =	ssyncset.done $0x0  }
0x114: {  	[sflag:s7] =	ssyncadd.s32 $0xFFFFFF00  }
0x115: {  	_ =	swait.ge [sflag:s7], $0x100  }
0x116: {  	[sflag:s7] =	ssyncset.done $0x0  }
0x117: {  	[sflag:s7] =	ssyncadd.s32 $0xFFFFFF00  }
0x118: {  	_ =	swait.ge [sflag:s7], $0x100  }
0x119: {  	[sflag:s7] =	ssyncset.done $0x0  }
0x11a: {  	[sflag:s7] =	ssyncadd.s32 $0xFFFFFF00  }
0x11b: {  	_ =	swait.ge [sflag:s7], $0x100  }
0x11c: {  	[sflag:s7] =	ssyncset.done $0x0  }
0x11d: {  	[sflag:s7] =	ssyncadd.s32 $0xFFFFFF00  }
0x11e: {  	_ =	swait.ge [sflag:s7], $0x100  }
0x11f: {  	[sflag:s7] =	ssyncset.done $0x0  }
0x120: {  	[sflag:s7] =	ssyncadd.s32 $0xFFFFFF00  }
0x121: {  	_ =	swait.ge [sflag:s7], $0x100  }
0x122: {  	[sflag:s7] =	ssyncset.done $0x0  }
0x123: {  	[sflag:s7] =	ssyncadd.s32 $0xFFFFFF00  }
0x124: {  	_ =	swait.ge [sflag:s7], $0x100  }
0x125: {  	[sflag:s7] =	ssyncset.done $0x0  }
0x126: {  	[sflag:s7] =	ssyncadd.s32 $0xFFFFFF00  }
0x127: {  	_ =	swait.ge [sflag:s7], $0x100  }
0x128: {  	s30 =	sshll.u32 s0, $0x6;
	[sflag:s7] =	ssyncset.done $0x0  }
0x129: {  	p0 =	sne.s32 s5, $0x1;
	s29 =	sor.u32 $0x1C02, s30;
	[sflag:s7] =	ssyncadd.s32 $0xFFFFFF00  }
.Ltmp0:
0x12a: {  	s31 =	sshrl.u32 s4, $0x3;
	[bflag:$0x0] =	sbarrier.arrive $0xFFFF;
	(pc) =	sbr.rel @p0 .LBB2_1-.Ltmp0, $4  }
0x12b: {  	[hbm:s24], [sflag:s29] =	dma.local [spmem:s31], $0x50  }
0x12c: {  	_ =	swait.ge [sflag:s6], $0x50  }
0x12d: {  	[sflag:s6] =	ssyncset.done $0x0  }
0x12e: {  	s5 =	sadd.s32 $0xFFFFFFFF, s5;
	[sflag:s6] =	ssyncadd.s32 $0xFFFFFFB0  }
0x12f: {  	_ =	sfence.sel $0x180000  }
0x130: {  	[bflag:$0x0] =	sbarrier.arrive $0xFFFF  }
0x131: {  	p0 =	sne.s32 s0, $0x0;
	_ =	strace $0x90000047  }
0x132: {  	s0 =	sadd.s32 @!p0 $0x100000, s1;
	[bflag:$0x2] =	sbarrier.arrive $0xFFFF  }
0x133: {  	[sflag:s0] =	ssyncadd.tile.s32 @!p0 $0x1;
	_ =	shalt  }
.Lfunc_end2:
_tile_overlayer_lowered:
.L_overlay_start_2:
0x134: {  	(tag) =	ssettag $0x2  }
0x135: {  	s0 =	rddreg [dreg:$0x0];
	s2 =	stileid.u32  }
0x136: {  	s1 =	rddreg [dreg:$0x1];
	p0 =	sne.s32 s2, $0x0  }
0x137: {  	s3 =	rddreg [dreg:$0x2];
	[bflag:$0x3] =	sbarrier.arrive $0xFFFF;
	s2 =	simm.s32 @!p0 $0x1C02  }
0x138: {  	[timem:s3], [sflag:s2] =	dma.local @!p0 [hbm:s0], s1  }
0x139: {  	s0 =	simm.s32 @!p0 $0x2  }
0x13a: {  	_ =	swait.ge @!p0 [sflag:s0], s1  }
0x13b: {  	s1 =	ssub.s32 @!p0 $0x0, s1;
	[sflag:s0] =	ssyncset.done @!p0 $0x0  }
0x13c: {  	[sflag:s0] =	ssyncadd.s32 @!p0 s1  }
0x13d: {  	[bflag:$0x3] =	sbarrier.arrive $0xFFFF  }
0x13e: {  	_ =	shalt  }

</sc_bundles>
